<compile_context>
chip_gen: v7x
topology: tpu7x:2x2x1
jax: 0.10.2.dev20260603
libtpu: 0.0.44.dev20260713+nightly
codegen_flags: <defaults>
</compile_context>

<pallas_src>
import jax
import jax.numpy as jnp
from jax import lax
from jax.experimental import pallas as pl
from jax.experimental.pallas import tpu as pltpu
from jax.experimental.pallas import tpu_sc as plsc

B = 4
L = 4096
D_MODEL = 768
D_PE = D_MODEL // 2
MAX_LEN = 4096

NUM_CORES = 2
NUM_SUBCORES = 16
NUM_WORKERS = NUM_CORES * NUM_SUBCORES

POS = B * L
POS_PER_WORKER = POS // NUM_WORKERS
WORKERS_PER_BATCH = NUM_WORKERS // B
CHUNK = 32
NCHUNK = POS_PER_WORKER // CHUNK
GROWS = 2 * CHUNK
LANE = 16
COLS = D_PE // LANE
NSLOT = 2
LOOKAHEAD = NSLOT // 2


def _pe_add_kernel(f_hbm, idx_hbm, table_hbm, out_hbm, idx_v, *rest):
    f_bufs = rest[:NSLOT]
    pe_bufs = rest[NSLOT:2 * NSLOT]
    gsems = rest[2 * NSLOT:3 * NSLOT]
    fsems = rest[3 * NSLOT:4 * NSLOT]
    ssems = rest[4 * NSLOT:5 * NSLOT]

    wid = lax.axis_index("s") * NUM_CORES + lax.axis_index("c")
    b = wid // WORKERS_PER_BATCH
    l0 = (wid % WORKERS_PER_BATCH) * POS_PER_WORKER
    pltpu.sync_copy(idx_hbm.at[b, pl.ds(l0 * 2, POS_PER_WORKER * 2)], idx_v)

    def idx_slice(c):
        return idx_v.at[pl.ds(c * GROWS, GROWS)]

    def f_slice(c):
        return f_hbm.at[b, pl.ds(l0 + c * CHUNK, CHUNK), :]

    def out_slice(c):
        return out_hbm.at[b, pl.ds(l0 + c * CHUNK, CHUNK), :]

    def issue_loads(c, s):
        pltpu.async_copy(table_hbm.at[idx_slice(c)], pe_bufs[s], gsems[s])
        pltpu.async_copy(f_slice(c), f_bufs[s], fsems[s])

    def wait_loads(c, s):
        pltpu.make_async_copy(table_hbm.at[idx_slice(c)], pe_bufs[s],
                              gsems[s]).wait()
        pltpu.make_async_copy(f_slice(c), f_bufs[s], fsems[s]).wait()

    def do_add(s):
        @plsc.parallel_loop(0, CHUNK, 1, unroll=1)
        def _add_pos(r):
            for half in range(2):
                for k in range(COLS):
                    plsc.addupdate(
                        f_bufs[s].at[r, pl.ds(half * D_PE + k * LANE, LANE)],
                        pe_bufs[s][2 * r + half, pl.ds(k * LANE, LANE)])

    def issue_store(c, s):
        pltpu.async_copy(f_bufs[s], out_slice(c), ssems[s])

    def wait_store(c, s):
        pltpu.make_async_copy(f_bufs[s], out_slice(c), ssems[s]).wait()

    def process(c, p):
        wait_loads(c, p)
        do_add(p)
        issue_store(c, p)

    for t in range(NSLOT):
        issue_loads(t, t)
        if t >= LOOKAHEAD:
            process(t - LOOKAHEAD, (t - LOOKAHEAD) % NSLOT)

    @pl.loop(0, NCHUNK - NSLOT, step=NSLOT)
    def _grp(i):
        for s in range(NSLOT):
            t = i + NSLOT + s
            wait_store(t - NSLOT, s)
            issue_loads(t, s)
            process(t - LOOKAHEAD, (s - LOOKAHEAD) % NSLOT)

    for t in range(NCHUNK, NCHUNK + LOOKAHEAD):
        process(t - LOOKAHEAD, (t - LOOKAHEAD) % NSLOT)
    for s in range(NSLOT):
        wait_store(NCHUNK - NSLOT + s, (NCHUNK - NSLOT + s) % NSLOT)


@jax.jit
def _pe_add(f, idx, table):
    mesh = plsc.VectorSubcoreMesh(core_axis_name="c", subcore_axis_name="s")
    return pl.kernel(
        _pe_add_kernel,
        out_type=jax.ShapeDtypeStruct((B, L, D_MODEL), jnp.float32),
        mesh=mesh,
        scratch_types=(
            [pltpu.VMEM((POS_PER_WORKER * 2,), jnp.int32)]
            + [pltpu.VMEM((CHUNK, D_MODEL), jnp.float32)] * NSLOT
            + [pltpu.VMEM((GROWS, D_PE), jnp.float32)] * NSLOT
            + [pltpu.SemaphoreType.DMA] * (3 * NSLOT)
        ),
    )(f, idx, table)


def kernel(f, rank, pe):
    idx = rank.astype(jnp.int32).reshape(B, L * 2)
    table = pe.reshape(MAX_LEN, D_PE)
    return _pe_add(f, idx, table)

# --- scband reference (transcript-rebuilt; emitter-appended) ---
"""Pipeline reference for scband-positional-encoding2-d-46325517255125 (READ-ONLY COPY).

The authoritative reference and input builder live on the scoring server;
editing this copy changes nothing except your own understanding.
"""

import jax, jax.numpy as jnp
import numpy as np
import math

D_MODEL = 768
MAX_LEN = 4096
B = 4
L = 4096

def _build_pe(d_model, max_len):
    d_pe = d_model // 2
    pe = np.zeros((max_len, d_pe), dtype=np.float32)
    position = np.arange(0, max_len, dtype=np.float32)[:, None]
    div_term = np.exp(np.arange(0, d_pe, 2, dtype=np.float32) * (-math.log(10000.0) / d_pe))
    pe[:, 0::2] = np.sin(position * div_term)
    pe[:, 1::2] = np.cos(position * div_term)
    return jnp.asarray(pe)[None, :, :]  # [1, max_len, d_pe]

def setup_inputs(seed: int = 0) -> dict:
    key = jax.random.key(seed)
    k1, k2 = jax.random.split(key)
    f = jax.random.normal(k1, (B, L, D_MODEL), dtype=jnp.float32)
    rank = jax.random.randint(k2, (B, L, 2), 0, MAX_LEN, dtype=jnp.int64)
    pe = _build_pe(D_MODEL, MAX_LEN)
    return {"f": f, "rank": rank, "pe": pe}

def reference(f, rank, pe):
    # f: [B, L, d_model], rank: [B, L, 2] int, pe: [1, max_len, d_pe]
    d_pe = f.shape[-1] // 2
    x_rank = rank[..., 0]  # [B, L]
    y_rank = rank[..., 1]  # [B, L]
    # torch: pe.repeat(B,1,1).gather(dim=1, index=x_rank expanded over d_pe)
    # equivalent: row-gather from pe[0] per (b, l)
    table = pe[0]  # [max_len, d_pe]
    x_pe = jnp.take(table, x_rank, axis=0)  # [B, L, d_pe]
    y_pe = jnp.take(table, y_rank, axis=0)  # [B, L, d_pe]
    pe_cat = jnp.concatenate([x_pe, y_pe], axis=-1)  # [B, L, d_model]
    return f + pe_cat

if __name__ == "__main__":
    import jax
    _d = setup_inputs()
    print(jax.jit(kernel)(*tuple(_d.values())))

</pallas_src>

<mosaic_0001>
#map = affine_map<(d0, d1) -> (0, 0, 0)>
#map1 = affine_map<(d0, d1) -> (0, 0)>
module attributes {stable_mosaic.version = 14 : i64} {
  func.func @_pe_add_kernel(%arg0: i32, %arg1: i32, %arg2: memref<4x4096x768xf32, #tpu.memory_space<hbm>>, %arg3: memref<4x8192xi32, #tpu.memory_space<hbm>>, %arg4: memref<4096x384xf32, #tpu.memory_space<hbm>>, %arg5: memref<4x4096x768xf32, #tpu.memory_space<hbm>>, %arg6: memref<1024xi32, #tpu.memory_space<vmem>>, %arg7: memref<32x768xf32, #tpu.memory_space<vmem>>, %arg8: memref<32x768xf32, #tpu.memory_space<vmem>>, %arg9: memref<64x384xf32, #tpu.memory_space<vmem>>, %arg10: memref<64x384xf32, #tpu.memory_space<vmem>>, %arg11: memref<!tpu.dma_semaphore, #tpu.memory_space<semaphore_mem>>, %arg12: memref<!tpu.dma_semaphore, #tpu.memory_space<semaphore_mem>>, %arg13: memref<!tpu.dma_semaphore, #tpu.memory_space<semaphore_mem>>, %arg14: memref<!tpu.dma_semaphore, #tpu.memory_space<semaphore_mem>>, %arg15: memref<!tpu.dma_semaphore, #tpu.memory_space<semaphore_mem>>, %arg16: memref<!tpu.dma_semaphore, #tpu.memory_space<semaphore_mem>>) attributes {dimension_semantics = [#tpu.dimension_semantics<core_parallel>, #tpu.dimension_semantics<subcore_parallel>], iteration_bounds = array<i64: 2, 16>, scalar_prefetch = 0 : i64, scratch_operands = 11 : i64, tpu.core_type = #tpu.core_type<sc_vector_subcore>, window_params = [{transform_indices = #map}, {transform_indices = #map1}, {transform_indices = #map1}, {transform_indices = #map}]} {
    %mul3A = arith.constant 2 : i32
    %mul3A_0 = arith.muli %arg1, %mul3A : i32
    %add3A = arith.addi %mul3A_0, %arg0 : i32
    %jit3A = arith.constant 8 : i32
    %div3A = arith.divsi %add3A, %jit3A : i32
    %sign3A = arith.constant 0 : i32
    %sign3A_1 = arith.cmpi sgt, %add3A, %sign3A : i32
    %sign3A_2 = arith.extui %sign3A_1 : i1 to i32
    %sign3A_3 = arith.constant 0 : i32
    %sign3A_4 = arith.cmpi slt, %add3A, %sign3A_3 : i32
    %sign3A_5 = arith.extui %sign3A_4 : i1 to i32
    %sign3A_6 = arith.subi %sign3A_2, %sign3A_5 : i32
    %sign3A_7 = arith.constant 0 : i32
    %sign3A_8 = arith.cmpi sgt, %jit3A, %sign3A_7 : i32
    %sign3A_9 = arith.extui %sign3A_8 : i1 to i32
    %sign3A_10 = arith.constant 0 : i32
    %sign3A_11 = arith.cmpi slt, %jit3A, %sign3A_10 : i32
    %sign3A_12 = arith.extui %sign3A_11 : i1 to i32
    %sign3A_13 = arith.subi %sign3A_9, %sign3A_12 : i32
    %ne3A = arith.cmpi ne, %sign3A_6, %sign3A_13 : i32
    %rem3A = arith.remsi %add3A, %jit3A : i32
    %ne3A_14 = arith.constant 0 : i32
    %ne3A_15 = arith.cmpi ne, %rem3A, %ne3A_14 : i32
    %and3A = arith.andi %ne3A, %ne3A_15 : i1
    %sub3A = arith.constant 1 : i32
    %sub3A_16 = arith.subi %div3A, %sub3A : i32
    %select_n3A = arith.select %and3A, %sub3A_16, %div3A : i32
    %jit3A_17 = arith.constant 8 : i32
    %eq3A = arith.constant 0 : i32
    %eq3A_18 = arith.cmpi eq, %jit3A_17, %eq3A : i32
    %jit3A_19 = arith.constant 1 : i32
    %select_n3A_20 = arith.select %eq3A_18, %jit3A_19, %jit3A_17 : i32
    %rem3A_21 = arith.remsi %add3A, %select_n3A_20 : i32
    %ne3A_22 = arith.constant 0 : i32
    %ne3A_23 = arith.cmpi ne, %rem3A_21, %ne3A_22 : i32
    %lt3A = arith.constant 0 : i32
    %lt3A_24 = arith.cmpi slt, %rem3A_21, %lt3A : i32
    %lt3A_25 = arith.constant 0 : i32
    %lt3A_26 = arith.cmpi slt, %select_n3A_20, %lt3A_25 : i32
    %ne3A_27 = arith.xori %lt3A_24, %lt3A_26 : i1
    %and3A_28 = arith.andi %ne3A_27, %ne3A_23 : i1
    %add3A_29 = arith.addi %rem3A_21, %select_n3A_20 : i32
    %select_n3A_30 = arith.select %and3A_28, %add3A_29, %rem3A_21 : i32
    %mul3A_31 = arith.constant 512 : i32
    %mul3A_32 = arith.muli %select_n3A_30, %mul3A_31 : i32
    %mul3A_33 = arith.constant 2 : i32
    %mul3A_34 = arith.muli %mul3A_32, %mul3A_33 : i32
    "tpu.region"() ({
      %run_scoped3A = tpu.sem_alloc : memref<!tpu.dma_semaphore, #tpu.memory_space<semaphore_mem>>
      %dma_start3A_126 = tpu.memref_slice %arg3[%select_n3A, %mul3A_34] : memref<4x8192xi32, #tpu.memory_space<hbm>> -> memref<1x1024xi32, #tpu.memory_space<hbm>>
      %dma_start3A_127 = tpu.memref_squeeze %dma_start3A_126 : memref<1x1024xi32, #tpu.memory_space<hbm>> -> memref<1024xi32, #tpu.memory_space<hbm>>
      %dma_start3A_128 = tpu.memref_slice %arg3[%select_n3A, %mul3A_34] : memref<4x8192xi32, #tpu.memory_space<hbm>> -> memref<1x1024xi32, #tpu.memory_space<hbm>>
      %dma_start3A_129 = tpu.memref_squeeze %dma_start3A_128 : memref<1x1024xi32, #tpu.memory_space<hbm>> -> memref<1024xi32, #tpu.memory_space<hbm>>
      tpu.enqueue_dma source(%dma_start3A_129 : memref<1024xi32, #tpu.memory_space<hbm>>) target(%arg6 : memref<1024xi32, #tpu.memory_space<vmem>>) target_semaphore(%run_scoped3A : memref<!tpu.dma_semaphore, #tpu.memory_space<semaphore_mem>>)
      %dma_wait3A_130 = tpu.memref_slice %arg3[%select_n3A, %mul3A_34] : memref<4x8192xi32, #tpu.memory_space<hbm>> -> memref<1x1024xi32, #tpu.memory_space<hbm>>
      %dma_wait3A_131 = tpu.memref_squeeze %dma_wait3A_130 : memref<1x1024xi32, #tpu.memory_space<hbm>> -> memref<1024xi32, #tpu.memory_space<hbm>>
      %dma_wait3A_132 = tpu.memref_slice %arg3[%select_n3A, %mul3A_34] : memref<4x8192xi32, #tpu.memory_space<hbm>> -> memref<1x1024xi32, #tpu.memory_space<hbm>>
      %dma_wait3A_133 = tpu.memref_squeeze %dma_wait3A_132 : memref<1x1024xi32, #tpu.memory_space<hbm>> -> memref<1024xi32, #tpu.memory_space<hbm>>
      tpu.wait_dma2 semaphore(%run_scoped3A : memref<!tpu.dma_semaphore, #tpu.memory_space<semaphore_mem>>) src(%dma_wait3A_133 : memref<1024xi32, #tpu.memory_space<hbm>>) dst(%arg6 : memref<1024xi32, #tpu.memory_space<vmem>>)
      tpu.yield
    }) : () -> ()
    %dma_start3A = arith.constant 0 : i32
    %dma_start3A_35 = tpu.memref_slice %arg6[%dma_start3A] : memref<1024xi32, #tpu.memory_space<vmem>> -> memref<64xi32, #tpu.memory_space<vmem>>
    %dma_start3A_36 = arith.constant 0 : i32
    %dma_start3A_37 = arith.constant 0 : i32
    %dma_start3A_38 = tpu.memref_slice %arg4[%dma_start3A_36, %dma_start3A_37] : memref<4096x384xf32, #tpu.memory_space<hbm>> -> memref<4096x384xf32, #tpu.memory_space<hbm>>
    tpu.enqueue_indirect_dma source(%dma_start3A_38 : memref<4096x384xf32, #tpu.memory_space<hbm>>) target(%arg9 : memref<64x384xf32, #tpu.memory_space<vmem>>) offsets(%dma_start3A_35 : memref<64xi32, #tpu.memory_space<vmem>>) semaphore(%arg11 : memref<!tpu.dma_semaphore, #tpu.memory_space<semaphore_mem>>)
    %add3A_39 = arith.constant 0 : i32
    %add3A_40 = arith.addi %mul3A_32, %add3A_39 : i32
    %dma_start3A_41 = arith.constant 0 : i32
    %dma_start3A_42 = tpu.memref_slice %arg2[%select_n3A, %add3A_40, %dma_start3A_41] : memref<4x4096x768xf32, #tpu.memory_space<hbm>> -> memref<1x32x768xf32, #tpu.memory_space<hbm>>
    %dma_start3A_43 = tpu.memref_squeeze %dma_start3A_42 : memref<1x32x768xf32, #tpu.memory_space<hbm>> -> memref<32x768xf32, #tpu.memory_space<hbm>>
    %dma_start3A_44 = arith.constant 0 : i32
    %dma_start3A_45 = tpu.memref_slice %arg2[%select_n3A, %add3A_40, %dma_start3A_44] : memref<4x4096x768xf32, #tpu.memory_space<hbm>> -> memref<1x32x768xf32, #tpu.memory_space<hbm>>
    %dma_start3A_46 = tpu.memref_squeeze %dma_start3A_45 : memref<1x32x768xf32, #tpu.memory_space<hbm>> -> memref<32x768xf32, #tpu.memory_space<hbm>>
    tpu.enqueue_dma source(%dma_start3A_46 : memref<32x768xf32, #tpu.memory_space<hbm>>) target(%arg7 : memref<32x768xf32, #tpu.memory_space<vmem>>) target_semaphore(%arg13 : memref<!tpu.dma_semaphore, #tpu.memory_space<semaphore_mem>>)
    %dma_start3A_47 = arith.constant 64 : i32
    %dma_start3A_48 = tpu.memref_slice %arg6[%dma_start3A_47] : memref<1024xi32, #tpu.memory_space<vmem>> -> memref<64xi32, #tpu.memory_space<vmem>>
    %dma_start3A_49 = arith.constant 0 : i32
    %dma_start3A_50 = arith.constant 0 : i32
    %dma_start3A_51 = tpu.memref_slice %arg4[%dma_start3A_49, %dma_start3A_50] : memref<4096x384xf32, #tpu.memory_space<hbm>> -> memref<4096x384xf32, #tpu.memory_space<hbm>>
    tpu.enqueue_indirect_dma source(%dma_start3A_51 : memref<4096x384xf32, #tpu.memory_space<hbm>>) target(%arg10 : memref<64x384xf32, #tpu.memory_space<vmem>>) offsets(%dma_start3A_48 : memref<64xi32, #tpu.memory_space<vmem>>) semaphore(%arg12 : memref<!tpu.dma_semaphore, #tpu.memory_space<semaphore_mem>>)
    %add3A_52 = arith.constant 32 : i32
    %add3A_53 = arith.addi %mul3A_32, %add3A_52 : i32
    %dma_start3A_54 = arith.constant 0 : i32
    %dma_start3A_55 = tpu.memref_slice %arg2[%select_n3A, %add3A_53, %dma_start3A_54] : memref<4x4096x768xf32, #tpu.memory_space<hbm>> -> memref<1x32x768xf32, #tpu.memory_space<hbm>>
    %dma_start3A_56 = tpu.memref_squeeze %dma_start3A_55 : memref<1x32x768xf32, #tpu.memory_space<hbm>> -> memref<32x768xf32, #tpu.memory_space<hbm>>
    %dma_start3A_57 = arith.constant 0 : i32
    %dma_start3A_58 = tpu.memref_slice %arg2[%select_n3A, %add3A_53, %dma_start3A_57] : memref<4x4096x768xf32, #tpu.memory_space<hbm>> -> memref<1x32x768xf32, #tpu.memory_space<hbm>>
    %dma_start3A_59 = tpu.memref_squeeze %dma_start3A_58 : memref<1x32x768xf32, #tpu.memory_space<hbm>> -> memref<32x768xf32, #tpu.memory_space<hbm>>
    tpu.enqueue_dma source(%dma_start3A_59 : memref<32x768xf32, #tpu.memory_space<hbm>>) target(%arg8 : memref<32x768xf32, #tpu.memory_space<vmem>>) target_semaphore(%arg14 : memref<!tpu.dma_semaphore, #tpu.memory_space<semaphore_mem>>)
    %dma_wait3A = arith.constant 0 : i32
    %dma_wait3A_60 = tpu.memref_slice %arg6[%dma_wait3A] : memref<1024xi32, #tpu.memory_space<vmem>> -> memref<64xi32, #tpu.memory_space<vmem>>
    %dma_wait3A_61 = arith.constant 0 : i32
    %dma_wait3A_62 = arith.constant 0 : i32
    %dma_wait3A_63 = tpu.memref_slice %arg4[%dma_wait3A_61, %dma_wait3A_62] : memref<4096x384xf32, #tpu.memory_space<hbm>> -> memref<4096x384xf32, #tpu.memory_space<hbm>>
    tpu.wait_indirect_dma semaphore(%arg11 : memref<!tpu.dma_semaphore, #tpu.memory_space<semaphore_mem>>) src(%dma_wait3A_63 : memref<4096x384xf32, #tpu.memory_space<hbm>>) dst(%arg9 : memref<64x384xf32, #tpu.memory_space<vmem>>)
    %add3A_64 = arith.constant 0 : i32
    %add3A_65 = arith.addi %mul3A_32, %add3A_64 : i32
    %dma_wait3A_66 = arith.constant 0 : i32
    %dma_wait3A_67 = tpu.memref_slice %arg2[%select_n3A, %add3A_65, %dma_wait3A_66] : memref<4x4096x768xf32, #tpu.memory_space<hbm>> -> memref<1x32x768xf32, #tpu.memory_space<hbm>>
    %dma_wait3A_68 = tpu.memref_squeeze %dma_wait3A_67 : memref<1x32x768xf32, #tpu.memory_space<hbm>> -> memref<32x768xf32, #tpu.memory_space<hbm>>
    %dma_wait3A_69 = arith.constant 0 : i32
    %dma_wait3A_70 = tpu.memref_slice %arg2[%select_n3A, %add3A_65, %dma_wait3A_69] : memref<4x4096x768xf32, #tpu.memory_space<hbm>> -> memref<1x32x768xf32, #tpu.memory_space<hbm>>
    %dma_wait3A_71 = tpu.memref_squeeze %dma_wait3A_70 : memref<1x32x768xf32, #tpu.memory_space<hbm>> -> memref<32x768xf32, #tpu.memory_space<hbm>>
    tpu.wait_dma2 semaphore(%arg13 : memref<!tpu.dma_semaphore, #tpu.memory_space<semaphore_mem>>) src(%dma_wait3A_71 : memref<32x768xf32, #tpu.memory_space<hbm>>) dst(%arg7 : memref<32x768xf32, #tpu.memory_space<vmem>>)
    %parallel_loop3A = arith.constant 0 : i32
    %parallel_loop3A_72 = arith.constant 32 : i32
    %parallel_loop3A_73 = arith.constant 1 : i32
    scf.for %parallel_loop3A_126 = %parallel_loop3A to %parallel_loop3A_72 step %parallel_loop3A_73  : i32 {
      %parallel_loop3A_127 = arith.constant 2 : i32
      %parallel_loop3A_128 = arith.muli %parallel_loop3A_127, %parallel_loop3A_126 : i32
      %parallel_loop3A_129 = arith.constant 0 : i32
      %parallel_loop3A_130 = arith.addi %parallel_loop3A_128, %parallel_loop3A_129 : i32
      %parallel_loop3A_131 = arith.index_cast %parallel_loop3A_130 : i32 to index
      %parallel_loop3A_132 = arith.constant 0 : index
      %parallel_loop3A_133 = tpu.vector_load %arg9[%parallel_loop3A_131, %parallel_loop3A_132] {strides = array<i32>} : memref<64x384xf32, #tpu.memory_space<vmem>>, vector<1x16xf32>,
      %parallel_loop3A_134 = vector.shape_cast %parallel_loop3A_133 : vector<1x16xf32> to vector<16xf32>
      %parallel_loop3A_135 = arith.index_cast %parallel_loop3A_126 : i32 to index
      %parallel_loop3A_136 = arith.constant 0 : index
      %parallel_loop3A_137 = tpu.vector_load %arg7[%parallel_loop3A_135, %parallel_loop3A_136] {strides = array<i32>} : memref<32x768xf32, #tpu.memory_space<vmem>>, vector<1x16xf32>,
      %parallel_loop3A_138 = vector.shape_cast %parallel_loop3A_137 : vector<1x16xf32> to vector<16xf32>
      %parallel_loop3A_139 = vector.shape_cast %parallel_loop3A_134 : vector<16xf32> to vector<1x16xf32>
      tpu.vector_store %arg7[%parallel_loop3A_135, %parallel_loop3A_136], %parallel_loop3A_139 {add = true, strides = array<i32>} : memref<32x768xf32, #tpu.memory_space<vmem>>, vector<1x16xf32>,
      %parallel_loop3A_140 = arith.constant 2 : i32
      %parallel_loop3A_141 = arith.muli %parallel_loop3A_140, %parallel_loop3A_126 : i32
      %parallel_loop3A_142 = arith.constant 0 : i32
      %parallel_loop3A_143 = arith.addi %parallel_loop3A_141, %parallel_loop3A_142 : i32
      %parallel_loop3A_144 = arith.index_cast %parallel_loop3A_143 : i32 to index
      %parallel_loop3A_145 = arith.constant 16 : index
      %parallel_loop3A_146 = tpu.vector_load %arg9[%parallel_loop3A_144, %parallel_loop3A_145] {strides = array<i32>} : memref<64x384xf32, #tpu.memory_space<vmem>>, vector<1x16xf32>,
      %parallel_loop3A_147 = vector.shape_cast %parallel_loop3A_146 : vector<1x16xf32> to vector<16xf32>
      %parallel_loop3A_148 = arith.index_cast %parallel_loop3A_126 : i32 to index
      %parallel_loop3A_149 = arith.constant 16 : index
      %parallel_loop3A_150 = tpu.vector_load %arg7[%parallel_loop3A_148, %parallel_loop3A_149] {strides = array<i32>} : memref<32x768xf32, #tpu.memory_space<vmem>>, vector<1x16xf32>,
      %parallel_loop3A_151 = vector.shape_cast %parallel_loop3A_150 : vector<1x16xf32> to vector<16xf32>
      %parallel_loop3A_152 = vector.shape_cast %parallel_loop3A_147 : vector<16xf32> to vector<1x16xf32>
      tpu.vector_store %arg7[%parallel_loop3A_148, %parallel_loop3A_149], %parallel_loop3A_152 {add = true, strides = array<i32>} : memref<32x768xf32, #tpu.memory_space<vmem>>, vector<1x16xf32>,
      %parallel_loop3A_153 = arith.constant 2 : i32
      %parallel_loop3A_154 = arith.muli %parallel_loop3A_153, %parallel_loop3A_126 : i32
      %parallel_loop3A_155 = arith.constant 0 : i32
      %parallel_loop3A_156 = arith.addi %parallel_loop3A_154, %parallel_loop3A_155 : i32
      %parallel_loop3A_157 = arith.index_cast %parallel_loop3A_156 : i32 to index
      %parallel_loop3A_158 = arith.constant 32 : index
      %parallel_loop3A_159 = tpu.vector_load %arg9[%parallel_loop3A_157, %parallel_loop3A_158] {strides = array<i32>} : memref<64x384xf32, #tpu.memory_space<vmem>>, vector<1x16xf32>,
      %parallel_loop3A_160 = vector.shape_cast %parallel_loop3A_159 : vector<1x16xf32> to vector<16xf32>
      %parallel_loop3A_161 = arith.index_cast %parallel_loop3A_126 : i32 to index
      %parallel_loop3A_162 = arith.constant 32 : index
      %parallel_loop3A_163 = tpu.vector_load %arg7[%parallel_loop3A_161, %parallel_loop3A_162] {strides = array<i32>} : memref<32x768xf32, #tpu.memory_space<vmem>>, vector<1x16xf32>,
      %parallel_loop3A_164 = vector.shape_cast %parallel_loop3A_163 : vector<1x16xf32> to vector<16xf32>
      %parallel_loop3A_165 = vector.shape_cast %parallel_loop3A_160 : vector<16xf32> to vector<1x16xf32>
      tpu.vector_store %arg7[%parallel_loop3A_161, %parallel_loop3A_162], %parallel_loop3A_165 {add = true, strides = array<i32>} : memref<32x768xf32, #tpu.memory_space<vmem>>, vector<1x16xf32>,
      %parallel_loop3A_166 = arith.constant 2 : i32
      %parallel_loop3A_167 = arith.muli %parallel_loop3A_166, %parallel_loop3A_126 : i32
      %parallel_loop3A_168 = arith.constant 0 : i32
      %parallel_loop3A_169 = arith.addi %parallel_loop3A_167, %parallel_loop3A_168 : i32
      %parallel_loop3A_170 = arith.index_cast %parallel_loop3A_169 : i32 to index
      %parallel_loop3A_171 = arith.constant 48 : index
      %parallel_loop3A_172 = tpu.vector_load %arg9[%parallel_loop3A_170, %parallel_loop3A_171] {strides = array<i32>} : memref<64x384xf32, #tpu.memory_space<vmem>>, vector<1x16xf32>,
      %parallel_loop3A_173 = vector.shape_cast %parallel_loop3A_172 : vector<1x16xf32> to vector<16xf32>
      %parallel_loop3A_174 = arith.index_cast %parallel_loop3A_126 : i32 to index
      %parallel_loop3A_175 = arith.constant 48 : index
      %parallel_loop3A_176 = tpu.vector_load %arg7[%parallel_loop3A_174, %parallel_loop3A_175] {strides = array<i32>} : memref<32x768xf32, #tpu.memory_space<vmem>>, vector<1x16xf32>,
      %parallel_loop3A_177 = vector.shape_cast %parallel_loop3A_176 : vector<1x16xf32> to vector<16xf32>
      %parallel_loop3A_178 = vector.shape_cast %parallel_loop3A_173 : vector<16xf32> to vector<1x16xf32>
      tpu.vector_store %arg7[%parallel_loop3A_174, %parallel_loop3A_175], %parallel_loop3A_178 {add = true, strides = array<i32>} : memref<32x768xf32, #tpu.memory_space<vmem>>, vector<1x16xf32>,
      %parallel_loop3A_179 = arith.constant 2 : i32
      %parallel_loop3A_180 = arith.muli %parallel_loop3A_179, %parallel_loop3A_126 : i32
      %parallel_loop3A_181 = arith.constant 0 : i32
      %parallel_loop3A_182 = arith.addi %parallel_loop3A_180, %parallel_loop3A_181 : i32
      %parallel_loop3A_183 = arith.index_cast %parallel_loop3A_182 : i32 to index
      %parallel_loop3A_184 = arith.constant 64 : index
      %parallel_loop3A_185 = tpu.vector_load %arg9[%parallel_loop3A_183, %parallel_loop3A_184] {strides = array<i32>} : memref<64x384xf32, #tpu.memory_space<vmem>>, vector<1x16xf32>,
      %parallel_loop3A_186 = vector.shape_cast %parallel_loop3A_185 : vector<1x16xf32> to vector<16xf32>
      %parallel_loop3A_187 = arith.index_cast %parallel_loop3A_126 : i32 to index
      %parallel_loop3A_188 = arith.constant 64 : index
      %parallel_loop3A_189 = tpu.vector_load %arg7[%parallel_loop3A_187, %parallel_loop3A_188] {strides = array<i32>} : memref<32x768xf32, #tpu.memory_space<vmem>>, vector<1x16xf32>,
      %parallel_loop3A_190 = vector.shape_cast %parallel_loop3A_189 : vector<1x16xf32> to vector<16xf32>
      %parallel_loop3A_191 = vector.shape_cast %parallel_loop3A_186 : vector<16xf32> to vector<1x16xf32>
      tpu.vector_store %arg7[%parallel_loop3A_187, %parallel_loop3A_188], %parallel_loop3A_191 {add = true, strides = array<i32>} : memref<32x768xf32, #tpu.memory_space<vmem>>, vector<1x16xf32>,
      %parallel_loop3A_192 = arith.constant 2 : i32
      %parallel_loop3A_193 = arith.muli %parallel_loop3A_192, %parallel_loop3A_126 : i32
      %parallel_loop3A_194 = arith.constant 0 : i32
      %parallel_loop3A_195 = arith.addi %parallel_loop3A_193, %parallel_loop3A_194 : i32
      %parallel_loop3A_196 = arith.index_cast %parallel_loop3A_195 : i32 to index
      %parallel_loop3A_197 = arith.constant 80 : index
      %parallel_loop3A_198 = tpu.vector_load %arg9[%parallel_loop3A_196, %parallel_loop3A_197] {strides = array<i32>} : memref<64x384xf32, #tpu.memory_space<vmem>>, vector<1x16xf32>,
      %parallel_loop3A_199 = vector.shape_cast %parallel_loop3A_198 : vector<1x16xf32> to vector<16xf32>
      %parallel_loop3A_200 = arith.index_cast %parallel_loop3A_126 : i32 to index
      %parallel_loop3A_201 = arith.constant 80 : index
      %parallel_loop3A_202 = tpu.vector_load %arg7[%parallel_loop3A_200, %parallel_loop3A_201] {strides = array<i32>} : memref<32x768xf32, #tpu.memory_space<vmem>>, vector<1x16xf32>,
      %parallel_loop3A_203 = vector.shape_cast %parallel_loop3A_202 : vector<1x16xf32> to vector<16xf32>
      %parallel_loop3A_204 = vector.shape_cast %parallel_loop3A_199 : vector<16xf32> to vector<1x16xf32>
      tpu.vector_store %arg7[%parallel_loop3A_200, %parallel_loop3A_201], %parallel_loop3A_204 {add = true, strides = array<i32>} : memref<32x768xf32, #tpu.memory_space<vmem>>, vector<1x16xf32>,
      %parallel_loop3A_205 = arith.constant 2 : i32
      %parallel_loop3A_206 = arith.muli %parallel_loop3A_205, %parallel_loop3A_126 : i32
      %parallel_loop3A_207 = arith.constant 0 : i32
      %parallel_loop3A_208 = arith.addi %parallel_loop3A_206, %parallel_loop3A_207 : i32
      %parallel_loop3A_209 = arith.index_cast %parallel_loop3A_208 : i32 to index
      %parallel_loop3A_210 = arith.constant 96 : index
      %parallel_loop3A_211 = tpu.vector_load %arg9[%parallel_loop3A_209, %parallel_loop3A_210] {strides = array<i32>} : memref<64x384xf32, #tpu.memory_space<vmem>>, vector<1x16xf32>,
      %parallel_loop3A_212 = vector.shape_cast %parallel_loop3A_211 : vector<1x16xf32> to vector<16xf32>
      %parallel_loop3A_213 = arith.index_cast %parallel_loop3A_126 : i32 to index
      %parallel_loop3A_214 = arith.constant 96 : index
      %parallel_loop3A_215 = tpu.vector_load %arg7[%parallel_loop3A_213, %parallel_loop3A_214] {strides = array<i32>} : memref<32x768xf32, #tpu.memory_space<vmem>>, vector<1x16xf32>,
      %parallel_loop3A_216 = vector.shape_cast %parallel_loop3A_215 : vector<1x16xf32> to vector<16xf32>
      %parallel_loop3A_217 = vector.shape_cast %parallel_loop3A_212 : vector<16xf32> to vector<1x16xf32>
      tpu.vector_store %arg7[%parallel_loop3A_213, %parallel_loop3A_214], %parallel_loop3A_217 {add = true, strides = array<i32>} : memref<32x768xf32, #tpu.memory_space<vmem>>, vector<1x16xf32>,
      %parallel_loop3A_218 = arith.constant 2 : i32
      %parallel_loop3A_219 = arith.muli %parallel_loop3A_218, %parallel_loop3A_126 : i32
      %parallel_loop3A_220 = arith.constant 0 : i32
      %parallel_loop3A_221 = arith.addi %parallel_loop3A_219, %parallel_loop3A_220 : i32
      %parallel_loop3A_222 = arith.index_cast %parallel_loop3A_221 : i32 to index
      %parallel_loop3A_223 = arith.constant 112 : index
      %parallel_loop3A_224 = tpu.vector_load %arg9[%parallel_loop3A_222, %parallel_loop3A_223] {strides = array<i32>} : memref<64x384xf32, #tpu.memory_space<vmem>>, vector<1x16xf32>,
      %parallel_loop3A_225 = vector.shape_cast %parallel_loop3A_224 : vector<1x16xf32> to vector<16xf32>
      %parallel_loop3A_226 = arith.index_cast %parallel_loop3A_126 : i32 to index
      %parallel_loop3A_227 = arith.constant 112 : index
      %parallel_loop3A_228 = tpu.vector_load %arg7[%parallel_loop3A_226, %parallel_loop3A_227] {strides = array<i32>} : memref<32x768xf32, #tpu.memory_space<vmem>>, vector<1x16xf32>,
      %parallel_loop3A_229 = vector.shape_cast %parallel_loop3A_228 : vector<1x16xf32> to vector<16xf32>
      %parallel_loop3A_230 = vector.shape_cast %parallel_loop3A_225 : vector<16xf32> to vector<1x16xf32>
      tpu.vector_store %arg7[%parallel_loop3A_226, %parallel_loop3A_227], %parallel_loop3A_230 {add = true, strides = array<i32>} : memref<32x768xf32, #tpu.memory_space<vmem>>, vector<1x16xf32>,
      %parallel_loop3A_231 = arith.constant 2 : i32
      %parallel_loop3A_232 = arith.muli %parallel_loop3A_231, %parallel_loop3A_126 : i32
      %parallel_loop3A_233 = arith.constant 0 : i32
      %parallel_loop3A_234 = arith.addi %parallel_loop3A_232, %parallel_loop3A_233 : i32
      %parallel_loop3A_235 = arith.index_cast %parallel_loop3A_234 : i32 to index
      %parallel_loop3A_236 = arith.constant 128 : index
      %parallel_loop3A_237 = tpu.vector_load %arg9[%parallel_loop3A_235, %parallel_loop3A_236] {strides = array<i32>} : memref<64x384xf32, #tpu.memory_space<vmem>>, vector<1x16xf32>,
      %parallel_loop3A_238 = vector.shape_cast %parallel_loop3A_237 : vector<1x16xf32> to vector<16xf32>
      %parallel_loop3A_239 = arith.index_cast %parallel_loop3A_126 : i32 to index
      %parallel_loop3A_240 = arith.constant 128 : index
      %parallel_loop3A_241 = tpu.vector_load %arg7[%parallel_loop3A_239, %parallel_loop3A_240] {strides = array<i32>} : memref<32x768xf32, #tpu.memory_space<vmem>>, vector<1x16xf32>,
      %parallel_loop3A_242 = vector.shape_cast %parallel_loop3A_241 : vector<1x16xf32> to vector<16xf32>
      %parallel_loop3A_243 = vector.shape_cast %parallel_loop3A_238 : vector<16xf32> to vector<1x16xf32>
      tpu.vector_store %arg7[%parallel_loop3A_239, %parallel_loop3A_240], %parallel_loop3A_243 {add = true, strides = array<i32>} : memref<32x768xf32, #tpu.memory_space<vmem>>, vector<1x16xf32>,
      %parallel_loop3A_244 = arith.constant 2 : i32
      %parallel_loop3A_245 = arith.muli %parallel_loop3A_244, %parallel_loop3A_126 : i32
      %parallel_loop3A_246 = arith.constant 0 : i32
      %parallel_loop3A_247 = arith.addi %parallel_loop3A_245, %parallel_loop3A_246 : i32
      %parallel_loop3A_248 = arith.index_cast %parallel_loop3A_247 : i32 to index
      %parallel_loop3A_249 = arith.constant 144 : index
      %parallel_loop3A_250 = tpu.vector_load %arg9[%parallel_loop3A_248, %parallel_loop3A_249] {strides = array<i32>} : memref<64x384xf32, #tpu.memory_space<vmem>>, vector<1x16xf32>,
      %parallel_loop3A_251 = vector.shape_cast %parallel_loop3A_250 : vector<1x16xf32> to vector<16xf32>
      %parallel_loop3A_252 = arith.index_cast %parallel_loop3A_126 : i32 to index
      %parallel_loop3A_253 = arith.constant 144 : index
      %parallel_loop3A_254 = tpu.vector_load %arg7[%parallel_loop3A_252, %parallel_loop3A_253] {strides = array<i32>} : memref<32x768xf32, #tpu.memory_space<vmem>>, vector<1x16xf32>,
      %parallel_loop3A_255 = vector.shape_cast %parallel_loop3A_254 : vector<1x16xf32> to vector<16xf32>
      %parallel_loop3A_256 = vector.shape_cast %parallel_loop3A_251 : vector<16xf32> to vector<1x16xf32>
      tpu.vector_store %arg7[%parallel_loop3A_252, %parallel_loop3A_253], %parallel_loop3A_256 {add = true, strides = array<i32>} : memref<32x768xf32, #tpu.memory_space<vmem>>, vector<1x16xf32>,
      %parallel_loop3A_257 = arith.constant 2 : i32
      %parallel_loop3A_258 = arith.muli %parallel_loop3A_257, %parallel_loop3A_126 : i32
      %parallel_loop3A_259 = arith.constant 0 : i32
      %parallel_loop3A_260 = arith.addi %parallel_loop3A_258, %parallel_loop3A_259 : i32
      %parallel_loop3A_261 = arith.index_cast %parallel_loop3A_260 : i32 to index
      %parallel_loop3A_262 = arith.constant 160 : index
      %parallel_loop3A_263 = tpu.vector_load %arg9[%parallel_loop3A_261, %parallel_loop3A_262] {strides = array<i32>} : memref<64x384xf32, #tpu.memory_space<vmem>>, vector<1x16xf32>,
      %parallel_loop3A_264 = vector.shape_cast %parallel_loop3A_263 : vector<1x16xf32> to vector<16xf32>
      %parallel_loop3A_265 = arith.index_cast %parallel_loop3A_126 : i32 to index
      %parallel_loop3A_266 = arith.constant 160 : index
      %parallel_loop3A_267 = tpu.vector_load %arg7[%parallel_loop3A_265, %parallel_loop3A_266] {strides = array<i32>} : memref<32x768xf32, #tpu.memory_space<vmem>>, vector<1x16xf32>,
      %parallel_loop3A_268 = vector.shape_cast %parallel_loop3A_267 : vector<1x16xf32> to vector<16xf32>
      %parallel_loop3A_269 = vector.shape_cast %parallel_loop3A_264 : vector<16xf32> to vector<1x16xf32>
      tpu.vector_store %arg7[%parallel_loop3A_265, %parallel_loop3A_266], %parallel_loop3A_269 {add = true, strides = array<i32>} : memref<32x768xf32, #tpu.memory_space<vmem>>, vector<1x16xf32>,
      %parallel_loop3A_270 = arith.constant 2 : i32
      %parallel_loop3A_271 = arith.muli %parallel_loop3A_270, %parallel_loop3A_126 : i32
      %parallel_loop3A_272 = arith.constant 0 : i32
      %parallel_loop3A_273 = arith.addi %parallel_loop3A_271, %parallel_loop3A_272 : i32
      %parallel_loop3A_274 = arith.index_cast %parallel_loop3A_273 : i32 to index
      %parallel_loop3A_275 = arith.constant 176 : index
      %parallel_loop3A_276 = tpu.vector_load %arg9[%parallel_loop3A_274, %parallel_loop3A_275] {strides = array<i32>} : memref<64x384xf32, #tpu.memory_space<vmem>>, vector<1x16xf32>,
      %parallel_loop3A_277 = vector.shape_cast %parallel_loop3A_276 : vector<1x16xf32> to vector<16xf32>
      %parallel_loop3A_278 = arith.index_cast %parallel_loop3A_126 : i32 to index
      %parallel_loop3A_279 = arith.constant 176 : index
      %parallel_loop3A_280 = tpu.vector_load %arg7[%parallel_loop3A_278, %parallel_loop3A_279] {strides = array<i32>} : memref<32x768xf32, #tpu.memory_space<vmem>>, vector<1x16xf32>,
      %parallel_loop3A_281 = vector.shape_cast %parallel_loop3A_280 : vector<1x16xf32> to vector<16xf32>
      %parallel_loop3A_282 = vector.shape_cast %parallel_loop3A_277 : vector<16xf32> to vector<1x16xf32>
      tpu.vector_store %arg7[%parallel_loop3A_278, %parallel_loop3A_279], %parallel_loop3A_282 {add = true, strides = array<i32>} : memref<32x768xf32, #tpu.memory_space<vmem>>, vector<1x16xf32>,
      %parallel_loop3A_283 = arith.constant 2 : i32
      %parallel_loop3A_284 = arith.muli %parallel_loop3A_283, %parallel_loop3A_126 : i32
      %parallel_loop3A_285 = arith.constant 0 : i32
      %parallel_loop3A_286 = arith.addi %parallel_loop3A_284, %parallel_loop3A_285 : i32
      %parallel_loop3A_287 = arith.index_cast %parallel_loop3A_286 : i32 to index
      %parallel_loop3A_288 = arith.constant 192 : index
      %parallel_loop3A_289 = tpu.vector_load %arg9[%parallel_loop3A_287, %parallel_loop3A_288] {strides = array<i32>} : memref<64x384xf32, #tpu.memory_space<vmem>>, vector<1x16xf32>,
      %parallel_loop3A_290 = vector.shape_cast %parallel_loop3A_289 : vector<1x16xf32> to vector<16xf32>
      %parallel_loop3A_291 = arith.index_cast %parallel_loop3A_126 : i32 to index
      %parallel_loop3A_292 = arith.constant 192 : index
      %parallel_loop3A_293 = tpu.vector_load %arg7[%parallel_loop3A_291, %parallel_loop3A_292] {strides = array<i32>} : memref<32x768xf32, #tpu.memory_space<vmem>>, vector<1x16xf32>,
      %parallel_loop3A_294 = vector.shape_cast %parallel_loop3A_293 : vector<1x16xf32> to vector<16xf32>
      %parallel_loop3A_295 = vector.shape_cast %parallel_loop3A_290 : vector<16xf32> to vector<1x16xf32>
      tpu.vector_store %arg7[%parallel_loop3A_291, %parallel_loop3A_292], %parallel_loop3A_295 {add = true, strides = array<i32>} : memref<32x768xf32, #tpu.memory_space<vmem>>, vector<1x16xf32>,
      %parallel_loop3A_296 = arith.constant 2 : i32
      %parallel_loop3A_297 = arith.muli %parallel_loop3A_296, %parallel_loop3A_126 : i32
      %parallel_loop3A_298 = arith.constant 0 : i32
      %parallel_loop3A_299 = arith.addi %parallel_loop3A_297, %parallel_loop3A_298 : i32
      %parallel_loop3A_300 = arith.index_cast %parallel_loop3A_299 : i32 to index
      %parallel_loop3A_301 = arith.constant 208 : index
      %parallel_loop3A_302 = tpu.vector_load %arg9[%parallel_loop3A_300, %parallel_loop3A_301] {strides = array<i32>} : memref<64x384xf32, #tpu.memory_space<vmem>>, vector<1x16xf32>,
      %parallel_loop3A_303 = vector.shape_cast %parallel_loop3A_302 : vector<1x16xf32> to vector<16xf32>
      %parallel_loop3A_304 = arith.index_cast %parallel_loop3A_126 : i32 to index
      %parallel_loop3A_305 = arith.constant 208 : index
      %parallel_loop3A_306 = tpu.vector_load %arg7[%parallel_loop3A_304, %parallel_loop3A_305] {strides = array<i32>} : memref<32x768xf32, #tpu.memory_space<vmem>>, vector<1x16xf32>,
      %parallel_loop3A_307 = vector.shape_cast %parallel_loop3A_306 : vector<1x16xf32> to vector<16xf32>
      %parallel_loop3A_308 = vector.shape_cast %parallel_loop3A_303 : vector<16xf32> to vector<1x16xf32>
      tpu.vector_store %arg7[%parallel_loop3A_304, %parallel_loop3A_305], %parallel_loop3A_308 {add = true, strides = array<i32>} : memref<32x768xf32, #tpu.memory_space<vmem>>, vector<1x16xf32>,
      %parallel_loop3A_309 = arith.constant 2 : i32
      %parallel_loop3A_310 = arith.muli %parallel_loop3A_309, %parallel_loop3A_126 : i32
      %parallel_loop3A_311 = arith.constant 0 : i32
      %parallel_loop3A_312 = arith.addi %parallel_loop3A_310, %parallel_loop3A_311 : i32
      %parallel_loop3A_313 = arith.index_cast %parallel_loop3A_312 : i32 to index
      %parallel_loop3A_314 = arith.constant 224 : index
      %parallel_loop3A_315 = tpu.vector_load %arg9[%parallel_loop3A_313, %parallel_loop3A_314] {strides = array<i32>} : memref<64x384xf32, #tpu.memory_space<vmem>>, vector<1x16xf32>,
      %parallel_loop3A_316 = vector.shape_cast %parallel_loop3A_315 : vector<1x16xf32> to vector<16xf32>
      %parallel_loop3A_317 = arith.index_cast %parallel_loop3A_126 : i32 to index
      %parallel_loop3A_318 = arith.constant 224 : index
      %parallel_loop3A_319 = tpu.vector_load %arg7[%parallel_loop3A_317, %parallel_loop3A_318] {strides = array<i32>} : memref<32x768xf32, #tpu.memory_space<vmem>>, vector<1x16xf32>,
      %parallel_loop3A_320 = vector.shape_cast %parallel_loop3A_319 : vector<1x16xf32> to vector<16xf32>
      %parallel_loop3A_321 = vector.shape_cast %parallel_loop3A_316 : vector<16xf32> to vector<1x16xf32>
      tpu.vector_store %arg7[%parallel_loop3A_317, %parallel_loop3A_318], %parallel_loop3A_321 {add = true, strides = array<i32>} : memref<32x768xf32, #tpu.memory_space<vmem>>, vector<1x16xf32>,
      %parallel_loop3A_322 = arith.constant 2 : i32
      %parallel_loop3A_323 = arith.muli %parallel_loop3A_322, %parallel_loop3A_126 : i32
      %parallel_loop3A_324 = arith.constant 0 : i32
      %parallel_loop3A_325 = arith.addi %parallel_loop3A_323, %parallel_loop3A_324 : i32
      %parallel_loop3A_326 = arith.index_cast %parallel_loop3A_325 : i32 to index
      %parallel_loop3A_327 = arith.constant 240 : index
      %parallel_loop3A_328 = tpu.vector_load %arg9[%parallel_loop3A_326, %parallel_loop3A_327] {strides = array<i32>} : memref<64x384xf32, #tpu.memory_space<vmem>>, vector<1x16xf32>,
      %parallel_loop3A_329 = vector.shape_cast %parallel_loop3A_328 : vector<1x16xf32> to vector<16xf32>
      %parallel_loop3A_330 = arith.index_cast %parallel_loop3A_126 : i32 to index
      %parallel_loop3A_331 = arith.constant 240 : index
      %parallel_loop3A_332 = tpu.vector_load %arg7[%parallel_loop3A_330, %parallel_loop3A_331] {strides = array<i32>} : memref<32x768xf32, #tpu.memory_space<vmem>>, vector<1x16xf32>,
      %parallel_loop3A_333 = vector.shape_cast %parallel_loop3A_332 : vector<1x16xf32> to vector<16xf32>
      %parallel_loop3A_334 = vector.shape_cast %parallel_loop3A_329 : vector<16xf32> to vector<1x16xf32>
      tpu.vector_store %arg7[%parallel_loop3A_330, %parallel_loop3A_331], %parallel_loop3A_334 {add = true, strides = array<i32>} : memref<32x768xf32, #tpu.memory_space<vmem>>, vector<1x16xf32>,
      %parallel_loop3A_335 = arith.constant 2 : i32
      %parallel_loop3A_336 = arith.muli %parallel_loop3A_335, %parallel_loop3A_126 : i32
      %parallel_loop3A_337 = arith.constant 0 : i32
      %parallel_loop3A_338 = arith.addi %parallel_loop3A_336, %parallel_loop3A_337 : i32
      %parallel_loop3A_339 = arith.index_cast %parallel_loop3A_338 : i32 to index
      %parallel_loop3A_340 = arith.constant 256 : index
      %parallel_loop3A_341 = tpu.vector_load %arg9[%parallel_loop3A_339, %parallel_loop3A_340] {strides = array<i32>} : memref<64x384xf32, #tpu.memory_space<vmem>>, vector<1x16xf32>,
      %parallel_loop3A_342 = vector.shape_cast %parallel_loop3A_341 : vector<1x16xf32> to vector<16xf32>
      %parallel_loop3A_343 = arith.index_cast %parallel_loop3A_126 : i32 to index
      %parallel_loop3A_344 = arith.constant 256 : index
      %parallel_loop3A_345 = tpu.vector_load %arg7[%parallel_loop3A_343, %parallel_loop3A_344] {strides = array<i32>} : memref<32x768xf32, #tpu.memory_space<vmem>>, vector<1x16xf32>,
      %parallel_loop3A_346 = vector.shape_cast %parallel_loop3A_345 : vector<1x16xf32> to vector<16xf32>
      %parallel_loop3A_347 = vector.shape_cast %parallel_loop3A_342 : vector<16xf32> to vector<1x16xf32>
      tpu.vector_store %arg7[%parallel_loop3A_343, %parallel_loop3A_344], %parallel_loop3A_347 {add = true, strides = array<i32>} : memref<32x768xf32, #tpu.memory_space<vmem>>, vector<1x16xf32>,
      %parallel_loop3A_348 = arith.constant 2 : i32
      %parallel_loop3A_349 = arith.muli %parallel_loop3A_348, %parallel_loop3A_126 : i32
      %parallel_loop3A_350 = arith.constant 0 : i32
      %parallel_loop3A_351 = arith.addi %parallel_loop3A_349, %parallel_loop3A_350 : i32
      %parallel_loop3A_352 = arith.index_cast %parallel_loop3A_351 : i32 to index
      %parallel_loop3A_353 = arith.constant 272 : index
      %parallel_loop3A_354 = tpu.vector_load %arg9[%parallel_loop3A_352, %parallel_loop3A_353] {strides = array<i32>} : memref<64x384xf32, #tpu.memory_space<vmem>>, vector<1x16xf32>,
      %parallel_loop3A_355 = vector.shape_cast %parallel_loop3A_354 : vector<1x16xf32> to vector<16xf32>
      %parallel_loop3A_356 = arith.index_cast %parallel_loop3A_126 : i32 to index
      %parallel_loop3A_357 = arith.constant 272 : index
      %parallel_loop3A_358 = tpu.vector_load %arg7[%parallel_loop3A_356, %parallel_loop3A_357] {strides = array<i32>} : memref<32x768xf32, #tpu.memory_space<vmem>>, vector<1x16xf32>,
      %parallel_loop3A_359 = vector.shape_cast %parallel_loop3A_358 : vector<1x16xf32> to vector<16xf32>
      %parallel_loop3A_360 = vector.shape_cast %parallel_loop3A_355 : vector<16xf32> to vector<1x16xf32>
      tpu.vector_store %arg7[%parallel_loop3A_356, %parallel_loop3A_357], %parallel_loop3A_360 {add = true, strides = array<i32>} : memref<32x768xf32, #tpu.memory_space<vmem>>, vector<1x16xf32>,
      %parallel_loop3A_361 = arith.constant 2 : i32
      %parallel_loop3A_362 = arith.muli %parallel_loop3A_361, %parallel_loop3A_126 : i32
      %parallel_loop3A_363 = arith.constant 0 : i32
      %parallel_loop3A_364 = arith.addi %parallel_loop3A_362, %parallel_loop3A_363 : i32
      %parallel_loop3A_365 = arith.index_cast %parallel_loop3A_364 : i32 to index
      %parallel_loop3A_366 = arith.constant 288 : index
      %parallel_loop3A_367 = tpu.vector_load %arg9[%parallel_loop3A_365, %parallel_loop3A_366] {strides = array<i32>} : memref<64x384xf32, #tpu.memory_space<vmem>>, vector<1x16xf32>,
      %parallel_loop3A_368 = vector.shape_cast %parallel_loop3A_367 : vector<1x16xf32> to vector<16xf32>
      %parallel_loop3A_369 = arith.index_cast %parallel_loop3A_126 : i32 to index
      %parallel_loop3A_370 = arith.constant 288 : index
      %parallel_loop3A_371 = tpu.vector_load %arg7[%parallel_loop3A_369, %parallel_loop3A_370] {strides = array<i32>} : memref<32x768xf32, #tpu.memory_space<vmem>>, vector<1x16xf32>,
      %parallel_loop3A_372 = vector.shape_cast %parallel_loop3A_371 : vector<1x16xf32> to vector<16xf32>
      %parallel_loop3A_373 = vector.shape_cast %parallel_loop3A_368 : vector<16xf32> to vector<1x16xf32>
      tpu.vector_store %arg7[%parallel_loop3A_369, %parallel_loop3A_370], %parallel_loop3A_373 {add = true, strides = array<i32>} : memref<32x768xf32, #tpu.memory_space<vmem>>, vector<1x16xf32>,
      %parallel_loop3A_374 = arith.constant 2 : i32
      %parallel_loop3A_375 = arith.muli %parallel_loop3A_374, %parallel_loop3A_126 : i32
      %parallel_loop3A_376 = arith.constant 0 : i32
      %parallel_loop3A_377 = arith.addi %parallel_loop3A_375, %parallel_loop3A_376 : i32
      %parallel_loop3A_378 = arith.index_cast %parallel_loop3A_377 : i32 to index
      %parallel_loop3A_379 = arith.constant 304 : index
      %parallel_loop3A_380 = tpu.vector_load %arg9[%parallel_loop3A_378, %parallel_loop3A_379] {strides = array<i32>} : memref<64x384xf32, #tpu.memory_space<vmem>>, vector<1x16xf32>,
      %parallel_loop3A_381 = vector.shape_cast %parallel_loop3A_380 : vector<1x16xf32> to vector<16xf32>
      %parallel_loop3A_382 = arith.index_cast %parallel_loop3A_126 : i32 to index
      %parallel_loop3A_383 = arith.constant 304 : index
      %parallel_loop3A_384 = tpu.vector_load %arg7[%parallel_loop3A_382, %parallel_loop3A_383] {strides = array<i32>} : memref<32x768xf32, #tpu.memory_space<vmem>>, vector<1x16xf32>,
      %parallel_loop3A_385 = vector.shape_cast %parallel_loop3A_384 : vector<1x16xf32> to vector<16xf32>
      %parallel_loop3A_386 = vector.shape_cast %parallel_loop3A_381 : vector<16xf32> to vector<1x16xf32>
      tpu.vector_store %arg7[%parallel_loop3A_382, %parallel_loop3A_383], %parallel_loop3A_386 {add = true, strides = array<i32>} : memref<32x768xf32, #tpu.memory_space<vmem>>, vector<1x16xf32>,
      %parallel_loop3A_387 = arith.constant 2 : i32
      %parallel_loop3A_388 = arith.muli %parallel_loop3A_387, %parallel_loop3A_126 : i32
      %parallel_loop3A_389 = arith.constant 0 : i32
      %parallel_loop3A_390 = arith.addi %parallel_loop3A_388, %parallel_loop3A_389 : i32
      %parallel_loop3A_391 = arith.index_cast %parallel_loop3A_390 : i32 to index
      %parallel_loop3A_392 = arith.constant 320 : index
      %parallel_loop3A_393 = tpu.vector_load %arg9[%parallel_loop3A_391, %parallel_loop3A_392] {strides = array<i32>} : memref<64x384xf32, #tpu.memory_space<vmem>>, vector<1x16xf32>,
      %parallel_loop3A_394 = vector.shape_cast %parallel_loop3A_393 : vector<1x16xf32> to vector<16xf32>
      %parallel_loop3A_395 = arith.index_cast %parallel_loop3A_126 : i32 to index
      %parallel_loop3A_396 = arith.constant 320 : index
      %parallel_loop3A_397 = tpu.vector_load %arg7[%parallel_loop3A_395, %parallel_loop3A_396] {strides = array<i32>} : memref<32x768xf32, #tpu.memory_space<vmem>>, vector<1x16xf32>,
      %parallel_loop3A_398 = vector.shape_cast %parallel_loop3A_397 : vector<1x16xf32> to vector<16xf32>
      %parallel_loop3A_399 = vector.shape_cast %parallel_loop3A_394 : vector<16xf32> to vector<1x16xf32>
      tpu.vector_store %arg7[%parallel_loop3A_395, %parallel_loop3A_396], %parallel_loop3A_399 {add = true, strides = array<i32>} : memref<32x768xf32, #tpu.memory_space<vmem>>, vector<1x16xf32>,
      %parallel_loop3A_400 = arith.constant 2 : i32
      %parallel_loop3A_401 = arith.muli %parallel_loop3A_400, %parallel_loop3A_126 : i32
      %parallel_loop3A_402 = arith.constant 0 : i32
      %parallel_loop3A_403 = arith.addi %parallel_loop3A_401, %parallel_loop3A_402 : i32
      %parallel_loop3A_404 = arith.index_cast %parallel_loop3A_403 : i32 to index
      %parallel_loop3A_405 = arith.constant 336 : index
      %parallel_loop3A_406 = tpu.vector_load %arg9[%parallel_loop3A_404, %parallel_loop3A_405] {strides = array<i32>} : memref<64x384xf32, #tpu.memory_space<vmem>>, vector<1x16xf32>,
      %parallel_loop3A_407 = vector.shape_cast %parallel_loop3A_406 : vector<1x16xf32> to vector<16xf32>
      %parallel_loop3A_408 = arith.index_cast %parallel_loop3A_126 : i32 to index
      %parallel_loop3A_409 = arith.constant 336 : index
      %parallel_loop3A_410 = tpu.vector_load %arg7[%parallel_loop3A_408, %parallel_loop3A_409] {strides = array<i32>} : memref<32x768xf32, #tpu.memory_space<vmem>>, vector<1x16xf32>,
      %parallel_loop3A_411 = vector.shape_cast %parallel_loop3A_410 : vector<1x16xf32> to vector<16xf32>
      %parallel_loop3A_412 = vector.shape_cast %parallel_loop3A_407 : vector<16xf32> to vector<1x16xf32>
      tpu.vector_store %arg7[%parallel_loop3A_408, %parallel_loop3A_409], %parallel_loop3A_412 {add = true, strides = array<i32>} : memref<32x768xf32, #tpu.memory_space<vmem>>, vector<1x16xf32>,
      %parallel_loop3A_413 = arith.constant 2 : i32
      %parallel_loop3A_414 = arith.muli %parallel_loop3A_413, %parallel_loop3A_126 : i32
      %parallel_loop3A_415 = arith.constant 0 : i32
      %parallel_loop3A_416 = arith.addi %parallel_loop3A_414, %parallel_loop3A_415 : i32
      %parallel_loop3A_417 = arith.index_cast %parallel_loop3A_416 : i32 to index
      %parallel_loop3A_418 = arith.constant 352 : index
      %parallel_loop3A_419 = tpu.vector_load %arg9[%parallel_loop3A_417, %parallel_loop3A_418] {strides = array<i32>} : memref<64x384xf32, #tpu.memory_space<vmem>>, vector<1x16xf32>,
      %parallel_loop3A_420 = vector.shape_cast %parallel_loop3A_419 : vector<1x16xf32> to vector<16xf32>
      %parallel_loop3A_421 = arith.index_cast %parallel_loop3A_126 : i32 to index
      %parallel_loop3A_422 = arith.constant 352 : index
      %parallel_loop3A_423 = tpu.vector_load %arg7[%parallel_loop3A_421, %parallel_loop3A_422] {strides = array<i32>} : memref<32x768xf32, #tpu.memory_space<vmem>>, vector<1x16xf32>,
      %parallel_loop3A_424 = vector.shape_cast %parallel_loop3A_423 : vector<1x16xf32> to vector<16xf32>
      %parallel_loop3A_425 = vector.shape_cast %parallel_loop3A_420 : vector<16xf32> to vector<1x16xf32>
      tpu.vector_store %arg7[%parallel_loop3A_421, %parallel_loop3A_422], %parallel_loop3A_425 {add = true, strides = array<i32>} : memref<32x768xf32, #tpu.memory_space<vmem>>, vector<1x16xf32>,
      %parallel_loop3A_426 = arith.constant 2 : i32
      %parallel_loop3A_427 = arith.muli %parallel_loop3A_426, %parallel_loop3A_126 : i32
      %parallel_loop3A_428 = arith.constant 0 : i32
      %parallel_loop3A_429 = arith.addi %parallel_loop3A_427, %parallel_loop3A_428 : i32
      %parallel_loop3A_430 = arith.index_cast %parallel_loop3A_429 : i32 to index
      %parallel_loop3A_431 = arith.constant 368 : index
      %parallel_loop3A_432 = tpu.vector_load %arg9[%parallel_loop3A_430, %parallel_loop3A_431] {strides = array<i32>} : memref<64x384xf32, #tpu.memory_space<vmem>>, vector<1x16xf32>,
      %parallel_loop3A_433 = vector.shape_cast %parallel_loop3A_432 : vector<1x16xf32> to vector<16xf32>
      %parallel_loop3A_434 = arith.index_cast %parallel_loop3A_126 : i32 to index
      %parallel_loop3A_435 = arith.constant 368 : index
      %parallel_loop3A_436 = tpu.vector_load %arg7[%parallel_loop3A_434, %parallel_loop3A_435] {strides = array<i32>} : memref<32x768xf32, #tpu.memory_space<vmem>>, vector<1x16xf32>,
      %parallel_loop3A_437 = vector.shape_cast %parallel_loop3A_436 : vector<1x16xf32> to vector<16xf32>
      %parallel_loop3A_438 = vector.shape_cast %parallel_loop3A_433 : vector<16xf32> to vector<1x16xf32>
      tpu.vector_store %arg7[%parallel_loop3A_434, %parallel_loop3A_435], %parallel_loop3A_438 {add = true, strides = array<i32>} : memref<32x768xf32, #tpu.memory_space<vmem>>, vector<1x16xf32>,
      %parallel_loop3A_439 = arith.constant 2 : i32
      %parallel_loop3A_440 = arith.muli %parallel_loop3A_439, %parallel_loop3A_126 : i32
      %parallel_loop3A_441 = arith.constant 1 : i32
      %parallel_loop3A_442 = arith.addi %parallel_loop3A_440, %parallel_loop3A_441 : i32
      %parallel_loop3A_443 = arith.index_cast %parallel_loop3A_442 : i32 to index
      %parallel_loop3A_444 = arith.constant 0 : index
      %parallel_loop3A_445 = tpu.vector_load %arg9[%parallel_loop3A_443, %parallel_loop3A_444] {strides = array<i32>} : memref<64x384xf32, #tpu.memory_space<vmem>>, vector<1x16xf32>,
      %parallel_loop3A_446 = vector.shape_cast %parallel_loop3A_445 : vector<1x16xf32> to vector<16xf32>
      %parallel_loop3A_447 = arith.index_cast %parallel_loop3A_126 : i32 to index
      %parallel_loop3A_448 = arith.constant 384 : index
      %parallel_loop3A_449 = tpu.vector_load %arg7[%parallel_loop3A_447, %parallel_loop3A_448] {strides = array<i32>} : memref<32x768xf32, #tpu.memory_space<vmem>>, vector<1x16xf32>,
      %parallel_loop3A_450 = vector.shape_cast %parallel_loop3A_449 : vector<1x16xf32> to vector<16xf32>
      %parallel_loop3A_451 = vector.shape_cast %parallel_loop3A_446 : vector<16xf32> to vector<1x16xf32>
      tpu.vector_store %arg7[%parallel_loop3A_447, %parallel_loop3A_448], %parallel_loop3A_451 {add = true, strides = array<i32>} : memref<32x768xf32, #tpu.memory_space<vmem>>, vector<1x16xf32>,
      %parallel_loop3A_452 = arith.constant 2 : i32
      %parallel_loop3A_453 = arith.muli %parallel_loop3A_452, %parallel_loop3A_126 : i32
      %parallel_loop3A_454 = arith.constant 1 : i32
      %parallel_loop3A_455 = arith.addi %parallel_loop3A_453, %parallel_loop3A_454 : i32
      %parallel_loop3A_456 = arith.index_cast %parallel_loop3A_455 : i32 to index
      %parallel_loop3A_457 = arith.constant 16 : index
      %parallel_loop3A_458 = tpu.vector_load %arg9[%parallel_loop3A_456, %parallel_loop3A_457] {strides = array<i32>} : memref<64x384xf32, #tpu.memory_space<vmem>>, vector<1x16xf32>,
      %parallel_loop3A_459 = vector.shape_cast %parallel_loop3A_458 : vector<1x16xf32> to vector<16xf32>
      %parallel_loop3A_460 = arith.index_cast %parallel_loop3A_126 : i32 to index
      %parallel_loop3A_461 = arith.constant 400 : index
      %parallel_loop3A_462 = tpu.vector_load %arg7[%parallel_loop3A_460, %parallel_loop3A_461] {strides = array<i32>} : memref<32x768xf32, #tpu.memory_space<vmem>>, vector<1x16xf32>,
      %parallel_loop3A_463 = vector.shape_cast %parallel_loop3A_462 : vector<1x16xf32> to vector<16xf32>
      %parallel_loop3A_464 = vector.shape_cast %parallel_loop3A_459 : vector<16xf32> to vector<1x16xf32>
      tpu.vector_store %arg7[%parallel_loop3A_460, %parallel_loop3A_461], %parallel_loop3A_464 {add = true, strides = array<i32>} : memref<32x768xf32, #tpu.memory_space<vmem>>, vector<1x16xf32>,
      %parallel_loop3A_465 = arith.constant 2 : i32
      %parallel_loop3A_466 = arith.muli %parallel_loop3A_465, %parallel_loop3A_126 : i32
      %parallel_loop3A_467 = arith.constant 1 : i32
      %parallel_loop3A_468 = arith.addi %parallel_loop3A_466, %parallel_loop3A_467 : i32
      %parallel_loop3A_469 = arith.index_cast %parallel_loop3A_468 : i32 to index
      %parallel_loop3A_470 = arith.constant 32 : index
      %parallel_loop3A_471 = tpu.vector_load %arg9[%parallel_loop3A_469, %parallel_loop3A_470] {strides = array<i32>} : memref<64x384xf32, #tpu.memory_space<vmem>>, vector<1x16xf32>,
      %parallel_loop3A_472 = vector.shape_cast %parallel_loop3A_471 : vector<1x16xf32> to vector<16xf32>
      %parallel_loop3A_473 = arith.index_cast %parallel_loop3A_126 : i32 to index
      %parallel_loop3A_474 = arith.constant 416 : index
      %parallel_loop3A_475 = tpu.vector_load %arg7[%parallel_loop3A_473, %parallel_loop3A_474] {strides = array<i32>} : memref<32x768xf32, #tpu.memory_space<vmem>>, vector<1x16xf32>,
      %parallel_loop3A_476 = vector.shape_cast %parallel_loop3A_475 : vector<1x16xf32> to vector<16xf32>
      %parallel_loop3A_477 = vector.shape_cast %parallel_loop3A_472 : vector<16xf32> to vector<1x16xf32>
      tpu.vector_store %arg7[%parallel_loop3A_473, %parallel_loop3A_474], %parallel_loop3A_477 {add = true, strides = array<i32>} : memref<32x768xf32, #tpu.memory_space<vmem>>, vector<1x16xf32>,
      %parallel_loop3A_478 = arith.constant 2 : i32
      %parallel_loop3A_479 = arith.muli %parallel_loop3A_478, %parallel_loop3A_126 : i32
      %parallel_loop3A_480 = arith.constant 1 : i32
      %parallel_loop3A_481 = arith.addi %parallel_loop3A_479, %parallel_loop3A_480 : i32
      %parallel_loop3A_482 = arith.index_cast %parallel_loop3A_481 : i32 to index
      %parallel_loop3A_483 = arith.constant 48 : index
      %parallel_loop3A_484 = tpu.vector_load %arg9[%parallel_loop3A_482, %parallel_loop3A_483] {strides = array<i32>} : memref<64x384xf32, #tpu.memory_space<vmem>>, vector<1x16xf32>,
      %parallel_loop3A_485 = vector.shape_cast %parallel_loop3A_484 : vector<1x16xf32> to vector<16xf32>
      %parallel_loop3A_486 = arith.index_cast %parallel_loop3A_126 : i32 to index
      %parallel_loop3A_487 = arith.constant 432 : index
      %parallel_loop3A_488 = tpu.vector_load %arg7[%parallel_loop3A_486, %parallel_loop3A_487] {strides = array<i32>} : memref<32x768xf32, #tpu.memory_space<vmem>>, vector<1x16xf32>,
      %parallel_loop3A_489 = vector.shape_cast %parallel_loop3A_488 : vector<1x16xf32> to vector<16xf32>
      %parallel_loop3A_490 = vector.shape_cast %parallel_loop3A_485 : vector<16xf32> to vector<1x16xf32>
      tpu.vector_store %arg7[%parallel_loop3A_486, %parallel_loop3A_487], %parallel_loop3A_490 {add = true, strides = array<i32>} : memref<32x768xf32, #tpu.memory_space<vmem>>, vector<1x16xf32>,
      %parallel_loop3A_491 = arith.constant 2 : i32
      %parallel_loop3A_492 = arith.muli %parallel_loop3A_491, %parallel_loop3A_126 : i32
      %parallel_loop3A_493 = arith.constant 1 : i32
      %parallel_loop3A_494 = arith.addi %parallel_loop3A_492, %parallel_loop3A_493 : i32
      %parallel_loop3A_495 = arith.index_cast %parallel_loop3A_494 : i32 to index
      %parallel_loop3A_496 = arith.constant 64 : index
      %parallel_loop3A_497 = tpu.vector_load %arg9[%parallel_loop3A_495, %parallel_loop3A_496] {strides = array<i32>} : memref<64x384xf32, #tpu.memory_space<vmem>>, vector<1x16xf32>,
      %parallel_loop3A_498 = vector.shape_cast %parallel_loop3A_497 : vector<1x16xf32> to vector<16xf32>
      %parallel_loop3A_499 = arith.index_cast %parallel_loop3A_126 : i32 to index
      %parallel_loop3A_500 = arith.constant 448 : index
      %parallel_loop3A_501 = tpu.vector_load %arg7[%parallel_loop3A_499, %parallel_loop3A_500] {strides = array<i32>} : memref<32x768xf32, #tpu.memory_space<vmem>>, vector<1x16xf32>,
      %parallel_loop3A_502 = vector.shape_cast %parallel_loop3A_501 : vector<1x16xf32> to vector<16xf32>
      %parallel_loop3A_503 = vector.shape_cast %parallel_loop3A_498 : vector<16xf32> to vector<1x16xf32>
      tpu.vector_store %arg7[%parallel_loop3A_499, %parallel_loop3A_500], %parallel_loop3A_503 {add = true, strides = array<i32>} : memref<32x768xf32, #tpu.memory_space<vmem>>, vector<1x16xf32>,
      %parallel_loop3A_504 = arith.constant 2 : i32
      %parallel_loop3A_505 = arith.muli %parallel_loop3A_504, %parallel_loop3A_126 : i32
      %parallel_loop3A_506 = arith.constant 1 : i32
      %parallel_loop3A_507 = arith.addi %parallel_loop3A_505, %parallel_loop3A_506 : i32
      %parallel_loop3A_508 = arith.index_cast %parallel_loop3A_507 : i32 to index
      %parallel_loop3A_509 = arith.constant 80 : index
      %parallel_loop3A_510 = tpu.vector_load %arg9[%parallel_loop3A_508, %parallel_loop3A_509] {strides = array<i32>} : memref<64x384xf32, #tpu.memory_space<vmem>>, vector<1x16xf32>,
      %parallel_loop3A_511 = vector.shape_cast %parallel_loop3A_510 : vector<1x16xf32> to vector<16xf32>
      %parallel_loop3A_512 = arith.index_cast %parallel_loop3A_126 : i32 to index
      %parallel_loop3A_513 = arith.constant 464 : index
      %parallel_loop3A_514 = tpu.vector_load %arg7[%parallel_loop3A_512, %parallel_loop3A_513] {strides = array<i32>} : memref<32x768xf32, #tpu.memory_space<vmem>>, vector<1x16xf32>,
      %parallel_loop3A_515 = vector.shape_cast %parallel_loop3A_514 : vector<1x16xf32> to vector<16xf32>
      %parallel_loop3A_516 = vector.shape_cast %parallel_loop3A_511 : vector<16xf32> to vector<1x16xf32>
      tpu.vector_store %arg7[%parallel_loop3A_512, %parallel_loop3A_513], %parallel_loop3A_516 {add = true, strides = array<i32>} : memref<32x768xf32, #tpu.memory_space<vmem>>, vector<1x16xf32>,
      %parallel_loop3A_517 = arith.constant 2 : i32
      %parallel_loop3A_518 = arith.muli %parallel_loop3A_517, %parallel_loop3A_126 : i32
      %parallel_loop3A_519 = arith.constant 1 : i32
      %parallel_loop3A_520 = arith.addi %parallel_loop3A_518, %parallel_loop3A_519 : i32
      %parallel_loop3A_521 = arith.index_cast %parallel_loop3A_520 : i32 to index
      %parallel_loop3A_522 = arith.constant 96 : index
      %parallel_loop3A_523 = tpu.vector_load %arg9[%parallel_loop3A_521, %parallel_loop3A_522] {strides = array<i32>} : memref<64x384xf32, #tpu.memory_space<vmem>>, vector<1x16xf32>,
      %parallel_loop3A_524 = vector.shape_cast %parallel_loop3A_523 : vector<1x16xf32> to vector<16xf32>
      %parallel_loop3A_525 = arith.index_cast %parallel_loop3A_126 : i32 to index
      %parallel_loop3A_526 = arith.constant 480 : index
      %parallel_loop3A_527 = tpu.vector_load %arg7[%parallel_loop3A_525, %parallel_loop3A_526] {strides = array<i32>} : memref<32x768xf32, #tpu.memory_space<vmem>>, vector<1x16xf32>,
      %parallel_loop3A_528 = vector.shape_cast %parallel_loop3A_527 : vector<1x16xf32> to vector<16xf32>
      %parallel_loop3A_529 = vector.shape_cast %parallel_loop3A_524 : vector<16xf32> to vector<1x16xf32>
      tpu.vector_store %arg7[%parallel_loop3A_525, %parallel_loop3A_526], %parallel_loop3A_529 {add = true, strides = array<i32>} : memref<32x768xf32, #tpu.memory_space<vmem>>, vector<1x16xf32>,
      %parallel_loop3A_530 = arith.constant 2 : i32
      %parallel_loop3A_531 = arith.muli %parallel_loop3A_530, %parallel_loop3A_126 : i32
      %parallel_loop3A_532 = arith.constant 1 : i32
      %parallel_loop3A_533 = arith.addi %parallel_loop3A_531, %parallel_loop3A_532 : i32
      %parallel_loop3A_534 = arith.index_cast %parallel_loop3A_533 : i32 to index
      %parallel_loop3A_535 = arith.constant 112 : index
      %parallel_loop3A_536 = tpu.vector_load %arg9[%parallel_loop3A_534, %parallel_loop3A_535] {strides = array<i32>} : memref<64x384xf32, #tpu.memory_space<vmem>>, vector<1x16xf32>,
      %parallel_loop3A_537 = vector.shape_cast %parallel_loop3A_536 : vector<1x16xf32> to vector<16xf32>
      %parallel_loop3A_538 = arith.index_cast %parallel_loop3A_126 : i32 to index
      %parallel_loop3A_539 = arith.constant 496 : index
      %parallel_loop3A_540 = tpu.vector_load %arg7[%parallel_loop3A_538, %parallel_loop3A_539] {strides = array<i32>} : memref<32x768xf32, #tpu.memory_space<vmem>>, vector<1x16xf32>,
      %parallel_loop3A_541 = vector.shape_cast %parallel_loop3A_540 : vector<1x16xf32> to vector<16xf32>
      %parallel_loop3A_542 = vector.shape_cast %parallel_loop3A_537 : vector<16xf32> to vector<1x16xf32>
      tpu.vector_store %arg7[%parallel_loop3A_538, %parallel_loop3A_539], %parallel_loop3A_542 {add = true, strides = array<i32>} : memref<32x768xf32, #tpu.memory_space<vmem>>, vector<1x16xf32>,
      %parallel_loop3A_543 = arith.constant 2 : i32
      %parallel_loop3A_544 = arith.muli %parallel_loop3A_543, %parallel_loop3A_126 : i32
      %parallel_loop3A_545 = arith.constant 1 : i32
      %parallel_loop3A_546 = arith.addi %parallel_loop3A_544, %parallel_loop3A_545 : i32
      %parallel_loop3A_547 = arith.index_cast %parallel_loop3A_546 : i32 to index
      %parallel_loop3A_548 = arith.constant 128 : index
      %parallel_loop3A_549 = tpu.vector_load %arg9[%parallel_loop3A_547, %parallel_loop3A_548] {strides = array<i32>} : memref<64x384xf32, #tpu.memory_space<vmem>>, vector<1x16xf32>,
      %parallel_loop3A_550 = vector.shape_cast %parallel_loop3A_549 : vector<1x16xf32> to vector<16xf32>
      %parallel_loop3A_551 = arith.index_cast %parallel_loop3A_126 : i32 to index
      %parallel_loop3A_552 = arith.constant 512 : index
      %parallel_loop3A_553 = tpu.vector_load %arg7[%parallel_loop3A_551, %parallel_loop3A_552] {strides = array<i32>} : memref<32x768xf32, #tpu.memory_space<vmem>>, vector<1x16xf32>,
      %parallel_loop3A_554 = vector.shape_cast %parallel_loop3A_553 : vector<1x16xf32> to vector<16xf32>
      %parallel_loop3A_555 = vector.shape_cast %parallel_loop3A_550 : vector<16xf32> to vector<1x16xf32>
      tpu.vector_store %arg7[%parallel_loop3A_551, %parallel_loop3A_552], %parallel_loop3A_555 {add = true, strides = array<i32>} : memref<32x768xf32, #tpu.memory_space<vmem>>, vector<1x16xf32>,
      %parallel_loop3A_556 = arith.constant 2 : i32
      %parallel_loop3A_557 = arith.muli %parallel_loop3A_556, %parallel_loop3A_126 : i32
      %parallel_loop3A_558 = arith.constant 1 : i32
      %parallel_loop3A_559 = arith.addi %parallel_loop3A_557, %parallel_loop3A_558 : i32
      %parallel_loop3A_560 = arith.index_cast %parallel_loop3A_559 : i32 to index
      %parallel_loop3A_561 = arith.constant 144 : index
      %parallel_loop3A_562 = tpu.vector_load %arg9[%parallel_loop3A_560, %parallel_loop3A_561] {strides = array<i32>} : memref<64x384xf32, #tpu.memory_space<vmem>>, vector<1x16xf32>,
      %parallel_loop3A_563 = vector.shape_cast %parallel_loop3A_562 : vector<1x16xf32> to vector<16xf32>
      %parallel_loop3A_564 = arith.index_cast %parallel_loop3A_126 : i32 to index
      %parallel_loop3A_565 = arith.constant 528 : index
      %parallel_loop3A_566 = tpu.vector_load %arg7[%parallel_loop3A_564, %parallel_loop3A_565] {strides = array<i32>} : memref<32x768xf32, #tpu.memory_space<vmem>>, vector<1x16xf32>,
      %parallel_loop3A_567 = vector.shape_cast %parallel_loop3A_566 : vector<1x16xf32> to vector<16xf32>
      %parallel_loop3A_568 = vector.shape_cast %parallel_loop3A_563 : vector<16xf32> to vector<1x16xf32>
      tpu.vector_store %arg7[%parallel_loop3A_564, %parallel_loop3A_565], %parallel_loop3A_568 {add = true, strides = array<i32>} : memref<32x768xf32, #tpu.memory_space<vmem>>, vector<1x16xf32>,
      %parallel_loop3A_569 = arith.constant 2 : i32
      %parallel_loop3A_570 = arith.muli %parallel_loop3A_569, %parallel_loop3A_126 : i32
      %parallel_loop3A_571 = arith.constant 1 : i32
      %parallel_loop3A_572 = arith.addi %parallel_loop3A_570, %parallel_loop3A_571 : i32
      %parallel_loop3A_573 = arith.index_cast %parallel_loop3A_572 : i32 to index
      %parallel_loop3A_574 = arith.constant 160 : index
      %parallel_loop3A_575 = tpu.vector_load %arg9[%parallel_loop3A_573, %parallel_loop3A_574] {strides = array<i32>} : memref<64x384xf32, #tpu.memory_space<vmem>>, vector<1x16xf32>,
      %parallel_loop3A_576 = vector.shape_cast %parallel_loop3A_575 : vector<1x16xf32> to vector<16xf32>
      %parallel_loop3A_577 = arith.index_cast %parallel_loop3A_126 : i32 to index
      %parallel_loop3A_578 = arith.constant 544 : index
      %parallel_loop3A_579 = tpu.vector_load %arg7[%parallel_loop3A_577, %parallel_loop3A_578] {strides = array<i32>} : memref<32x768xf32, #tpu.memory_space<vmem>>, vector<1x16xf32>,
      %parallel_loop3A_580 = vector.shape_cast %parallel_loop3A_579 : vector<1x16xf32> to vector<16xf32>
      %parallel_loop3A_581 = vector.shape_cast %parallel_loop3A_576 : vector<16xf32> to vector<1x16xf32>
      tpu.vector_store %arg7[%parallel_loop3A_577, %parallel_loop3A_578], %parallel_loop3A_581 {add = true, strides = array<i32>} : memref<32x768xf32, #tpu.memory_space<vmem>>, vector<1x16xf32>,
      %parallel_loop3A_582 = arith.constant 2 : i32
      %parallel_loop3A_583 = arith.muli %parallel_loop3A_582, %parallel_loop3A_126 : i32
      %parallel_loop3A_584 = arith.constant 1 : i32
      %parallel_loop3A_585 = arith.addi %parallel_loop3A_583, %parallel_loop3A_584 : i32
      %parallel_loop3A_586 = arith.index_cast %parallel_loop3A_585 : i32 to index
      %parallel_loop3A_587 = arith.constant 176 : index
      %parallel_loop3A_588 = tpu.vector_load %arg9[%parallel_loop3A_586, %parallel_loop3A_587] {strides = array<i32>} : memref<64x384xf32, #tpu.memory_space<vmem>>, vector<1x16xf32>,
      %parallel_loop3A_589 = vector.shape_cast %parallel_loop3A_588 : vector<1x16xf32> to vector<16xf32>
      %parallel_loop3A_590 = arith.index_cast %parallel_loop3A_126 : i32 to index
      %parallel_loop3A_591 = arith.constant 560 : index
      %parallel_loop3A_592 = tpu.vector_load %arg7[%parallel_loop3A_590, %parallel_loop3A_591] {strides = array<i32>} : memref<32x768xf32, #tpu.memory_space<vmem>>, vector<1x16xf32>,
      %parallel_loop3A_593 = vector.shape_cast %parallel_loop3A_592 : vector<1x16xf32> to vector<16xf32>
      %parallel_loop3A_594 = vector.shape_cast %parallel_loop3A_589 : vector<16xf32> to vector<1x16xf32>
      tpu.vector_store %arg7[%parallel_loop3A_590, %parallel_loop3A_591], %parallel_loop3A_594 {add = true, strides = array<i32>} : memref<32x768xf32, #tpu.memory_space<vmem>>, vector<1x16xf32>,
      %parallel_loop3A_595 = arith.constant 2 : i32
      %parallel_loop3A_596 = arith.muli %parallel_loop3A_595, %parallel_loop3A_126 : i32
      %parallel_loop3A_597 = arith.constant 1 : i32
      %parallel_loop3A_598 = arith.addi %parallel_loop3A_596, %parallel_loop3A_597 : i32
      %parallel_loop3A_599 = arith.index_cast %parallel_loop3A_598 : i32 to index
      %parallel_loop3A_600 = arith.constant 192 : index
      %parallel_loop3A_601 = tpu.vector_load %arg9[%parallel_loop3A_599, %parallel_loop3A_600] {strides = array<i32>} : memref<64x384xf32, #tpu.memory_space<vmem>>, vector<1x16xf32>,
      %parallel_loop3A_602 = vector.shape_cast %parallel_loop3A_601 : vector<1x16xf32> to vector<16xf32>
      %parallel_loop3A_603 = arith.index_cast %parallel_loop3A_126 : i32 to index
      %parallel_loop3A_604 = arith.constant 576 : index
      %parallel_loop3A_605 = tpu.vector_load %arg7[%parallel_loop3A_603, %parallel_loop3A_604] {strides = array<i32>} : memref<32x768xf32, #tpu.memory_space<vmem>>, vector<1x16xf32>,
      %parallel_loop3A_606 = vector.shape_cast %parallel_loop3A_605 : vector<1x16xf32> to vector<16xf32>
      %parallel_loop3A_607 = vector.shape_cast %parallel_loop3A_602 : vector<16xf32> to vector<1x16xf32>
      tpu.vector_store %arg7[%parallel_loop3A_603, %parallel_loop3A_604], %parallel_loop3A_607 {add = true, strides = array<i32>} : memref<32x768xf32, #tpu.memory_space<vmem>>, vector<1x16xf32>,
      %parallel_loop3A_608 = arith.constant 2 : i32
      %parallel_loop3A_609 = arith.muli %parallel_loop3A_608, %parallel_loop3A_126 : i32
      %parallel_loop3A_610 = arith.constant 1 : i32
      %parallel_loop3A_611 = arith.addi %parallel_loop3A_609, %parallel_loop3A_610 : i32
      %parallel_loop3A_612 = arith.index_cast %parallel_loop3A_611 : i32 to index
      %parallel_loop3A_613 = arith.constant 208 : index
      %parallel_loop3A_614 = tpu.vector_load %arg9[%parallel_loop3A_612, %parallel_loop3A_613] {strides = array<i32>} : memref<64x384xf32, #tpu.memory_space<vmem>>, vector<1x16xf32>,
      %parallel_loop3A_615 = vector.shape_cast %parallel_loop3A_614 : vector<1x16xf32> to vector<16xf32>
      %parallel_loop3A_616 = arith.index_cast %parallel_loop3A_126 : i32 to index
      %parallel_loop3A_617 = arith.constant 592 : index
      %parallel_loop3A_618 = tpu.vector_load %arg7[%parallel_loop3A_616, %parallel_loop3A_617] {strides = array<i32>} : memref<32x768xf32, #tpu.memory_space<vmem>>, vector<1x16xf32>,
      %parallel_loop3A_619 = vector.shape_cast %parallel_loop3A_618 : vector<1x16xf32> to vector<16xf32>
      %parallel_loop3A_620 = vector.shape_cast %parallel_loop3A_615 : vector<16xf32> to vector<1x16xf32>
      tpu.vector_store %arg7[%parallel_loop3A_616, %parallel_loop3A_617], %parallel_loop3A_620 {add = true, strides = array<i32>} : memref<32x768xf32, #tpu.memory_space<vmem>>, vector<1x16xf32>,
      %parallel_loop3A_621 = arith.constant 2 : i32
      %parallel_loop3A_622 = arith.muli %parallel_loop3A_621, %parallel_loop3A_126 : i32
      %parallel_loop3A_623 = arith.constant 1 : i32
      %parallel_loop3A_624 = arith.addi %parallel_loop3A_622, %parallel_loop3A_623 : i32
      %parallel_loop3A_625 = arith.index_cast %parallel_loop3A_624 : i32 to index
      %parallel_loop3A_626 = arith.constant 224 : index
      %parallel_loop3A_627 = tpu.vector_load %arg9[%parallel_loop3A_625, %parallel_loop3A_626] {strides = array<i32>} : memref<64x384xf32, #tpu.memory_space<vmem>>, vector<1x16xf32>,
      %parallel_loop3A_628 = vector.shape_cast %parallel_loop3A_627 : vector<1x16xf32> to vector<16xf32>
      %parallel_loop3A_629 = arith.index_cast %parallel_loop3A_126 : i32 to index
      %parallel_loop3A_630 = arith.constant 608 : index
      %parallel_loop3A_631 = tpu.vector_load %arg7[%parallel_loop3A_629, %parallel_loop3A_630] {strides = array<i32>} : memref<32x768xf32, #tpu.memory_space<vmem>>, vector<1x16xf32>,
      %parallel_loop3A_632 = vector.shape_cast %parallel_loop3A_631 : vector<1x16xf32> to vector<16xf32>
      %parallel_loop3A_633 = vector.shape_cast %parallel_loop3A_628 : vector<16xf32> to vector<1x16xf32>
      tpu.vector_store %arg7[%parallel_loop3A_629, %parallel_loop3A_630], %parallel_loop3A_633 {add = true, strides = array<i32>} : memref<32x768xf32, #tpu.memory_space<vmem>>, vector<1x16xf32>,
      %parallel_loop3A_634 = arith.constant 2 : i32
      %parallel_loop3A_635 = arith.muli %parallel_loop3A_634, %parallel_loop3A_126 : i32
      %parallel_loop3A_636 = arith.constant 1 : i32
      %parallel_loop3A_637 = arith.addi %parallel_loop3A_635, %parallel_loop3A_636 : i32
      %parallel_loop3A_638 = arith.index_cast %parallel_loop3A_637 : i32 to index
      %parallel_loop3A_639 = arith.constant 240 : index
      %parallel_loop3A_640 = tpu.vector_load %arg9[%parallel_loop3A_638, %parallel_loop3A_639] {strides = array<i32>} : memref<64x384xf32, #tpu.memory_space<vmem>>, vector<1x16xf32>,
      %parallel_loop3A_641 = vector.shape_cast %parallel_loop3A_640 : vector<1x16xf32> to vector<16xf32>
      %parallel_loop3A_642 = arith.index_cast %parallel_loop3A_126 : i32 to index
      %parallel_loop3A_643 = arith.constant 624 : index
      %parallel_loop3A_644 = tpu.vector_load %arg7[%parallel_loop3A_642, %parallel_loop3A_643] {strides = array<i32>} : memref<32x768xf32, #tpu.memory_space<vmem>>, vector<1x16xf32>,
      %parallel_loop3A_645 = vector.shape_cast %parallel_loop3A_644 : vector<1x16xf32> to vector<16xf32>
      %parallel_loop3A_646 = vector.shape_cast %parallel_loop3A_641 : vector<16xf32> to vector<1x16xf32>
      tpu.vector_store %arg7[%parallel_loop3A_642, %parallel_loop3A_643], %parallel_loop3A_646 {add = true, strides = array<i32>} : memref<32x768xf32, #tpu.memory_space<vmem>>, vector<1x16xf32>,
      %parallel_loop3A_647 = arith.constant 2 : i32
      %parallel_loop3A_648 = arith.muli %parallel_loop3A_647, %parallel_loop3A_126 : i32
      %parallel_loop3A_649 = arith.constant 1 : i32
      %parallel_loop3A_650 = arith.addi %parallel_loop3A_648, %parallel_loop3A_649 : i32
      %parallel_loop3A_651 = arith.index_cast %parallel_loop3A_650 : i32 to index
      %parallel_loop3A_652 = arith.constant 256 : index
      %parallel_loop3A_653 = tpu.vector_load %arg9[%parallel_loop3A_651, %parallel_loop3A_652] {strides = array<i32>} : memref<64x384xf32, #tpu.memory_space<vmem>>, vector<1x16xf32>,
      %parallel_loop3A_654 = vector.shape_cast %parallel_loop3A_653 : vector<1x16xf32> to vector<16xf32>
      %parallel_loop3A_655 = arith.index_cast %parallel_loop3A_126 : i32 to index
      %parallel_loop3A_656 = arith.constant 640 : index
      %parallel_loop3A_657 = tpu.vector_load %arg7[%parallel_loop3A_655, %parallel_loop3A_656] {strides = array<i32>} : memref<32x768xf32, #tpu.memory_space<vmem>>, vector<1x16xf32>,
      %parallel_loop3A_658 = vector.shape_cast %parallel_loop3A_657 : vector<1x16xf32> to vector<16xf32>
      %parallel_loop3A_659 = vector.shape_cast %parallel_loop3A_654 : vector<16xf32> to vector<1x16xf32>
      tpu.vector_store %arg7[%parallel_loop3A_655, %parallel_loop3A_656], %parallel_loop3A_659 {add = true, strides = array<i32>} : memref<32x768xf32, #tpu.memory_space<vmem>>, vector<1x16xf32>,
      %parallel_loop3A_660 = arith.constant 2 : i32
      %parallel_loop3A_661 = arith.muli %parallel_loop3A_660, %parallel_loop3A_126 : i32
      %parallel_loop3A_662 = arith.constant 1 : i32
      %parallel_loop3A_663 = arith.addi %parallel_loop3A_661, %parallel_loop3A_662 : i32
      %parallel_loop3A_664 = arith.index_cast %parallel_loop3A_663 : i32 to index
      %parallel_loop3A_665 = arith.constant 272 : index
      %parallel_loop3A_666 = tpu.vector_load %arg9[%parallel_loop3A_664, %parallel_loop3A_665] {strides = array<i32>} : memref<64x384xf32, #tpu.memory_space<vmem>>, vector<1x16xf32>,
      %parallel_loop3A_667 = vector.shape_cast %parallel_loop3A_666 : vector<1x16xf32> to vector<16xf32>
      %parallel_loop3A_668 = arith.index_cast %parallel_loop3A_126 : i32 to index
      %parallel_loop3A_669 = arith.constant 656 : index
      %parallel_loop3A_670 = tpu.vector_load %arg7[%parallel_loop3A_668, %parallel_loop3A_669] {strides = array<i32>} : memref<32x768xf32, #tpu.memory_space<vmem>>, vector<1x16xf32>,
      %parallel_loop3A_671 = vector.shape_cast %parallel_loop3A_670 : vector<1x16xf32> to vector<16xf32>
      %parallel_loop3A_672 = vector.shape_cast %parallel_loop3A_667 : vector<16xf32> to vector<1x16xf32>
      tpu.vector_store %arg7[%parallel_loop3A_668, %parallel_loop3A_669], %parallel_loop3A_672 {add = true, strides = array<i32>} : memref<32x768xf32, #tpu.memory_space<vmem>>, vector<1x16xf32>,
      %parallel_loop3A_673 = arith.constant 2 : i32
      %parallel_loop3A_674 = arith.muli %parallel_loop3A_673, %parallel_loop3A_126 : i32
      %parallel_loop3A_675 = arith.constant 1 : i32
      %parallel_loop3A_676 = arith.addi %parallel_loop3A_674, %parallel_loop3A_675 : i32
      %parallel_loop3A_677 = arith.index_cast %parallel_loop3A_676 : i32 to index
      %parallel_loop3A_678 = arith.constant 288 : index
      %parallel_loop3A_679 = tpu.vector_load %arg9[%parallel_loop3A_677, %parallel_loop3A_678] {strides = array<i32>} : memref<64x384xf32, #tpu.memory_space<vmem>>, vector<1x16xf32>,
      %parallel_loop3A_680 = vector.shape_cast %parallel_loop3A_679 : vector<1x16xf32> to vector<16xf32>
      %parallel_loop3A_681 = arith.index_cast %parallel_loop3A_126 : i32 to index
      %parallel_loop3A_682 = arith.constant 672 : index
      %parallel_loop3A_683 = tpu.vector_load %arg7[%parallel_loop3A_681, %parallel_loop3A_682] {strides = array<i32>} : memref<32x768xf32, #tpu.memory_space<vmem>>, vector<1x16xf32>,
      %parallel_loop3A_684 = vector.shape_cast %parallel_loop3A_683 : vector<1x16xf32> to vector<16xf32>
      %parallel_loop3A_685 = vector.shape_cast %parallel_loop3A_680 : vector<16xf32> to vector<1x16xf32>
      tpu.vector_store %arg7[%parallel_loop3A_681, %parallel_loop3A_682], %parallel_loop3A_685 {add = true, strides = array<i32>} : memref<32x768xf32, #tpu.memory_space<vmem>>, vector<1x16xf32>,
      %parallel_loop3A_686 = arith.constant 2 : i32
      %parallel_loop3A_687 = arith.muli %parallel_loop3A_686, %parallel_loop3A_126 : i32
      %parallel_loop3A_688 = arith.constant 1 : i32
      %parallel_loop3A_689 = arith.addi %parallel_loop3A_687, %parallel_loop3A_688 : i32
      %parallel_loop3A_690 = arith.index_cast %parallel_loop3A_689 : i32 to index
      %parallel_loop3A_691 = arith.constant 304 : index
      %parallel_loop3A_692 = tpu.vector_load %arg9[%parallel_loop3A_690, %parallel_loop3A_691] {strides = array<i32>} : memref<64x384xf32, #tpu.memory_space<vmem>>, vector<1x16xf32>,
      %parallel_loop3A_693 = vector.shape_cast %parallel_loop3A_692 : vector<1x16xf32> to vector<16xf32>
      %parallel_loop3A_694 = arith.index_cast %parallel_loop3A_126 : i32 to index
      %parallel_loop3A_695 = arith.constant 688 : index
      %parallel_loop3A_696 = tpu.vector_load %arg7[%parallel_loop3A_694, %parallel_loop3A_695] {strides = array<i32>} : memref<32x768xf32, #tpu.memory_space<vmem>>, vector<1x16xf32>,
      %parallel_loop3A_697 = vector.shape_cast %parallel_loop3A_696 : vector<1x16xf32> to vector<16xf32>
      %parallel_loop3A_698 = vector.shape_cast %parallel_loop3A_693 : vector<16xf32> to vector<1x16xf32>
      tpu.vector_store %arg7[%parallel_loop3A_694, %parallel_loop3A_695], %parallel_loop3A_698 {add = true, strides = array<i32>} : memref<32x768xf32, #tpu.memory_space<vmem>>, vector<1x16xf32>,
      %parallel_loop3A_699 = arith.constant 2 : i32
      %parallel_loop3A_700 = arith.muli %parallel_loop3A_699, %parallel_loop3A_126 : i32
      %parallel_loop3A_701 = arith.constant 1 : i32
      %parallel_loop3A_702 = arith.addi %parallel_loop3A_700, %parallel_loop3A_701 : i32
      %parallel_loop3A_703 = arith.index_cast %parallel_loop3A_702 : i32 to index
      %parallel_loop3A_704 = arith.constant 320 : index
      %parallel_loop3A_705 = tpu.vector_load %arg9[%parallel_loop3A_703, %parallel_loop3A_704] {strides = array<i32>} : memref<64x384xf32, #tpu.memory_space<vmem>>, vector<1x16xf32>,
      %parallel_loop3A_706 = vector.shape_cast %parallel_loop3A_705 : vector<1x16xf32> to vector<16xf32>
      %parallel_loop3A_707 = arith.index_cast %parallel_loop3A_126 : i32 to index
      %parallel_loop3A_708 = arith.constant 704 : index
      %parallel_loop3A_709 = tpu.vector_load %arg7[%parallel_loop3A_707, %parallel_loop3A_708] {strides = array<i32>} : memref<32x768xf32, #tpu.memory_space<vmem>>, vector<1x16xf32>,
      %parallel_loop3A_710 = vector.shape_cast %parallel_loop3A_709 : vector<1x16xf32> to vector<16xf32>
      %parallel_loop3A_711 = vector.shape_cast %parallel_loop3A_706 : vector<16xf32> to vector<1x16xf32>
      tpu.vector_store %arg7[%parallel_loop3A_707, %parallel_loop3A_708], %parallel_loop3A_711 {add = true, strides = array<i32>} : memref<32x768xf32, #tpu.memory_space<vmem>>, vector<1x16xf32>,
      %parallel_loop3A_712 = arith.constant 2 : i32
      %parallel_loop3A_713 = arith.muli %parallel_loop3A_712, %parallel_loop3A_126 : i32
      %parallel_loop3A_714 = arith.constant 1 : i32
      %parallel_loop3A_715 = arith.addi %parallel_loop3A_713, %parallel_loop3A_714 : i32
      %parallel_loop3A_716 = arith.index_cast %parallel_loop3A_715 : i32 to index
      %parallel_loop3A_717 = arith.constant 336 : index
      %parallel_loop3A_718 = tpu.vector_load %arg9[%parallel_loop3A_716, %parallel_loop3A_717] {strides = array<i32>} : memref<64x384xf32, #tpu.memory_space<vmem>>, vector<1x16xf32>,
      %parallel_loop3A_719 = vector.shape_cast %parallel_loop3A_718 : vector<1x16xf32> to vector<16xf32>
      %parallel_loop3A_720 = arith.index_cast %parallel_loop3A_126 : i32 to index
      %parallel_loop3A_721 = arith.constant 720 : index
      %parallel_loop3A_722 = tpu.vector_load %arg7[%parallel_loop3A_720, %parallel_loop3A_721] {strides = array<i32>} : memref<32x768xf32, #tpu.memory_space<vmem>>, vector<1x16xf32>,
      %parallel_loop3A_723 = vector.shape_cast %parallel_loop3A_722 : vector<1x16xf32> to vector<16xf32>
      %parallel_loop3A_724 = vector.shape_cast %parallel_loop3A_719 : vector<16xf32> to vector<1x16xf32>
      tpu.vector_store %arg7[%parallel_loop3A_720, %parallel_loop3A_721], %parallel_loop3A_724 {add = true, strides = array<i32>} : memref<32x768xf32, #tpu.memory_space<vmem>>, vector<1x16xf32>,
      %parallel_loop3A_725 = arith.constant 2 : i32
      %parallel_loop3A_726 = arith.muli %parallel_loop3A_725, %parallel_loop3A_126 : i32
      %parallel_loop3A_727 = arith.constant 1 : i32
      %parallel_loop3A_728 = arith.addi %parallel_loop3A_726, %parallel_loop3A_727 : i32
      %parallel_loop3A_729 = arith.index_cast %parallel_loop3A_728 : i32 to index
      %parallel_loop3A_730 = arith.constant 352 : index
      %parallel_loop3A_731 = tpu.vector_load %arg9[%parallel_loop3A_729, %parallel_loop3A_730] {strides = array<i32>} : memref<64x384xf32, #tpu.memory_space<vmem>>, vector<1x16xf32>,
      %parallel_loop3A_732 = vector.shape_cast %parallel_loop3A_731 : vector<1x16xf32> to vector<16xf32>
      %parallel_loop3A_733 = arith.index_cast %parallel_loop3A_126 : i32 to index
      %parallel_loop3A_734 = arith.constant 736 : index
      %parallel_loop3A_735 = tpu.vector_load %arg7[%parallel_loop3A_733, %parallel_loop3A_734] {strides = array<i32>} : memref<32x768xf32, #tpu.memory_space<vmem>>, vector<1x16xf32>,
      %parallel_loop3A_736 = vector.shape_cast %parallel_loop3A_735 : vector<1x16xf32> to vector<16xf32>
      %parallel_loop3A_737 = vector.shape_cast %parallel_loop3A_732 : vector<16xf32> to vector<1x16xf32>
      tpu.vector_store %arg7[%parallel_loop3A_733, %parallel_loop3A_734], %parallel_loop3A_737 {add = true, strides = array<i32>} : memref<32x768xf32, #tpu.memory_space<vmem>>, vector<1x16xf32>,
      %parallel_loop3A_738 = arith.constant 2 : i32
      %parallel_loop3A_739 = arith.muli %parallel_loop3A_738, %parallel_loop3A_126 : i32
      %parallel_loop3A_740 = arith.constant 1 : i32
      %parallel_loop3A_741 = arith.addi %parallel_loop3A_739, %parallel_loop3A_740 : i32
      %parallel_loop3A_742 = arith.index_cast %parallel_loop3A_741 : i32 to index
      %parallel_loop3A_743 = arith.constant 368 : index
      %parallel_loop3A_744 = tpu.vector_load %arg9[%parallel_loop3A_742, %parallel_loop3A_743] {strides = array<i32>} : memref<64x384xf32, #tpu.memory_space<vmem>>, vector<1x16xf32>,
      %parallel_loop3A_745 = vector.shape_cast %parallel_loop3A_744 : vector<1x16xf32> to vector<16xf32>
      %parallel_loop3A_746 = arith.index_cast %parallel_loop3A_126 : i32 to index
      %parallel_loop3A_747 = arith.constant 752 : index
      %parallel_loop3A_748 = tpu.vector_load %arg7[%parallel_loop3A_746, %parallel_loop3A_747] {strides = array<i32>} : memref<32x768xf32, #tpu.memory_space<vmem>>, vector<1x16xf32>,
      %parallel_loop3A_749 = vector.shape_cast %parallel_loop3A_748 : vector<1x16xf32> to vector<16xf32>
      %parallel_loop3A_750 = vector.shape_cast %parallel_loop3A_745 : vector<16xf32> to vector<1x16xf32>
      tpu.vector_store %arg7[%parallel_loop3A_746, %parallel_loop3A_747], %parallel_loop3A_750 {add = true, strides = array<i32>} : memref<32x768xf32, #tpu.memory_space<vmem>>, vector<1x16xf32>,
    } {sc.loop_unroll_factor = 1 : i64, sc.parallel_access}
    %add3A_74 = arith.constant 0 : i32
    %add3A_75 = arith.addi %mul3A_32, %add3A_74 : i32
    %dma_start3A_76 = arith.constant 0 : i32
    %dma_start3A_77 = tpu.memref_slice %arg5[%select_n3A, %add3A_75, %dma_start3A_76] : memref<4x4096x768xf32, #tpu.memory_space<hbm>> -> memref<1x32x768xf32, #tpu.memory_space<hbm>>
    %dma_start3A_78 = tpu.memref_squeeze %dma_start3A_77 : memref<1x32x768xf32, #tpu.memory_space<hbm>> -> memref<32x768xf32, #tpu.memory_space<hbm>>
    %dma_start3A_79 = arith.constant 0 : i32
    %dma_start3A_80 = tpu.memref_slice %arg5[%select_n3A, %add3A_75, %dma_start3A_79] : memref<4x4096x768xf32, #tpu.memory_space<hbm>> -> memref<1x32x768xf32, #tpu.memory_space<hbm>>
    %dma_start3A_81 = tpu.memref_squeeze %dma_start3A_80 : memref<1x32x768xf32, #tpu.memory_space<hbm>> -> memref<32x768xf32, #tpu.memory_space<hbm>>
    tpu.enqueue_dma source(%arg7 : memref<32x768xf32, #tpu.memory_space<vmem>>) target(%dma_start3A_81 : memref<32x768xf32, #tpu.memory_space<hbm>>) target_semaphore(%arg15 : memref<!tpu.dma_semaphore, #tpu.memory_space<semaphore_mem>>)
    %scan3A = arith.constant 0 : i32
    %scan3A_82 = arith.constant 7 : i32
    %scan3A_83 = arith.addi %scan3A, %scan3A_82 : i32
    %scan3A_84 = arith.constant 1 : i32
    scf.for %scan3A_126 = %scan3A to %scan3A_83 step %scan3A_84  : i32 {
      %mul3A_127 = arith.constant 2 : i32
      %mul3A_128 = arith.muli %scan3A_126, %mul3A_127 : i32
      %add3A_129 = arith.constant 0 : i32
      %add3A_130 = arith.addi %add3A_129, %mul3A_128 : i32
      %add3A_131 = arith.constant 2 : i32
      %add3A_132 = arith.addi %add3A_130, %add3A_131 : i32
      %add3A_133 = arith.constant 0 : i32
      %add3A_134 = arith.addi %add3A_132, %add3A_133 : i32
      %sub3A_135 = arith.constant 2 : i32
      %sub3A_136 = arith.subi %add3A_134, %sub3A_135 : i32
      %mul3A_137 = arith.constant 32 : i32
      %mul3A_138 = arith.muli %sub3A_136, %mul3A_137 : i32
      %add3A_139 = arith.addi %mul3A_32, %mul3A_138 : i32
      %dma_wait3A_140 = arith.constant 0 : i32
      %dma_wait3A_141 = tpu.memref_slice %arg5[%select_n3A, %add3A_139, %dma_wait3A_140] : memref<4x4096x768xf32, #tpu.memory_space<hbm>> -> memref<1x32x768xf32, #tpu.memory_space<hbm>>
      %dma_wait3A_142 = tpu.memref_squeeze %dma_wait3A_141 : memref<1x32x768xf32, #tpu.memory_space<hbm>> -> memref<32x768xf32, #tpu.memory_space<hbm>>
      %dma_wait3A_143 = arith.constant 0 : i32
      %dma_wait3A_144 = tpu.memref_slice %arg5[%select_n3A, %add3A_139, %dma_wait3A_143] : memref<4x4096x768xf32, #tpu.memory_space<hbm>> -> memref<1x32x768xf32, #tpu.memory_space<hbm>>
      %dma_wait3A_145 = tpu.memref_squeeze %dma_wait3A_144 : memref<1x32x768xf32, #tpu.memory_space<hbm>> -> memref<32x768xf32, #tpu.memory_space<hbm>>
      tpu.wait_dma2 semaphore(%arg15 : memref<!tpu.dma_semaphore, #tpu.memory_space<semaphore_mem>>) src(%arg7 : memref<32x768xf32, #tpu.memory_space<vmem>>) dst(%dma_wait3A_145 : memref<32x768xf32, #tpu.memory_space<hbm>>)
      %mul3A_146 = arith.constant 64 : i32
      %mul3A_147 = arith.muli %add3A_134, %mul3A_146 : i32
      %dma_start3A_148 = tpu.memref_slice %arg6[%mul3A_147] : memref<1024xi32, #tpu.memory_space<vmem>> -> memref<64xi32, #tpu.memory_space<vmem>>
      %dma_start3A_149 = arith.constant 0 : i32
      %dma_start3A_150 = arith.constant 0 : i32
      %dma_start3A_151 = tpu.memref_slice %arg4[%dma_start3A_149, %dma_start3A_150] : memref<4096x384xf32, #tpu.memory_space<hbm>> -> memref<4096x384xf32, #tpu.memory_space<hbm>>
      tpu.enqueue_indirect_dma source(%dma_start3A_151 : memref<4096x384xf32, #tpu.memory_space<hbm>>) target(%arg9 : memref<64x384xf32, #tpu.memory_space<vmem>>) offsets(%dma_start3A_148 : memref<64xi32, #tpu.memory_space<vmem>>) semaphore(%arg11 : memref<!tpu.dma_semaphore, #tpu.memory_space<semaphore_mem>>)
      %mul3A_152 = arith.constant 32 : i32
      %mul3A_153 = arith.muli %add3A_134, %mul3A_152 : i32
      %add3A_154 = arith.addi %mul3A_32, %mul3A_153 : i32
      %dma_start3A_155 = arith.constant 0 : i32
      %dma_start3A_156 = tpu.memref_slice %arg2[%select_n3A, %add3A_154, %dma_start3A_155] : memref<4x4096x768xf32, #tpu.memory_space<hbm>> -> memref<1x32x768xf32, #tpu.memory_space<hbm>>
      %dma_start3A_157 = tpu.memref_squeeze %dma_start3A_156 : memref<1x32x768xf32, #tpu.memory_space<hbm>> -> memref<32x768xf32, #tpu.memory_space<hbm>>
      %dma_start3A_158 = arith.constant 0 : i32
      %dma_start3A_159 = tpu.memref_slice %arg2[%select_n3A, %add3A_154, %dma_start3A_158] : memref<4x4096x768xf32, #tpu.memory_space<hbm>> -> memref<1x32x768xf32, #tpu.memory_space<hbm>>
      %dma_start3A_160 = tpu.memref_squeeze %dma_start3A_159 : memref<1x32x768xf32, #tpu.memory_space<hbm>> -> memref<32x768xf32, #tpu.memory_space<hbm>>
      tpu.enqueue_dma source(%dma_start3A_160 : memref<32x768xf32, #tpu.memory_space<hbm>>) target(%arg7 : memref<32x768xf32, #tpu.memory_space<vmem>>) target_semaphore(%arg13 : memref<!tpu.dma_semaphore, #tpu.memory_space<semaphore_mem>>)
      %sub3A_161 = arith.constant 1 : i32
      %sub3A_162 = arith.subi %add3A_134, %sub3A_161 : i32
      %mul3A_163 = arith.constant 64 : i32
      %mul3A_164 = arith.muli %sub3A_162, %mul3A_163 : i32
      %dma_wait3A_165 = tpu.memref_slice %arg6[%mul3A_164] : memref<1024xi32, #tpu.memory_space<vmem>> -> memref<64xi32, #tpu.memory_space<vmem>>
      %dma_wait3A_166 = arith.constant 0 : i32
      %dma_wait3A_167 = arith.constant 0 : i32
      %dma_wait3A_168 = tpu.memref_slice %arg4[%dma_wait3A_166, %dma_wait3A_167] : memref<4096x384xf32, #tpu.memory_space<hbm>> -> memref<4096x384xf32, #tpu.memory_space<hbm>>
      tpu.wait_indirect_dma semaphore(%arg12 : memref<!tpu.dma_semaphore, #tpu.memory_space<semaphore_mem>>) src(%dma_wait3A_168 : memref<4096x384xf32, #tpu.memory_space<hbm>>) dst(%arg10 : memref<64x384xf32, #tpu.memory_space<vmem>>)
      %mul3A_169 = arith.constant 32 : i32
      %mul3A_170 = arith.muli %sub3A_162, %mul3A_169 : i32
      %add3A_171 = arith.addi %mul3A_32, %mul3A_170 : i32
      %dma_wait3A_172 = arith.constant 0 : i32
      %dma_wait3A_173 = tpu.memref_slice %arg2[%select_n3A, %add3A_171, %dma_wait3A_172] : memref<4x4096x768xf32, #tpu.memory_space<hbm>> -> memref<1x32x768xf32, #tpu.memory_space<hbm>>
      %dma_wait3A_174 = tpu.memref_squeeze %dma_wait3A_173 : memref<1x32x768xf32, #tpu.memory_space<hbm>> -> memref<32x768xf32, #tpu.memory_space<hbm>>
      %dma_wait3A_175 = arith.constant 0 : i32
      %dma_wait3A_176 = tpu.memref_slice %arg2[%select_n3A, %add3A_171, %dma_wait3A_175] : memref<4x4096x768xf32, #tpu.memory_space<hbm>> -> memref<1x32x768xf32, #tpu.memory_space<hbm>>
      %dma_wait3A_177 = tpu.memref_squeeze %dma_wait3A_176 : memref<1x32x768xf32, #tpu.memory_space<hbm>> -> memref<32x768xf32, #tpu.memory_space<hbm>>
      tpu.wait_dma2 semaphore(%arg14 : memref<!tpu.dma_semaphore, #tpu.memory_space<semaphore_mem>>) src(%dma_wait3A_177 : memref<32x768xf32, #tpu.memory_space<hbm>>) dst(%arg8 : memref<32x768xf32, #tpu.memory_space<vmem>>)
      %parallel_loop3A_178 = arith.constant 0 : i32
      %parallel_loop3A_179 = arith.constant 32 : i32
      %parallel_loop3A_180 = arith.constant 1 : i32
      scf.for %parallel_loop3A_249 = %parallel_loop3A_178 to %parallel_loop3A_179 step %parallel_loop3A_180  : i32 {
        %parallel_loop3A_250 = arith.constant 2 : i32
        %parallel_loop3A_251 = arith.muli %parallel_loop3A_250, %parallel_loop3A_249 : i32
        %parallel_loop3A_252 = arith.constant 0 : i32
        %parallel_loop3A_253 = arith.addi %parallel_loop3A_251, %parallel_loop3A_252 : i32
        %parallel_loop3A_254 = arith.index_cast %parallel_loop3A_253 : i32 to index
        %parallel_loop3A_255 = arith.constant 0 : index
        %parallel_loop3A_256 = tpu.vector_load %arg10[%parallel_loop3A_254, %parallel_loop3A_255] {strides = array<i32>} : memref<64x384xf32, #tpu.memory_space<vmem>>, vector<1x16xf32>,
        %parallel_loop3A_257 = vector.shape_cast %parallel_loop3A_256 : vector<1x16xf32> to vector<16xf32>
        %parallel_loop3A_258 = arith.index_cast %parallel_loop3A_249 : i32 to index
        %parallel_loop3A_259 = arith.constant 0 : index
        %parallel_loop3A_260 = tpu.vector_load %arg8[%parallel_loop3A_258, %parallel_loop3A_259] {strides = array<i32>} : memref<32x768xf32, #tpu.memory_space<vmem>>, vector<1x16xf32>,
        %parallel_loop3A_261 = vector.shape_cast %parallel_loop3A_260 : vector<1x16xf32> to vector<16xf32>
        %parallel_loop3A_262 = vector.shape_cast %parallel_loop3A_257 : vector<16xf32> to vector<1x16xf32>
        tpu.vector_store %arg8[%parallel_loop3A_258, %parallel_loop3A_259], %parallel_loop3A_262 {add = true, strides = array<i32>} : memref<32x768xf32, #tpu.memory_space<vmem>>, vector<1x16xf32>,
        %parallel_loop3A_263 = arith.constant 2 : i32
        %parallel_loop3A_264 = arith.muli %parallel_loop3A_263, %parallel_loop3A_249 : i32
        %parallel_loop3A_265 = arith.constant 0 : i32
        %parallel_loop3A_266 = arith.addi %parallel_loop3A_264, %parallel_loop3A_265 : i32
        %parallel_loop3A_267 = arith.index_cast %parallel_loop3A_266 : i32 to index
        %parallel_loop3A_268 = arith.constant 16 : index
        %parallel_loop3A_269 = tpu.vector_load %arg10[%parallel_loop3A_267, %parallel_loop3A_268] {strides = array<i32>} : memref<64x384xf32, #tpu.memory_space<vmem>>, vector<1x16xf32>,
        %parallel_loop3A_270 = vector.shape_cast %parallel_loop3A_269 : vector<1x16xf32> to vector<16xf32>
        %parallel_loop3A_271 = arith.index_cast %parallel_loop3A_249 : i32 to index
        %parallel_loop3A_272 = arith.constant 16 : index
        %parallel_loop3A_273 = tpu.vector_load %arg8[%parallel_loop3A_271, %parallel_loop3A_272] {strides = array<i32>} : memref<32x768xf32, #tpu.memory_space<vmem>>, vector<1x16xf32>,
        %parallel_loop3A_274 = vector.shape_cast %parallel_loop3A_273 : vector<1x16xf32> to vector<16xf32>
        %parallel_loop3A_275 = vector.shape_cast %parallel_loop3A_270 : vector<16xf32> to vector<1x16xf32>
        tpu.vector_store %arg8[%parallel_loop3A_271, %parallel_loop3A_272], %parallel_loop3A_275 {add = true, strides = array<i32>} : memref<32x768xf32, #tpu.memory_space<vmem>>, vector<1x16xf32>,
        %parallel_loop3A_276 = arith.constant 2 : i32
        %parallel_loop3A_277 = arith.muli %parallel_loop3A_276, %parallel_loop3A_249 : i32
        %parallel_loop3A_278 = arith.constant 0 : i32
        %parallel_loop3A_279 = arith.addi %parallel_loop3A_277, %parallel_loop3A_278 : i32
        %parallel_loop3A_280 = arith.index_cast %parallel_loop3A_279 : i32 to index
        %parallel_loop3A_281 = arith.constant 32 : index
        %parallel_loop3A_282 = tpu.vector_load %arg10[%parallel_loop3A_280, %parallel_loop3A_281] {strides = array<i32>} : memref<64x384xf32, #tpu.memory_space<vmem>>, vector<1x16xf32>,
        %parallel_loop3A_283 = vector.shape_cast %parallel_loop3A_282 : vector<1x16xf32> to vector<16xf32>
        %parallel_loop3A_284 = arith.index_cast %parallel_loop3A_249 : i32 to index
        %parallel_loop3A_285 = arith.constant 32 : index
        %parallel_loop3A_286 = tpu.vector_load %arg8[%parallel_loop3A_284, %parallel_loop3A_285] {strides = array<i32>} : memref<32x768xf32, #tpu.memory_space<vmem>>, vector<1x16xf32>,
        %parallel_loop3A_287 = vector.shape_cast %parallel_loop3A_286 : vector<1x16xf32> to vector<16xf32>
        %parallel_loop3A_288 = vector.shape_cast %parallel_loop3A_283 : vector<16xf32> to vector<1x16xf32>
        tpu.vector_store %arg8[%parallel_loop3A_284, %parallel_loop3A_285], %parallel_loop3A_288 {add = true, strides = array<i32>} : memref<32x768xf32, #tpu.memory_space<vmem>>, vector<1x16xf32>,
        %parallel_loop3A_289 = arith.constant 2 : i32
        %parallel_loop3A_290 = arith.muli %parallel_loop3A_289, %parallel_loop3A_249 : i32
        %parallel_loop3A_291 = arith.constant 0 : i32
        %parallel_loop3A_292 = arith.addi %parallel_loop3A_290, %parallel_loop3A_291 : i32
        %parallel_loop3A_293 = arith.index_cast %parallel_loop3A_292 : i32 to index
        %parallel_loop3A_294 = arith.constant 48 : index
        %parallel_loop3A_295 = tpu.vector_load %arg10[%parallel_loop3A_293, %parallel_loop3A_294] {strides = array<i32>} : memref<64x384xf32, #tpu.memory_space<vmem>>, vector<1x16xf32>,
        %parallel_loop3A_296 = vector.shape_cast %parallel_loop3A_295 : vector<1x16xf32> to vector<16xf32>
        %parallel_loop3A_297 = arith.index_cast %parallel_loop3A_249 : i32 to index
        %parallel_loop3A_298 = arith.constant 48 : index
        %parallel_loop3A_299 = tpu.vector_load %arg8[%parallel_loop3A_297, %parallel_loop3A_298] {strides = array<i32>} : memref<32x768xf32, #tpu.memory_space<vmem>>, vector<1x16xf32>,
        %parallel_loop3A_300 = vector.shape_cast %parallel_loop3A_299 : vector<1x16xf32> to vector<16xf32>
        %parallel_loop3A_301 = vector.shape_cast %parallel_loop3A_296 : vector<16xf32> to vector<1x16xf32>
        tpu.vector_store %arg8[%parallel_loop3A_297, %parallel_loop3A_298], %parallel_loop3A_301 {add = true, strides = array<i32>} : memref<32x768xf32, #tpu.memory_space<vmem>>, vector<1x16xf32>,
        %parallel_loop3A_302 = arith.constant 2 : i32
        %parallel_loop3A_303 = arith.muli %parallel_loop3A_302, %parallel_loop3A_249 : i32
        %parallel_loop3A_304 = arith.constant 0 : i32
        %parallel_loop3A_305 = arith.addi %parallel_loop3A_303, %parallel_loop3A_304 : i32
        %parallel_loop3A_306 = arith.index_cast %parallel_loop3A_305 : i32 to index
        %parallel_loop3A_307 = arith.constant 64 : index
        %parallel_loop3A_308 = tpu.vector_load %arg10[%parallel_loop3A_306, %parallel_loop3A_307] {strides = array<i32>} : memref<64x384xf32, #tpu.memory_space<vmem>>, vector<1x16xf32>,
        %parallel_loop3A_309 = vector.shape_cast %parallel_loop3A_308 : vector<1x16xf32> to vector<16xf32>
        %parallel_loop3A_310 = arith.index_cast %parallel_loop3A_249 : i32 to index
        %parallel_loop3A_311 = arith.constant 64 : index
        %parallel_loop3A_312 = tpu.vector_load %arg8[%parallel_loop3A_310, %parallel_loop3A_311] {strides = array<i32>} : memref<32x768xf32, #tpu.memory_space<vmem>>, vector<1x16xf32>,
        %parallel_loop3A_313 = vector.shape_cast %parallel_loop3A_312 : vector<1x16xf32> to vector<16xf32>
        %parallel_loop3A_314 = vector.shape_cast %parallel_loop3A_309 : vector<16xf32> to vector<1x16xf32>
        tpu.vector_store %arg8[%parallel_loop3A_310, %parallel_loop3A_311], %parallel_loop3A_314 {add = true, strides = array<i32>} : memref<32x768xf32, #tpu.memory_space<vmem>>, vector<1x16xf32>,
        %parallel_loop3A_315 = arith.constant 2 : i32
        %parallel_loop3A_316 = arith.muli %parallel_loop3A_315, %parallel_loop3A_249 : i32
        %parallel_loop3A_317 = arith.constant 0 : i32
        %parallel_loop3A_318 = arith.addi %parallel_loop3A_316, %parallel_loop3A_317 : i32
        %parallel_loop3A_319 = arith.index_cast %parallel_loop3A_318 : i32 to index
        %parallel_loop3A_320 = arith.constant 80 : index
        %parallel_loop3A_321 = tpu.vector_load %arg10[%parallel_loop3A_319, %parallel_loop3A_320] {strides = array<i32>} : memref<64x384xf32, #tpu.memory_space<vmem>>, vector<1x16xf32>,
        %parallel_loop3A_322 = vector.shape_cast %parallel_loop3A_321 : vector<1x16xf32> to vector<16xf32>
        %parallel_loop3A_323 = arith.index_cast %parallel_loop3A_249 : i32 to index
        %parallel_loop3A_324 = arith.constant 80 : index
        %parallel_loop3A_325 = tpu.vector_load %arg8[%parallel_loop3A_323, %parallel_loop3A_324] {strides = array<i32>} : memref<32x768xf32, #tpu.memory_space<vmem>>, vector<1x16xf32>,
        %parallel_loop3A_326 = vector.shape_cast %parallel_loop3A_325 : vector<1x16xf32> to vector<16xf32>
        %parallel_loop3A_327 = vector.shape_cast %parallel_loop3A_322 : vector<16xf32> to vector<1x16xf32>
        tpu.vector_store %arg8[%parallel_loop3A_323, %parallel_loop3A_324], %parallel_loop3A_327 {add = true, strides = array<i32>} : memref<32x768xf32, #tpu.memory_space<vmem>>, vector<1x16xf32>,
        %parallel_loop3A_328 = arith.constant 2 : i32
        %parallel_loop3A_329 = arith.muli %parallel_loop3A_328, %parallel_loop3A_249 : i32
        %parallel_loop3A_330 = arith.constant 0 : i32
        %parallel_loop3A_331 = arith.addi %parallel_loop3A_329, %parallel_loop3A_330 : i32
        %parallel_loop3A_332 = arith.index_cast %parallel_loop3A_331 : i32 to index
        %parallel_loop3A_333 = arith.constant 96 : index
        %parallel_loop3A_334 = tpu.vector_load %arg10[%parallel_loop3A_332, %parallel_loop3A_333] {strides = array<i32>} : memref<64x384xf32, #tpu.memory_space<vmem>>, vector<1x16xf32>,
        %parallel_loop3A_335 = vector.shape_cast %parallel_loop3A_334 : vector<1x16xf32> to vector<16xf32>
        %parallel_loop3A_336 = arith.index_cast %parallel_loop3A_249 : i32 to index
        %parallel_loop3A_337 = arith.constant 96 : index
        %parallel_loop3A_338 = tpu.vector_load %arg8[%parallel_loop3A_336, %parallel_loop3A_337] {strides = array<i32>} : memref<32x768xf32, #tpu.memory_space<vmem>>, vector<1x16xf32>,
        %parallel_loop3A_339 = vector.shape_cast %parallel_loop3A_338 : vector<1x16xf32> to vector<16xf32>
        %parallel_loop3A_340 = vector.shape_cast %parallel_loop3A_335 : vector<16xf32> to vector<1x16xf32>
        tpu.vector_store %arg8[%parallel_loop3A_336, %parallel_loop3A_337], %parallel_loop3A_340 {add = true, strides = array<i32>} : memref<32x768xf32, #tpu.memory_space<vmem>>, vector<1x16xf32>,
        %parallel_loop3A_341 = arith.constant 2 : i32
        %parallel_loop3A_342 = arith.muli %parallel_loop3A_341, %parallel_loop3A_249 : i32
        %parallel_loop3A_343 = arith.constant 0 : i32
        %parallel_loop3A_344 = arith.addi %parallel_loop3A_342, %parallel_loop3A_343 : i32
        %parallel_loop3A_345 = arith.index_cast %parallel_loop3A_344 : i32 to index
        %parallel_loop3A_346 = arith.constant 112 : index
        %parallel_loop3A_347 = tpu.vector_load %arg10[%parallel_loop3A_345, %parallel_loop3A_346] {strides = array<i32>} : memref<64x384xf32, #tpu.memory_space<vmem>>, vector<1x16xf32>,
        %parallel_loop3A_348 = vector.shape_cast %parallel_loop3A_347 : vector<1x16xf32> to vector<16xf32>
        %parallel_loop3A_349 = arith.index_cast %parallel_loop3A_249 : i32 to index
        %parallel_loop3A_350 = arith.constant 112 : index
        %parallel_loop3A_351 = tpu.vector_load %arg8[%parallel_loop3A_349, %parallel_loop3A_350] {strides = array<i32>} : memref<32x768xf32, #tpu.memory_space<vmem>>, vector<1x16xf32>,
        %parallel_loop3A_352 = vector.shape_cast %parallel_loop3A_351 : vector<1x16xf32> to vector<16xf32>
        %parallel_loop3A_353 = vector.shape_cast %parallel_loop3A_348 : vector<16xf32> to vector<1x16xf32>
        tpu.vector_store %arg8[%parallel_loop3A_349, %parallel_loop3A_350], %parallel_loop3A_353 {add = true, strides = array<i32>} : memref<32x768xf32, #tpu.memory_space<vmem>>, vector<1x16xf32>,
        %parallel_loop3A_354 = arith.constant 2 : i32
        %parallel_loop3A_355 = arith.muli %parallel_loop3A_354, %parallel_loop3A_249 : i32
        %parallel_loop3A_356 = arith.constant 0 : i32
        %parallel_loop3A_357 = arith.addi %parallel_loop3A_355, %parallel_loop3A_356 : i32
        %parallel_loop3A_358 = arith.index_cast %parallel_loop3A_357 : i32 to index
        %parallel_loop3A_359 = arith.constant 128 : index
        %parallel_loop3A_360 = tpu.vector_load %arg10[%parallel_loop3A_358, %parallel_loop3A_359] {strides = array<i32>} : memref<64x384xf32, #tpu.memory_space<vmem>>, vector<1x16xf32>,
        %parallel_loop3A_361 = vector.shape_cast %parallel_loop3A_360 : vector<1x16xf32> to vector<16xf32>
        %parallel_loop3A_362 = arith.index_cast %parallel_loop3A_249 : i32 to index
        %parallel_loop3A_363 = arith.constant 128 : index
        %parallel_loop3A_364 = tpu.vector_load %arg8[%parallel_loop3A_362, %parallel_loop3A_363] {strides = array<i32>} : memref<32x768xf32, #tpu.memory_space<vmem>>, vector<1x16xf32>,
        %parallel_loop3A_365 = vector.shape_cast %parallel_loop3A_364 : vector<1x16xf32> to vector<16xf32>
        %parallel_loop3A_366 = vector.shape_cast %parallel_loop3A_361 : vector<16xf32> to vector<1x16xf32>
        tpu.vector_store %arg8[%parallel_loop3A_362, %parallel_loop3A_363], %parallel_loop3A_366 {add = true, strides = array<i32>} : memref<32x768xf32, #tpu.memory_space<vmem>>, vector<1x16xf32>,
        %parallel_loop3A_367 = arith.constant 2 : i32
        %parallel_loop3A_368 = arith.muli %parallel_loop3A_367, %parallel_loop3A_249 : i32
        %parallel_loop3A_369 = arith.constant 0 : i32
        %parallel_loop3A_370 = arith.addi %parallel_loop3A_368, %parallel_loop3A_369 : i32
        %parallel_loop3A_371 = arith.index_cast %parallel_loop3A_370 : i32 to index
        %parallel_loop3A_372 = arith.constant 144 : index
        %parallel_loop3A_373 = tpu.vector_load %arg10[%parallel_loop3A_371, %parallel_loop3A_372] {strides = array<i32>} : memref<64x384xf32, #tpu.memory_space<vmem>>, vector<1x16xf32>,
        %parallel_loop3A_374 = vector.shape_cast %parallel_loop3A_373 : vector<1x16xf32> to vector<16xf32>
        %parallel_loop3A_375 = arith.index_cast %parallel_loop3A_249 : i32 to index
        %parallel_loop3A_376 = arith.constant 144 : index
        %parallel_loop3A_377 = tpu.vector_load %arg8[%parallel_loop3A_375, %parallel_loop3A_376] {strides = array<i32>} : memref<32x768xf32, #tpu.memory_space<vmem>>, vector<1x16xf32>,
        %parallel_loop3A_378 = vector.shape_cast %parallel_loop3A_377 : vector<1x16xf32> to vector<16xf32>
        %parallel_loop3A_379 = vector.shape_cast %parallel_loop3A_374 : vector<16xf32> to vector<1x16xf32>
        tpu.vector_store %arg8[%parallel_loop3A_375, %parallel_loop3A_376], %parallel_loop3A_379 {add = true, strides = array<i32>} : memref<32x768xf32, #tpu.memory_space<vmem>>, vector<1x16xf32>,
        %parallel_loop3A_380 = arith.constant 2 : i32
        %parallel_loop3A_381 = arith.muli %parallel_loop3A_380, %parallel_loop3A_249 : i32
        %parallel_loop3A_382 = arith.constant 0 : i32
        %parallel_loop3A_383 = arith.addi %parallel_loop3A_381, %parallel_loop3A_382 : i32
        %parallel_loop3A_384 = arith.index_cast %parallel_loop3A_383 : i32 to index
        %parallel_loop3A_385 = arith.constant 160 : index
        %parallel_loop3A_386 = tpu.vector_load %arg10[%parallel_loop3A_384, %parallel_loop3A_385] {strides = array<i32>} : memref<64x384xf32, #tpu.memory_space<vmem>>, vector<1x16xf32>,
        %parallel_loop3A_387 = vector.shape_cast %parallel_loop3A_386 : vector<1x16xf32> to vector<16xf32>
        %parallel_loop3A_388 = arith.index_cast %parallel_loop3A_249 : i32 to index
        %parallel_loop3A_389 = arith.constant 160 : index
        %parallel_loop3A_390 = tpu.vector_load %arg8[%parallel_loop3A_388, %parallel_loop3A_389] {strides = array<i32>} : memref<32x768xf32, #tpu.memory_space<vmem>>, vector<1x16xf32>,
        %parallel_loop3A_391 = vector.shape_cast %parallel_loop3A_390 : vector<1x16xf32> to vector<16xf32>
        %parallel_loop3A_392 = vector.shape_cast %parallel_loop3A_387 : vector<16xf32> to vector<1x16xf32>
        tpu.vector_store %arg8[%parallel_loop3A_388, %parallel_loop3A_389], %parallel_loop3A_392 {add = true, strides = array<i32>} : memref<32x768xf32, #tpu.memory_space<vmem>>, vector<1x16xf32>,
        %parallel_loop3A_393 = arith.constant 2 : i32
        %parallel_loop3A_394 = arith.muli %parallel_loop3A_393, %parallel_loop3A_249 : i32
        %parallel_loop3A_395 = arith.constant 0 : i32
        %parallel_loop3A_396 = arith.addi %parallel_loop3A_394, %parallel_loop3A_395 : i32
        %parallel_loop3A_397 = arith.index_cast %parallel_loop3A_396 : i32 to index
        %parallel_loop3A_398 = arith.constant 176 : index
        %parallel_loop3A_399 = tpu.vector_load %arg10[%parallel_loop3A_397, %parallel_loop3A_398] {strides = array<i32>} : memref<64x384xf32, #tpu.memory_space<vmem>>, vector<1x16xf32>,
        %parallel_loop3A_400 = vector.shape_cast %parallel_loop3A_399 : vector<1x16xf32> to vector<16xf32>
        %parallel_loop3A_401 = arith.index_cast %parallel_loop3A_249 : i32 to index
        %parallel_loop3A_402 = arith.constant 176 : index
        %parallel_loop3A_403 = tpu.vector_load %arg8[%parallel_loop3A_401, %parallel_loop3A_402] {strides = array<i32>} : memref<32x768xf32, #tpu.memory_space<vmem>>, vector<1x16xf32>,
        %parallel_loop3A_404 = vector.shape_cast %parallel_loop3A_403 : vector<1x16xf32> to vector<16xf32>
        %parallel_loop3A_405 = vector.shape_cast %parallel_loop3A_400 : vector<16xf32> to vector<1x16xf32>
        tpu.vector_store %arg8[%parallel_loop3A_401, %parallel_loop3A_402], %parallel_loop3A_405 {add = true, strides = array<i32>} : memref<32x768xf32, #tpu.memory_space<vmem>>, vector<1x16xf32>,
        %parallel_loop3A_406 = arith.constant 2 : i32
        %parallel_loop3A_407 = arith.muli %parallel_loop3A_406, %parallel_loop3A_249 : i32
        %parallel_loop3A_408 = arith.constant 0 : i32
        %parallel_loop3A_409 = arith.addi %parallel_loop3A_407, %parallel_loop3A_408 : i32
        %parallel_loop3A_410 = arith.index_cast %parallel_loop3A_409 : i32 to index
        %parallel_loop3A_411 = arith.constant 192 : index
        %parallel_loop3A_412 = tpu.vector_load %arg10[%parallel_loop3A_410, %parallel_loop3A_411] {strides = array<i32>} : memref<64x384xf32, #tpu.memory_space<vmem>>, vector<1x16xf32>,
        %parallel_loop3A_413 = vector.shape_cast %parallel_loop3A_412 : vector<1x16xf32> to vector<16xf32>
        %parallel_loop3A_414 = arith.index_cast %parallel_loop3A_249 : i32 to index
        %parallel_loop3A_415 = arith.constant 192 : index
        %parallel_loop3A_416 = tpu.vector_load %arg8[%parallel_loop3A_414, %parallel_loop3A_415] {strides = array<i32>} : memref<32x768xf32, #tpu.memory_space<vmem>>, vector<1x16xf32>,
        %parallel_loop3A_417 = vector.shape_cast %parallel_loop3A_416 : vector<1x16xf32> to vector<16xf32>
        %parallel_loop3A_418 = vector.shape_cast %parallel_loop3A_413 : vector<16xf32> to vector<1x16xf32>
        tpu.vector_store %arg8[%parallel_loop3A_414, %parallel_loop3A_415], %parallel_loop3A_418 {add = true, strides = array<i32>} : memref<32x768xf32, #tpu.memory_space<vmem>>, vector<1x16xf32>,
        %parallel_loop3A_419 = arith.constant 2 : i32
        %parallel_loop3A_420 = arith.muli %parallel_loop3A_419, %parallel_loop3A_249 : i32
        %parallel_loop3A_421 = arith.constant 0 : i32
        %parallel_loop3A_422 = arith.addi %parallel_loop3A_420, %parallel_loop3A_421 : i32
        %parallel_loop3A_423 = arith.index_cast %parallel_loop3A_422 : i32 to index
        %parallel_loop3A_424 = arith.constant 208 : index
        %parallel_loop3A_425 = tpu.vector_load %arg10[%parallel_loop3A_423, %parallel_loop3A_424] {strides = array<i32>} : memref<64x384xf32, #tpu.memory_space<vmem>>, vector<1x16xf32>,
        %parallel_loop3A_426 = vector.shape_cast %parallel_loop3A_425 : vector<1x16xf32> to vector<16xf32>
        %parallel_loop3A_427 = arith.index_cast %parallel_loop3A_249 : i32 to index
        %parallel_loop3A_428 = arith.constant 208 : index
        %parallel_loop3A_429 = tpu.vector_load %arg8[%parallel_loop3A_427, %parallel_loop3A_428] {strides = array<i32>} : memref<32x768xf32, #tpu.memory_space<vmem>>, vector<1x16xf32>,
        %parallel_loop3A_430 = vector.shape_cast %parallel_loop3A_429 : vector<1x16xf32> to vector<16xf32>
        %parallel_loop3A_431 = vector.shape_cast %parallel_loop3A_426 : vector<16xf32> to vector<1x16xf32>
        tpu.vector_store %arg8[%parallel_loop3A_427, %parallel_loop3A_428], %parallel_loop3A_431 {add = true, strides = array<i32>} : memref<32x768xf32, #tpu.memory_space<vmem>>, vector<1x16xf32>,
        %parallel_loop3A_432 = arith.constant 2 : i32
        %parallel_loop3A_433 = arith.muli %parallel_loop3A_432, %parallel_loop3A_249 : i32
        %parallel_loop3A_434 = arith.constant 0 : i32
        %parallel_loop3A_435 = arith.addi %parallel_loop3A_433, %parallel_loop3A_434 : i32
        %parallel_loop3A_436 = arith.index_cast %parallel_loop3A_435 : i32 to index
        %parallel_loop3A_437 = arith.constant 224 : index
        %parallel_loop3A_438 = tpu.vector_load %arg10[%parallel_loop3A_436, %parallel_loop3A_437] {strides = array<i32>} : memref<64x384xf32, #tpu.memory_space<vmem>>, vector<1x16xf32>,
        %parallel_loop3A_439 = vector.shape_cast %parallel_loop3A_438 : vector<1x16xf32> to vector<16xf32>
        %parallel_loop3A_440 = arith.index_cast %parallel_loop3A_249 : i32 to index
        %parallel_loop3A_441 = arith.constant 224 : index
        %parallel_loop3A_442 = tpu.vector_load %arg8[%parallel_loop3A_440, %parallel_loop3A_441] {strides = array<i32>} : memref<32x768xf32, #tpu.memory_space<vmem>>, vector<1x16xf32>,
        %parallel_loop3A_443 = vector.shape_cast %parallel_loop3A_442 : vector<1x16xf32> to vector<16xf32>
        %parallel_loop3A_444 = vector.shape_cast %parallel_loop3A_439 : vector<16xf32> to vector<1x16xf32>
        tpu.vector_store %arg8[%parallel_loop3A_440, %parallel_loop3A_441], %parallel_loop3A_444 {add = true, strides = array<i32>} : memref<32x768xf32, #tpu.memory_space<vmem>>, vector<1x16xf32>,
        %parallel_loop3A_445 = arith.constant 2 : i32
        %parallel_loop3A_446 = arith.muli %parallel_loop3A_445, %parallel_loop3A_249 : i32
        %parallel_loop3A_447 = arith.constant 0 : i32
        %parallel_loop3A_448 = arith.addi %parallel_loop3A_446, %parallel_loop3A_447 : i32
        %parallel_loop3A_449 = arith.index_cast %parallel_loop3A_448 : i32 to index
        %parallel_loop3A_450 = arith.constant 240 : index
        %parallel_loop3A_451 = tpu.vector_load %arg10[%parallel_loop3A_449, %parallel_loop3A_450] {strides = array<i32>} : memref<64x384xf32, #tpu.memory_space<vmem>>, vector<1x16xf32>,
        %parallel_loop3A_452 = vector.shape_cast %parallel_loop3A_451 : vector<1x16xf32> to vector<16xf32>
        %parallel_loop3A_453 = arith.index_cast %parallel_loop3A_249 : i32 to index
        %parallel_loop3A_454 = arith.constant 240 : index
        %parallel_loop3A_455 = tpu.vector_load %arg8[%parallel_loop3A_453, %parallel_loop3A_454] {strides = array<i32>} : memref<32x768xf32, #tpu.memory_space<vmem>>, vector<1x16xf32>,
        %parallel_loop3A_456 = vector.shape_cast %parallel_loop3A_455 : vector<1x16xf32> to vector<16xf32>
        %parallel_loop3A_457 = vector.shape_cast %parallel_loop3A_452 : vector<16xf32> to vector<1x16xf32>
        tpu.vector_store %arg8[%parallel_loop3A_453, %parallel_loop3A_454], %parallel_loop3A_457 {add = true, strides = array<i32>} : memref<32x768xf32, #tpu.memory_space<vmem>>, vector<1x16xf32>,
        %parallel_loop3A_458 = arith.constant 2 : i32
        %parallel_loop3A_459 = arith.muli %parallel_loop3A_458, %parallel_loop3A_249 : i32
        %parallel_loop3A_460 = arith.constant 0 : i32
        %parallel_loop3A_461 = arith.addi %parallel_loop3A_459, %parallel_loop3A_460 : i32
        %parallel_loop3A_462 = arith.index_cast %parallel_loop3A_461 : i32 to index
        %parallel_loop3A_463 = arith.constant 256 : index
        %parallel_loop3A_464 = tpu.vector_load %arg10[%parallel_loop3A_462, %parallel_loop3A_463] {strides = array<i32>} : memref<64x384xf32, #tpu.memory_space<vmem>>, vector<1x16xf32>,
        %parallel_loop3A_465 = vector.shape_cast %parallel_loop3A_464 : vector<1x16xf32> to vector<16xf32>
        %parallel_loop3A_466 = arith.index_cast %parallel_loop3A_249 : i32 to index
        %parallel_loop3A_467 = arith.constant 256 : index
        %parallel_loop3A_468 = tpu.vector_load %arg8[%parallel_loop3A_466, %parallel_loop3A_467] {strides = array<i32>} : memref<32x768xf32, #tpu.memory_space<vmem>>, vector<1x16xf32>,
        %parallel_loop3A_469 = vector.shape_cast %parallel_loop3A_468 : vector<1x16xf32> to vector<16xf32>
        %parallel_loop3A_470 = vector.shape_cast %parallel_loop3A_465 : vector<16xf32> to vector<1x16xf32>
        tpu.vector_store %arg8[%parallel_loop3A_466, %parallel_loop3A_467], %parallel_loop3A_470 {add = true, strides = array<i32>} : memref<32x768xf32, #tpu.memory_space<vmem>>, vector<1x16xf32>,
        %parallel_loop3A_471 = arith.constant 2 : i32
        %parallel_loop3A_472 = arith.muli %parallel_loop3A_471, %parallel_loop3A_249 : i32
        %parallel_loop3A_473 = arith.constant 0 : i32
        %parallel_loop3A_474 = arith.addi %parallel_loop3A_472, %parallel_loop3A_473 : i32
        %parallel_loop3A_475 = arith.index_cast %parallel_loop3A_474 : i32 to index
        %parallel_loop3A_476 = arith.constant 272 : index
        %parallel_loop3A_477 = tpu.vector_load %arg10[%parallel_loop3A_475, %parallel_loop3A_476] {strides = array<i32>} : memref<64x384xf32, #tpu.memory_space<vmem>>, vector<1x16xf32>,
        %parallel_loop3A_478 = vector.shape_cast %parallel_loop3A_477 : vector<1x16xf32> to vector<16xf32>
        %parallel_loop3A_479 = arith.index_cast %parallel_loop3A_249 : i32 to index
        %parallel_loop3A_480 = arith.constant 272 : index
        %parallel_loop3A_481 = tpu.vector_load %arg8[%parallel_loop3A_479, %parallel_loop3A_480] {strides = array<i32>} : memref<32x768xf32, #tpu.memory_space<vmem>>, vector<1x16xf32>,
        %parallel_loop3A_482 = vector.shape_cast %parallel_loop3A_481 : vector<1x16xf32> to vector<16xf32>
        %parallel_loop3A_483 = vector.shape_cast %parallel_loop3A_478 : vector<16xf32> to vector<1x16xf32>
        tpu.vector_store %arg8[%parallel_loop3A_479, %parallel_loop3A_480], %parallel_loop3A_483 {add = true, strides = array<i32>} : memref<32x768xf32, #tpu.memory_space<vmem>>, vector<1x16xf32>,
        %parallel_loop3A_484 = arith.constant 2 : i32
        %parallel_loop3A_485 = arith.muli %parallel_loop3A_484, %parallel_loop3A_249 : i32
        %parallel_loop3A_486 = arith.constant 0 : i32
        %parallel_loop3A_487 = arith.addi %parallel_loop3A_485, %parallel_loop3A_486 : i32
        %parallel_loop3A_488 = arith.index_cast %parallel_loop3A_487 : i32 to index
        %parallel_loop3A_489 = arith.constant 288 : index
        %parallel_loop3A_490 = tpu.vector_load %arg10[%parallel_loop3A_488, %parallel_loop3A_489] {strides = array<i32>} : memref<64x384xf32, #tpu.memory_space<vmem>>, vector<1x16xf32>,
        %parallel_loop3A_491 = vector.shape_cast %parallel_loop3A_490 : vector<1x16xf32> to vector<16xf32>
        %parallel_loop3A_492 = arith.index_cast %parallel_loop3A_249 : i32 to index
        %parallel_loop3A_493 = arith.constant 288 : index
        %parallel_loop3A_494 = tpu.vector_load %arg8[%parallel_loop3A_492, %parallel_loop3A_493] {strides = array<i32>} : memref<32x768xf32, #tpu.memory_space<vmem>>, vector<1x16xf32>,
        %parallel_loop3A_495 = vector.shape_cast %parallel_loop3A_494 : vector<1x16xf32> to vector<16xf32>
        %parallel_loop3A_496 = vector.shape_cast %parallel_loop3A_491 : vector<16xf32> to vector<1x16xf32>
        tpu.vector_store %arg8[%parallel_loop3A_492, %parallel_loop3A_493], %parallel_loop3A_496 {add = true, strides = array<i32>} : memref<32x768xf32, #tpu.memory_space<vmem>>, vector<1x16xf32>,
        %parallel_loop3A_497 = arith.constant 2 : i32
        %parallel_loop3A_498 = arith.muli %parallel_loop3A_497, %parallel_loop3A_249 : i32
        %parallel_loop3A_499 = arith.constant 0 : i32
        %parallel_loop3A_500 = arith.addi %parallel_loop3A_498, %parallel_loop3A_499 : i32
        %parallel_loop3A_501 = arith.index_cast %parallel_loop3A_500 : i32 to index
        %parallel_loop3A_502 = arith.constant 304 : index
        %parallel_loop3A_503 = tpu.vector_load %arg10[%parallel_loop3A_501, %parallel_loop3A_502] {strides = array<i32>} : memref<64x384xf32, #tpu.memory_space<vmem>>, vector<1x16xf32>,
        %parallel_loop3A_504 = vector.shape_cast %parallel_loop3A_503 : vector<1x16xf32> to vector<16xf32>
        %parallel_loop3A_505 = arith.index_cast %parallel_loop3A_249 : i32 to index
        %parallel_loop3A_506 = arith.constant 304 : index
        %parallel_loop3A_507 = tpu.vector_load %arg8[%parallel_loop3A_505, %parallel_loop3A_506] {strides = array<i32>} : memref<32x768xf32, #tpu.memory_space<vmem>>, vector<1x16xf32>,
        %parallel_loop3A_508 = vector.shape_cast %parallel_loop3A_507 : vector<1x16xf32> to vector<16xf32>
        %parallel_loop3A_509 = vector.shape_cast %parallel_loop3A_504 : vector<16xf32> to vector<1x16xf32>
        tpu.vector_store %arg8[%parallel_loop3A_505, %parallel_loop3A_506], %parallel_loop3A_509 {add = true, strides = array<i32>} : memref<32x768xf32, #tpu.memory_space<vmem>>, vector<1x16xf32>,
        %parallel_loop3A_510 = arith.constant 2 : i32
        %parallel_loop3A_511 = arith.muli %parallel_loop3A_510, %parallel_loop3A_249 : i32
        %parallel_loop3A_512 = arith.constant 0 : i32
        %parallel_loop3A_513 = arith.addi %parallel_loop3A_511, %parallel_loop3A_512 : i32
        %parallel_loop3A_514 = arith.index_cast %parallel_loop3A_513 : i32 to index
        %parallel_loop3A_515 = arith.constant 320 : index
        %parallel_loop3A_516 = tpu.vector_load %arg10[%parallel_loop3A_514, %parallel_loop3A_515] {strides = array<i32>} : memref<64x384xf32, #tpu.memory_space<vmem>>, vector<1x16xf32>,
        %parallel_loop3A_517 = vector.shape_cast %parallel_loop3A_516 : vector<1x16xf32> to vector<16xf32>
        %parallel_loop3A_518 = arith.index_cast %parallel_loop3A_249 : i32 to index
        %parallel_loop3A_519 = arith.constant 320 : index
        %parallel_loop3A_520 = tpu.vector_load %arg8[%parallel_loop3A_518, %parallel_loop3A_519] {strides = array<i32>} : memref<32x768xf32, #tpu.memory_space<vmem>>, vector<1x16xf32>,
        %parallel_loop3A_521 = vector.shape_cast %parallel_loop3A_520 : vector<1x16xf32> to vector<16xf32>
        %parallel_loop3A_522 = vector.shape_cast %parallel_loop3A_517 : vector<16xf32> to vector<1x16xf32>
        tpu.vector_store %arg8[%parallel_loop3A_518, %parallel_loop3A_519], %parallel_loop3A_522 {add = true, strides = array<i32>} : memref<32x768xf32, #tpu.memory_space<vmem>>, vector<1x16xf32>,
        %parallel_loop3A_523 = arith.constant 2 : i32
        %parallel_loop3A_524 = arith.muli %parallel_loop3A_523, %parallel_loop3A_249 : i32
        %parallel_loop3A_525 = arith.constant 0 : i32
        %parallel_loop3A_526 = arith.addi %parallel_loop3A_524, %parallel_loop3A_525 : i32
        %parallel_loop3A_527 = arith.index_cast %parallel_loop3A_526 : i32 to index
        %parallel_loop3A_528 = arith.constant 336 : index
        %parallel_loop3A_529 = tpu.vector_load %arg10[%parallel_loop3A_527, %parallel_loop3A_528] {strides = array<i32>} : memref<64x384xf32, #tpu.memory_space<vmem>>, vector<1x16xf32>,
        %parallel_loop3A_530 = vector.shape_cast %parallel_loop3A_529 : vector<1x16xf32> to vector<16xf32>
        %parallel_loop3A_531 = arith.index_cast %parallel_loop3A_249 : i32 to index
        %parallel_loop3A_532 = arith.constant 336 : index
        %parallel_loop3A_533 = tpu.vector_load %arg8[%parallel_loop3A_531, %parallel_loop3A_532] {strides = array<i32>} : memref<32x768xf32, #tpu.memory_space<vmem>>, vector<1x16xf32>,
        %parallel_loop3A_534 = vector.shape_cast %parallel_loop3A_533 : vector<1x16xf32> to vector<16xf32>
        %parallel_loop3A_535 = vector.shape_cast %parallel_loop3A_530 : vector<16xf32> to vector<1x16xf32>
        tpu.vector_store %arg8[%parallel_loop3A_531, %parallel_loop3A_532], %parallel_loop3A_535 {add = true, strides = array<i32>} : memref<32x768xf32, #tpu.memory_space<vmem>>, vector<1x16xf32>,
        %parallel_loop3A_536 = arith.constant 2 : i32
        %parallel_loop3A_537 = arith.muli %parallel_loop3A_536, %parallel_loop3A_249 : i32
        %parallel_loop3A_538 = arith.constant 0 : i32
        %parallel_loop3A_539 = arith.addi %parallel_loop3A_537, %parallel_loop3A_538 : i32
        %parallel_loop3A_540 = arith.index_cast %parallel_loop3A_539 : i32 to index
        %parallel_loop3A_541 = arith.constant 352 : index
        %parallel_loop3A_542 = tpu.vector_load %arg10[%parallel_loop3A_540, %parallel_loop3A_541] {strides = array<i32>} : memref<64x384xf32, #tpu.memory_space<vmem>>, vector<1x16xf32>,
        %parallel_loop3A_543 = vector.shape_cast %parallel_loop3A_542 : vector<1x16xf32> to vector<16xf32>
        %parallel_loop3A_544 = arith.index_cast %parallel_loop3A_249 : i32 to index
        %parallel_loop3A_545 = arith.constant 352 : index
        %parallel_loop3A_546 = tpu.vector_load %arg8[%parallel_loop3A_544, %parallel_loop3A_545] {strides = array<i32>} : memref<32x768xf32, #tpu.memory_space<vmem>>, vector<1x16xf32>,
        %parallel_loop3A_547 = vector.shape_cast %parallel_loop3A_546 : vector<1x16xf32> to vector<16xf32>
        %parallel_loop3A_548 = vector.shape_cast %parallel_loop3A_543 : vector<16xf32> to vector<1x16xf32>
        tpu.vector_store %arg8[%parallel_loop3A_544, %parallel_loop3A_545], %parallel_loop3A_548 {add = true, strides = array<i32>} : memref<32x768xf32, #tpu.memory_space<vmem>>, vector<1x16xf32>,
        %parallel_loop3A_549 = arith.constant 2 : i32
        %parallel_loop3A_550 = arith.muli %parallel_loop3A_549, %parallel_loop3A_249 : i32
        %parallel_loop3A_551 = arith.constant 0 : i32
        %parallel_loop3A_552 = arith.addi %parallel_loop3A_550, %parallel_loop3A_551 : i32
        %parallel_loop3A_553 = arith.index_cast %parallel_loop3A_552 : i32 to index
        %parallel_loop3A_554 = arith.constant 368 : index
        %parallel_loop3A_555 = tpu.vector_load %arg10[%parallel_loop3A_553, %parallel_loop3A_554] {strides = array<i32>} : memref<64x384xf32, #tpu.memory_space<vmem>>, vector<1x16xf32>,
        %parallel_loop3A_556 = vector.shape_cast %parallel_loop3A_555 : vector<1x16xf32> to vector<16xf32>
        %parallel_loop3A_557 = arith.index_cast %parallel_loop3A_249 : i32 to index
        %parallel_loop3A_558 = arith.constant 368 : index
        %parallel_loop3A_559 = tpu.vector_load %arg8[%parallel_loop3A_557, %parallel_loop3A_558] {strides = array<i32>} : memref<32x768xf32, #tpu.memory_space<vmem>>, vector<1x16xf32>,
        %parallel_loop3A_560 = vector.shape_cast %parallel_loop3A_559 : vector<1x16xf32> to vector<16xf32>
        %parallel_loop3A_561 = vector.shape_cast %parallel_loop3A_556 : vector<16xf32> to vector<1x16xf32>
        tpu.vector_store %arg8[%parallel_loop3A_557, %parallel_loop3A_558], %parallel_loop3A_561 {add = true, strides = array<i32>} : memref<32x768xf32, #tpu.memory_space<vmem>>, vector<1x16xf32>,
        %parallel_loop3A_562 = arith.constant 2 : i32
        %parallel_loop3A_563 = arith.muli %parallel_loop3A_562, %parallel_loop3A_249 : i32
        %parallel_loop3A_564 = arith.constant 1 : i32
        %parallel_loop3A_565 = arith.addi %parallel_loop3A_563, %parallel_loop3A_564 : i32
        %parallel_loop3A_566 = arith.index_cast %parallel_loop3A_565 : i32 to index
        %parallel_loop3A_567 = arith.constant 0 : index
        %parallel_loop3A_568 = tpu.vector_load %arg10[%parallel_loop3A_566, %parallel_loop3A_567] {strides = array<i32>} : memref<64x384xf32, #tpu.memory_space<vmem>>, vector<1x16xf32>,
        %parallel_loop3A_569 = vector.shape_cast %parallel_loop3A_568 : vector<1x16xf32> to vector<16xf32>
        %parallel_loop3A_570 = arith.index_cast %parallel_loop3A_249 : i32 to index
        %parallel_loop3A_571 = arith.constant 384 : index
        %parallel_loop3A_572 = tpu.vector_load %arg8[%parallel_loop3A_570, %parallel_loop3A_571] {strides = array<i32>} : memref<32x768xf32, #tpu.memory_space<vmem>>, vector<1x16xf32>,
        %parallel_loop3A_573 = vector.shape_cast %parallel_loop3A_572 : vector<1x16xf32> to vector<16xf32>
        %parallel_loop3A_574 = vector.shape_cast %parallel_loop3A_569 : vector<16xf32> to vector<1x16xf32>
        tpu.vector_store %arg8[%parallel_loop3A_570, %parallel_loop3A_571], %parallel_loop3A_574 {add = true, strides = array<i32>} : memref<32x768xf32, #tpu.memory_space<vmem>>, vector<1x16xf32>,
        %parallel_loop3A_575 = arith.constant 2 : i32
        %parallel_loop3A_576 = arith.muli %parallel_loop3A_575, %parallel_loop3A_249 : i32
        %parallel_loop3A_577 = arith.constant 1 : i32
        %parallel_loop3A_578 = arith.addi %parallel_loop3A_576, %parallel_loop3A_577 : i32
        %parallel_loop3A_579 = arith.index_cast %parallel_loop3A_578 : i32 to index
        %parallel_loop3A_580 = arith.constant 16 : index
        %parallel_loop3A_581 = tpu.vector_load %arg10[%parallel_loop3A_579, %parallel_loop3A_580] {strides = array<i32>} : memref<64x384xf32, #tpu.memory_space<vmem>>, vector<1x16xf32>,
        %parallel_loop3A_582 = vector.shape_cast %parallel_loop3A_581 : vector<1x16xf32> to vector<16xf32>
        %parallel_loop3A_583 = arith.index_cast %parallel_loop3A_249 : i32 to index
        %parallel_loop3A_584 = arith.constant 400 : index
        %parallel_loop3A_585 = tpu.vector_load %arg8[%parallel_loop3A_583, %parallel_loop3A_584] {strides = array<i32>} : memref<32x768xf32, #tpu.memory_space<vmem>>, vector<1x16xf32>,
        %parallel_loop3A_586 = vector.shape_cast %parallel_loop3A_585 : vector<1x16xf32> to vector<16xf32>
        %parallel_loop3A_587 = vector.shape_cast %parallel_loop3A_582 : vector<16xf32> to vector<1x16xf32>
        tpu.vector_store %arg8[%parallel_loop3A_583, %parallel_loop3A_584], %parallel_loop3A_587 {add = true, strides = array<i32>} : memref<32x768xf32, #tpu.memory_space<vmem>>, vector<1x16xf32>,
        %parallel_loop3A_588 = arith.constant 2 : i32
        %parallel_loop3A_589 = arith.muli %parallel_loop3A_588, %parallel_loop3A_249 : i32
        %parallel_loop3A_590 = arith.constant 1 : i32
        %parallel_loop3A_591 = arith.addi %parallel_loop3A_589, %parallel_loop3A_590 : i32
        %parallel_loop3A_592 = arith.index_cast %parallel_loop3A_591 : i32 to index
        %parallel_loop3A_593 = arith.constant 32 : index
        %parallel_loop3A_594 = tpu.vector_load %arg10[%parallel_loop3A_592, %parallel_loop3A_593] {strides = array<i32>} : memref<64x384xf32, #tpu.memory_space<vmem>>, vector<1x16xf32>,
        %parallel_loop3A_595 = vector.shape_cast %parallel_loop3A_594 : vector<1x16xf32> to vector<16xf32>
        %parallel_loop3A_596 = arith.index_cast %parallel_loop3A_249 : i32 to index
        %parallel_loop3A_597 = arith.constant 416 : index
        %parallel_loop3A_598 = tpu.vector_load %arg8[%parallel_loop3A_596, %parallel_loop3A_597] {strides = array<i32>} : memref<32x768xf32, #tpu.memory_space<vmem>>, vector<1x16xf32>,
        %parallel_loop3A_599 = vector.shape_cast %parallel_loop3A_598 : vector<1x16xf32> to vector<16xf32>
        %parallel_loop3A_600 = vector.shape_cast %parallel_loop3A_595 : vector<16xf32> to vector<1x16xf32>
        tpu.vector_store %arg8[%parallel_loop3A_596, %parallel_loop3A_597], %parallel_loop3A_600 {add = true, strides = array<i32>} : memref<32x768xf32, #tpu.memory_space<vmem>>, vector<1x16xf32>,
        %parallel_loop3A_601 = arith.constant 2 : i32
        %parallel_loop3A_602 = arith.muli %parallel_loop3A_601, %parallel_loop3A_249 : i32
        %parallel_loop3A_603 = arith.constant 1 : i32
        %parallel_loop3A_604 = arith.addi %parallel_loop3A_602, %parallel_loop3A_603 : i32
        %parallel_loop3A_605 = arith.index_cast %parallel_loop3A_604 : i32 to index
        %parallel_loop3A_606 = arith.constant 48 : index
        %parallel_loop3A_607 = tpu.vector_load %arg10[%parallel_loop3A_605, %parallel_loop3A_606] {strides = array<i32>} : memref<64x384xf32, #tpu.memory_space<vmem>>, vector<1x16xf32>,
        %parallel_loop3A_608 = vector.shape_cast %parallel_loop3A_607 : vector<1x16xf32> to vector<16xf32>
        %parallel_loop3A_609 = arith.index_cast %parallel_loop3A_249 : i32 to index
        %parallel_loop3A_610 = arith.constant 432 : index
        %parallel_loop3A_611 = tpu.vector_load %arg8[%parallel_loop3A_609, %parallel_loop3A_610] {strides = array<i32>} : memref<32x768xf32, #tpu.memory_space<vmem>>, vector<1x16xf32>,
        %parallel_loop3A_612 = vector.shape_cast %parallel_loop3A_611 : vector<1x16xf32> to vector<16xf32>
        %parallel_loop3A_613 = vector.shape_cast %parallel_loop3A_608 : vector<16xf32> to vector<1x16xf32>
        tpu.vector_store %arg8[%parallel_loop3A_609, %parallel_loop3A_610], %parallel_loop3A_613 {add = true, strides = array<i32>} : memref<32x768xf32, #tpu.memory_space<vmem>>, vector<1x16xf32>,
        %parallel_loop3A_614 = arith.constant 2 : i32
        %parallel_loop3A_615 = arith.muli %parallel_loop3A_614, %parallel_loop3A_249 : i32
        %parallel_loop3A_616 = arith.constant 1 : i32
        %parallel_loop3A_617 = arith.addi %parallel_loop3A_615, %parallel_loop3A_616 : i32
        %parallel_loop3A_618 = arith.index_cast %parallel_loop3A_617 : i32 to index
        %parallel_loop3A_619 = arith.constant 64 : index
        %parallel_loop3A_620 = tpu.vector_load %arg10[%parallel_loop3A_618, %parallel_loop3A_619] {strides = array<i32>} : memref<64x384xf32, #tpu.memory_space<vmem>>, vector<1x16xf32>,
        %parallel_loop3A_621 = vector.shape_cast %parallel_loop3A_620 : vector<1x16xf32> to vector<16xf32>
        %parallel_loop3A_622 = arith.index_cast %parallel_loop3A_249 : i32 to index
        %parallel_loop3A_623 = arith.constant 448 : index
        %parallel_loop3A_624 = tpu.vector_load %arg8[%parallel_loop3A_622, %parallel_loop3A_623] {strides = array<i32>} : memref<32x768xf32, #tpu.memory_space<vmem>>, vector<1x16xf32>,
        %parallel_loop3A_625 = vector.shape_cast %parallel_loop3A_624 : vector<1x16xf32> to vector<16xf32>
        %parallel_loop3A_626 = vector.shape_cast %parallel_loop3A_621 : vector<16xf32> to vector<1x16xf32>
        tpu.vector_store %arg8[%parallel_loop3A_622, %parallel_loop3A_623], %parallel_loop3A_626 {add = true, strides = array<i32>} : memref<32x768xf32, #tpu.memory_space<vmem>>, vector<1x16xf32>,
        %parallel_loop3A_627 = arith.constant 2 : i32
        %parallel_loop3A_628 = arith.muli %parallel_loop3A_627, %parallel_loop3A_249 : i32
        %parallel_loop3A_629 = arith.constant 1 : i32
        %parallel_loop3A_630 = arith.addi %parallel_loop3A_628, %parallel_loop3A_629 : i32
        %parallel_loop3A_631 = arith.index_cast %parallel_loop3A_630 : i32 to index
        %parallel_loop3A_632 = arith.constant 80 : index
        %parallel_loop3A_633 = tpu.vector_load %arg10[%parallel_loop3A_631, %parallel_loop3A_632] {strides = array<i32>} : memref<64x384xf32, #tpu.memory_space<vmem>>, vector<1x16xf32>,
        %parallel_loop3A_634 = vector.shape_cast %parallel_loop3A_633 : vector<1x16xf32> to vector<16xf32>
        %parallel_loop3A_635 = arith.index_cast %parallel_loop3A_249 : i32 to index
        %parallel_loop3A_636 = arith.constant 464 : index
        %parallel_loop3A_637 = tpu.vector_load %arg8[%parallel_loop3A_635, %parallel_loop3A_636] {strides = array<i32>} : memref<32x768xf32, #tpu.memory_space<vmem>>, vector<1x16xf32>,
        %parallel_loop3A_638 = vector.shape_cast %parallel_loop3A_637 : vector<1x16xf32> to vector<16xf32>
        %parallel_loop3A_639 = vector.shape_cast %parallel_loop3A_634 : vector<16xf32> to vector<1x16xf32>
        tpu.vector_store %arg8[%parallel_loop3A_635, %parallel_loop3A_636], %parallel_loop3A_639 {add = true, strides = array<i32>} : memref<32x768xf32, #tpu.memory_space<vmem>>, vector<1x16xf32>,
        %parallel_loop3A_640 = arith.constant 2 : i32
        %parallel_loop3A_641 = arith.muli %parallel_loop3A_640, %parallel_loop3A_249 : i32
        %parallel_loop3A_642 = arith.constant 1 : i32
        %parallel_loop3A_643 = arith.addi %parallel_loop3A_641, %parallel_loop3A_642 : i32
        %parallel_loop3A_644 = arith.index_cast %parallel_loop3A_643 : i32 to index
        %parallel_loop3A_645 = arith.constant 96 : index
        %parallel_loop3A_646 = tpu.vector_load %arg10[%parallel_loop3A_644, %parallel_loop3A_645] {strides = array<i32>} : memref<64x384xf32, #tpu.memory_space<vmem>>, vector<1x16xf32>,
        %parallel_loop3A_647 = vector.shape_cast %parallel_loop3A_646 : vector<1x16xf32> to vector<16xf32>
        %parallel_loop3A_648 = arith.index_cast %parallel_loop3A_249 : i32 to index
        %parallel_loop3A_649 = arith.constant 480 : index
        %parallel_loop3A_650 = tpu.vector_load %arg8[%parallel_loop3A_648, %parallel_loop3A_649] {strides = array<i32>} : memref<32x768xf32, #tpu.memory_space<vmem>>, vector<1x16xf32>,
        %parallel_loop3A_651 = vector.shape_cast %parallel_loop3A_650 : vector<1x16xf32> to vector<16xf32>
        %parallel_loop3A_652 = vector.shape_cast %parallel_loop3A_647 : vector<16xf32> to vector<1x16xf32>
        tpu.vector_store %arg8[%parallel_loop3A_648, %parallel_loop3A_649], %parallel_loop3A_652 {add = true, strides = array<i32>} : memref<32x768xf32, #tpu.memory_space<vmem>>, vector<1x16xf32>,
        %parallel_loop3A_653 = arith.constant 2 : i32
        %parallel_loop3A_654 = arith.muli %parallel_loop3A_653, %parallel_loop3A_249 : i32
        %parallel_loop3A_655 = arith.constant 1 : i32
        %parallel_loop3A_656 = arith.addi %parallel_loop3A_654, %parallel_loop3A_655 : i32
        %parallel_loop3A_657 = arith.index_cast %parallel_loop3A_656 : i32 to index
        %parallel_loop3A_658 = arith.constant 112 : index
        %parallel_loop3A_659 = tpu.vector_load %arg10[%parallel_loop3A_657, %parallel_loop3A_658] {strides = array<i32>} : memref<64x384xf32, #tpu.memory_space<vmem>>, vector<1x16xf32>,
        %parallel_loop3A_660 = vector.shape_cast %parallel_loop3A_659 : vector<1x16xf32> to vector<16xf32>
        %parallel_loop3A_661 = arith.index_cast %parallel_loop3A_249 : i32 to index
        %parallel_loop3A_662 = arith.constant 496 : index
        %parallel_loop3A_663 = tpu.vector_load %arg8[%parallel_loop3A_661, %parallel_loop3A_662] {strides = array<i32>} : memref<32x768xf32, #tpu.memory_space<vmem>>, vector<1x16xf32>,
        %parallel_loop3A_664 = vector.shape_cast %parallel_loop3A_663 : vector<1x16xf32> to vector<16xf32>
        %parallel_loop3A_665 = vector.shape_cast %parallel_loop3A_660 : vector<16xf32> to vector<1x16xf32>
        tpu.vector_store %arg8[%parallel_loop3A_661, %parallel_loop3A_662], %parallel_loop3A_665 {add = true, strides = array<i32>} : memref<32x768xf32, #tpu.memory_space<vmem>>, vector<1x16xf32>,
        %parallel_loop3A_666 = arith.constant 2 : i32
        %parallel_loop3A_667 = arith.muli %parallel_loop3A_666, %parallel_loop3A_249 : i32
        %parallel_loop3A_668 = arith.constant 1 : i32
        %parallel_loop3A_669 = arith.addi %parallel_loop3A_667, %parallel_loop3A_668 : i32
        %parallel_loop3A_670 = arith.index_cast %parallel_loop3A_669 : i32 to index
        %parallel_loop3A_671 = arith.constant 128 : index
        %parallel_loop3A_672 = tpu.vector_load %arg10[%parallel_loop3A_670, %parallel_loop3A_671] {strides = array<i32>} : memref<64x384xf32, #tpu.memory_space<vmem>>, vector<1x16xf32>,
        %parallel_loop3A_673 = vector.shape_cast %parallel_loop3A_672 : vector<1x16xf32> to vector<16xf32>
        %parallel_loop3A_674 = arith.index_cast %parallel_loop3A_249 : i32 to index
        %parallel_loop3A_675 = arith.constant 512 : index
        %parallel_loop3A_676 = tpu.vector_load %arg8[%parallel_loop3A_674, %parallel_loop3A_675] {strides = array<i32>} : memref<32x768xf32, #tpu.memory_space<vmem>>, vector<1x16xf32>,
        %parallel_loop3A_677 = vector.shape_cast %parallel_loop3A_676 : vector<1x16xf32> to vector<16xf32>
        %parallel_loop3A_678 = vector.shape_cast %parallel_loop3A_673 : vector<16xf32> to vector<1x16xf32>
        tpu.vector_store %arg8[%parallel_loop3A_674, %parallel_loop3A_675], %parallel_loop3A_678 {add = true, strides = array<i32>} : memref<32x768xf32, #tpu.memory_space<vmem>>, vector<1x16xf32>,
        %parallel_loop3A_679 = arith.constant 2 : i32
        %parallel_loop3A_680 = arith.muli %parallel_loop3A_679, %parallel_loop3A_249 : i32
        %parallel_loop3A_681 = arith.constant 1 : i32
        %parallel_loop3A_682 = arith.addi %parallel_loop3A_680, %parallel_loop3A_681 : i32
        %parallel_loop3A_683 = arith.index_cast %parallel_loop3A_682 : i32 to index
        %parallel_loop3A_684 = arith.constant 144 : index
        %parallel_loop3A_685 = tpu.vector_load %arg10[%parallel_loop3A_683, %parallel_loop3A_684] {strides = array<i32>} : memref<64x384xf32, #tpu.memory_space<vmem>>, vector<1x16xf32>,
        %parallel_loop3A_686 = vector.shape_cast %parallel_loop3A_685 : vector<1x16xf32> to vector<16xf32>
        %parallel_loop3A_687 = arith.index_cast %parallel_loop3A_249 : i32 to index
        %parallel_loop3A_688 = arith.constant 528 : index
        %parallel_loop3A_689 = tpu.vector_load %arg8[%parallel_loop3A_687, %parallel_loop3A_688] {strides = array<i32>} : memref<32x768xf32, #tpu.memory_space<vmem>>, vector<1x16xf32>,
        %parallel_loop3A_690 = vector.shape_cast %parallel_loop3A_689 : vector<1x16xf32> to vector<16xf32>
        %parallel_loop3A_691 = vector.shape_cast %parallel_loop3A_686 : vector<16xf32> to vector<1x16xf32>
        tpu.vector_store %arg8[%parallel_loop3A_687, %parallel_loop3A_688], %parallel_loop3A_691 {add = true, strides = array<i32>} : memref<32x768xf32, #tpu.memory_space<vmem>>, vector<1x16xf32>,
        %parallel_loop3A_692 = arith.constant 2 : i32
        %parallel_loop3A_693 = arith.muli %parallel_loop3A_692, %parallel_loop3A_249 : i32
        %parallel_loop3A_694 = arith.constant 1 : i32
        %parallel_loop3A_695 = arith.addi %parallel_loop3A_693, %parallel_loop3A_694 : i32
        %parallel_loop3A_696 = arith.index_cast %parallel_loop3A_695 : i32 to index
        %parallel_loop3A_697 = arith.constant 160 : index
        %parallel_loop3A_698 = tpu.vector_load %arg10[%parallel_loop3A_696, %parallel_loop3A_697] {strides = array<i32>} : memref<64x384xf32, #tpu.memory_space<vmem>>, vector<1x16xf32>,
        %parallel_loop3A_699 = vector.shape_cast %parallel_loop3A_698 : vector<1x16xf32> to vector<16xf32>
        %parallel_loop3A_700 = arith.index_cast %parallel_loop3A_249 : i32 to index
        %parallel_loop3A_701 = arith.constant 544 : index
        %parallel_loop3A_702 = tpu.vector_load %arg8[%parallel_loop3A_700, %parallel_loop3A_701] {strides = array<i32>} : memref<32x768xf32, #tpu.memory_space<vmem>>, vector<1x16xf32>,
        %parallel_loop3A_703 = vector.shape_cast %parallel_loop3A_702 : vector<1x16xf32> to vector<16xf32>
        %parallel_loop3A_704 = vector.shape_cast %parallel_loop3A_699 : vector<16xf32> to vector<1x16xf32>
        tpu.vector_store %arg8[%parallel_loop3A_700, %parallel_loop3A_701], %parallel_loop3A_704 {add = true, strides = array<i32>} : memref<32x768xf32, #tpu.memory_space<vmem>>, vector<1x16xf32>,
        %parallel_loop3A_705 = arith.constant 2 : i32
        %parallel_loop3A_706 = arith.muli %parallel_loop3A_705, %parallel_loop3A_249 : i32
        %parallel_loop3A_707 = arith.constant 1 : i32
        %parallel_loop3A_708 = arith.addi %parallel_loop3A_706, %parallel_loop3A_707 : i32
        %parallel_loop3A_709 = arith.index_cast %parallel_loop3A_708 : i32 to index
        %parallel_loop3A_710 = arith.constant 176 : index
        %parallel_loop3A_711 = tpu.vector_load %arg10[%parallel_loop3A_709, %parallel_loop3A_710] {strides = array<i32>} : memref<64x384xf32, #tpu.memory_space<vmem>>, vector<1x16xf32>,
        %parallel_loop3A_712 = vector.shape_cast %parallel_loop3A_711 : vector<1x16xf32> to vector<16xf32>
        %parallel_loop3A_713 = arith.index_cast %parallel_loop3A_249 : i32 to index
        %parallel_loop3A_714 = arith.constant 560 : index
        %parallel_loop3A_715 = tpu.vector_load %arg8[%parallel_loop3A_713, %parallel_loop3A_714] {strides = array<i32>} : memref<32x768xf32, #tpu.memory_space<vmem>>, vector<1x16xf32>,
        %parallel_loop3A_716 = vector.shape_cast %parallel_loop3A_715 : vector<1x16xf32> to vector<16xf32>
        %parallel_loop3A_717 = vector.shape_cast %parallel_loop3A_712 : vector<16xf32> to vector<1x16xf32>
        tpu.vector_store %arg8[%parallel_loop3A_713, %parallel_loop3A_714], %parallel_loop3A_717 {add = true, strides = array<i32>} : memref<32x768xf32, #tpu.memory_space<vmem>>, vector<1x16xf32>,
        %parallel_loop3A_718 = arith.constant 2 : i32
        %parallel_loop3A_719 = arith.muli %parallel_loop3A_718, %parallel_loop3A_249 : i32
        %parallel_loop3A_720 = arith.constant 1 : i32
        %parallel_loop3A_721 = arith.addi %parallel_loop3A_719, %parallel_loop3A_720 : i32
        %parallel_loop3A_722 = arith.index_cast %parallel_loop3A_721 : i32 to index
        %parallel_loop3A_723 = arith.constant 192 : index
        %parallel_loop3A_724 = tpu.vector_load %arg10[%parallel_loop3A_722, %parallel_loop3A_723] {strides = array<i32>} : memref<64x384xf32, #tpu.memory_space<vmem>>, vector<1x16xf32>,
        %parallel_loop3A_725 = vector.shape_cast %parallel_loop3A_724 : vector<1x16xf32> to vector<16xf32>
        %parallel_loop3A_726 = arith.index_cast %parallel_loop3A_249 : i32 to index
        %parallel_loop3A_727 = arith.constant 576 : index
        %parallel_loop3A_728 = tpu.vector_load %arg8[%parallel_loop3A_726, %parallel_loop3A_727] {strides = array<i32>} : memref<32x768xf32, #tpu.memory_space<vmem>>, vector<1x16xf32>,
        %parallel_loop3A_729 = vector.shape_cast %parallel_loop3A_728 : vector<1x16xf32> to vector<16xf32>
        %parallel_loop3A_730 = vector.shape_cast %parallel_loop3A_725 : vector<16xf32> to vector<1x16xf32>
        tpu.vector_store %arg8[%parallel_loop3A_726, %parallel_loop3A_727], %parallel_loop3A_730 {add = true, strides = array<i32>} : memref<32x768xf32, #tpu.memory_space<vmem>>, vector<1x16xf32>,
        %parallel_loop3A_731 = arith.constant 2 : i32
        %parallel_loop3A_732 = arith.muli %parallel_loop3A_731, %parallel_loop3A_249 : i32
        %parallel_loop3A_733 = arith.constant 1 : i32
        %parallel_loop3A_734 = arith.addi %parallel_loop3A_732, %parallel_loop3A_733 : i32
        %parallel_loop3A_735 = arith.index_cast %parallel_loop3A_734 : i32 to index
        %parallel_loop3A_736 = arith.constant 208 : index
        %parallel_loop3A_737 = tpu.vector_load %arg10[%parallel_loop3A_735, %parallel_loop3A_736] {strides = array<i32>} : memref<64x384xf32, #tpu.memory_space<vmem>>, vector<1x16xf32>,
        %parallel_loop3A_738 = vector.shape_cast %parallel_loop3A_737 : vector<1x16xf32> to vector<16xf32>
        %parallel_loop3A_739 = arith.index_cast %parallel_loop3A_249 : i32 to index
        %parallel_loop3A_740 = arith.constant 592 : index
        %parallel_loop3A_741 = tpu.vector_load %arg8[%parallel_loop3A_739, %parallel_loop3A_740] {strides = array<i32>} : memref<32x768xf32, #tpu.memory_space<vmem>>, vector<1x16xf32>,
        %parallel_loop3A_742 = vector.shape_cast %parallel_loop3A_741 : vector<1x16xf32> to vector<16xf32>
        %parallel_loop3A_743 = vector.shape_cast %parallel_loop3A_738 : vector<16xf32> to vector<1x16xf32>
        tpu.vector_store %arg8[%parallel_loop3A_739, %parallel_loop3A_740], %parallel_loop3A_743 {add = true, strides = array<i32>} : memref<32x768xf32, #tpu.memory_space<vmem>>, vector<1x16xf32>,
        %parallel_loop3A_744 = arith.constant 2 : i32
        %parallel_loop3A_745 = arith.muli %parallel_loop3A_744, %parallel_loop3A_249 : i32
        %parallel_loop3A_746 = arith.constant 1 : i32
        %parallel_loop3A_747 = arith.addi %parallel_loop3A_745, %parallel_loop3A_746 : i32
        %parallel_loop3A_748 = arith.index_cast %parallel_loop3A_747 : i32 to index
        %parallel_loop3A_749 = arith.constant 224 : index
        %parallel_loop3A_750 = tpu.vector_load %arg10[%parallel_loop3A_748, %parallel_loop3A_749] {strides = array<i32>} : memref<64x384xf32, #tpu.memory_space<vmem>>, vector<1x16xf32>,
        %parallel_loop3A_751 = vector.shape_cast %parallel_loop3A_750 : vector<1x16xf32> to vector<16xf32>
        %parallel_loop3A_752 = arith.index_cast %parallel_loop3A_249 : i32 to index
        %parallel_loop3A_753 = arith.constant 608 : index
        %parallel_loop3A_754 = tpu.vector_load %arg8[%parallel_loop3A_752, %parallel_loop3A_753] {strides = array<i32>} : memref<32x768xf32, #tpu.memory_space<vmem>>, vector<1x16xf32>,
        %parallel_loop3A_755 = vector.shape_cast %parallel_loop3A_754 : vector<1x16xf32> to vector<16xf32>
        %parallel_loop3A_756 = vector.shape_cast %parallel_loop3A_751 : vector<16xf32> to vector<1x16xf32>
        tpu.vector_store %arg8[%parallel_loop3A_752, %parallel_loop3A_753], %parallel_loop3A_756 {add = true, strides = array<i32>} : memref<32x768xf32, #tpu.memory_space<vmem>>, vector<1x16xf32>,
        %parallel_loop3A_757 = arith.constant 2 : i32
        %parallel_loop3A_758 = arith.muli %parallel_loop3A_757, %parallel_loop3A_249 : i32
        %parallel_loop3A_759 = arith.constant 1 : i32
        %parallel_loop3A_760 = arith.addi %parallel_loop3A_758, %parallel_loop3A_759 : i32
        %parallel_loop3A_761 = arith.index_cast %parallel_loop3A_760 : i32 to index
        %parallel_loop3A_762 = arith.constant 240 : index
        %parallel_loop3A_763 = tpu.vector_load %arg10[%parallel_loop3A_761, %parallel_loop3A_762] {strides = array<i32>} : memref<64x384xf32, #tpu.memory_space<vmem>>, vector<1x16xf32>,
        %parallel_loop3A_764 = vector.shape_cast %parallel_loop3A_763 : vector<1x16xf32> to vector<16xf32>
        %parallel_loop3A_765 = arith.index_cast %parallel_loop3A_249 : i32 to index
        %parallel_loop3A_766 = arith.constant 624 : index
        %parallel_loop3A_767 = tpu.vector_load %arg8[%parallel_loop3A_765, %parallel_loop3A_766] {strides = array<i32>} : memref<32x768xf32, #tpu.memory_space<vmem>>, vector<1x16xf32>,
        %parallel_loop3A_768 = vector.shape_cast %parallel_loop3A_767 : vector<1x16xf32> to vector<16xf32>
        %parallel_loop3A_769 = vector.shape_cast %parallel_loop3A_764 : vector<16xf32> to vector<1x16xf32>
        tpu.vector_store %arg8[%parallel_loop3A_765, %parallel_loop3A_766], %parallel_loop3A_769 {add = true, strides = array<i32>} : memref<32x768xf32, #tpu.memory_space<vmem>>, vector<1x16xf32>,
        %parallel_loop3A_770 = arith.constant 2 : i32
        %parallel_loop3A_771 = arith.muli %parallel_loop3A_770, %parallel_loop3A_249 : i32
        %parallel_loop3A_772 = arith.constant 1 : i32
        %parallel_loop3A_773 = arith.addi %parallel_loop3A_771, %parallel_loop3A_772 : i32
        %parallel_loop3A_774 = arith.index_cast %parallel_loop3A_773 : i32 to index
        %parallel_loop3A_775 = arith.constant 256 : index
        %parallel_loop3A_776 = tpu.vector_load %arg10[%parallel_loop3A_774, %parallel_loop3A_775] {strides = array<i32>} : memref<64x384xf32, #tpu.memory_space<vmem>>, vector<1x16xf32>,
        %parallel_loop3A_777 = vector.shape_cast %parallel_loop3A_776 : vector<1x16xf32> to vector<16xf32>
        %parallel_loop3A_778 = arith.index_cast %parallel_loop3A_249 : i32 to index
        %parallel_loop3A_779 = arith.constant 640 : index
        %parallel_loop3A_780 = tpu.vector_load %arg8[%parallel_loop3A_778, %parallel_loop3A_779] {strides = array<i32>} : memref<32x768xf32, #tpu.memory_space<vmem>>, vector<1x16xf32>,
        %parallel_loop3A_781 = vector.shape_cast %parallel_loop3A_780 : vector<1x16xf32> to vector<16xf32>
        %parallel_loop3A_782 = vector.shape_cast %parallel_loop3A_777 : vector<16xf32> to vector<1x16xf32>
        tpu.vector_store %arg8[%parallel_loop3A_778, %parallel_loop3A_779], %parallel_loop3A_782 {add = true, strides = array<i32>} : memref<32x768xf32, #tpu.memory_space<vmem>>, vector<1x16xf32>,
        %parallel_loop3A_783 = arith.constant 2 : i32
        %parallel_loop3A_784 = arith.muli %parallel_loop3A_783, %parallel_loop3A_249 : i32
        %parallel_loop3A_785 = arith.constant 1 : i32
        %parallel_loop3A_786 = arith.addi %parallel_loop3A_784, %parallel_loop3A_785 : i32
        %parallel_loop3A_787 = arith.index_cast %parallel_loop3A_786 : i32 to index
        %parallel_loop3A_788 = arith.constant 272 : index
        %parallel_loop3A_789 = tpu.vector_load %arg10[%parallel_loop3A_787, %parallel_loop3A_788] {strides = array<i32>} : memref<64x384xf32, #tpu.memory_space<vmem>>, vector<1x16xf32>,
        %parallel_loop3A_790 = vector.shape_cast %parallel_loop3A_789 : vector<1x16xf32> to vector<16xf32>
        %parallel_loop3A_791 = arith.index_cast %parallel_loop3A_249 : i32 to index
        %parallel_loop3A_792 = arith.constant 656 : index
        %parallel_loop3A_793 = tpu.vector_load %arg8[%parallel_loop3A_791, %parallel_loop3A_792] {strides = array<i32>} : memref<32x768xf32, #tpu.memory_space<vmem>>, vector<1x16xf32>,
        %parallel_loop3A_794 = vector.shape_cast %parallel_loop3A_793 : vector<1x16xf32> to vector<16xf32>
        %parallel_loop3A_795 = vector.shape_cast %parallel_loop3A_790 : vector<16xf32> to vector<1x16xf32>
        tpu.vector_store %arg8[%parallel_loop3A_791, %parallel_loop3A_792], %parallel_loop3A_795 {add = true, strides = array<i32>} : memref<32x768xf32, #tpu.memory_space<vmem>>, vector<1x16xf32>,
        %parallel_loop3A_796 = arith.constant 2 : i32
        %parallel_loop3A_797 = arith.muli %parallel_loop3A_796, %parallel_loop3A_249 : i32
        %parallel_loop3A_798 = arith.constant 1 : i32
        %parallel_loop3A_799 = arith.addi %parallel_loop3A_797, %parallel_loop3A_798 : i32
        %parallel_loop3A_800 = arith.index_cast %parallel_loop3A_799 : i32 to index
        %parallel_loop3A_801 = arith.constant 288 : index
        %parallel_loop3A_802 = tpu.vector_load %arg10[%parallel_loop3A_800, %parallel_loop3A_801] {strides = array<i32>} : memref<64x384xf32, #tpu.memory_space<vmem>>, vector<1x16xf32>,
        %parallel_loop3A_803 = vector.shape_cast %parallel_loop3A_802 : vector<1x16xf32> to vector<16xf32>
        %parallel_loop3A_804 = arith.index_cast %parallel_loop3A_249 : i32 to index
        %parallel_loop3A_805 = arith.constant 672 : index
        %parallel_loop3A_806 = tpu.vector_load %arg8[%parallel_loop3A_804, %parallel_loop3A_805] {strides = array<i32>} : memref<32x768xf32, #tpu.memory_space<vmem>>, vector<1x16xf32>,
        %parallel_loop3A_807 = vector.shape_cast %parallel_loop3A_806 : vector<1x16xf32> to vector<16xf32>
        %parallel_loop3A_808 = vector.shape_cast %parallel_loop3A_803 : vector<16xf32> to vector<1x16xf32>
        tpu.vector_store %arg8[%parallel_loop3A_804, %parallel_loop3A_805], %parallel_loop3A_808 {add = true, strides = array<i32>} : memref<32x768xf32, #tpu.memory_space<vmem>>, vector<1x16xf32>,
        %parallel_loop3A_809 = arith.constant 2 : i32
        %parallel_loop3A_810 = arith.muli %parallel_loop3A_809, %parallel_loop3A_249 : i32
        %parallel_loop3A_811 = arith.constant 1 : i32
        %parallel_loop3A_812 = arith.addi %parallel_loop3A_810, %parallel_loop3A_811 : i32
        %parallel_loop3A_813 = arith.index_cast %parallel_loop3A_812 : i32 to index
        %parallel_loop3A_814 = arith.constant 304 : index
        %parallel_loop3A_815 = tpu.vector_load %arg10[%parallel_loop3A_813, %parallel_loop3A_814] {strides = array<i32>} : memref<64x384xf32, #tpu.memory_space<vmem>>, vector<1x16xf32>,
        %parallel_loop3A_816 = vector.shape_cast %parallel_loop3A_815 : vector<1x16xf32> to vector<16xf32>
        %parallel_loop3A_817 = arith.index_cast %parallel_loop3A_249 : i32 to index
        %parallel_loop3A_818 = arith.constant 688 : index
        %parallel_loop3A_819 = tpu.vector_load %arg8[%parallel_loop3A_817, %parallel_loop3A_818] {strides = array<i32>} : memref<32x768xf32, #tpu.memory_space<vmem>>, vector<1x16xf32>,
        %parallel_loop3A_820 = vector.shape_cast %parallel_loop3A_819 : vector<1x16xf32> to vector<16xf32>
        %parallel_loop3A_821 = vector.shape_cast %parallel_loop3A_816 : vector<16xf32> to vector<1x16xf32>
        tpu.vector_store %arg8[%parallel_loop3A_817, %parallel_loop3A_818], %parallel_loop3A_821 {add = true, strides = array<i32>} : memref<32x768xf32, #tpu.memory_space<vmem>>, vector<1x16xf32>,
        %parallel_loop3A_822 = arith.constant 2 : i32
        %parallel_loop3A_823 = arith.muli %parallel_loop3A_822, %parallel_loop3A_249 : i32
        %parallel_loop3A_824 = arith.constant 1 : i32
        %parallel_loop3A_825 = arith.addi %parallel_loop3A_823, %parallel_loop3A_824 : i32
        %parallel_loop3A_826 = arith.index_cast %parallel_loop3A_825 : i32 to index
        %parallel_loop3A_827 = arith.constant 320 : index
        %parallel_loop3A_828 = tpu.vector_load %arg10[%parallel_loop3A_826, %parallel_loop3A_827] {strides = array<i32>} : memref<64x384xf32, #tpu.memory_space<vmem>>, vector<1x16xf32>,
        %parallel_loop3A_829 = vector.shape_cast %parallel_loop3A_828 : vector<1x16xf32> to vector<16xf32>
        %parallel_loop3A_830 = arith.index_cast %parallel_loop3A_249 : i32 to index
        %parallel_loop3A_831 = arith.constant 704 : index
        %parallel_loop3A_832 = tpu.vector_load %arg8[%parallel_loop3A_830, %parallel_loop3A_831] {strides = array<i32>} : memref<32x768xf32, #tpu.memory_space<vmem>>, vector<1x16xf32>,
        %parallel_loop3A_833 = vector.shape_cast %parallel_loop3A_832 : vector<1x16xf32> to vector<16xf32>
        %parallel_loop3A_834 = vector.shape_cast %parallel_loop3A_829 : vector<16xf32> to vector<1x16xf32>
        tpu.vector_store %arg8[%parallel_loop3A_830, %parallel_loop3A_831], %parallel_loop3A_834 {add = true, strides = array<i32>} : memref<32x768xf32, #tpu.memory_space<vmem>>, vector<1x16xf32>,
        %parallel_loop3A_835 = arith.constant 2 : i32
        %parallel_loop3A_836 = arith.muli %parallel_loop3A_835, %parallel_loop3A_249 : i32
        %parallel_loop3A_837 = arith.constant 1 : i32
        %parallel_loop3A_838 = arith.addi %parallel_loop3A_836, %parallel_loop3A_837 : i32
        %parallel_loop3A_839 = arith.index_cast %parallel_loop3A_838 : i32 to index
        %parallel_loop3A_840 = arith.constant 336 : index
        %parallel_loop3A_841 = tpu.vector_load %arg10[%parallel_loop3A_839, %parallel_loop3A_840] {strides = array<i32>} : memref<64x384xf32, #tpu.memory_space<vmem>>, vector<1x16xf32>,
        %parallel_loop3A_842 = vector.shape_cast %parallel_loop3A_841 : vector<1x16xf32> to vector<16xf32>
        %parallel_loop3A_843 = arith.index_cast %parallel_loop3A_249 : i32 to index
        %parallel_loop3A_844 = arith.constant 720 : index
        %parallel_loop3A_845 = tpu.vector_load %arg8[%parallel_loop3A_843, %parallel_loop3A_844] {strides = array<i32>} : memref<32x768xf32, #tpu.memory_space<vmem>>, vector<1x16xf32>,
        %parallel_loop3A_846 = vector.shape_cast %parallel_loop3A_845 : vector<1x16xf32> to vector<16xf32>
        %parallel_loop3A_847 = vector.shape_cast %parallel_loop3A_842 : vector<16xf32> to vector<1x16xf32>
        tpu.vector_store %arg8[%parallel_loop3A_843, %parallel_loop3A_844], %parallel_loop3A_847 {add = true, strides = array<i32>} : memref<32x768xf32, #tpu.memory_space<vmem>>, vector<1x16xf32>,
        %parallel_loop3A_848 = arith.constant 2 : i32
        %parallel_loop3A_849 = arith.muli %parallel_loop3A_848, %parallel_loop3A_249 : i32
        %parallel_loop3A_850 = arith.constant 1 : i32
        %parallel_loop3A_851 = arith.addi %parallel_loop3A_849, %parallel_loop3A_850 : i32
        %parallel_loop3A_852 = arith.index_cast %parallel_loop3A_851 : i32 to index
        %parallel_loop3A_853 = arith.constant 352 : index
        %parallel_loop3A_854 = tpu.vector_load %arg10[%parallel_loop3A_852, %parallel_loop3A_853] {strides = array<i32>} : memref<64x384xf32, #tpu.memory_space<vmem>>, vector<1x16xf32>,
        %parallel_loop3A_855 = vector.shape_cast %parallel_loop3A_854 : vector<1x16xf32> to vector<16xf32>
        %parallel_loop3A_856 = arith.index_cast %parallel_loop3A_249 : i32 to index
        %parallel_loop3A_857 = arith.constant 736 : index
        %parallel_loop3A_858 = tpu.vector_load %arg8[%parallel_loop3A_856, %parallel_loop3A_857] {strides = array<i32>} : memref<32x768xf32, #tpu.memory_space<vmem>>, vector<1x16xf32>,
        %parallel_loop3A_859 = vector.shape_cast %parallel_loop3A_858 : vector<1x16xf32> to vector<16xf32>
        %parallel_loop3A_860 = vector.shape_cast %parallel_loop3A_855 : vector<16xf32> to vector<1x16xf32>
        tpu.vector_store %arg8[%parallel_loop3A_856, %parallel_loop3A_857], %parallel_loop3A_860 {add = true, strides = array<i32>} : memref<32x768xf32, #tpu.memory_space<vmem>>, vector<1x16xf32>,
        %parallel_loop3A_861 = arith.constant 2 : i32
        %parallel_loop3A_862 = arith.muli %parallel_loop3A_861, %parallel_loop3A_249 : i32
        %parallel_loop3A_863 = arith.constant 1 : i32
        %parallel_loop3A_864 = arith.addi %parallel_loop3A_862, %parallel_loop3A_863 : i32
        %parallel_loop3A_865 = arith.index_cast %parallel_loop3A_864 : i32 to index
        %parallel_loop3A_866 = arith.constant 368 : index
        %parallel_loop3A_867 = tpu.vector_load %arg10[%parallel_loop3A_865, %parallel_loop3A_866] {strides = array<i32>} : memref<64x384xf32, #tpu.memory_space<vmem>>, vector<1x16xf32>,
        %parallel_loop3A_868 = vector.shape_cast %parallel_loop3A_867 : vector<1x16xf32> to vector<16xf32>
        %parallel_loop3A_869 = arith.index_cast %parallel_loop3A_249 : i32 to index
        %parallel_loop3A_870 = arith.constant 752 : index
        %parallel_loop3A_871 = tpu.vector_load %arg8[%parallel_loop3A_869, %parallel_loop3A_870] {strides = array<i32>} : memref<32x768xf32, #tpu.memory_space<vmem>>, vector<1x16xf32>,
        %parallel_loop3A_872 = vector.shape_cast %parallel_loop3A_871 : vector<1x16xf32> to vector<16xf32>
        %parallel_loop3A_873 = vector.shape_cast %parallel_loop3A_868 : vector<16xf32> to vector<1x16xf32>
        tpu.vector_store %arg8[%parallel_loop3A_869, %parallel_loop3A_870], %parallel_loop3A_873 {add = true, strides = array<i32>} : memref<32x768xf32, #tpu.memory_space<vmem>>, vector<1x16xf32>,
      } {sc.loop_unroll_factor = 1 : i64, sc.parallel_access}
      %mul3A_181 = arith.constant 32 : i32
      %mul3A_182 = arith.muli %sub3A_162, %mul3A_181 : i32
      %add3A_183 = arith.addi %mul3A_32, %mul3A_182 : i32
      %dma_start3A_184 = arith.constant 0 : i32
      %dma_start3A_185 = tpu.memref_slice %arg5[%select_n3A, %add3A_183, %dma_start3A_184] : memref<4x4096x768xf32, #tpu.memory_space<hbm>> -> memref<1x32x768xf32, #tpu.memory_space<hbm>>
      %dma_start3A_186 = tpu.memref_squeeze %dma_start3A_185 : memref<1x32x768xf32, #tpu.memory_space<hbm>> -> memref<32x768xf32, #tpu.memory_space<hbm>>
      %dma_start3A_187 = arith.constant 0 : i32
      %dma_start3A_188 = tpu.memref_slice %arg5[%select_n3A, %add3A_183, %dma_start3A_187] : memref<4x4096x768xf32, #tpu.memory_space<hbm>> -> memref<1x32x768xf32, #tpu.memory_space<hbm>>
      %dma_start3A_189 = tpu.memref_squeeze %dma_start3A_188 : memref<1x32x768xf32, #tpu.memory_space<hbm>> -> memref<32x768xf32, #tpu.memory_space<hbm>>
      tpu.enqueue_dma source(%arg8 : memref<32x768xf32, #tpu.memory_space<vmem>>) target(%dma_start3A_189 : memref<32x768xf32, #tpu.memory_space<hbm>>) target_semaphore(%arg16 : memref<!tpu.dma_semaphore, #tpu.memory_space<semaphore_mem>>)
      %add3A_190 = arith.constant 2 : i32
      %add3A_191 = arith.addi %add3A_130, %add3A_190 : i32
      %add3A_192 = arith.constant 1 : i32
      %add3A_193 = arith.addi %add3A_191, %add3A_192 : i32
      %sub3A_194 = arith.constant 2 : i32
      %sub3A_195 = arith.subi %add3A_193, %sub3A_194 : i32
      %mul3A_196 = arith.constant 32 : i32
      %mul3A_197 = arith.muli %sub3A_195, %mul3A_196 : i32
      %add3A_198 = arith.addi %mul3A_32, %mul3A_197 : i32
      %dma_wait3A_199 = arith.constant 0 : i32
      %dma_wait3A_200 = tpu.memref_slice %arg5[%select_n3A, %add3A_198, %dma_wait3A_199] : memref<4x4096x768xf32, #tpu.memory_space<hbm>> -> memref<1x32x768xf32, #tpu.memory_space<hbm>>
      %dma_wait3A_201 = tpu.memref_squeeze %dma_wait3A_200 : memref<1x32x768xf32, #tpu.memory_space<hbm>> -> memref<32x768xf32, #tpu.memory_space<hbm>>
      %dma_wait3A_202 = arith.constant 0 : i32
      %dma_wait3A_203 = tpu.memref_slice %arg5[%select_n3A, %add3A_198, %dma_wait3A_202] : memref<4x4096x768xf32, #tpu.memory_space<hbm>> -> memref<1x32x768xf32, #tpu.memory_space<hbm>>
      %dma_wait3A_204 = tpu.memref_squeeze %dma_wait3A_203 : memref<1x32x768xf32, #tpu.memory_space<hbm>> -> memref<32x768xf32, #tpu.memory_space<hbm>>
      tpu.wait_dma2 semaphore(%arg16 : memref<!tpu.dma_semaphore, #tpu.memory_space<semaphore_mem>>) src(%arg8 : memref<32x768xf32, #tpu.memory_space<vmem>>) dst(%dma_wait3A_204 : memref<32x768xf32, #tpu.memory_space<hbm>>)
      %mul3A_205 = arith.constant 64 : i32
      %mul3A_206 = arith.muli %add3A_193, %mul3A_205 : i32
      %dma_start3A_207 = tpu.memref_slice %arg6[%mul3A_206] : memref<1024xi32, #tpu.memory_space<vmem>> -> memref<64xi32, #tpu.memory_space<vmem>>
      %dma_start3A_208 = arith.constant 0 : i32
      %dma_start3A_209 = arith.constant 0 : i32
      %dma_start3A_210 = tpu.memref_slice %arg4[%dma_start3A_208, %dma_start3A_209] : memref<4096x384xf32, #tpu.memory_space<hbm>> -> memref<4096x384xf32, #tpu.memory_space<hbm>>
      tpu.enqueue_indirect_dma source(%dma_start3A_210 : memref<4096x384xf32, #tpu.memory_space<hbm>>) target(%arg10 : memref<64x384xf32, #tpu.memory_space<vmem>>) offsets(%dma_start3A_207 : memref<64xi32, #tpu.memory_space<vmem>>) semaphore(%arg12 : memref<!tpu.dma_semaphore, #tpu.memory_space<semaphore_mem>>)
      %mul3A_211 = arith.constant 32 : i32
      %mul3A_212 = arith.muli %add3A_193, %mul3A_211 : i32
      %add3A_213 = arith.addi %mul3A_32, %mul3A_212 : i32
      %dma_start3A_214 = arith.constant 0 : i32
      %dma_start3A_215 = tpu.memref_slice %arg2[%select_n3A, %add3A_213, %dma_start3A_214] : memref<4x4096x768xf32, #tpu.memory_space<hbm>> -> memref<1x32x768xf32, #tpu.memory_space<hbm>>
      %dma_start3A_216 = tpu.memref_squeeze %dma_start3A_215 : memref<1x32x768xf32, #tpu.memory_space<hbm>> -> memref<32x768xf32, #tpu.memory_space<hbm>>
      %dma_start3A_217 = arith.constant 0 : i32
      %dma_start3A_218 = tpu.memref_slice %arg2[%select_n3A, %add3A_213, %dma_start3A_217] : memref<4x4096x768xf32, #tpu.memory_space<hbm>> -> memref<1x32x768xf32, #tpu.memory_space<hbm>>
      %dma_start3A_219 = tpu.memref_squeeze %dma_start3A_218 : memref<1x32x768xf32, #tpu.memory_space<hbm>> -> memref<32x768xf32, #tpu.memory_space<hbm>>
      tpu.enqueue_dma source(%dma_start3A_219 : memref<32x768xf32, #tpu.memory_space<hbm>>) target(%arg8 : memref<32x768xf32, #tpu.memory_space<vmem>>) target_semaphore(%arg14 : memref<!tpu.dma_semaphore, #tpu.memory_space<semaphore_mem>>)
      %sub3A_220 = arith.constant 1 : i32
      %sub3A_221 = arith.subi %add3A_193, %sub3A_220 : i32
      %mul3A_222 = arith.constant 64 : i32
      %mul3A_223 = arith.muli %sub3A_221, %mul3A_222 : i32
      %dma_wait3A_224 = tpu.memref_slice %arg6[%mul3A_223] : memref<1024xi32, #tpu.memory_space<vmem>> -> memref<64xi32, #tpu.memory_space<vmem>>
      %dma_wait3A_225 = arith.constant 0 : i32
      %dma_wait3A_226 = arith.constant 0 : i32
      %dma_wait3A_227 = tpu.memref_slice %arg4[%dma_wait3A_225, %dma_wait3A_226] : memref<4096x384xf32, #tpu.memory_space<hbm>> -> memref<4096x384xf32, #tpu.memory_space<hbm>>
      tpu.wait_indirect_dma semaphore(%arg11 : memref<!tpu.dma_semaphore, #tpu.memory_space<semaphore_mem>>) src(%dma_wait3A_227 : memref<4096x384xf32, #tpu.memory_space<hbm>>) dst(%arg9 : memref<64x384xf32, #tpu.memory_space<vmem>>)
      %mul3A_228 = arith.constant 32 : i32
      %mul3A_229 = arith.muli %sub3A_221, %mul3A_228 : i32
      %add3A_230 = arith.addi %mul3A_32, %mul3A_229 : i32
      %dma_wait3A_231 = arith.constant 0 : i32
      %dma_wait3A_232 = tpu.memref_slice %arg2[%select_n3A, %add3A_230, %dma_wait3A_231] : memref<4x4096x768xf32, #tpu.memory_space<hbm>> -> memref<1x32x768xf32, #tpu.memory_space<hbm>>
      %dma_wait3A_233 = tpu.memref_squeeze %dma_wait3A_232 : memref<1x32x768xf32, #tpu.memory_space<hbm>> -> memref<32x768xf32, #tpu.memory_space<hbm>>
      %dma_wait3A_234 = arith.constant 0 : i32
      %dma_wait3A_235 = tpu.memref_slice %arg2[%select_n3A, %add3A_230, %dma_wait3A_234] : memref<4x4096x768xf32, #tpu.memory_space<hbm>> -> memref<1x32x768xf32, #tpu.memory_space<hbm>>
      %dma_wait3A_236 = tpu.memref_squeeze %dma_wait3A_235 : memref<1x32x768xf32, #tpu.memory_space<hbm>> -> memref<32x768xf32, #tpu.memory_space<hbm>>
      tpu.wait_dma2 semaphore(%arg13 : memref<!tpu.dma_semaphore, #tpu.memory_space<semaphore_mem>>) src(%dma_wait3A_236 : memref<32x768xf32, #tpu.memory_space<hbm>>) dst(%arg7 : memref<32x768xf32, #tpu.memory_space<vmem>>)
      %parallel_loop3A_237 = arith.constant 0 : i32
      %parallel_loop3A_238 = arith.constant 32 : i32
      %parallel_loop3A_239 = arith.constant 1 : i32
      scf.for %parallel_loop3A_249 = %parallel_loop3A_237 to %parallel_loop3A_238 step %parallel_loop3A_239  : i32 {
        %parallel_loop3A_250 = arith.constant 2 : i32
        %parallel_loop3A_251 = arith.muli %parallel_loop3A_250, %parallel_loop3A_249 : i32
        %parallel_loop3A_252 = arith.constant 0 : i32
        %parallel_loop3A_253 = arith.addi %parallel_loop3A_251, %parallel_loop3A_252 : i32
        %parallel_loop3A_254 = arith.index_cast %parallel_loop3A_253 : i32 to index
        %parallel_loop3A_255 = arith.constant 0 : index
        %parallel_loop3A_256 = tpu.vector_load %arg9[%parallel_loop3A_254, %parallel_loop3A_255] {strides = array<i32>} : memref<64x384xf32, #tpu.memory_space<vmem>>, vector<1x16xf32>,
        %parallel_loop3A_257 = vector.shape_cast %parallel_loop3A_256 : vector<1x16xf32> to vector<16xf32>
        %parallel_loop3A_258 = arith.index_cast %parallel_loop3A_249 : i32 to index
        %parallel_loop3A_259 = arith.constant 0 : index
        %parallel_loop3A_260 = tpu.vector_load %arg7[%parallel_loop3A_258, %parallel_loop3A_259] {strides = array<i32>} : memref<32x768xf32, #tpu.memory_space<vmem>>, vector<1x16xf32>,
        %parallel_loop3A_261 = vector.shape_cast %parallel_loop3A_260 : vector<1x16xf32> to vector<16xf32>
        %parallel_loop3A_262 = vector.shape_cast %parallel_loop3A_257 : vector<16xf32> to vector<1x16xf32>
        tpu.vector_store %arg7[%parallel_loop3A_258, %parallel_loop3A_259], %parallel_loop3A_262 {add = true, strides = array<i32>} : memref<32x768xf32, #tpu.memory_space<vmem>>, vector<1x16xf32>,
        %parallel_loop3A_263 = arith.constant 2 : i32
        %parallel_loop3A_264 = arith.muli %parallel_loop3A_263, %parallel_loop3A_249 : i32
        %parallel_loop3A_265 = arith.constant 0 : i32
        %parallel_loop3A_266 = arith.addi %parallel_loop3A_264, %parallel_loop3A_265 : i32
        %parallel_loop3A_267 = arith.index_cast %parallel_loop3A_266 : i32 to index
        %parallel_loop3A_268 = arith.constant 16 : index
        %parallel_loop3A_269 = tpu.vector_load %arg9[%parallel_loop3A_267, %parallel_loop3A_268] {strides = array<i32>} : memref<64x384xf32, #tpu.memory_space<vmem>>, vector<1x16xf32>,
        %parallel_loop3A_270 = vector.shape_cast %parallel_loop3A_269 : vector<1x16xf32> to vector<16xf32>
        %parallel_loop3A_271 = arith.index_cast %parallel_loop3A_249 : i32 to index
        %parallel_loop3A_272 = arith.constant 16 : index
        %parallel_loop3A_273 = tpu.vector_load %arg7[%parallel_loop3A_271, %parallel_loop3A_272] {strides = array<i32>} : memref<32x768xf32, #tpu.memory_space<vmem>>, vector<1x16xf32>,
        %parallel_loop3A_274 = vector.shape_cast %parallel_loop3A_273 : vector<1x16xf32> to vector<16xf32>
        %parallel_loop3A_275 = vector.shape_cast %parallel_loop3A_270 : vector<16xf32> to vector<1x16xf32>
        tpu.vector_store %arg7[%parallel_loop3A_271, %parallel_loop3A_272], %parallel_loop3A_275 {add = true, strides = array<i32>} : memref<32x768xf32, #tpu.memory_space<vmem>>, vector<1x16xf32>,
        %parallel_loop3A_276 = arith.constant 2 : i32
        %parallel_loop3A_277 = arith.muli %parallel_loop3A_276, %parallel_loop3A_249 : i32
        %parallel_loop3A_278 = arith.constant 0 : i32
        %parallel_loop3A_279 = arith.addi %parallel_loop3A_277, %parallel_loop3A_278 : i32
        %parallel_loop3A_280 = arith.index_cast %parallel_loop3A_279 : i32 to index
        %parallel_loop3A_281 = arith.constant 32 : index
        %parallel_loop3A_282 = tpu.vector_load %arg9[%parallel_loop3A_280, %parallel_loop3A_281] {strides = array<i32>} : memref<64x384xf32, #tpu.memory_space<vmem>>, vector<1x16xf32>,
        %parallel_loop3A_283 = vector.shape_cast %parallel_loop3A_282 : vector<1x16xf32> to vector<16xf32>
        %parallel_loop3A_284 = arith.index_cast %parallel_loop3A_249 : i32 to index
        %parallel_loop3A_285 = arith.constant 32 : index
        %parallel_loop3A_286 = tpu.vector_load %arg7[%parallel_loop3A_284, %parallel_loop3A_285] {strides = array<i32>} : memref<32x768xf32, #tpu.memory_space<vmem>>, vector<1x16xf32>,
        %parallel_loop3A_287 = vector.shape_cast %parallel_loop3A_286 : vector<1x16xf32> to vector<16xf32>
        %parallel_loop3A_288 = vector.shape_cast %parallel_loop3A_283 : vector<16xf32> to vector<1x16xf32>
        tpu.vector_store %arg7[%parallel_loop3A_284, %parallel_loop3A_285], %parallel_loop3A_288 {add = true, strides = array<i32>} : memref<32x768xf32, #tpu.memory_space<vmem>>, vector<1x16xf32>,
        %parallel_loop3A_289 = arith.constant 2 : i32
        %parallel_loop3A_290 = arith.muli %parallel_loop3A_289, %parallel_loop3A_249 : i32
        %parallel_loop3A_291 = arith.constant 0 : i32
        %parallel_loop3A_292 = arith.addi %parallel_loop3A_290, %parallel_loop3A_291 : i32
        %parallel_loop3A_293 = arith.index_cast %parallel_loop3A_292 : i32 to index
        %parallel_loop3A_294 = arith.constant 48 : index
        %parallel_loop3A_295 = tpu.vector_load %arg9[%parallel_loop3A_293, %parallel_loop3A_294] {strides = array<i32>} : memref<64x384xf32, #tpu.memory_space<vmem>>, vector<1x16xf32>,
        %parallel_loop3A_296 = vector.shape_cast %parallel_loop3A_295 : vector<1x16xf32> to vector<16xf32>
        %parallel_loop3A_297 = arith.index_cast %parallel_loop3A_249 : i32 to index
        %parallel_loop3A_298 = arith.constant 48 : index
        %parallel_loop3A_299 = tpu.vector_load %arg7[%parallel_loop3A_297, %parallel_loop3A_298] {strides = array<i32>} : memref<32x768xf32, #tpu.memory_space<vmem>>, vector<1x16xf32>,
        %parallel_loop3A_300 = vector.shape_cast %parallel_loop3A_299 : vector<1x16xf32> to vector<16xf32>
        %parallel_loop3A_301 = vector.shape_cast %parallel_loop3A_296 : vector<16xf32> to vector<1x16xf32>
        tpu.vector_store %arg7[%parallel_loop3A_297, %parallel_loop3A_298], %parallel_loop3A_301 {add = true, strides = array<i32>} : memref<32x768xf32, #tpu.memory_space<vmem>>, vector<1x16xf32>,
        %parallel_loop3A_302 = arith.constant 2 : i32
        %parallel_loop3A_303 = arith.muli %parallel_loop3A_302, %parallel_loop3A_249 : i32
        %parallel_loop3A_304 = arith.constant 0 : i32
        %parallel_loop3A_305 = arith.addi %parallel_loop3A_303, %parallel_loop3A_304 : i32
        %parallel_loop3A_306 = arith.index_cast %parallel_loop3A_305 : i32 to index
        %parallel_loop3A_307 = arith.constant 64 : index
        %parallel_loop3A_308 = tpu.vector_load %arg9[%parallel_loop3A_306, %parallel_loop3A_307] {strides = array<i32>} : memref<64x384xf32, #tpu.memory_space<vmem>>, vector<1x16xf32>,
        %parallel_loop3A_309 = vector.shape_cast %parallel_loop3A_308 : vector<1x16xf32> to vector<16xf32>
        %parallel_loop3A_310 = arith.index_cast %parallel_loop3A_249 : i32 to index
        %parallel_loop3A_311 = arith.constant 64 : index
        %parallel_loop3A_312 = tpu.vector_load %arg7[%parallel_loop3A_310, %parallel_loop3A_311] {strides = array<i32>} : memref<32x768xf32, #tpu.memory_space<vmem>>, vector<1x16xf32>,
        %parallel_loop3A_313 = vector.shape_cast %parallel_loop3A_312 : vector<1x16xf32> to vector<16xf32>
        %parallel_loop3A_314 = vector.shape_cast %parallel_loop3A_309 : vector<16xf32> to vector<1x16xf32>
        tpu.vector_store %arg7[%parallel_loop3A_310, %parallel_loop3A_311], %parallel_loop3A_314 {add = true, strides = array<i32>} : memref<32x768xf32, #tpu.memory_space<vmem>>, vector<1x16xf32>,
        %parallel_loop3A_315 = arith.constant 2 : i32
        %parallel_loop3A_316 = arith.muli %parallel_loop3A_315, %parallel_loop3A_249 : i32
        %parallel_loop3A_317 = arith.constant 0 : i32
        %parallel_loop3A_318 = arith.addi %parallel_loop3A_316, %parallel_loop3A_317 : i32
        %parallel_loop3A_319 = arith.index_cast %parallel_loop3A_318 : i32 to index
        %parallel_loop3A_320 = arith.constant 80 : index
        %parallel_loop3A_321 = tpu.vector_load %arg9[%parallel_loop3A_319, %parallel_loop3A_320] {strides = array<i32>} : memref<64x384xf32, #tpu.memory_space<vmem>>, vector<1x16xf32>,
        %parallel_loop3A_322 = vector.shape_cast %parallel_loop3A_321 : vector<1x16xf32> to vector<16xf32>
        %parallel_loop3A_323 = arith.index_cast %parallel_loop3A_249 : i32 to index
        %parallel_loop3A_324 = arith.constant 80 : index
        %parallel_loop3A_325 = tpu.vector_load %arg7[%parallel_loop3A_323, %parallel_loop3A_324] {strides = array<i32>} : memref<32x768xf32, #tpu.memory_space<vmem>>, vector<1x16xf32>,
        %parallel_loop3A_326 = vector.shape_cast %parallel_loop3A_325 : vector<1x16xf32> to vector<16xf32>
        %parallel_loop3A_327 = vector.shape_cast %parallel_loop3A_322 : vector<16xf32> to vector<1x16xf32>
        tpu.vector_store %arg7[%parallel_loop3A_323, %parallel_loop3A_324], %parallel_loop3A_327 {add = true, strides = array<i32>} : memref<32x768xf32, #tpu.memory_space<vmem>>, vector<1x16xf32>,
        %parallel_loop3A_328 = arith.constant 2 : i32
        %parallel_loop3A_329 = arith.muli %parallel_loop3A_328, %parallel_loop3A_249 : i32
        %parallel_loop3A_330 = arith.constant 0 : i32
        %parallel_loop3A_331 = arith.addi %parallel_loop3A_329, %parallel_loop3A_330 : i32
        %parallel_loop3A_332 = arith.index_cast %parallel_loop3A_331 : i32 to index
        %parallel_loop3A_333 = arith.constant 96 : index
        %parallel_loop3A_334 = tpu.vector_load %arg9[%parallel_loop3A_332, %parallel_loop3A_333] {strides = array<i32>} : memref<64x384xf32, #tpu.memory_space<vmem>>, vector<1x16xf32>,
        %parallel_loop3A_335 = vector.shape_cast %parallel_loop3A_334 : vector<1x16xf32> to vector<16xf32>
        %parallel_loop3A_336 = arith.index_cast %parallel_loop3A_249 : i32 to index
        %parallel_loop3A_337 = arith.constant 96 : index
        %parallel_loop3A_338 = tpu.vector_load %arg7[%parallel_loop3A_336, %parallel_loop3A_337] {strides = array<i32>} : memref<32x768xf32, #tpu.memory_space<vmem>>, vector<1x16xf32>,
        %parallel_loop3A_339 = vector.shape_cast %parallel_loop3A_338 : vector<1x16xf32> to vector<16xf32>
        %parallel_loop3A_340 = vector.shape_cast %parallel_loop3A_335 : vector<16xf32> to vector<1x16xf32>
        tpu.vector_store %arg7[%parallel_loop3A_336, %parallel_loop3A_337], %parallel_loop3A_340 {add = true, strides = array<i32>} : memref<32x768xf32, #tpu.memory_space<vmem>>, vector<1x16xf32>,
        %parallel_loop3A_341 = arith.constant 2 : i32
        %parallel_loop3A_342 = arith.muli %parallel_loop3A_341, %parallel_loop3A_249 : i32
        %parallel_loop3A_343 = arith.constant 0 : i32
        %parallel_loop3A_344 = arith.addi %parallel_loop3A_342, %parallel_loop3A_343 : i32
        %parallel_loop3A_345 = arith.index_cast %parallel_loop3A_344 : i32 to index
        %parallel_loop3A_346 = arith.constant 112 : index
        %parallel_loop3A_347 = tpu.vector_load %arg9[%parallel_loop3A_345, %parallel_loop3A_346] {strides = array<i32>} : memref<64x384xf32, #tpu.memory_space<vmem>>, vector<1x16xf32>,
        %parallel_loop3A_348 = vector.shape_cast %parallel_loop3A_347 : vector<1x16xf32> to vector<16xf32>
        %parallel_loop3A_349 = arith.index_cast %parallel_loop3A_249 : i32 to index
        %parallel_loop3A_350 = arith.constant 112 : index
        %parallel_loop3A_351 = tpu.vector_load %arg7[%parallel_loop3A_349, %parallel_loop3A_350] {strides = array<i32>} : memref<32x768xf32, #tpu.memory_space<vmem>>, vector<1x16xf32>,
        %parallel_loop3A_352 = vector.shape_cast %parallel_loop3A_351 : vector<1x16xf32> to vector<16xf32>
        %parallel_loop3A_353 = vector.shape_cast %parallel_loop3A_348 : vector<16xf32> to vector<1x16xf32>
        tpu.vector_store %arg7[%parallel_loop3A_349, %parallel_loop3A_350], %parallel_loop3A_353 {add = true, strides = array<i32>} : memref<32x768xf32, #tpu.memory_space<vmem>>, vector<1x16xf32>,
        %parallel_loop3A_354 = arith.constant 2 : i32
        %parallel_loop3A_355 = arith.muli %parallel_loop3A_354, %parallel_loop3A_249 : i32
        %parallel_loop3A_356 = arith.constant 0 : i32
        %parallel_loop3A_357 = arith.addi %parallel_loop3A_355, %parallel_loop3A_356 : i32
        %parallel_loop3A_358 = arith.index_cast %parallel_loop3A_357 : i32 to index
        %parallel_loop3A_359 = arith.constant 128 : index
        %parallel_loop3A_360 = tpu.vector_load %arg9[%parallel_loop3A_358, %parallel_loop3A_359] {strides = array<i32>} : memref<64x384xf32, #tpu.memory_space<vmem>>, vector<1x16xf32>,
        %parallel_loop3A_361 = vector.shape_cast %parallel_loop3A_360 : vector<1x16xf32> to vector<16xf32>
        %parallel_loop3A_362 = arith.index_cast %parallel_loop3A_249 : i32 to index
        %parallel_loop3A_363 = arith.constant 128 : index
        %parallel_loop3A_364 = tpu.vector_load %arg7[%parallel_loop3A_362, %parallel_loop3A_363] {strides = array<i32>} : memref<32x768xf32, #tpu.memory_space<vmem>>, vector<1x16xf32>,
        %parallel_loop3A_365 = vector.shape_cast %parallel_loop3A_364 : vector<1x16xf32> to vector<16xf32>
        %parallel_loop3A_366 = vector.shape_cast %parallel_loop3A_361 : vector<16xf32> to vector<1x16xf32>
        tpu.vector_store %arg7[%parallel_loop3A_362, %parallel_loop3A_363], %parallel_loop3A_366 {add = true, strides = array<i32>} : memref<32x768xf32, #tpu.memory_space<vmem>>, vector<1x16xf32>,
        %parallel_loop3A_367 = arith.constant 2 : i32
        %parallel_loop3A_368 = arith.muli %parallel_loop3A_367, %parallel_loop3A_249 : i32
        %parallel_loop3A_369 = arith.constant 0 : i32
        %parallel_loop3A_370 = arith.addi %parallel_loop3A_368, %parallel_loop3A_369 : i32
        %parallel_loop3A_371 = arith.index_cast %parallel_loop3A_370 : i32 to index
        %parallel_loop3A_372 = arith.constant 144 : index
        %parallel_loop3A_373 = tpu.vector_load %arg9[%parallel_loop3A_371, %parallel_loop3A_372] {strides = array<i32>} : memref<64x384xf32, #tpu.memory_space<vmem>>, vector<1x16xf32>,
        %parallel_loop3A_374 = vector.shape_cast %parallel_loop3A_373 : vector<1x16xf32> to vector<16xf32>
        %parallel_loop3A_375 = arith.index_cast %parallel_loop3A_249 : i32 to index
        %parallel_loop3A_376 = arith.constant 144 : index
        %parallel_loop3A_377 = tpu.vector_load %arg7[%parallel_loop3A_375, %parallel_loop3A_376] {strides = array<i32>} : memref<32x768xf32, #tpu.memory_space<vmem>>, vector<1x16xf32>,
        %parallel_loop3A_378 = vector.shape_cast %parallel_loop3A_377 : vector<1x16xf32> to vector<16xf32>
        %parallel_loop3A_379 = vector.shape_cast %parallel_loop3A_374 : vector<16xf32> to vector<1x16xf32>
        tpu.vector_store %arg7[%parallel_loop3A_375, %parallel_loop3A_376], %parallel_loop3A_379 {add = true, strides = array<i32>} : memref<32x768xf32, #tpu.memory_space<vmem>>, vector<1x16xf32>,
        %parallel_loop3A_380 = arith.constant 2 : i32
        %parallel_loop3A_381 = arith.muli %parallel_loop3A_380, %parallel_loop3A_249 : i32
        %parallel_loop3A_382 = arith.constant 0 : i32
        %parallel_loop3A_383 = arith.addi %parallel_loop3A_381, %parallel_loop3A_382 : i32
        %parallel_loop3A_384 = arith.index_cast %parallel_loop3A_383 : i32 to index
        %parallel_loop3A_385 = arith.constant 160 : index
        %parallel_loop3A_386 = tpu.vector_load %arg9[%parallel_loop3A_384, %parallel_loop3A_385] {strides = array<i32>} : memref<64x384xf32, #tpu.memory_space<vmem>>, vector<1x16xf32>,
        %parallel_loop3A_387 = vector.shape_cast %parallel_loop3A_386 : vector<1x16xf32> to vector<16xf32>
        %parallel_loop3A_388 = arith.index_cast %parallel_loop3A_249 : i32 to index
        %parallel_loop3A_389 = arith.constant 160 : index
        %parallel_loop3A_390 = tpu.vector_load %arg7[%parallel_loop3A_388, %parallel_loop3A_389] {strides = array<i32>} : memref<32x768xf32, #tpu.memory_space<vmem>>, vector<1x16xf32>,
        %parallel_loop3A_391 = vector.shape_cast %parallel_loop3A_390 : vector<1x16xf32> to vector<16xf32>
        %parallel_loop3A_392 = vector.shape_cast %parallel_loop3A_387 : vector<16xf32> to vector<1x16xf32>
        tpu.vector_store %arg7[%parallel_loop3A_388, %parallel_loop3A_389], %parallel_loop3A_392 {add = true, strides = array<i32>} : memref<32x768xf32, #tpu.memory_space<vmem>>, vector<1x16xf32>,
        %parallel_loop3A_393 = arith.constant 2 : i32
        %parallel_loop3A_394 = arith.muli %parallel_loop3A_393, %parallel_loop3A_249 : i32
        %parallel_loop3A_395 = arith.constant 0 : i32
        %parallel_loop3A_396 = arith.addi %parallel_loop3A_394, %parallel_loop3A_395 : i32
        %parallel_loop3A_397 = arith.index_cast %parallel_loop3A_396 : i32 to index
        %parallel_loop3A_398 = arith.constant 176 : index
        %parallel_loop3A_399 = tpu.vector_load %arg9[%parallel_loop3A_397, %parallel_loop3A_398] {strides = array<i32>} : memref<64x384xf32, #tpu.memory_space<vmem>>, vector<1x16xf32>,
        %parallel_loop3A_400 = vector.shape_cast %parallel_loop3A_399 : vector<1x16xf32> to vector<16xf32>
        %parallel_loop3A_401 = arith.index_cast %parallel_loop3A_249 : i32 to index
        %parallel_loop3A_402 = arith.constant 176 : index
        %parallel_loop3A_403 = tpu.vector_load %arg7[%parallel_loop3A_401, %parallel_loop3A_402] {strides = array<i32>} : memref<32x768xf32, #tpu.memory_space<vmem>>, vector<1x16xf32>,
        %parallel_loop3A_404 = vector.shape_cast %parallel_loop3A_403 : vector<1x16xf32> to vector<16xf32>
        %parallel_loop3A_405 = vector.shape_cast %parallel_loop3A_400 : vector<16xf32> to vector<1x16xf32>
        tpu.vector_store %arg7[%parallel_loop3A_401, %parallel_loop3A_402], %parallel_loop3A_405 {add = true, strides = array<i32>} : memref<32x768xf32, #tpu.memory_space<vmem>>, vector<1x16xf32>,
        %parallel_loop3A_406 = arith.constant 2 : i32
        %parallel_loop3A_407 = arith.muli %parallel_loop3A_406, %parallel_loop3A_249 : i32
        %parallel_loop3A_408 = arith.constant 0 : i32
        %parallel_loop3A_409 = arith.addi %parallel_loop3A_407, %parallel_loop3A_408 : i32
        %parallel_loop3A_410 = arith.index_cast %parallel_loop3A_409 : i32 to index
        %parallel_loop3A_411 = arith.constant 192 : index
        %parallel_loop3A_412 = tpu.vector_load %arg9[%parallel_loop3A_410, %parallel_loop3A_411] {strides = array<i32>} : memref<64x384xf32, #tpu.memory_space<vmem>>, vector<1x16xf32>,
        %parallel_loop3A_413 = vector.shape_cast %parallel_loop3A_412 : vector<1x16xf32> to vector<16xf32>
        %parallel_loop3A_414 = arith.index_cast %parallel_loop3A_249 : i32 to index
        %parallel_loop3A_415 = arith.constant 192 : index
        %parallel_loop3A_416 = tpu.vector_load %arg7[%parallel_loop3A_414, %parallel_loop3A_415] {strides = array<i32>} : memref<32x768xf32, #tpu.memory_space<vmem>>, vector<1x16xf32>,
        %parallel_loop3A_417 = vector.shape_cast %parallel_loop3A_416 : vector<1x16xf32> to vector<16xf32>
        %parallel_loop3A_418 = vector.shape_cast %parallel_loop3A_413 : vector<16xf32> to vector<1x16xf32>
        tpu.vector_store %arg7[%parallel_loop3A_414, %parallel_loop3A_415], %parallel_loop3A_418 {add = true, strides = array<i32>} : memref<32x768xf32, #tpu.memory_space<vmem>>, vector<1x16xf32>,
        %parallel_loop3A_419 = arith.constant 2 : i32
        %parallel_loop3A_420 = arith.muli %parallel_loop3A_419, %parallel_loop3A_249 : i32
        %parallel_loop3A_421 = arith.constant 0 : i32
        %parallel_loop3A_422 = arith.addi %parallel_loop3A_420, %parallel_loop3A_421 : i32
        %parallel_loop3A_423 = arith.index_cast %parallel_loop3A_422 : i32 to index
        %parallel_loop3A_424 = arith.constant 208 : index
        %parallel_loop3A_425 = tpu.vector_load %arg9[%parallel_loop3A_423, %parallel_loop3A_424] {strides = array<i32>} : memref<64x384xf32, #tpu.memory_space<vmem>>, vector<1x16xf32>,
        %parallel_loop3A_426 = vector.shape_cast %parallel_loop3A_425 : vector<1x16xf32> to vector<16xf32>
        %parallel_loop3A_427 = arith.index_cast %parallel_loop3A_249 : i32 to index
        %parallel_loop3A_428 = arith.constant 208 : index
        %parallel_loop3A_429 = tpu.vector_load %arg7[%parallel_loop3A_427, %parallel_loop3A_428] {strides = array<i32>} : memref<32x768xf32, #tpu.memory_space<vmem>>, vector<1x16xf32>,
        %parallel_loop3A_430 = vector.shape_cast %parallel_loop3A_429 : vector<1x16xf32> to vector<16xf32>
        %parallel_loop3A_431 = vector.shape_cast %parallel_loop3A_426 : vector<16xf32> to vector<1x16xf32>
        tpu.vector_store %arg7[%parallel_loop3A_427, %parallel_loop3A_428], %parallel_loop3A_431 {add = true, strides = array<i32>} : memref<32x768xf32, #tpu.memory_space<vmem>>, vector<1x16xf32>,
        %parallel_loop3A_432 = arith.constant 2 : i32
        %parallel_loop3A_433 = arith.muli %parallel_loop3A_432, %parallel_loop3A_249 : i32
        %parallel_loop3A_434 = arith.constant 0 : i32
        %parallel_loop3A_435 = arith.addi %parallel_loop3A_433, %parallel_loop3A_434 : i32
        %parallel_loop3A_436 = arith.index_cast %parallel_loop3A_435 : i32 to index
        %parallel_loop3A_437 = arith.constant 224 : index
        %parallel_loop3A_438 = tpu.vector_load %arg9[%parallel_loop3A_436, %parallel_loop3A_437] {strides = array<i32>} : memref<64x384xf32, #tpu.memory_space<vmem>>, vector<1x16xf32>,
        %parallel_loop3A_439 = vector.shape_cast %parallel_loop3A_438 : vector<1x16xf32> to vector<16xf32>
        %parallel_loop3A_440 = arith.index_cast %parallel_loop3A_249 : i32 to index
        %parallel_loop3A_441 = arith.constant 224 : index
        %parallel_loop3A_442 = tpu.vector_load %arg7[%parallel_loop3A_440, %parallel_loop3A_441] {strides = array<i32>} : memref<32x768xf32, #tpu.memory_space<vmem>>, vector<1x16xf32>,
        %parallel_loop3A_443 = vector.shape_cast %parallel_loop3A_442 : vector<1x16xf32> to vector<16xf32>
        %parallel_loop3A_444 = vector.shape_cast %parallel_loop3A_439 : vector<16xf32> to vector<1x16xf32>
        tpu.vector_store %arg7[%parallel_loop3A_440, %parallel_loop3A_441], %parallel_loop3A_444 {add = true, strides = array<i32>} : memref<32x768xf32, #tpu.memory_space<vmem>>, vector<1x16xf32>,
        %parallel_loop3A_445 = arith.constant 2 : i32
        %parallel_loop3A_446 = arith.muli %parallel_loop3A_445, %parallel_loop3A_249 : i32
        %parallel_loop3A_447 = arith.constant 0 : i32
        %parallel_loop3A_448 = arith.addi %parallel_loop3A_446, %parallel_loop3A_447 : i32
        %parallel_loop3A_449 = arith.index_cast %parallel_loop3A_448 : i32 to index
        %parallel_loop3A_450 = arith.constant 240 : index
        %parallel_loop3A_451 = tpu.vector_load %arg9[%parallel_loop3A_449, %parallel_loop3A_450] {strides = array<i32>} : memref<64x384xf32, #tpu.memory_space<vmem>>, vector<1x16xf32>,
        %parallel_loop3A_452 = vector.shape_cast %parallel_loop3A_451 : vector<1x16xf32> to vector<16xf32>
        %parallel_loop3A_453 = arith.index_cast %parallel_loop3A_249 : i32 to index
        %parallel_loop3A_454 = arith.constant 240 : index
        %parallel_loop3A_455 = tpu.vector_load %arg7[%parallel_loop3A_453, %parallel_loop3A_454] {strides = array<i32>} : memref<32x768xf32, #tpu.memory_space<vmem>>, vector<1x16xf32>,
        %parallel_loop3A_456 = vector.shape_cast %parallel_loop3A_455 : vector<1x16xf32> to vector<16xf32>
        %parallel_loop3A_457 = vector.shape_cast %parallel_loop3A_452 : vector<16xf32> to vector<1x16xf32>
        tpu.vector_store %arg7[%parallel_loop3A_453, %parallel_loop3A_454], %parallel_loop3A_457 {add = true, strides = array<i32>} : memref<32x768xf32, #tpu.memory_space<vmem>>, vector<1x16xf32>,
        %parallel_loop3A_458 = arith.constant 2 : i32
        %parallel_loop3A_459 = arith.muli %parallel_loop3A_458, %parallel_loop3A_249 : i32
        %parallel_loop3A_460 = arith.constant 0 : i32
        %parallel_loop3A_461 = arith.addi %parallel_loop3A_459, %parallel_loop3A_460 : i32
        %parallel_loop3A_462 = arith.index_cast %parallel_loop3A_461 : i32 to index
        %parallel_loop3A_463 = arith.constant 256 : index
        %parallel_loop3A_464 = tpu.vector_load %arg9[%parallel_loop3A_462, %parallel_loop3A_463] {strides = array<i32>} : memref<64x384xf32, #tpu.memory_space<vmem>>, vector<1x16xf32>,
        %parallel_loop3A_465 = vector.shape_cast %parallel_loop3A_464 : vector<1x16xf32> to vector<16xf32>
        %parallel_loop3A_466 = arith.index_cast %parallel_loop3A_249 : i32 to index
        %parallel_loop3A_467 = arith.constant 256 : index
        %parallel_loop3A_468 = tpu.vector_load %arg7[%parallel_loop3A_466, %parallel_loop3A_467] {strides = array<i32>} : memref<32x768xf32, #tpu.memory_space<vmem>>, vector<1x16xf32>,
        %parallel_loop3A_469 = vector.shape_cast %parallel_loop3A_468 : vector<1x16xf32> to vector<16xf32>
        %parallel_loop3A_470 = vector.shape_cast %parallel_loop3A_465 : vector<16xf32> to vector<1x16xf32>
        tpu.vector_store %arg7[%parallel_loop3A_466, %parallel_loop3A_467], %parallel_loop3A_470 {add = true, strides = array<i32>} : memref<32x768xf32, #tpu.memory_space<vmem>>, vector<1x16xf32>,
        %parallel_loop3A_471 = arith.constant 2 : i32
        %parallel_loop3A_472 = arith.muli %parallel_loop3A_471, %parallel_loop3A_249 : i32
        %parallel_loop3A_473 = arith.constant 0 : i32
        %parallel_loop3A_474 = arith.addi %parallel_loop3A_472, %parallel_loop3A_473 : i32
        %parallel_loop3A_475 = arith.index_cast %parallel_loop3A_474 : i32 to index
        %parallel_loop3A_476 = arith.constant 272 : index
        %parallel_loop3A_477 = tpu.vector_load %arg9[%parallel_loop3A_475, %parallel_loop3A_476] {strides = array<i32>} : memref<64x384xf32, #tpu.memory_space<vmem>>, vector<1x16xf32>,
        %parallel_loop3A_478 = vector.shape_cast %parallel_loop3A_477 : vector<1x16xf32> to vector<16xf32>
        %parallel_loop3A_479 = arith.index_cast %parallel_loop3A_249 : i32 to index
        %parallel_loop3A_480 = arith.constant 272 : index
        %parallel_loop3A_481 = tpu.vector_load %arg7[%parallel_loop3A_479, %parallel_loop3A_480] {strides = array<i32>} : memref<32x768xf32, #tpu.memory_space<vmem>>, vector<1x16xf32>,
        %parallel_loop3A_482 = vector.shape_cast %parallel_loop3A_481 : vector<1x16xf32> to vector<16xf32>
        %parallel_loop3A_483 = vector.shape_cast %parallel_loop3A_478 : vector<16xf32> to vector<1x16xf32>
        tpu.vector_store %arg7[%parallel_loop3A_479, %parallel_loop3A_480], %parallel_loop3A_483 {add = true, strides = array<i32>} : memref<32x768xf32, #tpu.memory_space<vmem>>, vector<1x16xf32>,
        %parallel_loop3A_484 = arith.constant 2 : i32
        %parallel_loop3A_485 = arith.muli %parallel_loop3A_484, %parallel_loop3A_249 : i32
        %parallel_loop3A_486 = arith.constant 0 : i32
        %parallel_loop3A_487 = arith.addi %parallel_loop3A_485, %parallel_loop3A_486 : i32
        %parallel_loop3A_488 = arith.index_cast %parallel_loop3A_487 : i32 to index
        %parallel_loop3A_489 = arith.constant 288 : index
        %parallel_loop3A_490 = tpu.vector_load %arg9[%parallel_loop3A_488, %parallel_loop3A_489] {strides = array<i32>} : memref<64x384xf32, #tpu.memory_space<vmem>>, vector<1x16xf32>,
        %parallel_loop3A_491 = vector.shape_cast %parallel_loop3A_490 : vector<1x16xf32> to vector<16xf32>
        %parallel_loop3A_492 = arith.index_cast %parallel_loop3A_249 : i32 to index
        %parallel_loop3A_493 = arith.constant 288 : index
        %parallel_loop3A_494 = tpu.vector_load %arg7[%parallel_loop3A_492, %parallel_loop3A_493] {strides = array<i32>} : memref<32x768xf32, #tpu.memory_space<vmem>>, vector<1x16xf32>,
        %parallel_loop3A_495 = vector.shape_cast %parallel_loop3A_494 : vector<1x16xf32> to vector<16xf32>
        %parallel_loop3A_496 = vector.shape_cast %parallel_loop3A_491 : vector<16xf32> to vector<1x16xf32>
        tpu.vector_store %arg7[%parallel_loop3A_492, %parallel_loop3A_493], %parallel_loop3A_496 {add = true, strides = array<i32>} : memref<32x768xf32, #tpu.memory_space<vmem>>, vector<1x16xf32>,
        %parallel_loop3A_497 = arith.constant 2 : i32
        %parallel_loop3A_498 = arith.muli %parallel_loop3A_497, %parallel_loop3A_249 : i32
        %parallel_loop3A_499 = arith.constant 0 : i32
        %parallel_loop3A_500 = arith.addi %parallel_loop3A_498, %parallel_loop3A_499 : i32
        %parallel_loop3A_501 = arith.index_cast %parallel_loop3A_500 : i32 to index
        %parallel_loop3A_502 = arith.constant 304 : index
        %parallel_loop3A_503 = tpu.vector_load %arg9[%parallel_loop3A_501, %parallel_loop3A_502] {strides = array<i32>} : memref<64x384xf32, #tpu.memory_space<vmem>>, vector<1x16xf32>,
        %parallel_loop3A_504 = vector.shape_cast %parallel_loop3A_503 : vector<1x16xf32> to vector<16xf32>
        %parallel_loop3A_505 = arith.index_cast %parallel_loop3A_249 : i32 to index
        %parallel_loop3A_506 = arith.constant 304 : index
        %parallel_loop3A_507 = tpu.vector_load %arg7[%parallel_loop3A_505, %parallel_loop3A_506] {strides = array<i32>} : memref<32x768xf32, #tpu.memory_space<vmem>>, vector<1x16xf32>,
        %parallel_loop3A_508 = vector.shape_cast %parallel_loop3A_507 : vector<1x16xf32> to vector<16xf32>
        %parallel_loop3A_509 = vector.shape_cast %parallel_loop3A_504 : vector<16xf32> to vector<1x16xf32>
        tpu.vector_store %arg7[%parallel_loop3A_505, %parallel_loop3A_506], %parallel_loop3A_509 {add = true, strides = array<i32>} : memref<32x768xf32, #tpu.memory_space<vmem>>, vector<1x16xf32>,
        %parallel_loop3A_510 = arith.constant 2 : i32
        %parallel_loop3A_511 = arith.muli %parallel_loop3A_510, %parallel_loop3A_249 : i32
        %parallel_loop3A_512 = arith.constant 0 : i32
        %parallel_loop3A_513 = arith.addi %parallel_loop3A_511, %parallel_loop3A_512 : i32
        %parallel_loop3A_514 = arith.index_cast %parallel_loop3A_513 : i32 to index
        %parallel_loop3A_515 = arith.constant 320 : index
        %parallel_loop3A_516 = tpu.vector_load %arg9[%parallel_loop3A_514, %parallel_loop3A_515] {strides = array<i32>} : memref<64x384xf32, #tpu.memory_space<vmem>>, vector<1x16xf32>,
        %parallel_loop3A_517 = vector.shape_cast %parallel_loop3A_516 : vector<1x16xf32> to vector<16xf32>
        %parallel_loop3A_518 = arith.index_cast %parallel_loop3A_249 : i32 to index
        %parallel_loop3A_519 = arith.constant 320 : index
        %parallel_loop3A_520 = tpu.vector_load %arg7[%parallel_loop3A_518, %parallel_loop3A_519] {strides = array<i32>} : memref<32x768xf32, #tpu.memory_space<vmem>>, vector<1x16xf32>,
        %parallel_loop3A_521 = vector.shape_cast %parallel_loop3A_520 : vector<1x16xf32> to vector<16xf32>
        %parallel_loop3A_522 = vector.shape_cast %parallel_loop3A_517 : vector<16xf32> to vector<1x16xf32>
        tpu.vector_store %arg7[%parallel_loop3A_518, %parallel_loop3A_519], %parallel_loop3A_522 {add = true, strides = array<i32>} : memref<32x768xf32, #tpu.memory_space<vmem>>, vector<1x16xf32>,
        %parallel_loop3A_523 = arith.constant 2 : i32
        %parallel_loop3A_524 = arith.muli %parallel_loop3A_523, %parallel_loop3A_249 : i32
        %parallel_loop3A_525 = arith.constant 0 : i32
        %parallel_loop3A_526 = arith.addi %parallel_loop3A_524, %parallel_loop3A_525 : i32
        %parallel_loop3A_527 = arith.index_cast %parallel_loop3A_526 : i32 to index
        %parallel_loop3A_528 = arith.constant 336 : index
        %parallel_loop3A_529 = tpu.vector_load %arg9[%parallel_loop3A_527, %parallel_loop3A_528] {strides = array<i32>} : memref<64x384xf32, #tpu.memory_space<vmem>>, vector<1x16xf32>,
        %parallel_loop3A_530 = vector.shape_cast %parallel_loop3A_529 : vector<1x16xf32> to vector<16xf32>
        %parallel_loop3A_531 = arith.index_cast %parallel_loop3A_249 : i32 to index
        %parallel_loop3A_532 = arith.constant 336 : index
        %parallel_loop3A_533 = tpu.vector_load %arg7[%parallel_loop3A_531, %parallel_loop3A_532] {strides = array<i32>} : memref<32x768xf32, #tpu.memory_space<vmem>>, vector<1x16xf32>,
        %parallel_loop3A_534 = vector.shape_cast %parallel_loop3A_533 : vector<1x16xf32> to vector<16xf32>
        %parallel_loop3A_535 = vector.shape_cast %parallel_loop3A_530 : vector<16xf32> to vector<1x16xf32>
        tpu.vector_store %arg7[%parallel_loop3A_531, %parallel_loop3A_532], %parallel_loop3A_535 {add = true, strides = array<i32>} : memref<32x768xf32, #tpu.memory_space<vmem>>, vector<1x16xf32>,
        %parallel_loop3A_536 = arith.constant 2 : i32
        %parallel_loop3A_537 = arith.muli %parallel_loop3A_536, %parallel_loop3A_249 : i32
        %parallel_loop3A_538 = arith.constant 0 : i32
        %parallel_loop3A_539 = arith.addi %parallel_loop3A_537, %parallel_loop3A_538 : i32
        %parallel_loop3A_540 = arith.index_cast %parallel_loop3A_539 : i32 to index
        %parallel_loop3A_541 = arith.constant 352 : index
        %parallel_loop3A_542 = tpu.vector_load %arg9[%parallel_loop3A_540, %parallel_loop3A_541] {strides = array<i32>} : memref<64x384xf32, #tpu.memory_space<vmem>>, vector<1x16xf32>,
        %parallel_loop3A_543 = vector.shape_cast %parallel_loop3A_542 : vector<1x16xf32> to vector<16xf32>
        %parallel_loop3A_544 = arith.index_cast %parallel_loop3A_249 : i32 to index
        %parallel_loop3A_545 = arith.constant 352 : index
        %parallel_loop3A_546 = tpu.vector_load %arg7[%parallel_loop3A_544, %parallel_loop3A_545] {strides = array<i32>} : memref<32x768xf32, #tpu.memory_space<vmem>>, vector<1x16xf32>,
        %parallel_loop3A_547 = vector.shape_cast %parallel_loop3A_546 : vector<1x16xf32> to vector<16xf32>
        %parallel_loop3A_548 = vector.shape_cast %parallel_loop3A_543 : vector<16xf32> to vector<1x16xf32>
        tpu.vector_store %arg7[%parallel_loop3A_544, %parallel_loop3A_545], %parallel_loop3A_548 {add = true, strides = array<i32>} : memref<32x768xf32, #tpu.memory_space<vmem>>, vector<1x16xf32>,
        %parallel_loop3A_549 = arith.constant 2 : i32
        %parallel_loop3A_550 = arith.muli %parallel_loop3A_549, %parallel_loop3A_249 : i32
        %parallel_loop3A_551 = arith.constant 0 : i32
        %parallel_loop3A_552 = arith.addi %parallel_loop3A_550, %parallel_loop3A_551 : i32
        %parallel_loop3A_553 = arith.index_cast %parallel_loop3A_552 : i32 to index
        %parallel_loop3A_554 = arith.constant 368 : index
        %parallel_loop3A_555 = tpu.vector_load %arg9[%parallel_loop3A_553, %parallel_loop3A_554] {strides = array<i32>} : memref<64x384xf32, #tpu.memory_space<vmem>>, vector<1x16xf32>,
        %parallel_loop3A_556 = vector.shape_cast %parallel_loop3A_555 : vector<1x16xf32> to vector<16xf32>
        %parallel_loop3A_557 = arith.index_cast %parallel_loop3A_249 : i32 to index
        %parallel_loop3A_558 = arith.constant 368 : index
        %parallel_loop3A_559 = tpu.vector_load %arg7[%parallel_loop3A_557, %parallel_loop3A_558] {strides = array<i32>} : memref<32x768xf32, #tpu.memory_space<vmem>>, vector<1x16xf32>,
        %parallel_loop3A_560 = vector.shape_cast %parallel_loop3A_559 : vector<1x16xf32> to vector<16xf32>
        %parallel_loop3A_561 = vector.shape_cast %parallel_loop3A_556 : vector<16xf32> to vector<1x16xf32>
        tpu.vector_store %arg7[%parallel_loop3A_557, %parallel_loop3A_558], %parallel_loop3A_561 {add = true, strides = array<i32>} : memref<32x768xf32, #tpu.memory_space<vmem>>, vector<1x16xf32>,
        %parallel_loop3A_562 = arith.constant 2 : i32
        %parallel_loop3A_563 = arith.muli %parallel_loop3A_562, %parallel_loop3A_249 : i32
        %parallel_loop3A_564 = arith.constant 1 : i32
        %parallel_loop3A_565 = arith.addi %parallel_loop3A_563, %parallel_loop3A_564 : i32
        %parallel_loop3A_566 = arith.index_cast %parallel_loop3A_565 : i32 to index
        %parallel_loop3A_567 = arith.constant 0 : index
        %parallel_loop3A_568 = tpu.vector_load %arg9[%parallel_loop3A_566, %parallel_loop3A_567] {strides = array<i32>} : memref<64x384xf32, #tpu.memory_space<vmem>>, vector<1x16xf32>,
        %parallel_loop3A_569 = vector.shape_cast %parallel_loop3A_568 : vector<1x16xf32> to vector<16xf32>
        %parallel_loop3A_570 = arith.index_cast %parallel_loop3A_249 : i32 to index
        %parallel_loop3A_571 = arith.constant 384 : index
        %parallel_loop3A_572 = tpu.vector_load %arg7[%parallel_loop3A_570, %parallel_loop3A_571] {strides = array<i32>} : memref<32x768xf32, #tpu.memory_space<vmem>>, vector<1x16xf32>,
        %parallel_loop3A_573 = vector.shape_cast %parallel_loop3A_572 : vector<1x16xf32> to vector<16xf32>
        %parallel_loop3A_574 = vector.shape_cast %parallel_loop3A_569 : vector<16xf32> to vector<1x16xf32>
        tpu.vector_store %arg7[%parallel_loop3A_570, %parallel_loop3A_571], %parallel_loop3A_574 {add = true, strides = array<i32>} : memref<32x768xf32, #tpu.memory_space<vmem>>, vector<1x16xf32>,
        %parallel_loop3A_575 = arith.constant 2 : i32
        %parallel_loop3A_576 = arith.muli %parallel_loop3A_575, %parallel_loop3A_249 : i32
        %parallel_loop3A_577 = arith.constant 1 : i32
        %parallel_loop3A_578 = arith.addi %parallel_loop3A_576, %parallel_loop3A_577 : i32
        %parallel_loop3A_579 = arith.index_cast %parallel_loop3A_578 : i32 to index
        %parallel_loop3A_580 = arith.constant 16 : index
        %parallel_loop3A_581 = tpu.vector_load %arg9[%parallel_loop3A_579, %parallel_loop3A_580] {strides = array<i32>} : memref<64x384xf32, #tpu.memory_space<vmem>>, vector<1x16xf32>,
        %parallel_loop3A_582 = vector.shape_cast %parallel_loop3A_581 : vector<1x16xf32> to vector<16xf32>
        %parallel_loop3A_583 = arith.index_cast %parallel_loop3A_249 : i32 to index
        %parallel_loop3A_584 = arith.constant 400 : index
        %parallel_loop3A_585 = tpu.vector_load %arg7[%parallel_loop3A_583, %parallel_loop3A_584] {strides = array<i32>} : memref<32x768xf32, #tpu.memory_space<vmem>>, vector<1x16xf32>,
        %parallel_loop3A_586 = vector.shape_cast %parallel_loop3A_585 : vector<1x16xf32> to vector<16xf32>
        %parallel_loop3A_587 = vector.shape_cast %parallel_loop3A_582 : vector<16xf32> to vector<1x16xf32>
        tpu.vector_store %arg7[%parallel_loop3A_583, %parallel_loop3A_584], %parallel_loop3A_587 {add = true, strides = array<i32>} : memref<32x768xf32, #tpu.memory_space<vmem>>, vector<1x16xf32>,
        %parallel_loop3A_588 = arith.constant 2 : i32
        %parallel_loop3A_589 = arith.muli %parallel_loop3A_588, %parallel_loop3A_249 : i32
        %parallel_loop3A_590 = arith.constant 1 : i32
        %parallel_loop3A_591 = arith.addi %parallel_loop3A_589, %parallel_loop3A_590 : i32
        %parallel_loop3A_592 = arith.index_cast %parallel_loop3A_591 : i32 to index
        %parallel_loop3A_593 = arith.constant 32 : index
        %parallel_loop3A_594 = tpu.vector_load %arg9[%parallel_loop3A_592, %parallel_loop3A_593] {strides = array<i32>} : memref<64x384xf32, #tpu.memory_space<vmem>>, vector<1x16xf32>,
        %parallel_loop3A_595 = vector.shape_cast %parallel_loop3A_594 : vector<1x16xf32> to vector<16xf32>
        %parallel_loop3A_596 = arith.index_cast %parallel_loop3A_249 : i32 to index
        %parallel_loop3A_597 = arith.constant 416 : index
        %parallel_loop3A_598 = tpu.vector_load %arg7[%parallel_loop3A_596, %parallel_loop3A_597] {strides = array<i32>} : memref<32x768xf32, #tpu.memory_space<vmem>>, vector<1x16xf32>,
        %parallel_loop3A_599 = vector.shape_cast %parallel_loop3A_598 : vector<1x16xf32> to vector<16xf32>
        %parallel_loop3A_600 = vector.shape_cast %parallel_loop3A_595 : vector<16xf32> to vector<1x16xf32>
        tpu.vector_store %arg7[%parallel_loop3A_596, %parallel_loop3A_597], %parallel_loop3A_600 {add = true, strides = array<i32>} : memref<32x768xf32, #tpu.memory_space<vmem>>, vector<1x16xf32>,
        %parallel_loop3A_601 = arith.constant 2 : i32
        %parallel_loop3A_602 = arith.muli %parallel_loop3A_601, %parallel_loop3A_249 : i32
        %parallel_loop3A_603 = arith.constant 1 : i32
        %parallel_loop3A_604 = arith.addi %parallel_loop3A_602, %parallel_loop3A_603 : i32
        %parallel_loop3A_605 = arith.index_cast %parallel_loop3A_604 : i32 to index
        %parallel_loop3A_606 = arith.constant 48 : index
        %parallel_loop3A_607 = tpu.vector_load %arg9[%parallel_loop3A_605, %parallel_loop3A_606] {strides = array<i32>} : memref<64x384xf32, #tpu.memory_space<vmem>>, vector<1x16xf32>,
        %parallel_loop3A_608 = vector.shape_cast %parallel_loop3A_607 : vector<1x16xf32> to vector<16xf32>
        %parallel_loop3A_609 = arith.index_cast %parallel_loop3A_249 : i32 to index
        %parallel_loop3A_610 = arith.constant 432 : index
        %parallel_loop3A_611 = tpu.vector_load %arg7[%parallel_loop3A_609, %parallel_loop3A_610] {strides = array<i32>} : memref<32x768xf32, #tpu.memory_space<vmem>>, vector<1x16xf32>,
        %parallel_loop3A_612 = vector.shape_cast %parallel_loop3A_611 : vector<1x16xf32> to vector<16xf32>
        %parallel_loop3A_613 = vector.shape_cast %parallel_loop3A_608 : vector<16xf32> to vector<1x16xf32>
        tpu.vector_store %arg7[%parallel_loop3A_609, %parallel_loop3A_610], %parallel_loop3A_613 {add = true, strides = array<i32>} : memref<32x768xf32, #tpu.memory_space<vmem>>, vector<1x16xf32>,
        %parallel_loop3A_614 = arith.constant 2 : i32
        %parallel_loop3A_615 = arith.muli %parallel_loop3A_614, %parallel_loop3A_249 : i32
        %parallel_loop3A_616 = arith.constant 1 : i32
        %parallel_loop3A_617 = arith.addi %parallel_loop3A_615, %parallel_loop3A_616 : i32
        %parallel_loop3A_618 = arith.index_cast %parallel_loop3A_617 : i32 to index
        %parallel_loop3A_619 = arith.constant 64 : index
        %parallel_loop3A_620 = tpu.vector_load %arg9[%parallel_loop3A_618, %parallel_loop3A_619] {strides = array<i32>} : memref<64x384xf32, #tpu.memory_space<vmem>>, vector<1x16xf32>,
        %parallel_loop3A_621 = vector.shape_cast %parallel_loop3A_620 : vector<1x16xf32> to vector<16xf32>
        %parallel_loop3A_622 = arith.index_cast %parallel_loop3A_249 : i32 to index
        %parallel_loop3A_623 = arith.constant 448 : index
        %parallel_loop3A_624 = tpu.vector_load %arg7[%parallel_loop3A_622, %parallel_loop3A_623] {strides = array<i32>} : memref<32x768xf32, #tpu.memory_space<vmem>>, vector<1x16xf32>,
        %parallel_loop3A_625 = vector.shape_cast %parallel_loop3A_624 : vector<1x16xf32> to vector<16xf32>
        %parallel_loop3A_626 = vector.shape_cast %parallel_loop3A_621 : vector<16xf32> to vector<1x16xf32>
        tpu.vector_store %arg7[%parallel_loop3A_622, %parallel_loop3A_623], %parallel_loop3A_626 {add = true, strides = array<i32>} : memref<32x768xf32, #tpu.memory_space<vmem>>, vector<1x16xf32>,
        %parallel_loop3A_627 = arith.constant 2 : i32
        %parallel_loop3A_628 = arith.muli %parallel_loop3A_627, %parallel_loop3A_249 : i32
        %parallel_loop3A_629 = arith.constant 1 : i32
        %parallel_loop3A_630 = arith.addi %parallel_loop3A_628, %parallel_loop3A_629 : i32
        %parallel_loop3A_631 = arith.index_cast %parallel_loop3A_630 : i32 to index
        %parallel_loop3A_632 = arith.constant 80 : index
        %parallel_loop3A_633 = tpu.vector_load %arg9[%parallel_loop3A_631, %parallel_loop3A_632] {strides = array<i32>} : memref<64x384xf32, #tpu.memory_space<vmem>>, vector<1x16xf32>,
        %parallel_loop3A_634 = vector.shape_cast %parallel_loop3A_633 : vector<1x16xf32> to vector<16xf32>
        %parallel_loop3A_635 = arith.index_cast %parallel_loop3A_249 : i32 to index
        %parallel_loop3A_636 = arith.constant 464 : index
        %parallel_loop3A_637 = tpu.vector_load %arg7[%parallel_loop3A_635, %parallel_loop3A_636] {strides = array<i32>} : memref<32x768xf32, #tpu.memory_space<vmem>>, vector<1x16xf32>,
        %parallel_loop3A_638 = vector.shape_cast %parallel_loop3A_637 : vector<1x16xf32> to vector<16xf32>
        %parallel_loop3A_639 = vector.shape_cast %parallel_loop3A_634 : vector<16xf32> to vector<1x16xf32>
        tpu.vector_store %arg7[%parallel_loop3A_635, %parallel_loop3A_636], %parallel_loop3A_639 {add = true, strides = array<i32>} : memref<32x768xf32, #tpu.memory_space<vmem>>, vector<1x16xf32>,
        %parallel_loop3A_640 = arith.constant 2 : i32
        %parallel_loop3A_641 = arith.muli %parallel_loop3A_640, %parallel_loop3A_249 : i32
        %parallel_loop3A_642 = arith.constant 1 : i32
        %parallel_loop3A_643 = arith.addi %parallel_loop3A_641, %parallel_loop3A_642 : i32
        %parallel_loop3A_644 = arith.index_cast %parallel_loop3A_643 : i32 to index
        %parallel_loop3A_645 = arith.constant 96 : index
        %parallel_loop3A_646 = tpu.vector_load %arg9[%parallel_loop3A_644, %parallel_loop3A_645] {strides = array<i32>} : memref<64x384xf32, #tpu.memory_space<vmem>>, vector<1x16xf32>,
        %parallel_loop3A_647 = vector.shape_cast %parallel_loop3A_646 : vector<1x16xf32> to vector<16xf32>
        %parallel_loop3A_648 = arith.index_cast %parallel_loop3A_249 : i32 to index
        %parallel_loop3A_649 = arith.constant 480 : index
        %parallel_loop3A_650 = tpu.vector_load %arg7[%parallel_loop3A_648, %parallel_loop3A_649] {strides = array<i32>} : memref<32x768xf32, #tpu.memory_space<vmem>>, vector<1x16xf32>,
        %parallel_loop3A_651 = vector.shape_cast %parallel_loop3A_650 : vector<1x16xf32> to vector<16xf32>
        %parallel_loop3A_652 = vector.shape_cast %parallel_loop3A_647 : vector<16xf32> to vector<1x16xf32>
        tpu.vector_store %arg7[%parallel_loop3A_648, %parallel_loop3A_649], %parallel_loop3A_652 {add = true, strides = array<i32>} : memref<32x768xf32, #tpu.memory_space<vmem>>, vector<1x16xf32>,
        %parallel_loop3A_653 = arith.constant 2 : i32
        %parallel_loop3A_654 = arith.muli %parallel_loop3A_653, %parallel_loop3A_249 : i32
        %parallel_loop3A_655 = arith.constant 1 : i32
        %parallel_loop3A_656 = arith.addi %parallel_loop3A_654, %parallel_loop3A_655 : i32
        %parallel_loop3A_657 = arith.index_cast %parallel_loop3A_656 : i32 to index
        %parallel_loop3A_658 = arith.constant 112 : index
        %parallel_loop3A_659 = tpu.vector_load %arg9[%parallel_loop3A_657, %parallel_loop3A_658] {strides = array<i32>} : memref<64x384xf32, #tpu.memory_space<vmem>>, vector<1x16xf32>,
        %parallel_loop3A_660 = vector.shape_cast %parallel_loop3A_659 : vector<1x16xf32> to vector<16xf32>
        %parallel_loop3A_661 = arith.index_cast %parallel_loop3A_249 : i32 to index
        %parallel_loop3A_662 = arith.constant 496 : index
        %parallel_loop3A_663 = tpu.vector_load %arg7[%parallel_loop3A_661, %parallel_loop3A_662] {strides = array<i32>} : memref<32x768xf32, #tpu.memory_space<vmem>>, vector<1x16xf32>,
        %parallel_loop3A_664 = vector.shape_cast %parallel_loop3A_663 : vector<1x16xf32> to vector<16xf32>
        %parallel_loop3A_665 = vector.shape_cast %parallel_loop3A_660 : vector<16xf32> to vector<1x16xf32>
        tpu.vector_store %arg7[%parallel_loop3A_661, %parallel_loop3A_662], %parallel_loop3A_665 {add = true, strides = array<i32>} : memref<32x768xf32, #tpu.memory_space<vmem>>, vector<1x16xf32>,
        %parallel_loop3A_666 = arith.constant 2 : i32
        %parallel_loop3A_667 = arith.muli %parallel_loop3A_666, %parallel_loop3A_249 : i32
        %parallel_loop3A_668 = arith.constant 1 : i32
        %parallel_loop3A_669 = arith.addi %parallel_loop3A_667, %parallel_loop3A_668 : i32
        %parallel_loop3A_670 = arith.index_cast %parallel_loop3A_669 : i32 to index
        %parallel_loop3A_671 = arith.constant 128 : index
        %parallel_loop3A_672 = tpu.vector_load %arg9[%parallel_loop3A_670, %parallel_loop3A_671] {strides = array<i32>} : memref<64x384xf32, #tpu.memory_space<vmem>>, vector<1x16xf32>,
        %parallel_loop3A_673 = vector.shape_cast %parallel_loop3A_672 : vector<1x16xf32> to vector<16xf32>
        %parallel_loop3A_674 = arith.index_cast %parallel_loop3A_249 : i32 to index
        %parallel_loop3A_675 = arith.constant 512 : index
        %parallel_loop3A_676 = tpu.vector_load %arg7[%parallel_loop3A_674, %parallel_loop3A_675] {strides = array<i32>} : memref<32x768xf32, #tpu.memory_space<vmem>>, vector<1x16xf32>,
        %parallel_loop3A_677 = vector.shape_cast %parallel_loop3A_676 : vector<1x16xf32> to vector<16xf32>
        %parallel_loop3A_678 = vector.shape_cast %parallel_loop3A_673 : vector<16xf32> to vector<1x16xf32>
        tpu.vector_store %arg7[%parallel_loop3A_674, %parallel_loop3A_675], %parallel_loop3A_678 {add = true, strides = array<i32>} : memref<32x768xf32, #tpu.memory_space<vmem>>, vector<1x16xf32>,
        %parallel_loop3A_679 = arith.constant 2 : i32
        %parallel_loop3A_680 = arith.muli %parallel_loop3A_679, %parallel_loop3A_249 : i32
        %parallel_loop3A_681 = arith.constant 1 : i32
        %parallel_loop3A_682 = arith.addi %parallel_loop3A_680, %parallel_loop3A_681 : i32
        %parallel_loop3A_683 = arith.index_cast %parallel_loop3A_682 : i32 to index
        %parallel_loop3A_684 = arith.constant 144 : index
        %parallel_loop3A_685 = tpu.vector_load %arg9[%parallel_loop3A_683, %parallel_loop3A_684] {strides = array<i32>} : memref<64x384xf32, #tpu.memory_space<vmem>>, vector<1x16xf32>,
        %parallel_loop3A_686 = vector.shape_cast %parallel_loop3A_685 : vector<1x16xf32> to vector<16xf32>
        %parallel_loop3A_687 = arith.index_cast %parallel_loop3A_249 : i32 to index
        %parallel_loop3A_688 = arith.constant 528 : index
        %parallel_loop3A_689 = tpu.vector_load %arg7[%parallel_loop3A_687, %parallel_loop3A_688] {strides = array<i32>} : memref<32x768xf32, #tpu.memory_space<vmem>>, vector<1x16xf32>,
        %parallel_loop3A_690 = vector.shape_cast %parallel_loop3A_689 : vector<1x16xf32> to vector<16xf32>
        %parallel_loop3A_691 = vector.shape_cast %parallel_loop3A_686 : vector<16xf32> to vector<1x16xf32>
        tpu.vector_store %arg7[%parallel_loop3A_687, %parallel_loop3A_688], %parallel_loop3A_691 {add = true, strides = array<i32>} : memref<32x768xf32, #tpu.memory_space<vmem>>, vector<1x16xf32>,
        %parallel_loop3A_692 = arith.constant 2 : i32
        %parallel_loop3A_693 = arith.muli %parallel_loop3A_692, %parallel_loop3A_249 : i32
        %parallel_loop3A_694 = arith.constant 1 : i32
        %parallel_loop3A_695 = arith.addi %parallel_loop3A_693, %parallel_loop3A_694 : i32
        %parallel_loop3A_696 = arith.index_cast %parallel_loop3A_695 : i32 to index
        %parallel_loop3A_697 = arith.constant 160 : index
        %parallel_loop3A_698 = tpu.vector_load %arg9[%parallel_loop3A_696, %parallel_loop3A_697] {strides = array<i32>} : memref<64x384xf32, #tpu.memory_space<vmem>>, vector<1x16xf32>,
        %parallel_loop3A_699 = vector.shape_cast %parallel_loop3A_698 : vector<1x16xf32> to vector<16xf32>
        %parallel_loop3A_700 = arith.index_cast %parallel_loop3A_249 : i32 to index
        %parallel_loop3A_701 = arith.constant 544 : index
        %parallel_loop3A_702 = tpu.vector_load %arg7[%parallel_loop3A_700, %parallel_loop3A_701] {strides = array<i32>} : memref<32x768xf32, #tpu.memory_space<vmem>>, vector<1x16xf32>,
        %parallel_loop3A_703 = vector.shape_cast %parallel_loop3A_702 : vector<1x16xf32> to vector<16xf32>
        %parallel_loop3A_704 = vector.shape_cast %parallel_loop3A_699 : vector<16xf32> to vector<1x16xf32>
        tpu.vector_store %arg7[%parallel_loop3A_700, %parallel_loop3A_701], %parallel_loop3A_704 {add = true, strides = array<i32>} : memref<32x768xf32, #tpu.memory_space<vmem>>, vector<1x16xf32>,
        %parallel_loop3A_705 = arith.constant 2 : i32
        %parallel_loop3A_706 = arith.muli %parallel_loop3A_705, %parallel_loop3A_249 : i32
        %parallel_loop3A_707 = arith.constant 1 : i32
        %parallel_loop3A_708 = arith.addi %parallel_loop3A_706, %parallel_loop3A_707 : i32
        %parallel_loop3A_709 = arith.index_cast %parallel_loop3A_708 : i32 to index
        %parallel_loop3A_710 = arith.constant 176 : index
        %parallel_loop3A_711 = tpu.vector_load %arg9[%parallel_loop3A_709, %parallel_loop3A_710] {strides = array<i32>} : memref<64x384xf32, #tpu.memory_space<vmem>>, vector<1x16xf32>,
        %parallel_loop3A_712 = vector.shape_cast %parallel_loop3A_711 : vector<1x16xf32> to vector<16xf32>
        %parallel_loop3A_713 = arith.index_cast %parallel_loop3A_249 : i32 to index
        %parallel_loop3A_714 = arith.constant 560 : index
        %parallel_loop3A_715 = tpu.vector_load %arg7[%parallel_loop3A_713, %parallel_loop3A_714] {strides = array<i32>} : memref<32x768xf32, #tpu.memory_space<vmem>>, vector<1x16xf32>,
        %parallel_loop3A_716 = vector.shape_cast %parallel_loop3A_715 : vector<1x16xf32> to vector<16xf32>
        %parallel_loop3A_717 = vector.shape_cast %parallel_loop3A_712 : vector<16xf32> to vector<1x16xf32>
        tpu.vector_store %arg7[%parallel_loop3A_713, %parallel_loop3A_714], %parallel_loop3A_717 {add = true, strides = array<i32>} : memref<32x768xf32, #tpu.memory_space<vmem>>, vector<1x16xf32>,
        %parallel_loop3A_718 = arith.constant 2 : i32
        %parallel_loop3A_719 = arith.muli %parallel_loop3A_718, %parallel_loop3A_249 : i32
        %parallel_loop3A_720 = arith.constant 1 : i32
        %parallel_loop3A_721 = arith.addi %parallel_loop3A_719, %parallel_loop3A_720 : i32
        %parallel_loop3A_722 = arith.index_cast %parallel_loop3A_721 : i32 to index
        %parallel_loop3A_723 = arith.constant 192 : index
        %parallel_loop3A_724 = tpu.vector_load %arg9[%parallel_loop3A_722, %parallel_loop3A_723] {strides = array<i32>} : memref<64x384xf32, #tpu.memory_space<vmem>>, vector<1x16xf32>,
        %parallel_loop3A_725 = vector.shape_cast %parallel_loop3A_724 : vector<1x16xf32> to vector<16xf32>
        %parallel_loop3A_726 = arith.index_cast %parallel_loop3A_249 : i32 to index
        %parallel_loop3A_727 = arith.constant 576 : index
        %parallel_loop3A_728 = tpu.vector_load %arg7[%parallel_loop3A_726, %parallel_loop3A_727] {strides = array<i32>} : memref<32x768xf32, #tpu.memory_space<vmem>>, vector<1x16xf32>,
        %parallel_loop3A_729 = vector.shape_cast %parallel_loop3A_728 : vector<1x16xf32> to vector<16xf32>
        %parallel_loop3A_730 = vector.shape_cast %parallel_loop3A_725 : vector<16xf32> to vector<1x16xf32>
        tpu.vector_store %arg7[%parallel_loop3A_726, %parallel_loop3A_727], %parallel_loop3A_730 {add = true, strides = array<i32>} : memref<32x768xf32, #tpu.memory_space<vmem>>, vector<1x16xf32>,
        %parallel_loop3A_731 = arith.constant 2 : i32
        %parallel_loop3A_732 = arith.muli %parallel_loop3A_731, %parallel_loop3A_249 : i32
        %parallel_loop3A_733 = arith.constant 1 : i32
        %parallel_loop3A_734 = arith.addi %parallel_loop3A_732, %parallel_loop3A_733 : i32
        %parallel_loop3A_735 = arith.index_cast %parallel_loop3A_734 : i32 to index
        %parallel_loop3A_736 = arith.constant 208 : index
        %parallel_loop3A_737 = tpu.vector_load %arg9[%parallel_loop3A_735, %parallel_loop3A_736] {strides = array<i32>} : memref<64x384xf32, #tpu.memory_space<vmem>>, vector<1x16xf32>,
        %parallel_loop3A_738 = vector.shape_cast %parallel_loop3A_737 : vector<1x16xf32> to vector<16xf32>
        %parallel_loop3A_739 = arith.index_cast %parallel_loop3A_249 : i32 to index
        %parallel_loop3A_740 = arith.constant 592 : index
        %parallel_loop3A_741 = tpu.vector_load %arg7[%parallel_loop3A_739, %parallel_loop3A_740] {strides = array<i32>} : memref<32x768xf32, #tpu.memory_space<vmem>>, vector<1x16xf32>,
        %parallel_loop3A_742 = vector.shape_cast %parallel_loop3A_741 : vector<1x16xf32> to vector<16xf32>
        %parallel_loop3A_743 = vector.shape_cast %parallel_loop3A_738 : vector<16xf32> to vector<1x16xf32>
        tpu.vector_store %arg7[%parallel_loop3A_739, %parallel_loop3A_740], %parallel_loop3A_743 {add = true, strides = array<i32>} : memref<32x768xf32, #tpu.memory_space<vmem>>, vector<1x16xf32>,
        %parallel_loop3A_744 = arith.constant 2 : i32
        %parallel_loop3A_745 = arith.muli %parallel_loop3A_744, %parallel_loop3A_249 : i32
        %parallel_loop3A_746 = arith.constant 1 : i32
        %parallel_loop3A_747 = arith.addi %parallel_loop3A_745, %parallel_loop3A_746 : i32
        %parallel_loop3A_748 = arith.index_cast %parallel_loop3A_747 : i32 to index
        %parallel_loop3A_749 = arith.constant 224 : index
        %parallel_loop3A_750 = tpu.vector_load %arg9[%parallel_loop3A_748, %parallel_loop3A_749] {strides = array<i32>} : memref<64x384xf32, #tpu.memory_space<vmem>>, vector<1x16xf32>,
        %parallel_loop3A_751 = vector.shape_cast %parallel_loop3A_750 : vector<1x16xf32> to vector<16xf32>
        %parallel_loop3A_752 = arith.index_cast %parallel_loop3A_249 : i32 to index
        %parallel_loop3A_753 = arith.constant 608 : index
        %parallel_loop3A_754 = tpu.vector_load %arg7[%parallel_loop3A_752, %parallel_loop3A_753] {strides = array<i32>} : memref<32x768xf32, #tpu.memory_space<vmem>>, vector<1x16xf32>,
        %parallel_loop3A_755 = vector.shape_cast %parallel_loop3A_754 : vector<1x16xf32> to vector<16xf32>
        %parallel_loop3A_756 = vector.shape_cast %parallel_loop3A_751 : vector<16xf32> to vector<1x16xf32>
        tpu.vector_store %arg7[%parallel_loop3A_752, %parallel_loop3A_753], %parallel_loop3A_756 {add = true, strides = array<i32>} : memref<32x768xf32, #tpu.memory_space<vmem>>, vector<1x16xf32>,
        %parallel_loop3A_757 = arith.constant 2 : i32
        %parallel_loop3A_758 = arith.muli %parallel_loop3A_757, %parallel_loop3A_249 : i32
        %parallel_loop3A_759 = arith.constant 1 : i32
        %parallel_loop3A_760 = arith.addi %parallel_loop3A_758, %parallel_loop3A_759 : i32
        %parallel_loop3A_761 = arith.index_cast %parallel_loop3A_760 : i32 to index
        %parallel_loop3A_762 = arith.constant 240 : index
        %parallel_loop3A_763 = tpu.vector_load %arg9[%parallel_loop3A_761, %parallel_loop3A_762] {strides = array<i32>} : memref<64x384xf32, #tpu.memory_space<vmem>>, vector<1x16xf32>,
        %parallel_loop3A_764 = vector.shape_cast %parallel_loop3A_763 : vector<1x16xf32> to vector<16xf32>
        %parallel_loop3A_765 = arith.index_cast %parallel_loop3A_249 : i32 to index
        %parallel_loop3A_766 = arith.constant 624 : index
        %parallel_loop3A_767 = tpu.vector_load %arg7[%parallel_loop3A_765, %parallel_loop3A_766] {strides = array<i32>} : memref<32x768xf32, #tpu.memory_space<vmem>>, vector<1x16xf32>,
        %parallel_loop3A_768 = vector.shape_cast %parallel_loop3A_767 : vector<1x16xf32> to vector<16xf32>
        %parallel_loop3A_769 = vector.shape_cast %parallel_loop3A_764 : vector<16xf32> to vector<1x16xf32>
        tpu.vector_store %arg7[%parallel_loop3A_765, %parallel_loop3A_766], %parallel_loop3A_769 {add = true, strides = array<i32>} : memref<32x768xf32, #tpu.memory_space<vmem>>, vector<1x16xf32>,
        %parallel_loop3A_770 = arith.constant 2 : i32
        %parallel_loop3A_771 = arith.muli %parallel_loop3A_770, %parallel_loop3A_249 : i32
        %parallel_loop3A_772 = arith.constant 1 : i32
        %parallel_loop3A_773 = arith.addi %parallel_loop3A_771, %parallel_loop3A_772 : i32
        %parallel_loop3A_774 = arith.index_cast %parallel_loop3A_773 : i32 to index
        %parallel_loop3A_775 = arith.constant 256 : index
        %parallel_loop3A_776 = tpu.vector_load %arg9[%parallel_loop3A_774, %parallel_loop3A_775] {strides = array<i32>} : memref<64x384xf32, #tpu.memory_space<vmem>>, vector<1x16xf32>,
        %parallel_loop3A_777 = vector.shape_cast %parallel_loop3A_776 : vector<1x16xf32> to vector<16xf32>
        %parallel_loop3A_778 = arith.index_cast %parallel_loop3A_249 : i32 to index
        %parallel_loop3A_779 = arith.constant 640 : index
        %parallel_loop3A_780 = tpu.vector_load %arg7[%parallel_loop3A_778, %parallel_loop3A_779] {strides = array<i32>} : memref<32x768xf32, #tpu.memory_space<vmem>>, vector<1x16xf32>,
        %parallel_loop3A_781 = vector.shape_cast %parallel_loop3A_780 : vector<1x16xf32> to vector<16xf32>
        %parallel_loop3A_782 = vector.shape_cast %parallel_loop3A_777 : vector<16xf32> to vector<1x16xf32>
        tpu.vector_store %arg7[%parallel_loop3A_778, %parallel_loop3A_779], %parallel_loop3A_782 {add = true, strides = array<i32>} : memref<32x768xf32, #tpu.memory_space<vmem>>, vector<1x16xf32>,
        %parallel_loop3A_783 = arith.constant 2 : i32
        %parallel_loop3A_784 = arith.muli %parallel_loop3A_783, %parallel_loop3A_249 : i32
        %parallel_loop3A_785 = arith.constant 1 : i32
        %parallel_loop3A_786 = arith.addi %parallel_loop3A_784, %parallel_loop3A_785 : i32
        %parallel_loop3A_787 = arith.index_cast %parallel_loop3A_786 : i32 to index
        %parallel_loop3A_788 = arith.constant 272 : index
        %parallel_loop3A_789 = tpu.vector_load %arg9[%parallel_loop3A_787, %parallel_loop3A_788] {strides = array<i32>} : memref<64x384xf32, #tpu.memory_space<vmem>>, vector<1x16xf32>,
        %parallel_loop3A_790 = vector.shape_cast %parallel_loop3A_789 : vector<1x16xf32> to vector<16xf32>
        %parallel_loop3A_791 = arith.index_cast %parallel_loop3A_249 : i32 to index
        %parallel_loop3A_792 = arith.constant 656 : index
        %parallel_loop3A_793 = tpu.vector_load %arg7[%parallel_loop3A_791, %parallel_loop3A_792] {strides = array<i32>} : memref<32x768xf32, #tpu.memory_space<vmem>>, vector<1x16xf32>,
        %parallel_loop3A_794 = vector.shape_cast %parallel_loop3A_793 : vector<1x16xf32> to vector<16xf32>
        %parallel_loop3A_795 = vector.shape_cast %parallel_loop3A_790 : vector<16xf32> to vector<1x16xf32>
        tpu.vector_store %arg7[%parallel_loop3A_791, %parallel_loop3A_792], %parallel_loop3A_795 {add = true, strides = array<i32>} : memref<32x768xf32, #tpu.memory_space<vmem>>, vector<1x16xf32>,
        %parallel_loop3A_796 = arith.constant 2 : i32
        %parallel_loop3A_797 = arith.muli %parallel_loop3A_796, %parallel_loop3A_249 : i32
        %parallel_loop3A_798 = arith.constant 1 : i32
        %parallel_loop3A_799 = arith.addi %parallel_loop3A_797, %parallel_loop3A_798 : i32
        %parallel_loop3A_800 = arith.index_cast %parallel_loop3A_799 : i32 to index
        %parallel_loop3A_801 = arith.constant 288 : index
        %parallel_loop3A_802 = tpu.vector_load %arg9[%parallel_loop3A_800, %parallel_loop3A_801] {strides = array<i32>} : memref<64x384xf32, #tpu.memory_space<vmem>>, vector<1x16xf32>,
        %parallel_loop3A_803 = vector.shape_cast %parallel_loop3A_802 : vector<1x16xf32> to vector<16xf32>
        %parallel_loop3A_804 = arith.index_cast %parallel_loop3A_249 : i32 to index
        %parallel_loop3A_805 = arith.constant 672 : index
        %parallel_loop3A_806 = tpu.vector_load %arg7[%parallel_loop3A_804, %parallel_loop3A_805] {strides = array<i32>} : memref<32x768xf32, #tpu.memory_space<vmem>>, vector<1x16xf32>,
        %parallel_loop3A_807 = vector.shape_cast %parallel_loop3A_806 : vector<1x16xf32> to vector<16xf32>
        %parallel_loop3A_808 = vector.shape_cast %parallel_loop3A_803 : vector<16xf32> to vector<1x16xf32>
        tpu.vector_store %arg7[%parallel_loop3A_804, %parallel_loop3A_805], %parallel_loop3A_808 {add = true, strides = array<i32>} : memref<32x768xf32, #tpu.memory_space<vmem>>, vector<1x16xf32>,
        %parallel_loop3A_809 = arith.constant 2 : i32
        %parallel_loop3A_810 = arith.muli %parallel_loop3A_809, %parallel_loop3A_249 : i32
        %parallel_loop3A_811 = arith.constant 1 : i32
        %parallel_loop3A_812 = arith.addi %parallel_loop3A_810, %parallel_loop3A_811 : i32
        %parallel_loop3A_813 = arith.index_cast %parallel_loop3A_812 : i32 to index
        %parallel_loop3A_814 = arith.constant 304 : index
        %parallel_loop3A_815 = tpu.vector_load %arg9[%parallel_loop3A_813, %parallel_loop3A_814] {strides = array<i32>} : memref<64x384xf32, #tpu.memory_space<vmem>>, vector<1x16xf32>,
        %parallel_loop3A_816 = vector.shape_cast %parallel_loop3A_815 : vector<1x16xf32> to vector<16xf32>
        %parallel_loop3A_817 = arith.index_cast %parallel_loop3A_249 : i32 to index
        %parallel_loop3A_818 = arith.constant 688 : index
        %parallel_loop3A_819 = tpu.vector_load %arg7[%parallel_loop3A_817, %parallel_loop3A_818] {strides = array<i32>} : memref<32x768xf32, #tpu.memory_space<vmem>>, vector<1x16xf32>,
        %parallel_loop3A_820 = vector.shape_cast %parallel_loop3A_819 : vector<1x16xf32> to vector<16xf32>
        %parallel_loop3A_821 = vector.shape_cast %parallel_loop3A_816 : vector<16xf32> to vector<1x16xf32>
        tpu.vector_store %arg7[%parallel_loop3A_817, %parallel_loop3A_818], %parallel_loop3A_821 {add = true, strides = array<i32>} : memref<32x768xf32, #tpu.memory_space<vmem>>, vector<1x16xf32>,
        %parallel_loop3A_822 = arith.constant 2 : i32
        %parallel_loop3A_823 = arith.muli %parallel_loop3A_822, %parallel_loop3A_249 : i32
        %parallel_loop3A_824 = arith.constant 1 : i32
        %parallel_loop3A_825 = arith.addi %parallel_loop3A_823, %parallel_loop3A_824 : i32
        %parallel_loop3A_826 = arith.index_cast %parallel_loop3A_825 : i32 to index
        %parallel_loop3A_827 = arith.constant 320 : index
        %parallel_loop3A_828 = tpu.vector_load %arg9[%parallel_loop3A_826, %parallel_loop3A_827] {strides = array<i32>} : memref<64x384xf32, #tpu.memory_space<vmem>>, vector<1x16xf32>,
        %parallel_loop3A_829 = vector.shape_cast %parallel_loop3A_828 : vector<1x16xf32> to vector<16xf32>
        %parallel_loop3A_830 = arith.index_cast %parallel_loop3A_249 : i32 to index
        %parallel_loop3A_831 = arith.constant 704 : index
        %parallel_loop3A_832 = tpu.vector_load %arg7[%parallel_loop3A_830, %parallel_loop3A_831] {strides = array<i32>} : memref<32x768xf32, #tpu.memory_space<vmem>>, vector<1x16xf32>,
        %parallel_loop3A_833 = vector.shape_cast %parallel_loop3A_832 : vector<1x16xf32> to vector<16xf32>
        %parallel_loop3A_834 = vector.shape_cast %parallel_loop3A_829 : vector<16xf32> to vector<1x16xf32>
        tpu.vector_store %arg7[%parallel_loop3A_830, %parallel_loop3A_831], %parallel_loop3A_834 {add = true, strides = array<i32>} : memref<32x768xf32, #tpu.memory_space<vmem>>, vector<1x16xf32>,
        %parallel_loop3A_835 = arith.constant 2 : i32
        %parallel_loop3A_836 = arith.muli %parallel_loop3A_835, %parallel_loop3A_249 : i32
        %parallel_loop3A_837 = arith.constant 1 : i32
        %parallel_loop3A_838 = arith.addi %parallel_loop3A_836, %parallel_loop3A_837 : i32
        %parallel_loop3A_839 = arith.index_cast %parallel_loop3A_838 : i32 to index
        %parallel_loop3A_840 = arith.constant 336 : index
        %parallel_loop3A_841 = tpu.vector_load %arg9[%parallel_loop3A_839, %parallel_loop3A_840] {strides = array<i32>} : memref<64x384xf32, #tpu.memory_space<vmem>>, vector<1x16xf32>,
        %parallel_loop3A_842 = vector.shape_cast %parallel_loop3A_841 : vector<1x16xf32> to vector<16xf32>
        %parallel_loop3A_843 = arith.index_cast %parallel_loop3A_249 : i32 to index
        %parallel_loop3A_844 = arith.constant 720 : index
        %parallel_loop3A_845 = tpu.vector_load %arg7[%parallel_loop3A_843, %parallel_loop3A_844] {strides = array<i32>} : memref<32x768xf32, #tpu.memory_space<vmem>>, vector<1x16xf32>,
        %parallel_loop3A_846 = vector.shape_cast %parallel_loop3A_845 : vector<1x16xf32> to vector<16xf32>
        %parallel_loop3A_847 = vector.shape_cast %parallel_loop3A_842 : vector<16xf32> to vector<1x16xf32>
        tpu.vector_store %arg7[%parallel_loop3A_843, %parallel_loop3A_844], %parallel_loop3A_847 {add = true, strides = array<i32>} : memref<32x768xf32, #tpu.memory_space<vmem>>, vector<1x16xf32>,
        %parallel_loop3A_848 = arith.constant 2 : i32
        %parallel_loop3A_849 = arith.muli %parallel_loop3A_848, %parallel_loop3A_249 : i32
        %parallel_loop3A_850 = arith.constant 1 : i32
        %parallel_loop3A_851 = arith.addi %parallel_loop3A_849, %parallel_loop3A_850 : i32
        %parallel_loop3A_852 = arith.index_cast %parallel_loop3A_851 : i32 to index
        %parallel_loop3A_853 = arith.constant 352 : index
        %parallel_loop3A_854 = tpu.vector_load %arg9[%parallel_loop3A_852, %parallel_loop3A_853] {strides = array<i32>} : memref<64x384xf32, #tpu.memory_space<vmem>>, vector<1x16xf32>,
        %parallel_loop3A_855 = vector.shape_cast %parallel_loop3A_854 : vector<1x16xf32> to vector<16xf32>
        %parallel_loop3A_856 = arith.index_cast %parallel_loop3A_249 : i32 to index
        %parallel_loop3A_857 = arith.constant 736 : index
        %parallel_loop3A_858 = tpu.vector_load %arg7[%parallel_loop3A_856, %parallel_loop3A_857] {strides = array<i32>} : memref<32x768xf32, #tpu.memory_space<vmem>>, vector<1x16xf32>,
        %parallel_loop3A_859 = vector.shape_cast %parallel_loop3A_858 : vector<1x16xf32> to vector<16xf32>
        %parallel_loop3A_860 = vector.shape_cast %parallel_loop3A_855 : vector<16xf32> to vector<1x16xf32>
        tpu.vector_store %arg7[%parallel_loop3A_856, %parallel_loop3A_857], %parallel_loop3A_860 {add = true, strides = array<i32>} : memref<32x768xf32, #tpu.memory_space<vmem>>, vector<1x16xf32>,
        %parallel_loop3A_861 = arith.constant 2 : i32
        %parallel_loop3A_862 = arith.muli %parallel_loop3A_861, %parallel_loop3A_249 : i32
        %parallel_loop3A_863 = arith.constant 1 : i32
        %parallel_loop3A_864 = arith.addi %parallel_loop3A_862, %parallel_loop3A_863 : i32
        %parallel_loop3A_865 = arith.index_cast %parallel_loop3A_864 : i32 to index
        %parallel_loop3A_866 = arith.constant 368 : index
        %parallel_loop3A_867 = tpu.vector_load %arg9[%parallel_loop3A_865, %parallel_loop3A_866] {strides = array<i32>} : memref<64x384xf32, #tpu.memory_space<vmem>>, vector<1x16xf32>,
        %parallel_loop3A_868 = vector.shape_cast %parallel_loop3A_867 : vector<1x16xf32> to vector<16xf32>
        %parallel_loop3A_869 = arith.index_cast %parallel_loop3A_249 : i32 to index
        %parallel_loop3A_870 = arith.constant 752 : index
        %parallel_loop3A_871 = tpu.vector_load %arg7[%parallel_loop3A_869, %parallel_loop3A_870] {strides = array<i32>} : memref<32x768xf32, #tpu.memory_space<vmem>>, vector<1x16xf32>,
        %parallel_loop3A_872 = vector.shape_cast %parallel_loop3A_871 : vector<1x16xf32> to vector<16xf32>
        %parallel_loop3A_873 = vector.shape_cast %parallel_loop3A_868 : vector<16xf32> to vector<1x16xf32>
        tpu.vector_store %arg7[%parallel_loop3A_869, %parallel_loop3A_870], %parallel_loop3A_873 {add = true, strides = array<i32>} : memref<32x768xf32, #tpu.memory_space<vmem>>, vector<1x16xf32>,
      } {sc.loop_unroll_factor = 1 : i64, sc.parallel_access}
      %mul3A_240 = arith.constant 32 : i32
      %mul3A_241 = arith.muli %sub3A_221, %mul3A_240 : i32
      %add3A_242 = arith.addi %mul3A_32, %mul3A_241 : i32
      %dma_start3A_243 = arith.constant 0 : i32
      %dma_start3A_244 = tpu.memref_slice %arg5[%select_n3A, %add3A_242, %dma_start3A_243] : memref<4x4096x768xf32, #tpu.memory_space<hbm>> -> memref<1x32x768xf32, #tpu.memory_space<hbm>>
      %dma_start3A_245 = tpu.memref_squeeze %dma_start3A_244 : memref<1x32x768xf32, #tpu.memory_space<hbm>> -> memref<32x768xf32, #tpu.memory_space<hbm>>
      %dma_start3A_246 = arith.constant 0 : i32
      %dma_start3A_247 = tpu.memref_slice %arg5[%select_n3A, %add3A_242, %dma_start3A_246] : memref<4x4096x768xf32, #tpu.memory_space<hbm>> -> memref<1x32x768xf32, #tpu.memory_space<hbm>>
      %dma_start3A_248 = tpu.memref_squeeze %dma_start3A_247 : memref<1x32x768xf32, #tpu.memory_space<hbm>> -> memref<32x768xf32, #tpu.memory_space<hbm>>
      tpu.enqueue_dma source(%arg7 : memref<32x768xf32, #tpu.memory_space<vmem>>) target(%dma_start3A_248 : memref<32x768xf32, #tpu.memory_space<hbm>>) target_semaphore(%arg15 : memref<!tpu.dma_semaphore, #tpu.memory_space<semaphore_mem>>)
    }
    %scan3A_85 = arith.constant 7 : i32
    %dma_wait3A_86 = arith.constant 960 : i32
    %dma_wait3A_87 = tpu.memref_slice %arg6[%dma_wait3A_86] : memref<1024xi32, #tpu.memory_space<vmem>> -> memref<64xi32, #tpu.memory_space<vmem>>
    %dma_wait3A_88 = arith.constant 0 : i32
    %dma_wait3A_89 = arith.constant 0 : i32
    %dma_wait3A_90 = tpu.memref_slice %arg4[%dma_wait3A_88, %dma_wait3A_89] : memref<4096x384xf32, #tpu.memory_space<hbm>> -> memref<4096x384xf32, #tpu.memory_space<hbm>>
    tpu.wait_indirect_dma semaphore(%arg12 : memref<!tpu.dma_semaphore, #tpu.memory_space<semaphore_mem>>) src(%dma_wait3A_90 : memref<4096x384xf32, #tpu.memory_space<hbm>>) dst(%arg10 : memref<64x384xf32, #tpu.memory_space<vmem>>)
    %add3A_91 = arith.constant 480 : i32
    %add3A_92 = arith.addi %mul3A_32, %add3A_91 : i32
    %dma_wait3A_93 = arith.constant 0 : i32
    %dma_wait3A_94 = tpu.memref_slice %arg2[%select_n3A, %add3A_92, %dma_wait3A_93] : memref<4x4096x768xf32, #tpu.memory_space<hbm>> -> memref<1x32x768xf32, #tpu.memory_space<hbm>>
    %dma_wait3A_95 = tpu.memref_squeeze %dma_wait3A_94 : memref<1x32x768xf32, #tpu.memory_space<hbm>> -> memref<32x768xf32, #tpu.memory_space<hbm>>
    %dma_wait3A_96 = arith.constant 0 : i32
    %dma_wait3A_97 = tpu.memref_slice %arg2[%select_n3A, %add3A_92, %dma_wait3A_96] : memref<4x4096x768xf32, #tpu.memory_space<hbm>> -> memref<1x32x768xf32, #tpu.memory_space<hbm>>
    %dma_wait3A_98 = tpu.memref_squeeze %dma_wait3A_97 : memref<1x32x768xf32, #tpu.memory_space<hbm>> -> memref<32x768xf32, #tpu.memory_space<hbm>>
    tpu.wait_dma2 semaphore(%arg14 : memref<!tpu.dma_semaphore, #tpu.memory_space<semaphore_mem>>) src(%dma_wait3A_98 : memref<32x768xf32, #tpu.memory_space<hbm>>) dst(%arg8 : memref<32x768xf32, #tpu.memory_space<vmem>>)
    %parallel_loop3A_99 = arith.constant 0 : i32
    %parallel_loop3A_100 = arith.constant 32 : i32
    %parallel_loop3A_101 = arith.constant 1 : i32
    scf.for %parallel_loop3A_126 = %parallel_loop3A_99 to %parallel_loop3A_100 step %parallel_loop3A_101  : i32 {
      %parallel_loop3A_127 = arith.constant 2 : i32
      %parallel_loop3A_128 = arith.muli %parallel_loop3A_127, %parallel_loop3A_126 : i32
      %parallel_loop3A_129 = arith.constant 0 : i32
      %parallel_loop3A_130 = arith.addi %parallel_loop3A_128, %parallel_loop3A_129 : i32
      %parallel_loop3A_131 = arith.index_cast %parallel_loop3A_130 : i32 to index
      %parallel_loop3A_132 = arith.constant 0 : index
      %parallel_loop3A_133 = tpu.vector_load %arg10[%parallel_loop3A_131, %parallel_loop3A_132] {strides = array<i32>} : memref<64x384xf32, #tpu.memory_space<vmem>>, vector<1x16xf32>,
      %parallel_loop3A_134 = vector.shape_cast %parallel_loop3A_133 : vector<1x16xf32> to vector<16xf32>
      %parallel_loop3A_135 = arith.index_cast %parallel_loop3A_126 : i32 to index
      %parallel_loop3A_136 = arith.constant 0 : index
      %parallel_loop3A_137 = tpu.vector_load %arg8[%parallel_loop3A_135, %parallel_loop3A_136] {strides = array<i32>} : memref<32x768xf32, #tpu.memory_space<vmem>>, vector<1x16xf32>,
      %parallel_loop3A_138 = vector.shape_cast %parallel_loop3A_137 : vector<1x16xf32> to vector<16xf32>
      %parallel_loop3A_139 = vector.shape_cast %parallel_loop3A_134 : vector<16xf32> to vector<1x16xf32>
      tpu.vector_store %arg8[%parallel_loop3A_135, %parallel_loop3A_136], %parallel_loop3A_139 {add = true, strides = array<i32>} : memref<32x768xf32, #tpu.memory_space<vmem>>, vector<1x16xf32>,
      %parallel_loop3A_140 = arith.constant 2 : i32
      %parallel_loop3A_141 = arith.muli %parallel_loop3A_140, %parallel_loop3A_126 : i32
      %parallel_loop3A_142 = arith.constant 0 : i32
      %parallel_loop3A_143 = arith.addi %parallel_loop3A_141, %parallel_loop3A_142 : i32
      %parallel_loop3A_144 = arith.index_cast %parallel_loop3A_143 : i32 to index
      %parallel_loop3A_145 = arith.constant 16 : index
      %parallel_loop3A_146 = tpu.vector_load %arg10[%parallel_loop3A_144, %parallel_loop3A_145] {strides = array<i32>} : memref<64x384xf32, #tpu.memory_space<vmem>>, vector<1x16xf32>,
      %parallel_loop3A_147 = vector.shape_cast %parallel_loop3A_146 : vector<1x16xf32> to vector<16xf32>
      %parallel_loop3A_148 = arith.index_cast %parallel_loop3A_126 : i32 to index
      %parallel_loop3A_149 = arith.constant 16 : index
      %parallel_loop3A_150 = tpu.vector_load %arg8[%parallel_loop3A_148, %parallel_loop3A_149] {strides = array<i32>} : memref<32x768xf32, #tpu.memory_space<vmem>>, vector<1x16xf32>,
      %parallel_loop3A_151 = vector.shape_cast %parallel_loop3A_150 : vector<1x16xf32> to vector<16xf32>
      %parallel_loop3A_152 = vector.shape_cast %parallel_loop3A_147 : vector<16xf32> to vector<1x16xf32>
      tpu.vector_store %arg8[%parallel_loop3A_148, %parallel_loop3A_149], %parallel_loop3A_152 {add = true, strides = array<i32>} : memref<32x768xf32, #tpu.memory_space<vmem>>, vector<1x16xf32>,
      %parallel_loop3A_153 = arith.constant 2 : i32
      %parallel_loop3A_154 = arith.muli %parallel_loop3A_153, %parallel_loop3A_126 : i32
      %parallel_loop3A_155 = arith.constant 0 : i32
      %parallel_loop3A_156 = arith.addi %parallel_loop3A_154, %parallel_loop3A_155 : i32
      %parallel_loop3A_157 = arith.index_cast %parallel_loop3A_156 : i32 to index
      %parallel_loop3A_158 = arith.constant 32 : index
      %parallel_loop3A_159 = tpu.vector_load %arg10[%parallel_loop3A_157, %parallel_loop3A_158] {strides = array<i32>} : memref<64x384xf32, #tpu.memory_space<vmem>>, vector<1x16xf32>,
      %parallel_loop3A_160 = vector.shape_cast %parallel_loop3A_159 : vector<1x16xf32> to vector<16xf32>
      %parallel_loop3A_161 = arith.index_cast %parallel_loop3A_126 : i32 to index
      %parallel_loop3A_162 = arith.constant 32 : index
      %parallel_loop3A_163 = tpu.vector_load %arg8[%parallel_loop3A_161, %parallel_loop3A_162] {strides = array<i32>} : memref<32x768xf32, #tpu.memory_space<vmem>>, vector<1x16xf32>,
      %parallel_loop3A_164 = vector.shape_cast %parallel_loop3A_163 : vector<1x16xf32> to vector<16xf32>
      %parallel_loop3A_165 = vector.shape_cast %parallel_loop3A_160 : vector<16xf32> to vector<1x16xf32>
      tpu.vector_store %arg8[%parallel_loop3A_161, %parallel_loop3A_162], %parallel_loop3A_165 {add = true, strides = array<i32>} : memref<32x768xf32, #tpu.memory_space<vmem>>, vector<1x16xf32>,
      %parallel_loop3A_166 = arith.constant 2 : i32
      %parallel_loop3A_167 = arith.muli %parallel_loop3A_166, %parallel_loop3A_126 : i32
      %parallel_loop3A_168 = arith.constant 0 : i32
      %parallel_loop3A_169 = arith.addi %parallel_loop3A_167, %parallel_loop3A_168 : i32
      %parallel_loop3A_170 = arith.index_cast %parallel_loop3A_169 : i32 to index
      %parallel_loop3A_171 = arith.constant 48 : index
      %parallel_loop3A_172 = tpu.vector_load %arg10[%parallel_loop3A_170, %parallel_loop3A_171] {strides = array<i32>} : memref<64x384xf32, #tpu.memory_space<vmem>>, vector<1x16xf32>,
      %parallel_loop3A_173 = vector.shape_cast %parallel_loop3A_172 : vector<1x16xf32> to vector<16xf32>
      %parallel_loop3A_174 = arith.index_cast %parallel_loop3A_126 : i32 to index
      %parallel_loop3A_175 = arith.constant 48 : index
      %parallel_loop3A_176 = tpu.vector_load %arg8[%parallel_loop3A_174, %parallel_loop3A_175] {strides = array<i32>} : memref<32x768xf32, #tpu.memory_space<vmem>>, vector<1x16xf32>,
      %parallel_loop3A_177 = vector.shape_cast %parallel_loop3A_176 : vector<1x16xf32> to vector<16xf32>
      %parallel_loop3A_178 = vector.shape_cast %parallel_loop3A_173 : vector<16xf32> to vector<1x16xf32>
      tpu.vector_store %arg8[%parallel_loop3A_174, %parallel_loop3A_175], %parallel_loop3A_178 {add = true, strides = array<i32>} : memref<32x768xf32, #tpu.memory_space<vmem>>, vector<1x16xf32>,
      %parallel_loop3A_179 = arith.constant 2 : i32
      %parallel_loop3A_180 = arith.muli %parallel_loop3A_179, %parallel_loop3A_126 : i32
      %parallel_loop3A_181 = arith.constant 0 : i32
      %parallel_loop3A_182 = arith.addi %parallel_loop3A_180, %parallel_loop3A_181 : i32
      %parallel_loop3A_183 = arith.index_cast %parallel_loop3A_182 : i32 to index
      %parallel_loop3A_184 = arith.constant 64 : index
      %parallel_loop3A_185 = tpu.vector_load %arg10[%parallel_loop3A_183, %parallel_loop3A_184] {strides = array<i32>} : memref<64x384xf32, #tpu.memory_space<vmem>>, vector<1x16xf32>,
      %parallel_loop3A_186 = vector.shape_cast %parallel_loop3A_185 : vector<1x16xf32> to vector<16xf32>
      %parallel_loop3A_187 = arith.index_cast %parallel_loop3A_126 : i32 to index
      %parallel_loop3A_188 = arith.constant 64 : index
      %parallel_loop3A_189 = tpu.vector_load %arg8[%parallel_loop3A_187, %parallel_loop3A_188] {strides = array<i32>} : memref<32x768xf32, #tpu.memory_space<vmem>>, vector<1x16xf32>,
      %parallel_loop3A_190 = vector.shape_cast %parallel_loop3A_189 : vector<1x16xf32> to vector<16xf32>
      %parallel_loop3A_191 = vector.shape_cast %parallel_loop3A_186 : vector<16xf32> to vector<1x16xf32>
      tpu.vector_store %arg8[%parallel_loop3A_187, %parallel_loop3A_188], %parallel_loop3A_191 {add = true, strides = array<i32>} : memref<32x768xf32, #tpu.memory_space<vmem>>, vector<1x16xf32>,
      %parallel_loop3A_192 = arith.constant 2 : i32
      %parallel_loop3A_193 = arith.muli %parallel_loop3A_192, %parallel_loop3A_126 : i32
      %parallel_loop3A_194 = arith.constant 0 : i32
      %parallel_loop3A_195 = arith.addi %parallel_loop3A_193, %parallel_loop3A_194 : i32
      %parallel_loop3A_196 = arith.index_cast %parallel_loop3A_195 : i32 to index
      %parallel_loop3A_197 = arith.constant 80 : index
      %parallel_loop3A_198 = tpu.vector_load %arg10[%parallel_loop3A_196, %parallel_loop3A_197] {strides = array<i32>} : memref<64x384xf32, #tpu.memory_space<vmem>>, vector<1x16xf32>,
      %parallel_loop3A_199 = vector.shape_cast %parallel_loop3A_198 : vector<1x16xf32> to vector<16xf32>
      %parallel_loop3A_200 = arith.index_cast %parallel_loop3A_126 : i32 to index
      %parallel_loop3A_201 = arith.constant 80 : index
      %parallel_loop3A_202 = tpu.vector_load %arg8[%parallel_loop3A_200, %parallel_loop3A_201] {strides = array<i32>} : memref<32x768xf32, #tpu.memory_space<vmem>>, vector<1x16xf32>,
      %parallel_loop3A_203 = vector.shape_cast %parallel_loop3A_202 : vector<1x16xf32> to vector<16xf32>
      %parallel_loop3A_204 = vector.shape_cast %parallel_loop3A_199 : vector<16xf32> to vector<1x16xf32>
      tpu.vector_store %arg8[%parallel_loop3A_200, %parallel_loop3A_201], %parallel_loop3A_204 {add = true, strides = array<i32>} : memref<32x768xf32, #tpu.memory_space<vmem>>, vector<1x16xf32>,
      %parallel_loop3A_205 = arith.constant 2 : i32
      %parallel_loop3A_206 = arith.muli %parallel_loop3A_205, %parallel_loop3A_126 : i32
      %parallel_loop3A_207 = arith.constant 0 : i32
      %parallel_loop3A_208 = arith.addi %parallel_loop3A_206, %parallel_loop3A_207 : i32
      %parallel_loop3A_209 = arith.index_cast %parallel_loop3A_208 : i32 to index
      %parallel_loop3A_210 = arith.constant 96 : index
      %parallel_loop3A_211 = tpu.vector_load %arg10[%parallel_loop3A_209, %parallel_loop3A_210] {strides = array<i32>} : memref<64x384xf32, #tpu.memory_space<vmem>>, vector<1x16xf32>,
      %parallel_loop3A_212 = vector.shape_cast %parallel_loop3A_211 : vector<1x16xf32> to vector<16xf32>
      %parallel_loop3A_213 = arith.index_cast %parallel_loop3A_126 : i32 to index
      %parallel_loop3A_214 = arith.constant 96 : index
      %parallel_loop3A_215 = tpu.vector_load %arg8[%parallel_loop3A_213, %parallel_loop3A_214] {strides = array<i32>} : memref<32x768xf32, #tpu.memory_space<vmem>>, vector<1x16xf32>,
      %parallel_loop3A_216 = vector.shape_cast %parallel_loop3A_215 : vector<1x16xf32> to vector<16xf32>
      %parallel_loop3A_217 = vector.shape_cast %parallel_loop3A_212 : vector<16xf32> to vector<1x16xf32>
      tpu.vector_store %arg8[%parallel_loop3A_213, %parallel_loop3A_214], %parallel_loop3A_217 {add = true, strides = array<i32>} : memref<32x768xf32, #tpu.memory_space<vmem>>, vector<1x16xf32>,
      %parallel_loop3A_218 = arith.constant 2 : i32
      %parallel_loop3A_219 = arith.muli %parallel_loop3A_218, %parallel_loop3A_126 : i32
      %parallel_loop3A_220 = arith.constant 0 : i32
      %parallel_loop3A_221 = arith.addi %parallel_loop3A_219, %parallel_loop3A_220 : i32
      %parallel_loop3A_222 = arith.index_cast %parallel_loop3A_221 : i32 to index
      %parallel_loop3A_223 = arith.constant 112 : index
      %parallel_loop3A_224 = tpu.vector_load %arg10[%parallel_loop3A_222, %parallel_loop3A_223] {strides = array<i32>} : memref<64x384xf32, #tpu.memory_space<vmem>>, vector<1x16xf32>,
      %parallel_loop3A_225 = vector.shape_cast %parallel_loop3A_224 : vector<1x16xf32> to vector<16xf32>
      %parallel_loop3A_226 = arith.index_cast %parallel_loop3A_126 : i32 to index
      %parallel_loop3A_227 = arith.constant 112 : index
      %parallel_loop3A_228 = tpu.vector_load %arg8[%parallel_loop3A_226, %parallel_loop3A_227] {strides = array<i32>} : memref<32x768xf32, #tpu.memory_space<vmem>>, vector<1x16xf32>,
      %parallel_loop3A_229 = vector.shape_cast %parallel_loop3A_228 : vector<1x16xf32> to vector<16xf32>
      %parallel_loop3A_230 = vector.shape_cast %parallel_loop3A_225 : vector<16xf32> to vector<1x16xf32>
      tpu.vector_store %arg8[%parallel_loop3A_226, %parallel_loop3A_227], %parallel_loop3A_230 {add = true, strides = array<i32>} : memref<32x768xf32, #tpu.memory_space<vmem>>, vector<1x16xf32>,
      %parallel_loop3A_231 = arith.constant 2 : i32
      %parallel_loop3A_232 = arith.muli %parallel_loop3A_231, %parallel_loop3A_126 : i32
      %parallel_loop3A_233 = arith.constant 0 : i32
      %parallel_loop3A_234 = arith.addi %parallel_loop3A_232, %parallel_loop3A_233 : i32
      %parallel_loop3A_235 = arith.index_cast %parallel_loop3A_234 : i32 to index
      %parallel_loop3A_236 = arith.constant 128 : index
      %parallel_loop3A_237 = tpu.vector_load %arg10[%parallel_loop3A_235, %parallel_loop3A_236] {strides = array<i32>} : memref<64x384xf32, #tpu.memory_space<vmem>>, vector<1x16xf32>,
      %parallel_loop3A_238 = vector.shape_cast %parallel_loop3A_237 : vector<1x16xf32> to vector<16xf32>
      %parallel_loop3A_239 = arith.index_cast %parallel_loop3A_126 : i32 to index
      %parallel_loop3A_240 = arith.constant 128 : index
      %parallel_loop3A_241 = tpu.vector_load %arg8[%parallel_loop3A_239, %parallel_loop3A_240] {strides = array<i32>} : memref<32x768xf32, #tpu.memory_space<vmem>>, vector<1x16xf32>,
      %parallel_loop3A_242 = vector.shape_cast %parallel_loop3A_241 : vector<1x16xf32> to vector<16xf32>
      %parallel_loop3A_243 = vector.shape_cast %parallel_loop3A_238 : vector<16xf32> to vector<1x16xf32>
      tpu.vector_store %arg8[%parallel_loop3A_239, %parallel_loop3A_240], %parallel_loop3A_243 {add = true, strides = array<i32>} : memref<32x768xf32, #tpu.memory_space<vmem>>, vector<1x16xf32>,
      %parallel_loop3A_244 = arith.constant 2 : i32
      %parallel_loop3A_245 = arith.muli %parallel_loop3A_244, %parallel_loop3A_126 : i32
      %parallel_loop3A_246 = arith.constant 0 : i32
      %parallel_loop3A_247 = arith.addi %parallel_loop3A_245, %parallel_loop3A_246 : i32
      %parallel_loop3A_248 = arith.index_cast %parallel_loop3A_247 : i32 to index
      %parallel_loop3A_249 = arith.constant 144 : index
      %parallel_loop3A_250 = tpu.vector_load %arg10[%parallel_loop3A_248, %parallel_loop3A_249] {strides = array<i32>} : memref<64x384xf32, #tpu.memory_space<vmem>>, vector<1x16xf32>,
      %parallel_loop3A_251 = vector.shape_cast %parallel_loop3A_250 : vector<1x16xf32> to vector<16xf32>
      %parallel_loop3A_252 = arith.index_cast %parallel_loop3A_126 : i32 to index
      %parallel_loop3A_253 = arith.constant 144 : index
      %parallel_loop3A_254 = tpu.vector_load %arg8[%parallel_loop3A_252, %parallel_loop3A_253] {strides = array<i32>} : memref<32x768xf32, #tpu.memory_space<vmem>>, vector<1x16xf32>,
      %parallel_loop3A_255 = vector.shape_cast %parallel_loop3A_254 : vector<1x16xf32> to vector<16xf32>
      %parallel_loop3A_256 = vector.shape_cast %parallel_loop3A_251 : vector<16xf32> to vector<1x16xf32>
      tpu.vector_store %arg8[%parallel_loop3A_252, %parallel_loop3A_253], %parallel_loop3A_256 {add = true, strides = array<i32>} : memref<32x768xf32, #tpu.memory_space<vmem>>, vector<1x16xf32>,
      %parallel_loop3A_257 = arith.constant 2 : i32
      %parallel_loop3A_258 = arith.muli %parallel_loop3A_257, %parallel_loop3A_126 : i32
      %parallel_loop3A_259 = arith.constant 0 : i32
      %parallel_loop3A_260 = arith.addi %parallel_loop3A_258, %parallel_loop3A_259 : i32
      %parallel_loop3A_261 = arith.index_cast %parallel_loop3A_260 : i32 to index
      %parallel_loop3A_262 = arith.constant 160 : index
      %parallel_loop3A_263 = tpu.vector_load %arg10[%parallel_loop3A_261, %parallel_loop3A_262] {strides = array<i32>} : memref<64x384xf32, #tpu.memory_space<vmem>>, vector<1x16xf32>,
      %parallel_loop3A_264 = vector.shape_cast %parallel_loop3A_263 : vector<1x16xf32> to vector<16xf32>
      %parallel_loop3A_265 = arith.index_cast %parallel_loop3A_126 : i32 to index
      %parallel_loop3A_266 = arith.constant 160 : index
      %parallel_loop3A_267 = tpu.vector_load %arg8[%parallel_loop3A_265, %parallel_loop3A_266] {strides = array<i32>} : memref<32x768xf32, #tpu.memory_space<vmem>>, vector<1x16xf32>,
      %parallel_loop3A_268 = vector.shape_cast %parallel_loop3A_267 : vector<1x16xf32> to vector<16xf32>
      %parallel_loop3A_269 = vector.shape_cast %parallel_loop3A_264 : vector<16xf32> to vector<1x16xf32>
      tpu.vector_store %arg8[%parallel_loop3A_265, %parallel_loop3A_266], %parallel_loop3A_269 {add = true, strides = array<i32>} : memref<32x768xf32, #tpu.memory_space<vmem>>, vector<1x16xf32>,
      %parallel_loop3A_270 = arith.constant 2 : i32
      %parallel_loop3A_271 = arith.muli %parallel_loop3A_270, %parallel_loop3A_126 : i32
      %parallel_loop3A_272 = arith.constant 0 : i32
      %parallel_loop3A_273 = arith.addi %parallel_loop3A_271, %parallel_loop3A_272 : i32
      %parallel_loop3A_274 = arith.index_cast %parallel_loop3A_273 : i32 to index
      %parallel_loop3A_275 = arith.constant 176 : index
      %parallel_loop3A_276 = tpu.vector_load %arg10[%parallel_loop3A_274, %parallel_loop3A_275] {strides = array<i32>} : memref<64x384xf32, #tpu.memory_space<vmem>>, vector<1x16xf32>,
      %parallel_loop3A_277 = vector.shape_cast %parallel_loop3A_276 : vector<1x16xf32> to vector<16xf32>
      %parallel_loop3A_278 = arith.index_cast %parallel_loop3A_126 : i32 to index
      %parallel_loop3A_279 = arith.constant 176 : index
      %parallel_loop3A_280 = tpu.vector_load %arg8[%parallel_loop3A_278, %parallel_loop3A_279] {strides = array<i32>} : memref<32x768xf32, #tpu.memory_space<vmem>>, vector<1x16xf32>,
      %parallel_loop3A_281 = vector.shape_cast %parallel_loop3A_280 : vector<1x16xf32> to vector<16xf32>
      %parallel_loop3A_282 = vector.shape_cast %parallel_loop3A_277 : vector<16xf32> to vector<1x16xf32>
      tpu.vector_store %arg8[%parallel_loop3A_278, %parallel_loop3A_279], %parallel_loop3A_282 {add = true, strides = array<i32>} : memref<32x768xf32, #tpu.memory_space<vmem>>, vector<1x16xf32>,
      %parallel_loop3A_283 = arith.constant 2 : i32
      %parallel_loop3A_284 = arith.muli %parallel_loop3A_283, %parallel_loop3A_126 : i32
      %parallel_loop3A_285 = arith.constant 0 : i32
      %parallel_loop3A_286 = arith.addi %parallel_loop3A_284, %parallel_loop3A_285 : i32
      %parallel_loop3A_287 = arith.index_cast %parallel_loop3A_286 : i32 to index
      %parallel_loop3A_288 = arith.constant 192 : index
      %parallel_loop3A_289 = tpu.vector_load %arg10[%parallel_loop3A_287, %parallel_loop3A_288] {strides = array<i32>} : memref<64x384xf32, #tpu.memory_space<vmem>>, vector<1x16xf32>,
      %parallel_loop3A_290 = vector.shape_cast %parallel_loop3A_289 : vector<1x16xf32> to vector<16xf32>
      %parallel_loop3A_291 = arith.index_cast %parallel_loop3A_126 : i32 to index
      %parallel_loop3A_292 = arith.constant 192 : index
      %parallel_loop3A_293 = tpu.vector_load %arg8[%parallel_loop3A_291, %parallel_loop3A_292] {strides = array<i32>} : memref<32x768xf32, #tpu.memory_space<vmem>>, vector<1x16xf32>,
      %parallel_loop3A_294 = vector.shape_cast %parallel_loop3A_293 : vector<1x16xf32> to vector<16xf32>
      %parallel_loop3A_295 = vector.shape_cast %parallel_loop3A_290 : vector<16xf32> to vector<1x16xf32>
      tpu.vector_store %arg8[%parallel_loop3A_291, %parallel_loop3A_292], %parallel_loop3A_295 {add = true, strides = array<i32>} : memref<32x768xf32, #tpu.memory_space<vmem>>, vector<1x16xf32>,
      %parallel_loop3A_296 = arith.constant 2 : i32
      %parallel_loop3A_297 = arith.muli %parallel_loop3A_296, %parallel_loop3A_126 : i32
      %parallel_loop3A_298 = arith.constant 0 : i32
      %parallel_loop3A_299 = arith.addi %parallel_loop3A_297, %parallel_loop3A_298 : i32
      %parallel_loop3A_300 = arith.index_cast %parallel_loop3A_299 : i32 to index
      %parallel_loop3A_301 = arith.constant 208 : index
      %parallel_loop3A_302 = tpu.vector_load %arg10[%parallel_loop3A_300, %parallel_loop3A_301] {strides = array<i32>} : memref<64x384xf32, #tpu.memory_space<vmem>>, vector<1x16xf32>,
      %parallel_loop3A_303 = vector.shape_cast %parallel_loop3A_302 : vector<1x16xf32> to vector<16xf32>
      %parallel_loop3A_304 = arith.index_cast %parallel_loop3A_126 : i32 to index
      %parallel_loop3A_305 = arith.constant 208 : index
      %parallel_loop3A_306 = tpu.vector_load %arg8[%parallel_loop3A_304, %parallel_loop3A_305] {strides = array<i32>} : memref<32x768xf32, #tpu.memory_space<vmem>>, vector<1x16xf32>,
      %parallel_loop3A_307 = vector.shape_cast %parallel_loop3A_306 : vector<1x16xf32> to vector<16xf32>
      %parallel_loop3A_308 = vector.shape_cast %parallel_loop3A_303 : vector<16xf32> to vector<1x16xf32>
      tpu.vector_store %arg8[%parallel_loop3A_304, %parallel_loop3A_305], %parallel_loop3A_308 {add = true, strides = array<i32>} : memref<32x768xf32, #tpu.memory_space<vmem>>, vector<1x16xf32>,
      %parallel_loop3A_309 = arith.constant 2 : i32
      %parallel_loop3A_310 = arith.muli %parallel_loop3A_309, %parallel_loop3A_126 : i32
      %parallel_loop3A_311 = arith.constant 0 : i32
      %parallel_loop3A_312 = arith.addi %parallel_loop3A_310, %parallel_loop3A_311 : i32
      %parallel_loop3A_313 = arith.index_cast %parallel_loop3A_312 : i32 to index
      %parallel_loop3A_314 = arith.constant 224 : index
      %parallel_loop3A_315 = tpu.vector_load %arg10[%parallel_loop3A_313, %parallel_loop3A_314] {strides = array<i32>} : memref<64x384xf32, #tpu.memory_space<vmem>>, vector<1x16xf32>,
      %parallel_loop3A_316 = vector.shape_cast %parallel_loop3A_315 : vector<1x16xf32> to vector<16xf32>
      %parallel_loop3A_317 = arith.index_cast %parallel_loop3A_126 : i32 to index
      %parallel_loop3A_318 = arith.constant 224 : index
      %parallel_loop3A_319 = tpu.vector_load %arg8[%parallel_loop3A_317, %parallel_loop3A_318] {strides = array<i32>} : memref<32x768xf32, #tpu.memory_space<vmem>>, vector<1x16xf32>,
      %parallel_loop3A_320 = vector.shape_cast %parallel_loop3A_319 : vector<1x16xf32> to vector<16xf32>
      %parallel_loop3A_321 = vector.shape_cast %parallel_loop3A_316 : vector<16xf32> to vector<1x16xf32>
      tpu.vector_store %arg8[%parallel_loop3A_317, %parallel_loop3A_318], %parallel_loop3A_321 {add = true, strides = array<i32>} : memref<32x768xf32, #tpu.memory_space<vmem>>, vector<1x16xf32>,
      %parallel_loop3A_322 = arith.constant 2 : i32
      %parallel_loop3A_323 = arith.muli %parallel_loop3A_322, %parallel_loop3A_126 : i32
      %parallel_loop3A_324 = arith.constant 0 : i32
      %parallel_loop3A_325 = arith.addi %parallel_loop3A_323, %parallel_loop3A_324 : i32
      %parallel_loop3A_326 = arith.index_cast %parallel_loop3A_325 : i32 to index
      %parallel_loop3A_327 = arith.constant 240 : index
      %parallel_loop3A_328 = tpu.vector_load %arg10[%parallel_loop3A_326, %parallel_loop3A_327] {strides = array<i32>} : memref<64x384xf32, #tpu.memory_space<vmem>>, vector<1x16xf32>,
      %parallel_loop3A_329 = vector.shape_cast %parallel_loop3A_328 : vector<1x16xf32> to vector<16xf32>
      %parallel_loop3A_330 = arith.index_cast %parallel_loop3A_126 : i32 to index
      %parallel_loop3A_331 = arith.constant 240 : index
      %parallel_loop3A_332 = tpu.vector_load %arg8[%parallel_loop3A_330, %parallel_loop3A_331] {strides = array<i32>} : memref<32x768xf32, #tpu.memory_space<vmem>>, vector<1x16xf32>,
      %parallel_loop3A_333 = vector.shape_cast %parallel_loop3A_332 : vector<1x16xf32> to vector<16xf32>
      %parallel_loop3A_334 = vector.shape_cast %parallel_loop3A_329 : vector<16xf32> to vector<1x16xf32>
      tpu.vector_store %arg8[%parallel_loop3A_330, %parallel_loop3A_331], %parallel_loop3A_334 {add = true, strides = array<i32>} : memref<32x768xf32, #tpu.memory_space<vmem>>, vector<1x16xf32>,
      %parallel_loop3A_335 = arith.constant 2 : i32
      %parallel_loop3A_336 = arith.muli %parallel_loop3A_335, %parallel_loop3A_126 : i32
      %parallel_loop3A_337 = arith.constant 0 : i32
      %parallel_loop3A_338 = arith.addi %parallel_loop3A_336, %parallel_loop3A_337 : i32
      %parallel_loop3A_339 = arith.index_cast %parallel_loop3A_338 : i32 to index
      %parallel_loop3A_340 = arith.constant 256 : index
      %parallel_loop3A_341 = tpu.vector_load %arg10[%parallel_loop3A_339, %parallel_loop3A_340] {strides = array<i32>} : memref<64x384xf32, #tpu.memory_space<vmem>>, vector<1x16xf32>,
      %parallel_loop3A_342 = vector.shape_cast %parallel_loop3A_341 : vector<1x16xf32> to vector<16xf32>
      %parallel_loop3A_343 = arith.index_cast %parallel_loop3A_126 : i32 to index
      %parallel_loop3A_344 = arith.constant 256 : index
      %parallel_loop3A_345 = tpu.vector_load %arg8[%parallel_loop3A_343, %parallel_loop3A_344] {strides = array<i32>} : memref<32x768xf32, #tpu.memory_space<vmem>>, vector<1x16xf32>,
      %parallel_loop3A_346 = vector.shape_cast %parallel_loop3A_345 : vector<1x16xf32> to vector<16xf32>
      %parallel_loop3A_347 = vector.shape_cast %parallel_loop3A_342 : vector<16xf32> to vector<1x16xf32>
      tpu.vector_store %arg8[%parallel_loop3A_343, %parallel_loop3A_344], %parallel_loop3A_347 {add = true, strides = array<i32>} : memref<32x768xf32, #tpu.memory_space<vmem>>, vector<1x16xf32>,
      %parallel_loop3A_348 = arith.constant 2 : i32
      %parallel_loop3A_349 = arith.muli %parallel_loop3A_348, %parallel_loop3A_126 : i32
      %parallel_loop3A_350 = arith.constant 0 : i32
      %parallel_loop3A_351 = arith.addi %parallel_loop3A_349, %parallel_loop3A_350 : i32
      %parallel_loop3A_352 = arith.index_cast %parallel_loop3A_351 : i32 to index
      %parallel_loop3A_353 = arith.constant 272 : index
      %parallel_loop3A_354 = tpu.vector_load %arg10[%parallel_loop3A_352, %parallel_loop3A_353] {strides = array<i32>} : memref<64x384xf32, #tpu.memory_space<vmem>>, vector<1x16xf32>,
      %parallel_loop3A_355 = vector.shape_cast %parallel_loop3A_354 : vector<1x16xf32> to vector<16xf32>
      %parallel_loop3A_356 = arith.index_cast %parallel_loop3A_126 : i32 to index
      %parallel_loop3A_357 = arith.constant 272 : index
      %parallel_loop3A_358 = tpu.vector_load %arg8[%parallel_loop3A_356, %parallel_loop3A_357] {strides = array<i32>} : memref<32x768xf32, #tpu.memory_space<vmem>>, vector<1x16xf32>,
      %parallel_loop3A_359 = vector.shape_cast %parallel_loop3A_358 : vector<1x16xf32> to vector<16xf32>
      %parallel_loop3A_360 = vector.shape_cast %parallel_loop3A_355 : vector<16xf32> to vector<1x16xf32>
      tpu.vector_store %arg8[%parallel_loop3A_356, %parallel_loop3A_357], %parallel_loop3A_360 {add = true, strides = array<i32>} : memref<32x768xf32, #tpu.memory_space<vmem>>, vector<1x16xf32>,
      %parallel_loop3A_361 = arith.constant 2 : i32
      %parallel_loop3A_362 = arith.muli %parallel_loop3A_361, %parallel_loop3A_126 : i32
      %parallel_loop3A_363 = arith.constant 0 : i32
      %parallel_loop3A_364 = arith.addi %parallel_loop3A_362, %parallel_loop3A_363 : i32
      %parallel_loop3A_365 = arith.index_cast %parallel_loop3A_364 : i32 to index
      %parallel_loop3A_366 = arith.constant 288 : index
      %parallel_loop3A_367 = tpu.vector_load %arg10[%parallel_loop3A_365, %parallel_loop3A_366] {strides = array<i32>} : memref<64x384xf32, #tpu.memory_space<vmem>>, vector<1x16xf32>,
      %parallel_loop3A_368 = vector.shape_cast %parallel_loop3A_367 : vector<1x16xf32> to vector<16xf32>
      %parallel_loop3A_369 = arith.index_cast %parallel_loop3A_126 : i32 to index
      %parallel_loop3A_370 = arith.constant 288 : index
      %parallel_loop3A_371 = tpu.vector_load %arg8[%parallel_loop3A_369, %parallel_loop3A_370] {strides = array<i32>} : memref<32x768xf32, #tpu.memory_space<vmem>>, vector<1x16xf32>,
      %parallel_loop3A_372 = vector.shape_cast %parallel_loop3A_371 : vector<1x16xf32> to vector<16xf32>
      %parallel_loop3A_373 = vector.shape_cast %parallel_loop3A_368 : vector<16xf32> to vector<1x16xf32>
      tpu.vector_store %arg8[%parallel_loop3A_369, %parallel_loop3A_370], %parallel_loop3A_373 {add = true, strides = array<i32>} : memref<32x768xf32, #tpu.memory_space<vmem>>, vector<1x16xf32>,
      %parallel_loop3A_374 = arith.constant 2 : i32
      %parallel_loop3A_375 = arith.muli %parallel_loop3A_374, %parallel_loop3A_126 : i32
      %parallel_loop3A_376 = arith.constant 0 : i32
      %parallel_loop3A_377 = arith.addi %parallel_loop3A_375, %parallel_loop3A_376 : i32
      %parallel_loop3A_378 = arith.index_cast %parallel_loop3A_377 : i32 to index
      %parallel_loop3A_379 = arith.constant 304 : index
      %parallel_loop3A_380 = tpu.vector_load %arg10[%parallel_loop3A_378, %parallel_loop3A_379] {strides = array<i32>} : memref<64x384xf32, #tpu.memory_space<vmem>>, vector<1x16xf32>,
      %parallel_loop3A_381 = vector.shape_cast %parallel_loop3A_380 : vector<1x16xf32> to vector<16xf32>
      %parallel_loop3A_382 = arith.index_cast %parallel_loop3A_126 : i32 to index
      %parallel_loop3A_383 = arith.constant 304 : index
      %parallel_loop3A_384 = tpu.vector_load %arg8[%parallel_loop3A_382, %parallel_loop3A_383] {strides = array<i32>} : memref<32x768xf32, #tpu.memory_space<vmem>>, vector<1x16xf32>,
      %parallel_loop3A_385 = vector.shape_cast %parallel_loop3A_384 : vector<1x16xf32> to vector<16xf32>
      %parallel_loop3A_386 = vector.shape_cast %parallel_loop3A_381 : vector<16xf32> to vector<1x16xf32>
      tpu.vector_store %arg8[%parallel_loop3A_382, %parallel_loop3A_383], %parallel_loop3A_386 {add = true, strides = array<i32>} : memref<32x768xf32, #tpu.memory_space<vmem>>, vector<1x16xf32>,
      %parallel_loop3A_387 = arith.constant 2 : i32
      %parallel_loop3A_388 = arith.muli %parallel_loop3A_387, %parallel_loop3A_126 : i32
      %parallel_loop3A_389 = arith.constant 0 : i32
      %parallel_loop3A_390 = arith.addi %parallel_loop3A_388, %parallel_loop3A_389 : i32
      %parallel_loop3A_391 = arith.index_cast %parallel_loop3A_390 : i32 to index
      %parallel_loop3A_392 = arith.constant 320 : index
      %parallel_loop3A_393 = tpu.vector_load %arg10[%parallel_loop3A_391, %parallel_loop3A_392] {strides = array<i32>} : memref<64x384xf32, #tpu.memory_space<vmem>>, vector<1x16xf32>,
      %parallel_loop3A_394 = vector.shape_cast %parallel_loop3A_393 : vector<1x16xf32> to vector<16xf32>
      %parallel_loop3A_395 = arith.index_cast %parallel_loop3A_126 : i32 to index
      %parallel_loop3A_396 = arith.constant 320 : index
      %parallel_loop3A_397 = tpu.vector_load %arg8[%parallel_loop3A_395, %parallel_loop3A_396] {strides = array<i32>} : memref<32x768xf32, #tpu.memory_space<vmem>>, vector<1x16xf32>,
      %parallel_loop3A_398 = vector.shape_cast %parallel_loop3A_397 : vector<1x16xf32> to vector<16xf32>
      %parallel_loop3A_399 = vector.shape_cast %parallel_loop3A_394 : vector<16xf32> to vector<1x16xf32>
      tpu.vector_store %arg8[%parallel_loop3A_395, %parallel_loop3A_396], %parallel_loop3A_399 {add = true, strides = array<i32>} : memref<32x768xf32, #tpu.memory_space<vmem>>, vector<1x16xf32>,
      %parallel_loop3A_400 = arith.constant 2 : i32
      %parallel_loop3A_401 = arith.muli %parallel_loop3A_400, %parallel_loop3A_126 : i32
      %parallel_loop3A_402 = arith.constant 0 : i32
      %parallel_loop3A_403 = arith.addi %parallel_loop3A_401, %parallel_loop3A_402 : i32
      %parallel_loop3A_404 = arith.index_cast %parallel_loop3A_403 : i32 to index
      %parallel_loop3A_405 = arith.constant 336 : index
      %parallel_loop3A_406 = tpu.vector_load %arg10[%parallel_loop3A_404, %parallel_loop3A_405] {strides = array<i32>} : memref<64x384xf32, #tpu.memory_space<vmem>>, vector<1x16xf32>,
      %parallel_loop3A_407 = vector.shape_cast %parallel_loop3A_406 : vector<1x16xf32> to vector<16xf32>
      %parallel_loop3A_408 = arith.index_cast %parallel_loop3A_126 : i32 to index
      %parallel_loop3A_409 = arith.constant 336 : index
      %parallel_loop3A_410 = tpu.vector_load %arg8[%parallel_loop3A_408, %parallel_loop3A_409] {strides = array<i32>} : memref<32x768xf32, #tpu.memory_space<vmem>>, vector<1x16xf32>,
      %parallel_loop3A_411 = vector.shape_cast %parallel_loop3A_410 : vector<1x16xf32> to vector<16xf32>
      %parallel_loop3A_412 = vector.shape_cast %parallel_loop3A_407 : vector<16xf32> to vector<1x16xf32>
      tpu.vector_store %arg8[%parallel_loop3A_408, %parallel_loop3A_409], %parallel_loop3A_412 {add = true, strides = array<i32>} : memref<32x768xf32, #tpu.memory_space<vmem>>, vector<1x16xf32>,
      %parallel_loop3A_413 = arith.constant 2 : i32
      %parallel_loop3A_414 = arith.muli %parallel_loop3A_413, %parallel_loop3A_126 : i32
      %parallel_loop3A_415 = arith.constant 0 : i32
      %parallel_loop3A_416 = arith.addi %parallel_loop3A_414, %parallel_loop3A_415 : i32
      %parallel_loop3A_417 = arith.index_cast %parallel_loop3A_416 : i32 to index
      %parallel_loop3A_418 = arith.constant 352 : index
      %parallel_loop3A_419 = tpu.vector_load %arg10[%parallel_loop3A_417, %parallel_loop3A_418] {strides = array<i32>} : memref<64x384xf32, #tpu.memory_space<vmem>>, vector<1x16xf32>,
      %parallel_loop3A_420 = vector.shape_cast %parallel_loop3A_419 : vector<1x16xf32> to vector<16xf32>
      %parallel_loop3A_421 = arith.index_cast %parallel_loop3A_126 : i32 to index
      %parallel_loop3A_422 = arith.constant 352 : index
      %parallel_loop3A_423 = tpu.vector_load %arg8[%parallel_loop3A_421, %parallel_loop3A_422] {strides = array<i32>} : memref<32x768xf32, #tpu.memory_space<vmem>>, vector<1x16xf32>,
      %parallel_loop3A_424 = vector.shape_cast %parallel_loop3A_423 : vector<1x16xf32> to vector<16xf32>
      %parallel_loop3A_425 = vector.shape_cast %parallel_loop3A_420 : vector<16xf32> to vector<1x16xf32>
      tpu.vector_store %arg8[%parallel_loop3A_421, %parallel_loop3A_422], %parallel_loop3A_425 {add = true, strides = array<i32>} : memref<32x768xf32, #tpu.memory_space<vmem>>, vector<1x16xf32>,
      %parallel_loop3A_426 = arith.constant 2 : i32
      %parallel_loop3A_427 = arith.muli %parallel_loop3A_426, %parallel_loop3A_126 : i32
      %parallel_loop3A_428 = arith.constant 0 : i32
      %parallel_loop3A_429 = arith.addi %parallel_loop3A_427, %parallel_loop3A_428 : i32
      %parallel_loop3A_430 = arith.index_cast %parallel_loop3A_429 : i32 to index
      %parallel_loop3A_431 = arith.constant 368 : index
      %parallel_loop3A_432 = tpu.vector_load %arg10[%parallel_loop3A_430, %parallel_loop3A_431] {strides = array<i32>} : memref<64x384xf32, #tpu.memory_space<vmem>>, vector<1x16xf32>,
      %parallel_loop3A_433 = vector.shape_cast %parallel_loop3A_432 : vector<1x16xf32> to vector<16xf32>
      %parallel_loop3A_434 = arith.index_cast %parallel_loop3A_126 : i32 to index
      %parallel_loop3A_435 = arith.constant 368 : index
      %parallel_loop3A_436 = tpu.vector_load %arg8[%parallel_loop3A_434, %parallel_loop3A_435] {strides = array<i32>} : memref<32x768xf32, #tpu.memory_space<vmem>>, vector<1x16xf32>,
      %parallel_loop3A_437 = vector.shape_cast %parallel_loop3A_436 : vector<1x16xf32> to vector<16xf32>
      %parallel_loop3A_438 = vector.shape_cast %parallel_loop3A_433 : vector<16xf32> to vector<1x16xf32>
      tpu.vector_store %arg8[%parallel_loop3A_434, %parallel_loop3A_435], %parallel_loop3A_438 {add = true, strides = array<i32>} : memref<32x768xf32, #tpu.memory_space<vmem>>, vector<1x16xf32>,
      %parallel_loop3A_439 = arith.constant 2 : i32
      %parallel_loop3A_440 = arith.muli %parallel_loop3A_439, %parallel_loop3A_126 : i32
      %parallel_loop3A_441 = arith.constant 1 : i32
      %parallel_loop3A_442 = arith.addi %parallel_loop3A_440, %parallel_loop3A_441 : i32
      %parallel_loop3A_443 = arith.index_cast %parallel_loop3A_442 : i32 to index
      %parallel_loop3A_444 = arith.constant 0 : index
      %parallel_loop3A_445 = tpu.vector_load %arg10[%parallel_loop3A_443, %parallel_loop3A_444] {strides = array<i32>} : memref<64x384xf32, #tpu.memory_space<vmem>>, vector<1x16xf32>,
      %parallel_loop3A_446 = vector.shape_cast %parallel_loop3A_445 : vector<1x16xf32> to vector<16xf32>
      %parallel_loop3A_447 = arith.index_cast %parallel_loop3A_126 : i32 to index
      %parallel_loop3A_448 = arith.constant 384 : index
      %parallel_loop3A_449 = tpu.vector_load %arg8[%parallel_loop3A_447, %parallel_loop3A_448] {strides = array<i32>} : memref<32x768xf32, #tpu.memory_space<vmem>>, vector<1x16xf32>,
      %parallel_loop3A_450 = vector.shape_cast %parallel_loop3A_449 : vector<1x16xf32> to vector<16xf32>
      %parallel_loop3A_451 = vector.shape_cast %parallel_loop3A_446 : vector<16xf32> to vector<1x16xf32>
      tpu.vector_store %arg8[%parallel_loop3A_447, %parallel_loop3A_448], %parallel_loop3A_451 {add = true, strides = array<i32>} : memref<32x768xf32, #tpu.memory_space<vmem>>, vector<1x16xf32>,
      %parallel_loop3A_452 = arith.constant 2 : i32
      %parallel_loop3A_453 = arith.muli %parallel_loop3A_452, %parallel_loop3A_126 : i32
      %parallel_loop3A_454 = arith.constant 1 : i32
      %parallel_loop3A_455 = arith.addi %parallel_loop3A_453, %parallel_loop3A_454 : i32
      %parallel_loop3A_456 = arith.index_cast %parallel_loop3A_455 : i32 to index
      %parallel_loop3A_457 = arith.constant 16 : index
      %parallel_loop3A_458 = tpu.vector_load %arg10[%parallel_loop3A_456, %parallel_loop3A_457] {strides = array<i32>} : memref<64x384xf32, #tpu.memory_space<vmem>>, vector<1x16xf32>,
      %parallel_loop3A_459 = vector.shape_cast %parallel_loop3A_458 : vector<1x16xf32> to vector<16xf32>
      %parallel_loop3A_460 = arith.index_cast %parallel_loop3A_126 : i32 to index
      %parallel_loop3A_461 = arith.constant 400 : index
      %parallel_loop3A_462 = tpu.vector_load %arg8[%parallel_loop3A_460, %parallel_loop3A_461] {strides = array<i32>} : memref<32x768xf32, #tpu.memory_space<vmem>>, vector<1x16xf32>,
      %parallel_loop3A_463 = vector.shape_cast %parallel_loop3A_462 : vector<1x16xf32> to vector<16xf32>
      %parallel_loop3A_464 = vector.shape_cast %parallel_loop3A_459 : vector<16xf32> to vector<1x16xf32>
      tpu.vector_store %arg8[%parallel_loop3A_460, %parallel_loop3A_461], %parallel_loop3A_464 {add = true, strides = array<i32>} : memref<32x768xf32, #tpu.memory_space<vmem>>, vector<1x16xf32>,
      %parallel_loop3A_465 = arith.constant 2 : i32
      %parallel_loop3A_466 = arith.muli %parallel_loop3A_465, %parallel_loop3A_126 : i32
      %parallel_loop3A_467 = arith.constant 1 : i32
      %parallel_loop3A_468 = arith.addi %parallel_loop3A_466, %parallel_loop3A_467 : i32
      %parallel_loop3A_469 = arith.index_cast %parallel_loop3A_468 : i32 to index
      %parallel_loop3A_470 = arith.constant 32 : index
      %parallel_loop3A_471 = tpu.vector_load %arg10[%parallel_loop3A_469, %parallel_loop3A_470] {strides = array<i32>} : memref<64x384xf32, #tpu.memory_space<vmem>>, vector<1x16xf32>,
      %parallel_loop3A_472 = vector.shape_cast %parallel_loop3A_471 : vector<1x16xf32> to vector<16xf32>
      %parallel_loop3A_473 = arith.index_cast %parallel_loop3A_126 : i32 to index
      %parallel_loop3A_474 = arith.constant 416 : index
      %parallel_loop3A_475 = tpu.vector_load %arg8[%parallel_loop3A_473, %parallel_loop3A_474] {strides = array<i32>} : memref<32x768xf32, #tpu.memory_space<vmem>>, vector<1x16xf32>,
      %parallel_loop3A_476 = vector.shape_cast %parallel_loop3A_475 : vector<1x16xf32> to vector<16xf32>
      %parallel_loop3A_477 = vector.shape_cast %parallel_loop3A_472 : vector<16xf32> to vector<1x16xf32>
      tpu.vector_store %arg8[%parallel_loop3A_473, %parallel_loop3A_474], %parallel_loop3A_477 {add = true, strides = array<i32>} : memref<32x768xf32, #tpu.memory_space<vmem>>, vector<1x16xf32>,
      %parallel_loop3A_478 = arith.constant 2 : i32
      %parallel_loop3A_479 = arith.muli %parallel_loop3A_478, %parallel_loop3A_126 : i32
      %parallel_loop3A_480 = arith.constant 1 : i32
      %parallel_loop3A_481 = arith.addi %parallel_loop3A_479, %parallel_loop3A_480 : i32
      %parallel_loop3A_482 = arith.index_cast %parallel_loop3A_481 : i32 to index
      %parallel_loop3A_483 = arith.constant 48 : index
      %parallel_loop3A_484 = tpu.vector_load %arg10[%parallel_loop3A_482, %parallel_loop3A_483] {strides = array<i32>} : memref<64x384xf32, #tpu.memory_space<vmem>>, vector<1x16xf32>,
      %parallel_loop3A_485 = vector.shape_cast %parallel_loop3A_484 : vector<1x16xf32> to vector<16xf32>
      %parallel_loop3A_486 = arith.index_cast %parallel_loop3A_126 : i32 to index
      %parallel_loop3A_487 = arith.constant 432 : index
      %parallel_loop3A_488 = tpu.vector_load %arg8[%parallel_loop3A_486, %parallel_loop3A_487] {strides = array<i32>} : memref<32x768xf32, #tpu.memory_space<vmem>>, vector<1x16xf32>,
      %parallel_loop3A_489 = vector.shape_cast %parallel_loop3A_488 : vector<1x16xf32> to vector<16xf32>
      %parallel_loop3A_490 = vector.shape_cast %parallel_loop3A_485 : vector<16xf32> to vector<1x16xf32>
      tpu.vector_store %arg8[%parallel_loop3A_486, %parallel_loop3A_487], %parallel_loop3A_490 {add = true, strides = array<i32>} : memref<32x768xf32, #tpu.memory_space<vmem>>, vector<1x16xf32>,
      %parallel_loop3A_491 = arith.constant 2 : i32
      %parallel_loop3A_492 = arith.muli %parallel_loop3A_491, %parallel_loop3A_126 : i32
      %parallel_loop3A_493 = arith.constant 1 : i32
      %parallel_loop3A_494 = arith.addi %parallel_loop3A_492, %parallel_loop3A_493 : i32
      %parallel_loop3A_495 = arith.index_cast %parallel_loop3A_494 : i32 to index
      %parallel_loop3A_496 = arith.constant 64 : index
      %parallel_loop3A_497 = tpu.vector_load %arg10[%parallel_loop3A_495, %parallel_loop3A_496] {strides = array<i32>} : memref<64x384xf32, #tpu.memory_space<vmem>>, vector<1x16xf32>,
      %parallel_loop3A_498 = vector.shape_cast %parallel_loop3A_497 : vector<1x16xf32> to vector<16xf32>
      %parallel_loop3A_499 = arith.index_cast %parallel_loop3A_126 : i32 to index
      %parallel_loop3A_500 = arith.constant 448 : index
      %parallel_loop3A_501 = tpu.vector_load %arg8[%parallel_loop3A_499, %parallel_loop3A_500] {strides = array<i32>} : memref<32x768xf32, #tpu.memory_space<vmem>>, vector<1x16xf32>,
      %parallel_loop3A_502 = vector.shape_cast %parallel_loop3A_501 : vector<1x16xf32> to vector<16xf32>
      %parallel_loop3A_503 = vector.shape_cast %parallel_loop3A_498 : vector<16xf32> to vector<1x16xf32>
      tpu.vector_store %arg8[%parallel_loop3A_499, %parallel_loop3A_500], %parallel_loop3A_503 {add = true, strides = array<i32>} : memref<32x768xf32, #tpu.memory_space<vmem>>, vector<1x16xf32>,
      %parallel_loop3A_504 = arith.constant 2 : i32
      %parallel_loop3A_505 = arith.muli %parallel_loop3A_504, %parallel_loop3A_126 : i32
      %parallel_loop3A_506 = arith.constant 1 : i32
      %parallel_loop3A_507 = arith.addi %parallel_loop3A_505, %parallel_loop3A_506 : i32
      %parallel_loop3A_508 = arith.index_cast %parallel_loop3A_507 : i32 to index
      %parallel_loop3A_509 = arith.constant 80 : index
      %parallel_loop3A_510 = tpu.vector_load %arg10[%parallel_loop3A_508, %parallel_loop3A_509] {strides = array<i32>} : memref<64x384xf32, #tpu.memory_space<vmem>>, vector<1x16xf32>,
      %parallel_loop3A_511 = vector.shape_cast %parallel_loop3A_510 : vector<1x16xf32> to vector<16xf32>
      %parallel_loop3A_512 = arith.index_cast %parallel_loop3A_126 : i32 to index
      %parallel_loop3A_513 = arith.constant 464 : index
      %parallel_loop3A_514 = tpu.vector_load %arg8[%parallel_loop3A_512, %parallel_loop3A_513] {strides = array<i32>} : memref<32x768xf32, #tpu.memory_space<vmem>>, vector<1x16xf32>,
      %parallel_loop3A_515 = vector.shape_cast %parallel_loop3A_514 : vector<1x16xf32> to vector<16xf32>
      %parallel_loop3A_516 = vector.shape_cast %parallel_loop3A_511 : vector<16xf32> to vector<1x16xf32>
      tpu.vector_store %arg8[%parallel_loop3A_512, %parallel_loop3A_513], %parallel_loop3A_516 {add = true, strides = array<i32>} : memref<32x768xf32, #tpu.memory_space<vmem>>, vector<1x16xf32>,
      %parallel_loop3A_517 = arith.constant 2 : i32
      %parallel_loop3A_518 = arith.muli %parallel_loop3A_517, %parallel_loop3A_126 : i32
      %parallel_loop3A_519 = arith.constant 1 : i32
      %parallel_loop3A_520 = arith.addi %parallel_loop3A_518, %parallel_loop3A_519 : i32
      %parallel_loop3A_521 = arith.index_cast %parallel_loop3A_520 : i32 to index
      %parallel_loop3A_522 = arith.constant 96 : index
      %parallel_loop3A_523 = tpu.vector_load %arg10[%parallel_loop3A_521, %parallel_loop3A_522] {strides = array<i32>} : memref<64x384xf32, #tpu.memory_space<vmem>>, vector<1x16xf32>,
      %parallel_loop3A_524 = vector.shape_cast %parallel_loop3A_523 : vector<1x16xf32> to vector<16xf32>
      %parallel_loop3A_525 = arith.index_cast %parallel_loop3A_126 : i32 to index
      %parallel_loop3A_526 = arith.constant 480 : index
      %parallel_loop3A_527 = tpu.vector_load %arg8[%parallel_loop3A_525, %parallel_loop3A_526] {strides = array<i32>} : memref<32x768xf32, #tpu.memory_space<vmem>>, vector<1x16xf32>,
      %parallel_loop3A_528 = vector.shape_cast %parallel_loop3A_527 : vector<1x16xf32> to vector<16xf32>
      %parallel_loop3A_529 = vector.shape_cast %parallel_loop3A_524 : vector<16xf32> to vector<1x16xf32>
      tpu.vector_store %arg8[%parallel_loop3A_525, %parallel_loop3A_526], %parallel_loop3A_529 {add = true, strides = array<i32>} : memref<32x768xf32, #tpu.memory_space<vmem>>, vector<1x16xf32>,
      %parallel_loop3A_530 = arith.constant 2 : i32
      %parallel_loop3A_531 = arith.muli %parallel_loop3A_530, %parallel_loop3A_126 : i32
      %parallel_loop3A_532 = arith.constant 1 : i32
      %parallel_loop3A_533 = arith.addi %parallel_loop3A_531, %parallel_loop3A_532 : i32
      %parallel_loop3A_534 = arith.index_cast %parallel_loop3A_533 : i32 to index
      %parallel_loop3A_535 = arith.constant 112 : index
      %parallel_loop3A_536 = tpu.vector_load %arg10[%parallel_loop3A_534, %parallel_loop3A_535] {strides = array<i32>} : memref<64x384xf32, #tpu.memory_space<vmem>>, vector<1x16xf32>,
      %parallel_loop3A_537 = vector.shape_cast %parallel_loop3A_536 : vector<1x16xf32> to vector<16xf32>
      %parallel_loop3A_538 = arith.index_cast %parallel_loop3A_126 : i32 to index
      %parallel_loop3A_539 = arith.constant 496 : index
      %parallel_loop3A_540 = tpu.vector_load %arg8[%parallel_loop3A_538, %parallel_loop3A_539] {strides = array<i32>} : memref<32x768xf32, #tpu.memory_space<vmem>>, vector<1x16xf32>,
      %parallel_loop3A_541 = vector.shape_cast %parallel_loop3A_540 : vector<1x16xf32> to vector<16xf32>
      %parallel_loop3A_542 = vector.shape_cast %parallel_loop3A_537 : vector<16xf32> to vector<1x16xf32>
      tpu.vector_store %arg8[%parallel_loop3A_538, %parallel_loop3A_539], %parallel_loop3A_542 {add = true, strides = array<i32>} : memref<32x768xf32, #tpu.memory_space<vmem>>, vector<1x16xf32>,
      %parallel_loop3A_543 = arith.constant 2 : i32
      %parallel_loop3A_544 = arith.muli %parallel_loop3A_543, %parallel_loop3A_126 : i32
      %parallel_loop3A_545 = arith.constant 1 : i32
      %parallel_loop3A_546 = arith.addi %parallel_loop3A_544, %parallel_loop3A_545 : i32
      %parallel_loop3A_547 = arith.index_cast %parallel_loop3A_546 : i32 to index
      %parallel_loop3A_548 = arith.constant 128 : index
      %parallel_loop3A_549 = tpu.vector_load %arg10[%parallel_loop3A_547, %parallel_loop3A_548] {strides = array<i32>} : memref<64x384xf32, #tpu.memory_space<vmem>>, vector<1x16xf32>,
      %parallel_loop3A_550 = vector.shape_cast %parallel_loop3A_549 : vector<1x16xf32> to vector<16xf32>
      %parallel_loop3A_551 = arith.index_cast %parallel_loop3A_126 : i32 to index
      %parallel_loop3A_552 = arith.constant 512 : index
      %parallel_loop3A_553 = tpu.vector_load %arg8[%parallel_loop3A_551, %parallel_loop3A_552] {strides = array<i32>} : memref<32x768xf32, #tpu.memory_space<vmem>>, vector<1x16xf32>,
      %parallel_loop3A_554 = vector.shape_cast %parallel_loop3A_553 : vector<1x16xf32> to vector<16xf32>
      %parallel_loop3A_555 = vector.shape_cast %parallel_loop3A_550 : vector<16xf32> to vector<1x16xf32>
      tpu.vector_store %arg8[%parallel_loop3A_551, %parallel_loop3A_552], %parallel_loop3A_555 {add = true, strides = array<i32>} : memref<32x768xf32, #tpu.memory_space<vmem>>, vector<1x16xf32>,
      %parallel_loop3A_556 = arith.constant 2 : i32
      %parallel_loop3A_557 = arith.muli %parallel_loop3A_556, %parallel_loop3A_126 : i32
      %parallel_loop3A_558 = arith.constant 1 : i32
      %parallel_loop3A_559 = arith.addi %parallel_loop3A_557, %parallel_loop3A_558 : i32
      %parallel_loop3A_560 = arith.index_cast %parallel_loop3A_559 : i32 to index
      %parallel_loop3A_561 = arith.constant 144 : index
      %parallel_loop3A_562 = tpu.vector_load %arg10[%parallel_loop3A_560, %parallel_loop3A_561] {strides = array<i32>} : memref<64x384xf32, #tpu.memory_space<vmem>>, vector<1x16xf32>,
      %parallel_loop3A_563 = vector.shape_cast %parallel_loop3A_562 : vector<1x16xf32> to vector<16xf32>
      %parallel_loop3A_564 = arith.index_cast %parallel_loop3A_126 : i32 to index
      %parallel_loop3A_565 = arith.constant 528 : index
      %parallel_loop3A_566 = tpu.vector_load %arg8[%parallel_loop3A_564, %parallel_loop3A_565] {strides = array<i32>} : memref<32x768xf32, #tpu.memory_space<vmem>>, vector<1x16xf32>,
      %parallel_loop3A_567 = vector.shape_cast %parallel_loop3A_566 : vector<1x16xf32> to vector<16xf32>
      %parallel_loop3A_568 = vector.shape_cast %parallel_loop3A_563 : vector<16xf32> to vector<1x16xf32>
      tpu.vector_store %arg8[%parallel_loop3A_564, %parallel_loop3A_565], %parallel_loop3A_568 {add = true, strides = array<i32>} : memref<32x768xf32, #tpu.memory_space<vmem>>, vector<1x16xf32>,
      %parallel_loop3A_569 = arith.constant 2 : i32
      %parallel_loop3A_570 = arith.muli %parallel_loop3A_569, %parallel_loop3A_126 : i32
      %parallel_loop3A_571 = arith.constant 1 : i32
      %parallel_loop3A_572 = arith.addi %parallel_loop3A_570, %parallel_loop3A_571 : i32
      %parallel_loop3A_573 = arith.index_cast %parallel_loop3A_572 : i32 to index
      %parallel_loop3A_574 = arith.constant 160 : index
      %parallel_loop3A_575 = tpu.vector_load %arg10[%parallel_loop3A_573, %parallel_loop3A_574] {strides = array<i32>} : memref<64x384xf32, #tpu.memory_space<vmem>>, vector<1x16xf32>,
      %parallel_loop3A_576 = vector.shape_cast %parallel_loop3A_575 : vector<1x16xf32> to vector<16xf32>
      %parallel_loop3A_577 = arith.index_cast %parallel_loop3A_126 : i32 to index
      %parallel_loop3A_578 = arith.constant 544 : index
      %parallel_loop3A_579 = tpu.vector_load %arg8[%parallel_loop3A_577, %parallel_loop3A_578] {strides = array<i32>} : memref<32x768xf32, #tpu.memory_space<vmem>>, vector<1x16xf32>,
      %parallel_loop3A_580 = vector.shape_cast %parallel_loop3A_579 : vector<1x16xf32> to vector<16xf32>
      %parallel_loop3A_581 = vector.shape_cast %parallel_loop3A_576 : vector<16xf32> to vector<1x16xf32>
      tpu.vector_store %arg8[%parallel_loop3A_577, %parallel_loop3A_578], %parallel_loop3A_581 {add = true, strides = array<i32>} : memref<32x768xf32, #tpu.memory_space<vmem>>, vector<1x16xf32>,
      %parallel_loop3A_582 = arith.constant 2 : i32
      %parallel_loop3A_583 = arith.muli %parallel_loop3A_582, %parallel_loop3A_126 : i32
      %parallel_loop3A_584 = arith.constant 1 : i32
      %parallel_loop3A_585 = arith.addi %parallel_loop3A_583, %parallel_loop3A_584 : i32
      %parallel_loop3A_586 = arith.index_cast %parallel_loop3A_585 : i32 to index
      %parallel_loop3A_587 = arith.constant 176 : index
      %parallel_loop3A_588 = tpu.vector_load %arg10[%parallel_loop3A_586, %parallel_loop3A_587] {strides = array<i32>} : memref<64x384xf32, #tpu.memory_space<vmem>>, vector<1x16xf32>,
      %parallel_loop3A_589 = vector.shape_cast %parallel_loop3A_588 : vector<1x16xf32> to vector<16xf32>
      %parallel_loop3A_590 = arith.index_cast %parallel_loop3A_126 : i32 to index
      %parallel_loop3A_591 = arith.constant 560 : index
      %parallel_loop3A_592 = tpu.vector_load %arg8[%parallel_loop3A_590, %parallel_loop3A_591] {strides = array<i32>} : memref<32x768xf32, #tpu.memory_space<vmem>>, vector<1x16xf32>,
      %parallel_loop3A_593 = vector.shape_cast %parallel_loop3A_592 : vector<1x16xf32> to vector<16xf32>
      %parallel_loop3A_594 = vector.shape_cast %parallel_loop3A_589 : vector<16xf32> to vector<1x16xf32>
      tpu.vector_store %arg8[%parallel_loop3A_590, %parallel_loop3A_591], %parallel_loop3A_594 {add = true, strides = array<i32>} : memref<32x768xf32, #tpu.memory_space<vmem>>, vector<1x16xf32>,
      %parallel_loop3A_595 = arith.constant 2 : i32
      %parallel_loop3A_596 = arith.muli %parallel_loop3A_595, %parallel_loop3A_126 : i32
      %parallel_loop3A_597 = arith.constant 1 : i32
      %parallel_loop3A_598 = arith.addi %parallel_loop3A_596, %parallel_loop3A_597 : i32
      %parallel_loop3A_599 = arith.index_cast %parallel_loop3A_598 : i32 to index
      %parallel_loop3A_600 = arith.constant 192 : index
      %parallel_loop3A_601 = tpu.vector_load %arg10[%parallel_loop3A_599, %parallel_loop3A_600] {strides = array<i32>} : memref<64x384xf32, #tpu.memory_space<vmem>>, vector<1x16xf32>,
      %parallel_loop3A_602 = vector.shape_cast %parallel_loop3A_601 : vector<1x16xf32> to vector<16xf32>
      %parallel_loop3A_603 = arith.index_cast %parallel_loop3A_126 : i32 to index
      %parallel_loop3A_604 = arith.constant 576 : index
      %parallel_loop3A_605 = tpu.vector_load %arg8[%parallel_loop3A_603, %parallel_loop3A_604] {strides = array<i32>} : memref<32x768xf32, #tpu.memory_space<vmem>>, vector<1x16xf32>,
      %parallel_loop3A_606 = vector.shape_cast %parallel_loop3A_605 : vector<1x16xf32> to vector<16xf32>
      %parallel_loop3A_607 = vector.shape_cast %parallel_loop3A_602 : vector<16xf32> to vector<1x16xf32>
      tpu.vector_store %arg8[%parallel_loop3A_603, %parallel_loop3A_604], %parallel_loop3A_607 {add = true, strides = array<i32>} : memref<32x768xf32, #tpu.memory_space<vmem>>, vector<1x16xf32>,
      %parallel_loop3A_608 = arith.constant 2 : i32
      %parallel_loop3A_609 = arith.muli %parallel_loop3A_608, %parallel_loop3A_126 : i32
      %parallel_loop3A_610 = arith.constant 1 : i32
      %parallel_loop3A_611 = arith.addi %parallel_loop3A_609, %parallel_loop3A_610 : i32
      %parallel_loop3A_612 = arith.index_cast %parallel_loop3A_611 : i32 to index
      %parallel_loop3A_613 = arith.constant 208 : index
      %parallel_loop3A_614 = tpu.vector_load %arg10[%parallel_loop3A_612, %parallel_loop3A_613] {strides = array<i32>} : memref<64x384xf32, #tpu.memory_space<vmem>>, vector<1x16xf32>,
      %parallel_loop3A_615 = vector.shape_cast %parallel_loop3A_614 : vector<1x16xf32> to vector<16xf32>
      %parallel_loop3A_616 = arith.index_cast %parallel_loop3A_126 : i32 to index
      %parallel_loop3A_617 = arith.constant 592 : index
      %parallel_loop3A_618 = tpu.vector_load %arg8[%parallel_loop3A_616, %parallel_loop3A_617] {strides = array<i32>} : memref<32x768xf32, #tpu.memory_space<vmem>>, vector<1x16xf32>,
      %parallel_loop3A_619 = vector.shape_cast %parallel_loop3A_618 : vector<1x16xf32> to vector<16xf32>
      %parallel_loop3A_620 = vector.shape_cast %parallel_loop3A_615 : vector<16xf32> to vector<1x16xf32>
      tpu.vector_store %arg8[%parallel_loop3A_616, %parallel_loop3A_617], %parallel_loop3A_620 {add = true, strides = array<i32>} : memref<32x768xf32, #tpu.memory_space<vmem>>, vector<1x16xf32>,
      %parallel_loop3A_621 = arith.constant 2 : i32
      %parallel_loop3A_622 = arith.muli %parallel_loop3A_621, %parallel_loop3A_126 : i32
      %parallel_loop3A_623 = arith.constant 1 : i32
      %parallel_loop3A_624 = arith.addi %parallel_loop3A_622, %parallel_loop3A_623 : i32
      %parallel_loop3A_625 = arith.index_cast %parallel_loop3A_624 : i32 to index
      %parallel_loop3A_626 = arith.constant 224 : index
      %parallel_loop3A_627 = tpu.vector_load %arg10[%parallel_loop3A_625, %parallel_loop3A_626] {strides = array<i32>} : memref<64x384xf32, #tpu.memory_space<vmem>>, vector<1x16xf32>,
      %parallel_loop3A_628 = vector.shape_cast %parallel_loop3A_627 : vector<1x16xf32> to vector<16xf32>
      %parallel_loop3A_629 = arith.index_cast %parallel_loop3A_126 : i32 to index
      %parallel_loop3A_630 = arith.constant 608 : index
      %parallel_loop3A_631 = tpu.vector_load %arg8[%parallel_loop3A_629, %parallel_loop3A_630] {strides = array<i32>} : memref<32x768xf32, #tpu.memory_space<vmem>>, vector<1x16xf32>,
      %parallel_loop3A_632 = vector.shape_cast %parallel_loop3A_631 : vector<1x16xf32> to vector<16xf32>
      %parallel_loop3A_633 = vector.shape_cast %parallel_loop3A_628 : vector<16xf32> to vector<1x16xf32>
      tpu.vector_store %arg8[%parallel_loop3A_629, %parallel_loop3A_630], %parallel_loop3A_633 {add = true, strides = array<i32>} : memref<32x768xf32, #tpu.memory_space<vmem>>, vector<1x16xf32>,
      %parallel_loop3A_634 = arith.constant 2 : i32
      %parallel_loop3A_635 = arith.muli %parallel_loop3A_634, %parallel_loop3A_126 : i32
      %parallel_loop3A_636 = arith.constant 1 : i32
      %parallel_loop3A_637 = arith.addi %parallel_loop3A_635, %parallel_loop3A_636 : i32
      %parallel_loop3A_638 = arith.index_cast %parallel_loop3A_637 : i32 to index
      %parallel_loop3A_639 = arith.constant 240 : index
      %parallel_loop3A_640 = tpu.vector_load %arg10[%parallel_loop3A_638, %parallel_loop3A_639] {strides = array<i32>} : memref<64x384xf32, #tpu.memory_space<vmem>>, vector<1x16xf32>,
      %parallel_loop3A_641 = vector.shape_cast %parallel_loop3A_640 : vector<1x16xf32> to vector<16xf32>
      %parallel_loop3A_642 = arith.index_cast %parallel_loop3A_126 : i32 to index
      %parallel_loop3A_643 = arith.constant 624 : index
      %parallel_loop3A_644 = tpu.vector_load %arg8[%parallel_loop3A_642, %parallel_loop3A_643] {strides = array<i32>} : memref<32x768xf32, #tpu.memory_space<vmem>>, vector<1x16xf32>,
      %parallel_loop3A_645 = vector.shape_cast %parallel_loop3A_644 : vector<1x16xf32> to vector<16xf32>
      %parallel_loop3A_646 = vector.shape_cast %parallel_loop3A_641 : vector<16xf32> to vector<1x16xf32>
      tpu.vector_store %arg8[%parallel_loop3A_642, %parallel_loop3A_643], %parallel_loop3A_646 {add = true, strides = array<i32>} : memref<32x768xf32, #tpu.memory_space<vmem>>, vector<1x16xf32>,
      %parallel_loop3A_647 = arith.constant 2 : i32
      %parallel_loop3A_648 = arith.muli %parallel_loop3A_647, %parallel_loop3A_126 : i32
      %parallel_loop3A_649 = arith.constant 1 : i32
      %parallel_loop3A_650 = arith.addi %parallel_loop3A_648, %parallel_loop3A_649 : i32
      %parallel_loop3A_651 = arith.index_cast %parallel_loop3A_650 : i32 to index
      %parallel_loop3A_652 = arith.constant 256 : index
      %parallel_loop3A_653 = tpu.vector_load %arg10[%parallel_loop3A_651, %parallel_loop3A_652] {strides = array<i32>} : memref<64x384xf32, #tpu.memory_space<vmem>>, vector<1x16xf32>,
      %parallel_loop3A_654 = vector.shape_cast %parallel_loop3A_653 : vector<1x16xf32> to vector<16xf32>
      %parallel_loop3A_655 = arith.index_cast %parallel_loop3A_126 : i32 to index
      %parallel_loop3A_656 = arith.constant 640 : index
      %parallel_loop3A_657 = tpu.vector_load %arg8[%parallel_loop3A_655, %parallel_loop3A_656] {strides = array<i32>} : memref<32x768xf32, #tpu.memory_space<vmem>>, vector<1x16xf32>,
      %parallel_loop3A_658 = vector.shape_cast %parallel_loop3A_657 : vector<1x16xf32> to vector<16xf32>
      %parallel_loop3A_659 = vector.shape_cast %parallel_loop3A_654 : vector<16xf32> to vector<1x16xf32>
      tpu.vector_store %arg8[%parallel_loop3A_655, %parallel_loop3A_656], %parallel_loop3A_659 {add = true, strides = array<i32>} : memref<32x768xf32, #tpu.memory_space<vmem>>, vector<1x16xf32>,
      %parallel_loop3A_660 = arith.constant 2 : i32
      %parallel_loop3A_661 = arith.muli %parallel_loop3A_660, %parallel_loop3A_126 : i32
      %parallel_loop3A_662 = arith.constant 1 : i32
      %parallel_loop3A_663 = arith.addi %parallel_loop3A_661, %parallel_loop3A_662 : i32
      %parallel_loop3A_664 = arith.index_cast %parallel_loop3A_663 : i32 to index
      %parallel_loop3A_665 = arith.constant 272 : index
      %parallel_loop3A_666 = tpu.vector_load %arg10[%parallel_loop3A_664, %parallel_loop3A_665] {strides = array<i32>} : memref<64x384xf32, #tpu.memory_space<vmem>>, vector<1x16xf32>,
      %parallel_loop3A_667 = vector.shape_cast %parallel_loop3A_666 : vector<1x16xf32> to vector<16xf32>
      %parallel_loop3A_668 = arith.index_cast %parallel_loop3A_126 : i32 to index
      %parallel_loop3A_669 = arith.constant 656 : index
      %parallel_loop3A_670 = tpu.vector_load %arg8[%parallel_loop3A_668, %parallel_loop3A_669] {strides = array<i32>} : memref<32x768xf32, #tpu.memory_space<vmem>>, vector<1x16xf32>,
      %parallel_loop3A_671 = vector.shape_cast %parallel_loop3A_670 : vector<1x16xf32> to vector<16xf32>
      %parallel_loop3A_672 = vector.shape_cast %parallel_loop3A_667 : vector<16xf32> to vector<1x16xf32>
      tpu.vector_store %arg8[%parallel_loop3A_668, %parallel_loop3A_669], %parallel_loop3A_672 {add = true, strides = array<i32>} : memref<32x768xf32, #tpu.memory_space<vmem>>, vector<1x16xf32>,
      %parallel_loop3A_673 = arith.constant 2 : i32
      %parallel_loop3A_674 = arith.muli %parallel_loop3A_673, %parallel_loop3A_126 : i32
      %parallel_loop3A_675 = arith.constant 1 : i32
      %parallel_loop3A_676 = arith.addi %parallel_loop3A_674, %parallel_loop3A_675 : i32
      %parallel_loop3A_677 = arith.index_cast %parallel_loop3A_676 : i32 to index
      %parallel_loop3A_678 = arith.constant 288 : index
      %parallel_loop3A_679 = tpu.vector_load %arg10[%parallel_loop3A_677, %parallel_loop3A_678] {strides = array<i32>} : memref<64x384xf32, #tpu.memory_space<vmem>>, vector<1x16xf32>,
      %parallel_loop3A_680 = vector.shape_cast %parallel_loop3A_679 : vector<1x16xf32> to vector<16xf32>
      %parallel_loop3A_681 = arith.index_cast %parallel_loop3A_126 : i32 to index
      %parallel_loop3A_682 = arith.constant 672 : index
      %parallel_loop3A_683 = tpu.vector_load %arg8[%parallel_loop3A_681, %parallel_loop3A_682] {strides = array<i32>} : memref<32x768xf32, #tpu.memory_space<vmem>>, vector<1x16xf32>,
      %parallel_loop3A_684 = vector.shape_cast %parallel_loop3A_683 : vector<1x16xf32> to vector<16xf32>
      %parallel_loop3A_685 = vector.shape_cast %parallel_loop3A_680 : vector<16xf32> to vector<1x16xf32>
      tpu.vector_store %arg8[%parallel_loop3A_681, %parallel_loop3A_682], %parallel_loop3A_685 {add = true, strides = array<i32>} : memref<32x768xf32, #tpu.memory_space<vmem>>, vector<1x16xf32>,
      %parallel_loop3A_686 = arith.constant 2 : i32
      %parallel_loop3A_687 = arith.muli %parallel_loop3A_686, %parallel_loop3A_126 : i32
      %parallel_loop3A_688 = arith.constant 1 : i32
      %parallel_loop3A_689 = arith.addi %parallel_loop3A_687, %parallel_loop3A_688 : i32
      %parallel_loop3A_690 = arith.index_cast %parallel_loop3A_689 : i32 to index
      %parallel_loop3A_691 = arith.constant 304 : index
      %parallel_loop3A_692 = tpu.vector_load %arg10[%parallel_loop3A_690, %parallel_loop3A_691] {strides = array<i32>} : memref<64x384xf32, #tpu.memory_space<vmem>>, vector<1x16xf32>,
      %parallel_loop3A_693 = vector.shape_cast %parallel_loop3A_692 : vector<1x16xf32> to vector<16xf32>
      %parallel_loop3A_694 = arith.index_cast %parallel_loop3A_126 : i32 to index
      %parallel_loop3A_695 = arith.constant 688 : index
      %parallel_loop3A_696 = tpu.vector_load %arg8[%parallel_loop3A_694, %parallel_loop3A_695] {strides = array<i32>} : memref<32x768xf32, #tpu.memory_space<vmem>>, vector<1x16xf32>,
      %parallel_loop3A_697 = vector.shape_cast %parallel_loop3A_696 : vector<1x16xf32> to vector<16xf32>
      %parallel_loop3A_698 = vector.shape_cast %parallel_loop3A_693 : vector<16xf32> to vector<1x16xf32>
      tpu.vector_store %arg8[%parallel_loop3A_694, %parallel_loop3A_695], %parallel_loop3A_698 {add = true, strides = array<i32>} : memref<32x768xf32, #tpu.memory_space<vmem>>, vector<1x16xf32>,
      %parallel_loop3A_699 = arith.constant 2 : i32
      %parallel_loop3A_700 = arith.muli %parallel_loop3A_699, %parallel_loop3A_126 : i32
      %parallel_loop3A_701 = arith.constant 1 : i32
      %parallel_loop3A_702 = arith.addi %parallel_loop3A_700, %parallel_loop3A_701 : i32
      %parallel_loop3A_703 = arith.index_cast %parallel_loop3A_702 : i32 to index
      %parallel_loop3A_704 = arith.constant 320 : index
      %parallel_loop3A_705 = tpu.vector_load %arg10[%parallel_loop3A_703, %parallel_loop3A_704] {strides = array<i32>} : memref<64x384xf32, #tpu.memory_space<vmem>>, vector<1x16xf32>,
      %parallel_loop3A_706 = vector.shape_cast %parallel_loop3A_705 : vector<1x16xf32> to vector<16xf32>
      %parallel_loop3A_707 = arith.index_cast %parallel_loop3A_126 : i32 to index
      %parallel_loop3A_708 = arith.constant 704 : index
      %parallel_loop3A_709 = tpu.vector_load %arg8[%parallel_loop3A_707, %parallel_loop3A_708] {strides = array<i32>} : memref<32x768xf32, #tpu.memory_space<vmem>>, vector<1x16xf32>,
      %parallel_loop3A_710 = vector.shape_cast %parallel_loop3A_709 : vector<1x16xf32> to vector<16xf32>
      %parallel_loop3A_711 = vector.shape_cast %parallel_loop3A_706 : vector<16xf32> to vector<1x16xf32>
      tpu.vector_store %arg8[%parallel_loop3A_707, %parallel_loop3A_708], %parallel_loop3A_711 {add = true, strides = array<i32>} : memref<32x768xf32, #tpu.memory_space<vmem>>, vector<1x16xf32>,
      %parallel_loop3A_712 = arith.constant 2 : i32
      %parallel_loop3A_713 = arith.muli %parallel_loop3A_712, %parallel_loop3A_126 : i32
      %parallel_loop3A_714 = arith.constant 1 : i32
      %parallel_loop3A_715 = arith.addi %parallel_loop3A_713, %parallel_loop3A_714 : i32
      %parallel_loop3A_716 = arith.index_cast %parallel_loop3A_715 : i32 to index
      %parallel_loop3A_717 = arith.constant 336 : index
      %parallel_loop3A_718 = tpu.vector_load %arg10[%parallel_loop3A_716, %parallel_loop3A_717] {strides = array<i32>} : memref<64x384xf32, #tpu.memory_space<vmem>>, vector<1x16xf32>,
      %parallel_loop3A_719 = vector.shape_cast %parallel_loop3A_718 : vector<1x16xf32> to vector<16xf32>
      %parallel_loop3A_720 = arith.index_cast %parallel_loop3A_126 : i32 to index
      %parallel_loop3A_721 = arith.constant 720 : index
      %parallel_loop3A_722 = tpu.vector_load %arg8[%parallel_loop3A_720, %parallel_loop3A_721] {strides = array<i32>} : memref<32x768xf32, #tpu.memory_space<vmem>>, vector<1x16xf32>,
      %parallel_loop3A_723 = vector.shape_cast %parallel_loop3A_722 : vector<1x16xf32> to vector<16xf32>
      %parallel_loop3A_724 = vector.shape_cast %parallel_loop3A_719 : vector<16xf32> to vector<1x16xf32>
      tpu.vector_store %arg8[%parallel_loop3A_720, %parallel_loop3A_721], %parallel_loop3A_724 {add = true, strides = array<i32>} : memref<32x768xf32, #tpu.memory_space<vmem>>, vector<1x16xf32>,
      %parallel_loop3A_725 = arith.constant 2 : i32
      %parallel_loop3A_726 = arith.muli %parallel_loop3A_725, %parallel_loop3A_126 : i32
      %parallel_loop3A_727 = arith.constant 1 : i32
      %parallel_loop3A_728 = arith.addi %parallel_loop3A_726, %parallel_loop3A_727 : i32
      %parallel_loop3A_729 = arith.index_cast %parallel_loop3A_728 : i32 to index
      %parallel_loop3A_730 = arith.constant 352 : index
      %parallel_loop3A_731 = tpu.vector_load %arg10[%parallel_loop3A_729, %parallel_loop3A_730] {strides = array<i32>} : memref<64x384xf32, #tpu.memory_space<vmem>>, vector<1x16xf32>,
      %parallel_loop3A_732 = vector.shape_cast %parallel_loop3A_731 : vector<1x16xf32> to vector<16xf32>
      %parallel_loop3A_733 = arith.index_cast %parallel_loop3A_126 : i32 to index
      %parallel_loop3A_734 = arith.constant 736 : index
      %parallel_loop3A_735 = tpu.vector_load %arg8[%parallel_loop3A_733, %parallel_loop3A_734] {strides = array<i32>} : memref<32x768xf32, #tpu.memory_space<vmem>>, vector<1x16xf32>,
      %parallel_loop3A_736 = vector.shape_cast %parallel_loop3A_735 : vector<1x16xf32> to vector<16xf32>
      %parallel_loop3A_737 = vector.shape_cast %parallel_loop3A_732 : vector<16xf32> to vector<1x16xf32>
      tpu.vector_store %arg8[%parallel_loop3A_733, %parallel_loop3A_734], %parallel_loop3A_737 {add = true, strides = array<i32>} : memref<32x768xf32, #tpu.memory_space<vmem>>, vector<1x16xf32>,
      %parallel_loop3A_738 = arith.constant 2 : i32
      %parallel_loop3A_739 = arith.muli %parallel_loop3A_738, %parallel_loop3A_126 : i32
      %parallel_loop3A_740 = arith.constant 1 : i32
      %parallel_loop3A_741 = arith.addi %parallel_loop3A_739, %parallel_loop3A_740 : i32
      %parallel_loop3A_742 = arith.index_cast %parallel_loop3A_741 : i32 to index
      %parallel_loop3A_743 = arith.constant 368 : index
      %parallel_loop3A_744 = tpu.vector_load %arg10[%parallel_loop3A_742, %parallel_loop3A_743] {strides = array<i32>} : memref<64x384xf32, #tpu.memory_space<vmem>>, vector<1x16xf32>,
      %parallel_loop3A_745 = vector.shape_cast %parallel_loop3A_744 : vector<1x16xf32> to vector<16xf32>
      %parallel_loop3A_746 = arith.index_cast %parallel_loop3A_126 : i32 to index
      %parallel_loop3A_747 = arith.constant 752 : index
      %parallel_loop3A_748 = tpu.vector_load %arg8[%parallel_loop3A_746, %parallel_loop3A_747] {strides = array<i32>} : memref<32x768xf32, #tpu.memory_space<vmem>>, vector<1x16xf32>,
      %parallel_loop3A_749 = vector.shape_cast %parallel_loop3A_748 : vector<1x16xf32> to vector<16xf32>
      %parallel_loop3A_750 = vector.shape_cast %parallel_loop3A_745 : vector<16xf32> to vector<1x16xf32>
      tpu.vector_store %arg8[%parallel_loop3A_746, %parallel_loop3A_747], %parallel_loop3A_750 {add = true, strides = array<i32>} : memref<32x768xf32, #tpu.memory_space<vmem>>, vector<1x16xf32>,
    } {sc.loop_unroll_factor = 1 : i64, sc.parallel_access}
    %add3A_102 = arith.constant 480 : i32
    %add3A_103 = arith.addi %mul3A_32, %add3A_102 : i32
    %dma_start3A_104 = arith.constant 0 : i32
    %dma_start3A_105 = tpu.memref_slice %arg5[%select_n3A, %add3A_103, %dma_start3A_104] : memref<4x4096x768xf32, #tpu.memory_space<hbm>> -> memref<1x32x768xf32, #tpu.memory_space<hbm>>
    %dma_start3A_106 = tpu.memref_squeeze %dma_start3A_105 : memref<1x32x768xf32, #tpu.memory_space<hbm>> -> memref<32x768xf32, #tpu.memory_space<hbm>>
    %dma_start3A_107 = arith.constant 0 : i32
    %dma_start3A_108 = tpu.memref_slice %arg5[%select_n3A, %add3A_103, %dma_start3A_107] : memref<4x4096x768xf32, #tpu.memory_space<hbm>> -> memref<1x32x768xf32, #tpu.memory_space<hbm>>
    %dma_start3A_109 = tpu.memref_squeeze %dma_start3A_108 : memref<1x32x768xf32, #tpu.memory_space<hbm>> -> memref<32x768xf32, #tpu.memory_space<hbm>>
    tpu.enqueue_dma source(%arg8 : memref<32x768xf32, #tpu.memory_space<vmem>>) target(%dma_start3A_109 : memref<32x768xf32, #tpu.memory_space<hbm>>) target_semaphore(%arg16 : memref<!tpu.dma_semaphore, #tpu.memory_space<semaphore_mem>>)
    %add3A_110 = arith.constant 448 : i32
    %add3A_111 = arith.addi %mul3A_32, %add3A_110 : i32
    %dma_wait3A_112 = arith.constant 0 : i32
    %dma_wait3A_113 = tpu.memref_slice %arg5[%select_n3A, %add3A_111, %dma_wait3A_112] : memref<4x4096x768xf32, #tpu.memory_space<hbm>> -> memref<1x32x768xf32, #tpu.memory_space<hbm>>
    %dma_wait3A_114 = tpu.memref_squeeze %dma_wait3A_113 : memref<1x32x768xf32, #tpu.memory_space<hbm>> -> memref<32x768xf32, #tpu.memory_space<hbm>>
    %dma_wait3A_115 = arith.constant 0 : i32
    %dma_wait3A_116 = tpu.memref_slice %arg5[%select_n3A, %add3A_111, %dma_wait3A_115] : memref<4x4096x768xf32, #tpu.memory_space<hbm>> -> memref<1x32x768xf32, #tpu.memory_space<hbm>>
    %dma_wait3A_117 = tpu.memref_squeeze %dma_wait3A_116 : memref<1x32x768xf32, #tpu.memory_space<hbm>> -> memref<32x768xf32, #tpu.memory_space<hbm>>
    tpu.wait_dma2 semaphore(%arg15 : memref<!tpu.dma_semaphore, #tpu.memory_space<semaphore_mem>>) src(%arg7 : memref<32x768xf32, #tpu.memory_space<vmem>>) dst(%dma_wait3A_117 : memref<32x768xf32, #tpu.memory_space<hbm>>)
    %add3A_118 = arith.constant 480 : i32
    %add3A_119 = arith.addi %mul3A_32, %add3A_118 : i32
    %dma_wait3A_120 = arith.constant 0 : i32
    %dma_wait3A_121 = tpu.memref_slice %arg5[%select_n3A, %add3A_119, %dma_wait3A_120] : memref<4x4096x768xf32, #tpu.memory_space<hbm>> -> memref<1x32x768xf32, #tpu.memory_space<hbm>>
    %dma_wait3A_122 = tpu.memref_squeeze %dma_wait3A_121 : memref<1x32x768xf32, #tpu.memory_space<hbm>> -> memref<32x768xf32, #tpu.memory_space<hbm>>
    %dma_wait3A_123 = arith.constant 0 : i32
    %dma_wait3A_124 = tpu.memref_slice %arg5[%select_n3A, %add3A_119, %dma_wait3A_123] : memref<4x4096x768xf32, #tpu.memory_space<hbm>> -> memref<1x32x768xf32, #tpu.memory_space<hbm>>
    %dma_wait3A_125 = tpu.memref_squeeze %dma_wait3A_124 : memref<1x32x768xf32, #tpu.memory_space<hbm>> -> memref<32x768xf32, #tpu.memory_space<hbm>>
    tpu.wait_dma2 semaphore(%arg16 : memref<!tpu.dma_semaphore, #tpu.memory_space<semaphore_mem>>) src(%arg8 : memref<32x768xf32, #tpu.memory_space<vmem>>) dst(%dma_wait3A_125 : memref<32x768xf32, #tpu.memory_space<hbm>>)
    return
  }
}

</mosaic_0001>

<sc_bundles>
// kernel: _pe_add.3.cloned.1.call-start
scs
__scs_entry_jumppad:
0x0: {  	(pc) =	sbr.rel $0x88, $3  }
0x1: {  	(tag) =	ssettag $0x0;
	lr =	simm.s32 $0x1  }
0x2: {  	[smem:$0x3F9E] =	sst lr;
	_ =	strace $0xD0000000  }
0x3: {  	_ = 	snop  }
0x4: {  	_ = 	snop  }
0x5: {  	_ = 	snop  }
0x6: {  	_ = 	snop  }
0x7: {  	_ = 	snop  }
__scs_overlays_trampoline_lowered:
0x8: {  	[smem:$0x3FAD] =	sst s0  }
0x9: {  	[smem:$0x3FAE] =	sst s1  }
0xa: {  	[smem:$0x3FAF] =	sst s2  }
0xb: {  	[smem:$0x3FB0] =	sst s3  }
0xc: {  	[smem:$0x3FB1] =	sst s4  }
0xd: {  	[smem:$0x3FB2] =	sst s5  }
0xe: {  	[smem:$0x3FB3] =	sst s6  }
0xf: {  	[smem:$0x3FB4] =	sst s7  }
0x10: {  	[smem:$0x3FB5] =	sst s8  }
0x11: {  	[smem:$0x3FB6] =	sst s9;
	s0 =	simm.s32 @!p0 $0x0  }
0x12: {  	s1 =	sld [smem:$0x3F9C];
	s0 =	simm.s32 @p0 $0x1  }
0x13: {  	[smem:$0x3FB7] =	sst s0;
	s0 =	simm.s32 @!p1 $0x0  }
0x14: {  	s2 =	sld [smem:$0x3F9B];
	s0 =	simm.s32 @p1 $0x1  }
0x15: {  	[smem:$0x3FB8] =	sst s0;
	s0 =	simm.s32 @!p2 $0x0  }
0x16: {  	s3 =	sld [smem:$0x3FDB];
	s0 =	simm.s32 @p2 $0x1  }
0x17: {  	s4 =	simm.s32 $0x1BF5;
	[smem:$0x3FBA] =	sst s0  }
0x18: {  	s0 =	sld [smem:$0x3F9D];
	_ =	swait.ge [sflag:s4], $0x0  }
0x19: {  	s7 =	sld [smem:$0x3F9E]  }
0x1a: {  	s8 =	sadd.s32 $0xFFFFE003, lr  }
0x1b: {  	s9 =	sadd.s32 $0xFFFFFEF7, lr;
	s5 =	simm.s32 $0xFFFFFFFF;
	p2 =	slt.u32 s8, $0xFFFFF086  }
0x1c: {  	p1 =	slt.u32 s9, $0xF7A;
	s5 =	simm.s32 @!p2 $0x0  }
0x1d: {  	s5 =	simm.s32 @p1 $0x1;
	p0 =	seq.s32 s7, s2  }
0x1e: {  	s7 =	smul.u32 @!p0 $0xF7A, s2;
	p2 =	seq.s32 @!p0 s5, $0x0  }
0x1f: {  	s9 =	smul.u32 $0xF7A, s1;
	s8 =	simm.s32 @!p0 $0x1BF5;
	p2 =	por !p2, p0  }
0x20: {  	[sflag:s8] =	ssyncset.s32 @!p0 $0xFFFFF086;
	s6 =	sadd.s32 @!p0 s3, s7;
	s7 =	simm.s32 @!p0 $0x108  }
0x21: {  	s3 =	sadd.s32 s3, s9;
	s6 =	sadd.s32 @!p0 $0x88, s6;
	s7 =	simm.s32 @p2 $0x1082  }
0x22: {  	[simem:s7], [sflag:s8] =	dma.local @!p0 [hbm:s6], $0xF7A  }
0x23: {  	s9 =	sor.u32 $0xD0000000, s2;
	s6 =	simm.s32 $0x108;
	_ =	swait.ge @!p0 [sflag:s8], $0x0  }
0x24: {  	s3 =	sadd.s32 $0x88, s3;
	s6 =	simm.s32 @!p1 $0x1082;
	[sflag:s4] =	ssyncset.s32 $0xFFFFF086  }
0x25: {  	[simem:s6], [sflag:s4] =	dma.local [hbm:s3], $0xF7A  }
0x26: {  	[smem:$0x3F9E] =	sst s1;
	(tag) =	ssettag s2;
	_ =	strace s9  }
0x27: {  	s1 =	sld [smem:$0x3FAE]  }
0x28: {  	s2 =	sld [smem:$0x3FAF]  }
0x29: {  	s4 =	sld [smem:$0x3FB1]  }
0x2a: {  	p0 =	seq.s32 s5, $0x0;
	s5 =	sld [smem:$0x3FB2]  }
0x2b: {  	s6 =	sld [smem:$0x3FB3]  }
0x2c: {  	s7 =	sld [smem:$0x3FB4]  }
0x2d: {  	s3 =	simm.s32 $0x108;
	s8 =	sld [smem:$0x3FB5]  }
0x2e: {  	s3 =	simm.s32 @!p0 $0x1082;
	s9 =	sld [smem:$0x3FB6]  }
0x2f: {  	lr =	sadd.s32 s0, s3;
	s0 =	sld [smem:$0x3FAD]  }
0x30: {  	s3 =	sld [smem:$0x3FB0]  }
0x31: {  	[smem:$0x3FB9] =	sst s10  }
0x32: {  	s10 =	sld [smem:$0x3FB7];
	_ =	sdelay $0x3  }
0x33: {  	p0 =	seq.s32 s10, $0x1;
	s10 =	sld [smem:$0x3FB9];
	_ =	sdelay $0x3  }
0x34: {  	[smem:$0x3FB9] =	sst s10  }
0x35: {  	s10 =	sld [smem:$0x3FB8];
	_ =	sdelay $0x3  }
0x36: {  	p1 =	seq.s32 s10, $0x1;
	s10 =	sld [smem:$0x3FB9];
	_ =	sdelay $0x3  }
0x37: {  	[smem:$0x3FB9] =	sst s10  }
0x38: {  	s10 =	sld [smem:$0x3FBA]  }
0x39: {  	_ = 	snop;
	(pc) =	sbr.ind lr, $3  }
0x3a: {  	_ = 	snop  }
0x3b: {  	_ = 	snop  }
0x3c: {  	p2 =	seq.s32 s10, $0x1;
	s10 =	sld [smem:$0x3FB9]  }
0x3d: {  	_ =	shalt  }
0x3e: {  	_ =	shalt  }
0x3f: {  	_ =	shalt  }
0x40: {  	_ =	shalt  }
0x41: {  	_ =	shalt  }
0x42: {  	_ =	shalt  }
0x43: {  	_ =	shalt  }
0x44: {  	_ =	shalt  }
0x45: {  	_ =	shalt  }
0x46: {  	_ =	shalt  }
0x47: {  	_ =	shalt  }
0x48: {  	_ =	shalt  }
0x49: {  	_ =	shalt  }
0x4a: {  	_ =	shalt  }
0x4b: {  	_ =	shalt  }
0x4c: {  	_ =	shalt  }
0x4d: {  	_ =	shalt  }
0x4e: {  	_ =	shalt  }
0x4f: {  	_ =	shalt  }
0x50: {  	_ =	shalt  }
0x51: {  	_ =	shalt  }
0x52: {  	_ =	shalt  }
0x53: {  	_ =	shalt  }
0x54: {  	_ =	shalt  }
0x55: {  	_ =	shalt  }
0x56: {  	_ =	shalt  }
0x57: {  	_ =	shalt  }
0x58: {  	_ =	shalt  }
0x59: {  	_ =	shalt  }
0x5a: {  	_ =	shalt  }
0x5b: {  	_ =	shalt  }
0x5c: {  	_ =	shalt  }
0x5d: {  	_ =	shalt  }
0x5e: {  	_ =	shalt  }
0x5f: {  	_ =	shalt  }
0x60: {  	_ =	shalt  }
0x61: {  	_ =	shalt  }
0x62: {  	_ =	shalt  }
0x63: {  	_ =	shalt  }
0x64: {  	_ =	shalt  }
0x65: {  	_ =	shalt  }
0x66: {  	_ =	shalt  }
0x67: {  	_ =	shalt  }
0x68: {  	_ =	shalt  }
0x69: {  	_ =	shalt  }
0x6a: {  	_ =	shalt  }
0x6b: {  	_ =	shalt  }
0x6c: {  	_ =	shalt  }
0x6d: {  	_ =	shalt  }
0x6e: {  	_ =	shalt  }
0x6f: {  	_ =	shalt  }
0x70: {  	_ =	shalt  }
0x71: {  	_ =	shalt  }
0x72: {  	_ =	shalt  }
0x73: {  	_ =	shalt  }
0x74: {  	_ =	shalt  }
0x75: {  	_ =	shalt  }
0x76: {  	_ =	shalt  }
0x77: {  	_ =	shalt  }
0x78: {  	_ =	shalt  }
0x79: {  	_ =	shalt  }
0x7a: {  	_ =	shalt  }
0x7b: {  	_ =	shalt  }
0x7c: {  	_ =	shalt  }
0x7d: {  	_ =	shalt  }
0x7e: {  	_ =	shalt  }
0x7f: {  	_ =	shalt  }
0x80: {  	_ =	shalt  }
0x81: {  	_ =	shalt  }
0x82: {  	_ =	shalt  }
0x83: {  	_ =	shalt  }
0x84: {  	_ =	shalt  }
0x85: {  	_ =	shalt  }
0x86: {  	_ =	shalt  }
0x87: {  	_ =	shalt  }
.Lfunc_end0:
.L_simem_size_0:
called_computation_lowered:
.L_overlay_start_0:
0x88: {  	s2 =	sld [smem:$0x3FD9]  }
0x89: {  	s3 =	sld [smem:$0x3FFE];
	_ =	sdelay $0x1  }
0x8a: {  	s1 =	srdreg.scid  }
0x8b: {  	s0 =	sand.u32 $0x1, s1  }
0x8c: {  	s18 =	sshll.u32 s0, $0xA;
	s2 =	sadd.s32 s3, s2  }
0x8d: {  	s2 =	sadd.s32 s2, s18  }
0x8e: {  	[smem:$0x3FC5] =	sst s2  }
0x8f: {  	_ = 	snop  }
0x90: {  	s2 =	sld [smem:$0x3FC9]  }
0x91: {  	s19 =	sld [smem:$0x3FC8]  }
0x92: {  	s4 =	sld [smem:$0x3FC7]  }
0x93: {  	s5 =	sld [smem:$0x3FD0];
	(tm) =	ssettm $0x1  }
0x94: {  	s6 =	sld [smem:$0x3FFB];
	_ =	sdelay $0x3  }
0x95: {  	_ =	strace s6  }
0x96: {  	s6 =	sld [smem:$0x3FFC];
	_ =	sdelay $0x3  }
0x97: {  	_ =	strace s6  }
0x98: {  	s6 =	sld [smem:$0x3FFD];
	_ =	sdelay $0x3  }
0x99: {  	_ =	strace s6  }
0x9a: {  	_ =	strace $0x8FFFFFFF  }
0x9b: {  	s20 =	sld [smem:$0x3FDB];
	_ =	sdelay $0x1  }
0x9c: {  	s7 =	simm.s32 $_scs_section_size  }
0x9d: {  	s8 =	simm.s32 $_size__tile_overlayer_lowered;
	s9 =	simm.s32 $_tile_overlayer_lowered  }
0x9e: {  	s23 =	simm.s32 $0x1BFF;
	s22 =	sshll.u32 s9, $0x1;
	s6 =	sadd.s32 s7, s20  }
0x9f: {  	s10 =	simm.s32 $0x0;
	s21 =	sshll.u32 s8, $0x1;
	s8 =	sadd.s32 s22, s6  }
0xa0: {  	[timem:s10], [sflag:s23] =	dma.local [hbm:s8], s21  }
0xa1: {  	_ =	swait.ge [sflag:s23], s21  }
0xa2: {  	s7 =	ssub.s32 $0x0, s21;
	[sflag:s23] =	ssyncset.done $0x0  }
0xa3: {  	[sflag:s23] =	ssyncadd.s32 s7;
	_ =	sdelay $0x1  }
0xa4: {  	s24 =	simm.s32 $0x1B8B  }
0xa5: {  	_ =	swait.ge [sflag:s24], $0x1  }
0xa6: {  	[sflag:s24] =	ssyncset.done $0x0  }
0xa7: {  	s25 =	simm.s32 $0x1B8E;
	[sflag:s24] =	ssyncadd.s32 $0xFFFFFFFF  }
0xa8: {  	s26 =	simm.s32 $execute0_lowered;
	[smem:$0x3FD2] =	sst s25  }
0xa9: {  	s7 =	sshll.u32 s26, $0x1;
	_ =	strace $0x80000046;
	[dreg:$0x1] =	wrdreg $0xFFFFFFFF  }
0xaa: {  	s28 =	simm.s32 $_size_execute0_lowered;
	s6 =	sadd.s32 s6, s7;
	[dreg:$0x0] =	wrdreg $0x0  }
0xab: {  	s7 =	sshll.u32 s28, $0x1;
	[dreg:$0x2] =	wrdreg s6  }
0xac: {  	[dreg:$0x3] =	wrdreg s7  }
0xad: {  	[dreg:$0x4] =	wrdreg $0xC0  }
0xae: {  	_ =	task [dreg:s10], $0x5FFFF  }
0xaf: {  	[dreg:$0x1] =	wrdreg $0xFFFFFFFF  }
0xb0: {  	[dreg:$0x0] =	wrdreg $0x60  }
0xb1: {  	[dreg:$0x2] =	wrdreg s2  }
0xb2: {  	[dreg:$0x3] =	wrdreg s19  }
0xb3: {  	[dreg:$0x4] =	wrdreg s4  }
0xb4: {  	[dreg:$0x5] =	wrdreg s5  }
0xb5: {  	[dreg:$0x6] =	wrdreg $0x9  }
0xb6: {  	_ =	task.clear_ibuf [dreg:s10], $0x7FFFF;
	_ =	strace $0x90000046  }
0xb7: {  	s29 =	simm.s32 $0x9;
	_ =	strace $0x80000048  }
0xb8: {  	_ =	swait.ge [sflag:s29], $0x1  }
0xb9: {  	[sflag:s29] =	ssyncadd.s32 $0xFFFFFFFF  }
0xba: {  	_ =	strace $0x90000048  }
0xbb: {  	_ =	sfence  }
0xbc: {  	s30 =	sld [smem:$0x0];
	_ =	sdelay $0x2  }
0xbd: {  	s31 =	sshll.u32 s1, $0xD;
	s1 =	sshrl.u32 s1, $0x2  }
0xbe: {  	s3 =	sand.u32 $0x4000, s31;
	s1 =	sadd.s32 s1, s30  }
0xbf: {  	s0 =	sor.u32 s3, s0;
	s1 =	sshll.u32 s1, $0x11  }
0xc0: {  	s0 =	sor.u32 s1, s0  }
0xc1: {  	s0 =	sadd.s32 $0x8F2B, s0  }
0xc2: {  	[sflag:s0] =	ssyncadd.remote.s32 $0x1  }
0xc3: {  	_ =	sfence.sel $0xFFFF  }
0xc4: {  	[dreg:$0x0] =	wrdreg $0xFFFFFFFF;
	(pc) =	sbr.abs _section_cstart, $3  }
0xc5: {  	[dreg:$0x1] =	wrdreg $0xFFFFFFFF  }
0xc6: {  	_ =	task.clear_ibuf [dreg:s10], $0x2FFFF;
	_ =	strace $0x9FFFFFFF  }
0xc7: {  	(tm) =	ssettm $0x7FFFFFFF  }
tec
execute0_lowered:
.L_overlay_start_1:
0x0: {  	(tag) =	ssettag $0x1  }
0x1: {  	s10 =	rddreg [dreg:$0x0]  }
0x2: {  	s0 =	rddreg [dreg:$0x1]  }
0x3: {  	s3 =	rddreg [dreg:$0x2]  }
0x4: {  	s11 =	rddreg [dreg:$0x3];
	s4 =	stileid.u32  }
0x5: {  	s1 =	srdreg.scid;
	s28 =	simm.s32 $0x0;
	s2 =	sshll.u32 s4, $0x1  }
0x6: {  	s1 =	sand.u32 $0x1, s1;
	s4 =	sshrl.u32 s4, $0x2;
	[smem:$0x7FF] =	sst s28  }
0x7: {  	s2 =	sand.u32 $0x6, s2;
	s6 =	smul.u32 $0x300000, s4;
	s4 =	sshll.u32 s4, $0x4  }
0x8: {  	s2 =	sor.u32 s1, s2;
	s1 =	ssub.s32 $0x2, s1;
	s0 =	sadd.s32 s0, s4  }
0x9: {  	s5 =	smul.u32 $0x60000, s2;
	s8 =	sshrl.u32 s1, $0x1;
	s7 =	sshll.u32 s2, $0x9  }
0xa: {  	_ =	strace $0x80000047;
	s1 =	ssub.s32 s1, s8;
	s0 =	sadd.s32 s7, s0  }
0xb: {  	s29 =	sor.u32 $0x20, s7;
	s25 =	sadd.s32 s6, s5;
	[dreg:$0x5] =	wrdreg s0  }
0xc: {  	[dreg:$0x9] =	wrdreg s29;
	s31 =	smax.u32 s1, $0x1;
	s26 =	sshrl.u32 s25, $0x3  }
0xd: {  	[dreg:$0xb] =	wrdreg s31;
	s2 =	sadd.s32 s10, s26  }
0xe: {  	s30 =	simm.s32 $0x400;
	s0 =	sadd.s32 s11, s26;
	[dreg:$0x6] =	wrdreg s2  }
0xf: {  	v2 =	vlaneseq.u32;
	s12 =	simm.s32 $0x6;
	s2 =	sadd.s32 $0xC00, s2;
	[dreg:$0x7] =	wrdreg s0  }
0x10: {  	vm0 =	vmmov $0xffff;
	vm1 =	vmmov $0xff;
	s9 =	sadd.s32 $0x100, s3;
	v1 =	vshrl.u32 v2, $0x3;
	s0 =	sadd.s32 $0xB400, s0;
	[dreg:$0x8] =	wrdreg s2  }
0x11: {  	v0 =	vand.u32 $0x7, v2;
	v2 =	vor.u32 $0x8, v2;
	v1 =	vmul.u32 $0x8, v1;
	s4 =	simm.s32 $0x6400;
	s1 =	simm.s32 $0x0;
	[dreg:$0xa] =	wrdreg s0  }
.LBB2_1:
0x12: {  	[dreg:$0xc] =	wrdreg s1  }
0x13: {  	s0 =	rddreg [dreg:$0x5]  }
0x14: {  	s26 =	simm.s32 $0x80;
	s2 =	simm.s32 $0x200;
	s29 =	simm.s32 $0x7  }
0x15: {  	[tilespmem:s28], [sflag:$0x7] =	stream.strided.gather [hbm4b:s0+s26], $0x400, s2, s26, $0x38;
	[tilespmem:$0x18400] =	vst v63  }
0x16: {  	_ =	swait.ge [sflag:s29], $0x400  }
0x17: {  	[sflag:s29] =	ssyncset.done $0x0  }
0x18: {  	[sflag:s29] =	ssyncadd.s32 $0xFFFFFC00  }
0x19: {  	v3 =	vld [tilespmem:$0x0];
	_ =	sdelay $0x4  }
0x1a: {  	v4 =	vshrl.u32 v3, $0x3  }
0x1b: {  	v4 =	vmul.u32 $0x18, v4  }
0x1c: {  	v3 =	vand.u32 $0x7, v3  }
0x1d: {  	v3 =	vor.u32 v3, v4  }
0x1e: {  	v4 =	vperm.xlane v3, v0;
	_ =	sdelay $0x1  }
0x1f: {  	v4 =	vadd.s32 v1, v4;
	_ =	sdelay $0x1  }
0x20: {  	v3 =	vperm.xlane v3, v2;
	_ =	sdelay $0x1  }
0x21: {  	s31 =	simm.s32 $0xC400;
	v3 =	vadd.s32 v1, v3  }
0x22: {  	[tilespmem:s31], [sflag:$0x1] =	stream.indirect_vreg.gather [hbm4b:s3+s28], $0x80, v4, vm0, $0xb8;
	[tilespmem:$0x18400] =	vst v63  }
0x23: {  	s1 =	simm.s32 $0xCC00  }
0x24: {  	[tilespmem:s1], [sflag:$0x1] =	stream.indirect_vreg.gather [hbm4b:s9+s28], $0x80, v4, vm1, $0xb8;
	[tilespmem:$0x18400] =	vst v63  }
0x25: {  	s2 =	simm.s32 $0xD000  }
0x26: {  	[tilespmem:s2], [sflag:$0x1] =	stream.indirect_vreg.gather [hbm4b:s3+s28], $0x80, v3, vm0, $0xb8;
	[tilespmem:$0x18400] =	vst v63  }
0x27: {  	s5 =	simm.s32 $0xD800  }
0x28: {  	[tilespmem:s5], [sflag:$0x1] =	stream.indirect_vreg.gather [hbm4b:s9+s28], $0x80, v3, vm1, $0xb8;
	[tilespmem:$0x18400] =	vst v63  }
0x29: {  	v3 =	vld [tilespmem:$0x10];
	_ =	sdelay $0x4  }
0x2a: {  	v4 =	vshrl.u32 v3, $0x3  }
0x2b: {  	v4 =	vmul.u32 $0x18, v4  }
0x2c: {  	v3 =	vand.u32 $0x7, v3  }
0x2d: {  	v3 =	vor.u32 v3, v4  }
0x2e: {  	v4 =	vperm.xlane v3, v0;
	_ =	sdelay $0x1  }
0x2f: {  	v4 =	vadd.s32 v1, v4;
	_ =	sdelay $0x1  }
0x30: {  	v3 =	vperm.xlane v3, v2;
	_ =	sdelay $0x1  }
0x31: {  	s8 =	simm.s32 $0xDC00;
	v3 =	vadd.s32 v1, v3  }
0x32: {  	[tilespmem:s8], [sflag:$0x1] =	stream.indirect_vreg.gather [hbm4b:s3+s28], $0x80, v4, vm0, $0xb8;
	[tilespmem:$0x18400] =	vst v63  }
0x33: {  	s10 =	simm.s32 $0xE400  }
0x34: {  	[tilespmem:s10], [sflag:$0x1] =	stream.indirect_vreg.gather [hbm4b:s9+s28], $0x80, v4, vm1, $0xb8;
	[tilespmem:$0x18400] =	vst v63  }
0x35: {  	s11 =	simm.s32 $0xE800  }
0x36: {  	[tilespmem:s11], [sflag:$0x1] =	stream.indirect_vreg.gather [hbm4b:s3+s28], $0x80, v3, vm0, $0xb8;
	[tilespmem:$0x18400] =	vst v63  }
0x37: {  	s13 =	simm.s32 $0xF000  }
0x38: {  	[tilespmem:s13], [sflag:$0x1] =	stream.indirect_vreg.gather [hbm4b:s9+s28], $0x80, v3, vm1, $0xb8;
	[tilespmem:$0x18400] =	vst v63  }
0x39: {  	v3 =	vld [tilespmem:$0x20];
	_ =	sdelay $0x4  }
0x3a: {  	v4 =	vshrl.u32 v3, $0x3  }
0x3b: {  	v4 =	vmul.u32 $0x18, v4  }
0x3c: {  	v3 =	vand.u32 $0x7, v3  }
0x3d: {  	v3 =	vor.u32 v3, v4  }
0x3e: {  	v4 =	vperm.xlane v3, v0;
	_ =	sdelay $0x1  }
0x3f: {  	v4 =	vadd.s32 v1, v4;
	_ =	sdelay $0x1  }
0x40: {  	v3 =	vperm.xlane v3, v2;
	_ =	sdelay $0x1  }
0x41: {  	s14 =	simm.s32 $0xF400;
	v3 =	vadd.s32 v1, v3  }
0x42: {  	[tilespmem:s14], [sflag:$0x1] =	stream.indirect_vreg.gather [hbm4b:s3+s28], $0x80, v4, vm0, $0xb8;
	[tilespmem:$0x18400] =	vst v63  }
0x43: {  	s15 =	simm.s32 $0xFC00  }
0x44: {  	[tilespmem:s15], [sflag:$0x1] =	stream.indirect_vreg.gather [hbm4b:s9+s28], $0x80, v4, vm1, $0xb8;
	[tilespmem:$0x18400] =	vst v63  }
0x45: {  	s16 =	simm.s32 $0x10000  }
0x46: {  	[tilespmem:s16], [sflag:$0x1] =	stream.indirect_vreg.gather [hbm4b:s3+s28], $0x80, v3, vm0, $0xb8;
	[tilespmem:$0x18400] =	vst v63  }
0x47: {  	s17 =	simm.s32 $0x10800  }
0x48: {  	[tilespmem:s17], [sflag:$0x1] =	stream.indirect_vreg.gather [hbm4b:s9+s28], $0x80, v3, vm1, $0xb8;
	[tilespmem:$0x18400] =	vst v63  }
0x49: {  	v3 =	vld [tilespmem:$0x30];
	_ =	sdelay $0x4  }
0x4a: {  	v4 =	vshrl.u32 v3, $0x3  }
0x4b: {  	v4 =	vmul.u32 $0x18, v4  }
0x4c: {  	v3 =	vand.u32 $0x7, v3  }
0x4d: {  	v3 =	vor.u32 v3, v4  }
0x4e: {  	v4 =	vperm.xlane v3, v0;
	_ =	sdelay $0x1  }
0x4f: {  	v4 =	vadd.s32 v1, v4;
	_ =	sdelay $0x1  }
0x50: {  	v3 =	vperm.xlane v3, v2;
	_ =	sdelay $0x1  }
0x51: {  	s18 =	simm.s32 $0x10C00;
	v3 =	vadd.s32 v1, v3  }
0x52: {  	[tilespmem:s18], [sflag:$0x1] =	stream.indirect_vreg.gather [hbm4b:s3+s28], $0x80, v4, vm0, $0xb8;
	[tilespmem:$0x18400] =	vst v63  }
0x53: {  	s19 =	simm.s32 $0x11400  }
0x54: {  	[tilespmem:s19], [sflag:$0x1] =	stream.indirect_vreg.gather [hbm4b:s9+s28], $0x80, v4, vm1, $0xb8;
	[tilespmem:$0x18400] =	vst v63  }
0x55: {  	s20 =	simm.s32 $0x11800  }
0x56: {  	[tilespmem:s20], [sflag:$0x1] =	stream.indirect_vreg.gather [hbm4b:s3+s28], $0x80, v3, vm0, $0xb8;
	[tilespmem:$0x18400] =	vst v63  }
0x57: {  	s21 =	simm.s32 $0x12000  }
0x58: {  	[tilespmem:s21], [sflag:$0x1] =	stream.indirect_vreg.gather [hbm4b:s9+s28], $0x80, v3, vm1, $0xb8;
	[tilespmem:$0x18400] =	vst v63  }
0x59: {  	s22 =	rddreg [dreg:$0x6]  }
0x5a: {  	[tilespmem:s30], [sflag:$0x3] =	stream.linear.gather [hbm4b:s22+s28], $0x6000, $0x38;
	[tilespmem:$0x18400] =	vst v63  }
0x5b: {  	v3 =	vld [tilespmem:$0x40];
	_ =	sdelay $0x4  }
0x5c: {  	v4 =	vshrl.u32 v3, $0x3  }
0x5d: {  	v4 =	vmul.u32 $0x18, v4  }
0x5e: {  	v3 =	vand.u32 $0x7, v3  }
0x5f: {  	v3 =	vor.u32 v3, v4  }
0x60: {  	v4 =	vperm.xlane v3, v0;
	_ =	sdelay $0x1  }
0x61: {  	v4 =	vadd.s32 v1, v4;
	_ =	sdelay $0x1  }
0x62: {  	v3 =	vperm.xlane v3, v2;
	_ =	sdelay $0x1  }
0x63: {  	s23 =	simm.s32 $0x12400;
	v3 =	vadd.s32 v1, v3  }
0x64: {  	[tilespmem:s23], [sflag:$0x2] =	stream.indirect_vreg.gather [hbm4b:s3+s28], $0x80, v4, vm0, $0xb8;
	[tilespmem:$0x18400] =	vst v63  }
0x65: {  	s24 =	simm.s32 $0x12C00  }
0x66: {  	[tilespmem:s24], [sflag:$0x2] =	stream.indirect_vreg.gather [hbm4b:s9+s28], $0x80, v4, vm1, $0xb8;
	[tilespmem:$0x18400] =	vst v63  }
0x67: {  	s25 =	simm.s32 $0x13000  }
0x68: {  	[tilespmem:s25], [sflag:$0x2] =	stream.indirect_vreg.gather [hbm4b:s3+s28], $0x80, v3, vm0, $0xb8;
	[tilespmem:$0x18400] =	vst v63  }
0x69: {  	s26 =	simm.s32 $0x13800  }
0x6a: {  	[tilespmem:s26], [sflag:$0x2] =	stream.indirect_vreg.gather [hbm4b:s9+s28], $0x80, v3, vm1, $0xb8;
	[tilespmem:$0x18400] =	vst v63  }
0x6b: {  	v3 =	vld [tilespmem:$0x50];
	_ =	sdelay $0x4  }
0x6c: {  	v4 =	vshrl.u32 v3, $0x3  }
0x6d: {  	v4 =	vmul.u32 $0x18, v4  }
0x6e: {  	v3 =	vand.u32 $0x7, v3  }
0x6f: {  	v3 =	vor.u32 v3, v4  }
0x70: {  	v4 =	vperm.xlane v3, v0;
	_ =	sdelay $0x1  }
0x71: {  	v4 =	vadd.s32 v1, v4;
	_ =	sdelay $0x1  }
0x72: {  	v3 =	vperm.xlane v3, v2;
	_ =	sdelay $0x1  }
0x73: {  	s29 =	simm.s32 $0x13C00;
	v3 =	vadd.s32 v1, v3  }
0x74: {  	[tilespmem:s29], [sflag:$0x2] =	stream.indirect_vreg.gather [hbm4b:s3+s28], $0x80, v4, vm0, $0xb8;
	[tilespmem:$0x18400] =	vst v63  }
0x75: {  	s31 =	simm.s32 $0x14400  }
0x76: {  	[tilespmem:s31], [sflag:$0x2] =	stream.indirect_vreg.gather [hbm4b:s9+s28], $0x80, v4, vm1, $0xb8;
	[tilespmem:$0x18400] =	vst v63  }
0x77: {  	s1 =	simm.s32 $0x14800  }
0x78: {  	[tilespmem:s1], [sflag:$0x2] =	stream.indirect_vreg.gather [hbm4b:s3+s28], $0x80, v3, vm0, $0xb8;
	[tilespmem:$0x18400] =	vst v63  }
0x79: {  	s2 =	simm.s32 $0x15000  }
0x7a: {  	[tilespmem:s2], [sflag:$0x2] =	stream.indirect_vreg.gather [hbm4b:s9+s28], $0x80, v3, vm1, $0xb8;
	[tilespmem:$0x18400] =	vst v63  }
0x7b: {  	v3 =	vld [tilespmem:$0x60];
	_ =	sdelay $0x4  }
0x7c: {  	v4 =	vshrl.u32 v3, $0x3  }
0x7d: {  	v4 =	vmul.u32 $0x18, v4  }
0x7e: {  	v3 =	vand.u32 $0x7, v3  }
0x7f: {  	v3 =	vor.u32 v3, v4  }
0x80: {  	v4 =	vperm.xlane v3, v0;
	_ =	sdelay $0x1  }
0x81: {  	v4 =	vadd.s32 v1, v4;
	_ =	sdelay $0x1  }
0x82: {  	v3 =	vperm.xlane v3, v2;
	_ =	sdelay $0x1  }
0x83: {  	s5 =	simm.s32 $0x15400;
	v3 =	vadd.s32 v1, v3  }
0x84: {  	[tilespmem:s5], [sflag:$0x2] =	stream.indirect_vreg.gather [hbm4b:s3+s28], $0x80, v4, vm0, $0xb8;
	[tilespmem:$0x18400] =	vst v63  }
0x85: {  	s8 =	simm.s32 $0x15C00  }
0x86: {  	[tilespmem:s8], [sflag:$0x2] =	stream.indirect_vreg.gather [hbm4b:s9+s28], $0x80, v4, vm1, $0xb8;
	[tilespmem:$0x18400] =	vst v63  }
0x87: {  	s10 =	simm.s32 $0x16000  }
0x88: {  	[tilespmem:s10], [sflag:$0x2] =	stream.indirect_vreg.gather [hbm4b:s3+s28], $0x80, v3, vm0, $0xb8;
	[tilespmem:$0x18400] =	vst v63  }
0x89: {  	s11 =	simm.s32 $0x16800  }
0x8a: {  	[tilespmem:s11], [sflag:$0x2] =	stream.indirect_vreg.gather [hbm4b:s9+s28], $0x80, v3, vm1, $0xb8;
	[tilespmem:$0x18400] =	vst v63  }
0x8b: {  	v3 =	vld [tilespmem:$0x70];
	_ =	sdelay $0x4  }
0x8c: {  	v4 =	vshrl.u32 v3, $0x3  }
0x8d: {  	v4 =	vmul.u32 $0x18, v4  }
0x8e: {  	v3 =	vand.u32 $0x7, v3  }
0x8f: {  	v3 =	vor.u32 v3, v4  }
0x90: {  	v4 =	vperm.xlane v3, v0;
	_ =	sdelay $0x1  }
0x91: {  	v4 =	vadd.s32 v1, v4;
	_ =	sdelay $0x1  }
0x92: {  	v3 =	vperm.xlane v3, v2;
	_ =	sdelay $0x1  }
0x93: {  	s13 =	simm.s32 $0x16C00;
	v3 =	vadd.s32 v1, v3  }
0x94: {  	[tilespmem:s13], [sflag:$0x2] =	stream.indirect_vreg.gather [hbm4b:s3+s28], $0x80, v4, vm0, $0xb8;
	[tilespmem:$0x18400] =	vst v63  }
0x95: {  	s14 =	simm.s32 $0x17400  }
0x96: {  	[tilespmem:s14], [sflag:$0x2] =	stream.indirect_vreg.gather [hbm4b:s9+s28], $0x80, v4, vm1, $0xb8;
	[tilespmem:$0x18400] =	vst v63  }
0x97: {  	s15 =	simm.s32 $0x17800  }
0x98: {  	[tilespmem:s15], [sflag:$0x2] =	stream.indirect_vreg.gather [hbm4b:s3+s28], $0x80, v3, vm0, $0xb8;
	[tilespmem:$0x18400] =	vst v63  }
0x99: {  	s16 =	simm.s32 $0x18000  }
0x9a: {  	[tilespmem:s16], [sflag:$0x2] =	stream.indirect_vreg.gather [hbm4b:s9+s28], $0x80, v3, vm1, $0xb8;
	[tilespmem:$0x18400] =	vst v63  }
0x9b: {  	s17 =	rddreg [dreg:$0x8];
	s18 =	simm.s32 $0x1  }
0x9c: {  	[tilespmem:s4], [sflag:$0x4] =	stream.linear.gather [hbm4b:s17+s28], $0x6000, $0x38;
	[tilespmem:$0x18400] =	vst v63  }
0x9d: {  	s19 =	simm.s32 $0x0;
	_ =	swait.ge [sflag:s18], $0x6000  }
0x9e: {  	s0 =	smul.u32 $0x3000, s19;
	[sflag:s18] =	ssyncset.done $0x0  }
0x9f: {  	s20 =	simm.s32 $0x3;
	[sflag:s18] =	ssyncadd.s32 $0xFFFFA000  }
0xa0: {  	s21 =	sshra.s32 s0, $0x2;
	_ =	swait.ge [sflag:s20], $0x6000  }
0xa1: {  	s13 =	sand.u32 $0x300, s28;
	s14 =	sadd.s32 $0xC400, s21;
	[sflag:s20] =	ssyncset.done $0x0  }
0xa2: {  	s23 =	simm.s32 $0x0;
	s22 =	sor.u32 s13, s14;
	[sflag:s20] =	ssyncadd.s32 $0xFFFFA000  }
0xa3: {  	s2 =	smul.u32 $0x6000, s23;
	v3 =	vld [tilespmem:s22+$0x0];
	_ =	sdelay $0x1  }
0xa4: {  	s24 =	sand.u32 $0x380, s28;
	s2 =	sshra.s32 s2, $0x2  }
0xa5: {  	s10 =	sor.u32 s24, s2  }
0xa6: {  	s2 =	sor.u32 $0x400, s10  }
0xa7: {  	[tilespmem:s2+$0x0] =	vst.add.f32.msk $0xffff, v3  }
0xa8: {  	v3 =	vld [tilespmem:s22+$0x10];
	_ =	sdelay $0x3  }
0xa9: {  	s25 =	sor.u32 $0x410, s10  }
0xaa: {  	[tilespmem:s25+$0x0] =	vst.add.f32.msk $0xffff, v3  }
0xab: {  	v3 =	vld [tilespmem:s22+$0x20];
	_ =	sdelay $0x3  }
0xac: {  	s26 =	sor.u32 $0x420, s10  }
0xad: {  	[tilespmem:s26+$0x0] =	vst.add.f32.msk $0xffff, v3  }
0xae: {  	v3 =	vld [tilespmem:s22+$0x30];
	_ =	sdelay $0x3  }
0xaf: {  	s29 =	sor.u32 $0x430, s10  }
0xb0: {  	[tilespmem:s29+$0x0] =	vst.add.f32.msk $0xffff, v3  }
0xb1: {  	v3 =	vld [tilespmem:s22+$0x40];
	_ =	sdelay $0x3  }
0xb2: {  	s31 =	sor.u32 $0x440, s10  }
0xb3: {  	[tilespmem:s31+$0x0] =	vst.add.f32.msk $0xffff, v3  }
0xb4: {  	v3 =	vld [tilespmem:s22+$0x50];
	_ =	sdelay $0x3  }
0xb5: {  	s4 =	sor.u32 $0x450, s10  }
0xb6: {  	[tilespmem:s4+$0x0] =	vst.add.f32.msk $0xffff, v3  }
0xb7: {  	v3 =	vld [tilespmem:s22+$0x60];
	_ =	sdelay $0x3  }
0xb8: {  	s5 =	sor.u32 $0x460, s10  }
0xb9: {  	[tilespmem:s5+$0x0] =	vst.add.f32.msk $0xffff, v3  }
0xba: {  	v3 =	vld [tilespmem:s22+$0x70];
	_ =	sdelay $0x3  }
0xbb: {  	s8 =	sor.u32 $0x470, s10;
	s5 =	sadd.s32 $0xC800, s21  }
0xbc: {  	s11 =	sor.u32 s13, s5;
	[tilespmem:s8+$0x0] =	vst.add.f32.msk $0xffff, v3  }
0xbd: {  	v3 =	vld [tilespmem:s11+$0x0];
	_ =	sdelay $0x4  }
0xbe: {  	[tilespmem:s10+$0x800] =	vst.add.f32.msk $0xffff, v3  }
0xbf: {  	v3 =	vld [tilespmem:s11+$0x10];
	_ =	sdelay $0x4  }
0xc0: {  	[tilespmem:s10+$0x810] =	vst.add.f32.msk $0xffff, v3  }
0xc1: {  	v3 =	vld [tilespmem:s11+$0x20];
	_ =	sdelay $0x4  }
0xc2: {  	[tilespmem:s10+$0x820] =	vst.add.f32.msk $0xffff, v3  }
0xc3: {  	v3 =	vld [tilespmem:s11+$0x30];
	_ =	sdelay $0x4  }
0xc4: {  	[tilespmem:s10+$0x830] =	vst.add.f32.msk $0xffff, v3  }
0xc5: {  	v3 =	vld [tilespmem:s11+$0x40];
	_ =	sdelay $0x4  }
0xc6: {  	[tilespmem:s10+$0x840] =	vst.add.f32.msk $0xffff, v3  }
0xc7: {  	v3 =	vld [tilespmem:s11+$0x50];
	_ =	sdelay $0x4  }
0xc8: {  	[tilespmem:s10+$0x850] =	vst.add.f32.msk $0xffff, v3  }
0xc9: {  	v3 =	vld [tilespmem:s11+$0x60];
	_ =	sdelay $0x3  }
0xca: {  	s15 =	simm.s32 $0x0  }
0xcb: {  	s2 =	smul.u32 $0x3000, s15;
	[tilespmem:s10+$0x860] =	vst.add.f32.msk $0xffff, v3  }
0xcc: {  	v3 =	vld [tilespmem:s11+$0x70]  }
0xcd: {  	s16 =	simm.s32 $0x100;
	s0 =	sshra.s32 s2, $0x2  }
0xce: {  	s2 =	sadd.s32 $0xC400, s0;
	s4 =	sand.u32 $0x300, s16  }
0xcf: {  	s15 =	sor.u32 s4, s2;
	s11 =	simm.s32 $0x0  }
0xd0: {  	v4 =	vld [tilespmem:s15+$0x0];
	s8 =	sadd.s32 $0xCC00, s21;
	s17 =	smul.u32 $0x6000, s11  }
0xd1: {  	s19 =	simm.s32 $0x80;
	s18 =	sor.u32 s13, s8;
	[tilespmem:s10+$0x870] =	vst.add.f32.msk $0xffff, v3  }
0xd2: {  	s11 =	sand.u32 $0x380, s19;
	s1 =	sshra.s32 s17, $0x2;
	v3 =	vld [tilespmem:s18+$0x0]  }
0xd3: {  	s11 =	sor.u32 s11, s1  }
0xd4: {  	s1 =	sor.u32 $0x400, s11  }
0xd5: {  	[tilespmem:s1+$0x0] =	vst.add.f32.msk $0xffff, v4  }
0xd6: {  	v4 =	vld [tilespmem:s15+$0x10]  }
0xd7: {  	[tilespmem:s10+$0xC00] =	vst.add.f32.msk $0xffff, v3  }
0xd8: {  	v3 =	vld [tilespmem:s18+$0x10];
	_ =	sdelay $0x1  }
0xd9: {  	s20 =	sor.u32 $0x410, s11  }
0xda: {  	[tilespmem:s20+$0x0] =	vst.add.f32.msk $0xffff, v4  }
0xdb: {  	v4 =	vld [tilespmem:s15+$0x20]  }
0xdc: {  	[tilespmem:s10+$0xC10] =	vst.add.f32.msk $0xffff, v3  }
0xdd: {  	v3 =	vld [tilespmem:s18+$0x20];
	_ =	sdelay $0x1  }
0xde: {  	s21 =	sor.u32 $0x420, s11  }
0xdf: {  	[tilespmem:s21+$0x0] =	vst.add.f32.msk $0xffff, v4  }
0xe0: {  	v4 =	vld [tilespmem:s15+$0x30]  }
0xe1: {  	[tilespmem:s10+$0xC20] =	vst.add.f32.msk $0xffff, v3  }
0xe2: {  	v3 =	vld [tilespmem:s18+$0x30];
	_ =	sdelay $0x1  }
0xe3: {  	s22 =	sor.u32 $0x430, s11  }
0xe4: {  	[tilespmem:s22+$0x0] =	vst.add.f32.msk $0xffff, v4  }
0xe5: {  	v4 =	vld [tilespmem:s15+$0x40]  }
0xe6: {  	[tilespmem:s10+$0xC30] =	vst.add.f32.msk $0xffff, v3  }
0xe7: {  	v3 =	vld [tilespmem:s18+$0x40];
	_ =	sdelay $0x1  }
0xe8: {  	s23 =	sor.u32 $0x440, s11  }
0xe9: {  	[tilespmem:s23+$0x0] =	vst.add.f32.msk $0xffff, v4  }
0xea: {  	v4 =	vld [tilespmem:s15+$0x50]  }
0xeb: {  	[tilespmem:s10+$0xC40] =	vst.add.f32.msk $0xffff, v3  }
0xec: {  	v3 =	vld [tilespmem:s18+$0x50];
	_ =	sdelay $0x1  }
0xed: {  	s24 =	sor.u32 $0x450, s11  }
0xee: {  	[tilespmem:s24+$0x0] =	vst.add.f32.msk $0xffff, v4  }
0xef: {  	v4 =	vld [tilespmem:s15+$0x60]  }
0xf0: {  	[tilespmem:s10+$0xC50] =	vst.add.f32.msk $0xffff, v3  }
0xf1: {  	v3 =	vld [tilespmem:s18+$0x60];
	_ =	sdelay $0x1  }
0xf2: {  	s25 =	sor.u32 $0x460, s11  }
0xf3: {  	[tilespmem:s25+$0x0] =	vst.add.f32.msk $0xffff, v4  }
0xf4: {  	v4 =	vld [tilespmem:s15+$0x70]  }
0xf5: {  	[tilespmem:s10+$0xC60] =	vst.add.f32.msk $0xffff, v3  }
0xf6: {  	v3 =	vld [tilespmem:s18+$0x70];
	_ =	sdelay $0x1  }
0xf7: {  	s26 =	sor.u32 $0x470, s11;
	s18 =	sadd.s32 $0xC800, s0  }
0xf8: {  	[tilespmem:s26+$0x0] =	vst.add.f32.msk $0xffff, v4;
	s29 =	sor.u32 s4, s18  }
0xf9: {  	s13 =	sor.u32 $0x80, s13;
	v4 =	vld [tilespmem:s29+$0x0]  }
0xfa: {  	s14 =	sor.u32 s13, s14;
	[tilespmem:s10+$0xC70] =	vst.add.f32.msk $0xffff, v3  }
0xfb: {  	v3 =	vld [tilespmem:s14+$0x0];
	_ =	sdelay $0x2  }
0xfc: {  	[tilespmem:s11+$0x800] =	vst.add.f32.msk $0xffff, v4  }
0xfd: {  	v4 =	vld [tilespmem:s29+$0x10]  }
0xfe: {  	[tilespmem:s10+$0x1000] =	vst.add.f32.msk $0xffff, v3  }
0xff: {  	v3 =	vld [tilespmem:s14+$0x10];
	_ =	sdelay $0x2  }
0x100: {  	[tilespmem:s11+$0x810] =	vst.add.f32.msk $0xffff, v4  }
0x101: {  	v4 =	vld [tilespmem:s29+$0x20]  }
0x102: {  	[tilespmem:s10+$0x1010] =	vst.add.f32.msk $0xffff, v3  }
0x103: {  	v3 =	vld [tilespmem:s14+$0x20];
	_ =	sdelay $0x2  }
0x104: {  	[tilespmem:s11+$0x820] =	vst.add.f32.msk $0xffff, v4  }
0x105: {  	v4 =	vld [tilespmem:s29+$0x30]  }
0x106: {  	[tilespmem:s10+$0x1020] =	vst.add.f32.msk $0xffff, v3  }
0x107: {  	v3 =	vld [tilespmem:s14+$0x30];
	_ =	sdelay $0x2  }
0x108: {  	[tilespmem:s11+$0x830] =	vst.add.f32.msk $0xffff, v4  }
0x109: {  	v4 =	vld [tilespmem:s29+$0x40]  }
0x10a: {  	[tilespmem:s10+$0x1030] =	vst.add.f32.msk $0xffff, v3  }
0x10b: {  	v3 =	vld [tilespmem:s14+$0x40];
	_ =	sdelay $0x2  }
0x10c: {  	[tilespmem:s11+$0x840] =	vst.add.f32.msk $0xffff, v4  }
0x10d: {  	v4 =	vld [tilespmem:s29+$0x50]  }
0x10e: {  	[tilespmem:s10+$0x1040] =	vst.add.f32.msk $0xffff, v3  }
0x10f: {  	v3 =	vld [tilespmem:s14+$0x50];
	_ =	sdelay $0x2  }
0x110: {  	[tilespmem:s11+$0x850] =	vst.add.f32.msk $0xffff, v4  }
0x111: {  	v4 =	vld [tilespmem:s29+$0x60]  }
0x112: {  	[tilespmem:s10+$0x1050] =	vst.add.f32.msk $0xffff, v3  }
0x113: {  	v3 =	vld [tilespmem:s14+$0x60];
	_ =	sdelay $0x1  }
0x114: {  	s31 =	simm.s32 $0x0  }
0x115: {  	s15 =	smul.u32 $0x3000, s31;
	[tilespmem:s11+$0x860] =	vst.add.f32.msk $0xffff, v4  }
0x116: {  	v4 =	vld [tilespmem:s29+$0x70]  }
0x117: {  	s22 =	sshra.s32 s15, $0x2;
	s15 =	simm.s32 $0x200;
	[tilespmem:s10+$0x1060] =	vst.add.f32.msk $0xffff, v3  }
0x118: {  	s21 =	sand.u32 $0x300, s15;
	s20 =	sadd.s32 $0xC400, s22;
	v3 =	vld [tilespmem:s14+$0x70]  }
0x119: {  	s16 =	simm.s32 $0x0;
	s1 =	sor.u32 s21, s20  }
0x11a: {  	s17 =	smul.u32 $0x6000, s16;
	s15 =	sadd.s32 $0xCC00, s0;
	v5 =	vld [tilespmem:s1+$0x0]  }
0x11b: {  	s23 =	simm.s32 $0x100;
	s19 =	sor.u32 s4, s15;
	[tilespmem:s11+$0x870] =	vst.add.f32.msk $0xffff, v4  }
0x11c: {  	s24 =	sand.u32 $0x380, s23;
	s0 =	sshra.s32 s17, $0x2;
	v4 =	vld [tilespmem:s19+$0x0]  }
0x11d: {  	s14 =	sor.u32 s24, s0;
	s0 =	sor.u32 s13, s5;
	[tilespmem:s10+$0x1070] =	vst.add.f32.msk $0xffff, v3  }
0x11e: {  	s25 =	sor.u32 $0x400, s14;
	v3 =	vld [tilespmem:s0+$0x0]  }
0x11f: {  	[tilespmem:s25+$0x0] =	vst.add.f32.msk $0xffff, v5  }
0x120: {  	v5 =	vld [tilespmem:s1+$0x10]  }
0x121: {  	[tilespmem:s11+$0xC00] =	vst.add.f32.msk $0xffff, v4  }
0x122: {  	v4 =	vld [tilespmem:s19+$0x10]  }
0x123: {  	[tilespmem:s10+$0x1400] =	vst.add.f32.msk $0xffff, v3  }
0x124: {  	s26 =	sor.u32 $0x410, s14;
	v3 =	vld [tilespmem:s0+$0x10]  }
0x125: {  	[tilespmem:s26+$0x0] =	vst.add.f32.msk $0xffff, v5  }
0x126: {  	v5 =	vld [tilespmem:s1+$0x20]  }
0x127: {  	[tilespmem:s11+$0xC10] =	vst.add.f32.msk $0xffff, v4  }
0x128: {  	v4 =	vld [tilespmem:s19+$0x20]  }
0x129: {  	[tilespmem:s10+$0x1410] =	vst.add.f32.msk $0xffff, v3  }
0x12a: {  	s29 =	sor.u32 $0x420, s14;
	v3 =	vld [tilespmem:s0+$0x20]  }
0x12b: {  	[tilespmem:s29+$0x0] =	vst.add.f32.msk $0xffff, v5  }
0x12c: {  	v5 =	vld [tilespmem:s1+$0x30]  }
0x12d: {  	[tilespmem:s11+$0xC20] =	vst.add.f32.msk $0xffff, v4  }
0x12e: {  	v4 =	vld [tilespmem:s19+$0x30]  }
0x12f: {  	[tilespmem:s10+$0x1420] =	vst.add.f32.msk $0xffff, v3  }
0x130: {  	s31 =	sor.u32 $0x430, s14;
	v3 =	vld [tilespmem:s0+$0x30]  }
0x131: {  	[tilespmem:s31+$0x0] =	vst.add.f32.msk $0xffff, v5  }
0x132: {  	v5 =	vld [tilespmem:s1+$0x40]  }
0x133: {  	[tilespmem:s11+$0xC30] =	vst.add.f32.msk $0xffff, v4  }
0x134: {  	v4 =	vld [tilespmem:s19+$0x40]  }
0x135: {  	[tilespmem:s10+$0x1430] =	vst.add.f32.msk $0xffff, v3  }
0x136: {  	s16 =	sor.u32 $0x440, s14;
	v3 =	vld [tilespmem:s0+$0x40]  }
0x137: {  	[tilespmem:s16+$0x0] =	vst.add.f32.msk $0xffff, v5  }
0x138: {  	v5 =	vld [tilespmem:s1+$0x50]  }
0x139: {  	[tilespmem:s11+$0xC40] =	vst.add.f32.msk $0xffff, v4  }
0x13a: {  	v4 =	vld [tilespmem:s19+$0x50]  }
0x13b: {  	[tilespmem:s10+$0x1440] =	vst.add.f32.msk $0xffff, v3  }
0x13c: {  	s17 =	sor.u32 $0x450, s14;
	v3 =	vld [tilespmem:s0+$0x50]  }
0x13d: {  	[tilespmem:s17+$0x0] =	vst.add.f32.msk $0xffff, v5  }
0x13e: {  	v5 =	vld [tilespmem:s1+$0x60]  }
0x13f: {  	[tilespmem:s11+$0xC50] =	vst.add.f32.msk $0xffff, v4  }
0x140: {  	v4 =	vld [tilespmem:s19+$0x60]  }
0x141: {  	[tilespmem:s10+$0x1450] =	vst.add.f32.msk $0xffff, v3  }
0x142: {  	s24 =	sor.u32 $0x460, s14;
	v3 =	vld [tilespmem:s0+$0x60]  }
0x143: {  	[tilespmem:s24+$0x0] =	vst.add.f32.msk $0xffff, v5  }
0x144: {  	v5 =	vld [tilespmem:s1+$0x70]  }
0x145: {  	[tilespmem:s11+$0xC60] =	vst.add.f32.msk $0xffff, v4  }
0x146: {  	v4 =	vld [tilespmem:s19+$0x70]  }
0x147: {  	[tilespmem:s10+$0x1460] =	vst.add.f32.msk $0xffff, v3  }
0x148: {  	s25 =	sor.u32 $0x470, s14;
	s24 =	sadd.s32 $0xC800, s22;
	v3 =	vld [tilespmem:s0+$0x70]  }
0x149: {  	s26 =	sor.u32 s21, s24;
	[tilespmem:s25+$0x0] =	vst.add.f32.msk $0xffff, v5  }
0x14a: {  	s19 =	sor.u32 $0x80, s4;
	v5 =	vld [tilespmem:s26+$0x0]  }
0x14b: {  	s2 =	sor.u32 s19, s2;
	[tilespmem:s11+$0xC70] =	vst.add.f32.msk $0xffff, v4  }
0x14c: {  	v4 =	vld [tilespmem:s2+$0x0]  }
0x14d: {  	s29 =	sor.u32 s13, s8;
	[tilespmem:s10+$0x1470] =	vst.add.f32.msk $0xffff, v3  }
0x14e: {  	v3 =	vld [tilespmem:s29+$0x0]  }
0x14f: {  	[tilespmem:s14+$0x800] =	vst.add.f32.msk $0xffff, v5  }
0x150: {  	v5 =	vld [tilespmem:s26+$0x10]  }
0x151: {  	[tilespmem:s11+$0x1000] =	vst.add.f32.msk $0xffff, v4  }
0x152: {  	v4 =	vld [tilespmem:s2+$0x10]  }
0x153: {  	[tilespmem:s10+$0x1800] =	vst.add.f32.msk $0xffff, v3  }
0x154: {  	v3 =	vld [tilespmem:s29+$0x10]  }
0x155: {  	[tilespmem:s14+$0x810] =	vst.add.f32.msk $0xffff, v5  }
0x156: {  	v5 =	vld [tilespmem:s26+$0x20]  }
0x157: {  	[tilespmem:s11+$0x1010] =	vst.add.f32.msk $0xffff, v4  }
0x158: {  	v4 =	vld [tilespmem:s2+$0x20]  }
0x159: {  	[tilespmem:s10+$0x1810] =	vst.add.f32.msk $0xffff, v3  }
0x15a: {  	v3 =	vld [tilespmem:s29+$0x20]  }
0x15b: {  	[tilespmem:s14+$0x820] =	vst.add.f32.msk $0xffff, v5  }
0x15c: {  	v5 =	vld [tilespmem:s26+$0x30]  }
0x15d: {  	[tilespmem:s11+$0x1020] =	vst.add.f32.msk $0xffff, v4  }
0x15e: {  	v4 =	vld [tilespmem:s2+$0x30]  }
0x15f: {  	[tilespmem:s10+$0x1820] =	vst.add.f32.msk $0xffff, v3  }
0x160: {  	v3 =	vld [tilespmem:s29+$0x30]  }
0x161: {  	[tilespmem:s14+$0x830] =	vst.add.f32.msk $0xffff, v5  }
0x162: {  	v5 =	vld [tilespmem:s26+$0x40]  }
0x163: {  	[tilespmem:s11+$0x1030] =	vst.add.f32.msk $0xffff, v4  }
0x164: {  	v4 =	vld [tilespmem:s2+$0x40]  }
0x165: {  	[tilespmem:s10+$0x1830] =	vst.add.f32.msk $0xffff, v3  }
0x166: {  	v3 =	vld [tilespmem:s29+$0x40]  }
0x167: {  	[tilespmem:s14+$0x840] =	vst.add.f32.msk $0xffff, v5  }
0x168: {  	v5 =	vld [tilespmem:s26+$0x50]  }
0x169: {  	[tilespmem:s11+$0x1040] =	vst.add.f32.msk $0xffff, v4  }
0x16a: {  	v4 =	vld [tilespmem:s2+$0x50]  }
0x16b: {  	[tilespmem:s10+$0x1840] =	vst.add.f32.msk $0xffff, v3  }
0x16c: {  	v3 =	vld [tilespmem:s29+$0x50]  }
0x16d: {  	[tilespmem:s14+$0x850] =	vst.add.f32.msk $0xffff, v5  }
0x16e: {  	v5 =	vld [tilespmem:s26+$0x60]  }
0x16f: {  	[tilespmem:s11+$0x1050] =	vst.add.f32.msk $0xffff, v4  }
0x170: {  	v4 =	vld [tilespmem:s2+$0x60]  }
0x171: {  	[tilespmem:s10+$0x1850] =	vst.add.f32.msk $0xffff, v3  }
0x172: {  	v3 =	vld [tilespmem:s29+$0x60]  }
0x173: {  	s31 =	simm.s32 $0x0;
	[tilespmem:s14+$0x860] =	vst.add.f32.msk $0xffff, v5  }
0x174: {  	s1 =	smul.u32 $0x3000, s31;
	v5 =	vld [tilespmem:s26+$0x70]  }
0x175: {  	[tilespmem:s11+$0x1060] =	vst.add.f32.msk $0xffff, v4  }
0x176: {  	s1 =	sshra.s32 s1, $0x2;
	s25 =	simm.s32 $0x300;
	v4 =	vld [tilespmem:s2+$0x70]  }
0x177: {  	s4 =	sand.u32 $0x300, s25;
	s2 =	sadd.s32 $0xC400, s1;
	[tilespmem:s10+$0x1860] =	vst.add.f32.msk $0xffff, v3  }
0x178: {  	s13 =	simm.s32 $0x3;
	s26 =	simm.s32 $0x4;
	s28 =	sor.u32 s4, s2;
	v3 =	vld [tilespmem:s29+$0x70]  }
.LBB2_2:
0x179: {  	p0 =	sne.s32 s26, $0x1F;
	v6 =	vld [tilespmem:s28+$0x0];
	s0 =	sshrl.u32 s13, $0x3;
	s8 =	sadd.s32 $0xCC00, s22  }
0x17a: {  	s22 =	smov.u32 s1;
	s0 =	smul.u32 $0x6000, s0;
	[tilespmem:s14+$0x870] =	vst.add.f32.msk $0xffff, v5;
	s5 =	sor.u32 s21, s8  }
0x17b: {  	s23 =	sadd.s32 $0x80, s23;
	s13 =	smov.u32 s26;
	v5 =	vld [tilespmem:s5+$0x0]  }
0x17c: {  	s1 =	sand.u32 $0x380, s23;
	s0 =	sshra.s32 s0, $0x2;
	[tilespmem:s11+$0x1070] =	vst.add.f32.msk $0xffff, v4  }
0x17d: {  	s29 =	sor.u32 s19, s18;
	s0 =	sor.u32 s1, s0;
	[tilespmem:s10+$0x1870] =	vst.add.f32.msk $0xffff, v3;
	s10 =	smov.u32 s11  }
0x17e: {  	s11 =	smov.u32 s14;
	s1 =	sor.u32 $0x400, s0;
	v3 =	vld [tilespmem:s29+$0x0];
	s14 =	smov.u32 s0  }
0x17f: {  	s18 =	smov.u32 s24;
	[tilespmem:s1+$0x0] =	vst.add.f32.msk $0xffff, v6  }
0x180: {  	v4 =	vld [tilespmem:s28+$0x10]  }
0x181: {  	[tilespmem:s11+$0xC00] =	vst.add.f32.msk $0xffff, v5  }
0x182: {  	v5 =	vld [tilespmem:s5+$0x10]  }
0x183: {  	[tilespmem:s10+$0x1400] =	vst.add.f32.msk $0xffff, v3  }
0x184: {  	s0 =	sor.u32 $0x410, s14;
	v3 =	vld [tilespmem:s29+$0x10]  }
0x185: {  	[tilespmem:s0+$0x0] =	vst.add.f32.msk $0xffff, v4  }
0x186: {  	v4 =	vld [tilespmem:s28+$0x20]  }
0x187: {  	[tilespmem:s11+$0xC10] =	vst.add.f32.msk $0xffff, v5  }
0x188: {  	v5 =	vld [tilespmem:s5+$0x20]  }
0x189: {  	[tilespmem:s10+$0x1410] =	vst.add.f32.msk $0xffff, v3  }
0x18a: {  	s0 =	sor.u32 $0x420, s14;
	v3 =	vld [tilespmem:s29+$0x20]  }
0x18b: {  	[tilespmem:s0+$0x0] =	vst.add.f32.msk $0xffff, v4  }
0x18c: {  	v4 =	vld [tilespmem:s28+$0x30]  }
0x18d: {  	[tilespmem:s11+$0xC20] =	vst.add.f32.msk $0xffff, v5  }
0x18e: {  	v5 =	vld [tilespmem:s5+$0x30]  }
0x18f: {  	[tilespmem:s10+$0x1420] =	vst.add.f32.msk $0xffff, v3  }
0x190: {  	s0 =	sor.u32 $0x430, s14;
	v3 =	vld [tilespmem:s29+$0x30]  }
0x191: {  	[tilespmem:s0+$0x0] =	vst.add.f32.msk $0xffff, v4  }
0x192: {  	v4 =	vld [tilespmem:s28+$0x40]  }
0x193: {  	[tilespmem:s11+$0xC30] =	vst.add.f32.msk $0xffff, v5  }
0x194: {  	v5 =	vld [tilespmem:s5+$0x40]  }
0x195: {  	[tilespmem:s10+$0x1430] =	vst.add.f32.msk $0xffff, v3  }
0x196: {  	s0 =	sor.u32 $0x440, s14;
	v3 =	vld [tilespmem:s29+$0x40]  }
0x197: {  	[tilespmem:s0+$0x0] =	vst.add.f32.msk $0xffff, v4  }
0x198: {  	v4 =	vld [tilespmem:s28+$0x50]  }
0x199: {  	[tilespmem:s11+$0xC40] =	vst.add.f32.msk $0xffff, v5  }
0x19a: {  	v5 =	vld [tilespmem:s5+$0x50]  }
0x19b: {  	[tilespmem:s10+$0x1440] =	vst.add.f32.msk $0xffff, v3  }
0x19c: {  	s0 =	sor.u32 $0x450, s14;
	v3 =	vld [tilespmem:s29+$0x50]  }
0x19d: {  	[tilespmem:s0+$0x0] =	vst.add.f32.msk $0xffff, v4  }
0x19e: {  	v4 =	vld [tilespmem:s28+$0x60]  }
0x19f: {  	[tilespmem:s11+$0xC50] =	vst.add.f32.msk $0xffff, v5  }
0x1a0: {  	v5 =	vld [tilespmem:s5+$0x60]  }
0x1a1: {  	[tilespmem:s10+$0x1450] =	vst.add.f32.msk $0xffff, v3  }
0x1a2: {  	s0 =	sor.u32 $0x460, s14;
	v3 =	vld [tilespmem:s29+$0x60]  }
0x1a3: {  	[tilespmem:s0+$0x0] =	vst.add.f32.msk $0xffff, v4  }
0x1a4: {  	v4 =	vld [tilespmem:s28+$0x70]  }
0x1a5: {  	[tilespmem:s11+$0xC60] =	vst.add.f32.msk $0xffff, v5  }
0x1a6: {  	v5 =	vld [tilespmem:s5+$0x70]  }
0x1a7: {  	[tilespmem:s10+$0x1460] =	vst.add.f32.msk $0xffff, v3  }
0x1a8: {  	s24 =	sadd.s32 $0xC800, s22;
	s0 =	sor.u32 $0x470, s14;
	v3 =	vld [tilespmem:s29+$0x70]  }
0x1a9: {  	s5 =	sor.u32 s4, s24;
	[tilespmem:s0+$0x0] =	vst.add.f32.msk $0xffff, v4  }
0x1aa: {  	s1 =	sor.u32 $0x80, s21;
	s21 =	smov.u32 s4;
	v4 =	vld [tilespmem:s5+$0x0]  }
0x1ab: {  	s4 =	sor.u32 s1, s20;
	s20 =	smov.u32 s2;
	[tilespmem:s11+$0xC70] =	vst.add.f32.msk $0xffff, v5  }
0x1ac: {  	v5 =	vld [tilespmem:s4+$0x0]  }
0x1ad: {  	s0 =	sor.u32 s19, s15;
	s15 =	smov.u32 s8;
	s19 =	smov.u32 s1;
	[tilespmem:s10+$0x1470] =	vst.add.f32.msk $0xffff, v3  }
0x1ae: {  	v3 =	vld [tilespmem:s0+$0x0]  }
0x1af: {  	[tilespmem:s14+$0x800] =	vst.add.f32.msk $0xffff, v4  }
0x1b0: {  	v4 =	vld [tilespmem:s5+$0x10]  }
0x1b1: {  	[tilespmem:s11+$0x1000] =	vst.add.f32.msk $0xffff, v5  }
0x1b2: {  	v5 =	vld [tilespmem:s4+$0x10]  }
0x1b3: {  	[tilespmem:s10+$0x1800] =	vst.add.f32.msk $0xffff, v3  }
0x1b4: {  	v3 =	vld [tilespmem:s0+$0x10]  }
0x1b5: {  	[tilespmem:s14+$0x810] =	vst.add.f32.msk $0xffff, v4  }
0x1b6: {  	v4 =	vld [tilespmem:s5+$0x20]  }
0x1b7: {  	[tilespmem:s11+$0x1010] =	vst.add.f32.msk $0xffff, v5  }
0x1b8: {  	v5 =	vld [tilespmem:s4+$0x20]  }
0x1b9: {  	[tilespmem:s10+$0x1810] =	vst.add.f32.msk $0xffff, v3  }
0x1ba: {  	v3 =	vld [tilespmem:s0+$0x20]  }
0x1bb: {  	[tilespmem:s14+$0x820] =	vst.add.f32.msk $0xffff, v4  }
0x1bc: {  	v4 =	vld [tilespmem:s5+$0x30]  }
0x1bd: {  	[tilespmem:s11+$0x1020] =	vst.add.f32.msk $0xffff, v5  }
0x1be: {  	v5 =	vld [tilespmem:s4+$0x30]  }
0x1bf: {  	[tilespmem:s10+$0x1820] =	vst.add.f32.msk $0xffff, v3  }
0x1c0: {  	v3 =	vld [tilespmem:s0+$0x30]  }
0x1c1: {  	[tilespmem:s14+$0x830] =	vst.add.f32.msk $0xffff, v4  }
0x1c2: {  	v4 =	vld [tilespmem:s5+$0x40]  }
0x1c3: {  	[tilespmem:s11+$0x1030] =	vst.add.f32.msk $0xffff, v5  }
0x1c4: {  	v5 =	vld [tilespmem:s4+$0x40]  }
0x1c5: {  	[tilespmem:s10+$0x1830] =	vst.add.f32.msk $0xffff, v3  }
0x1c6: {  	v3 =	vld [tilespmem:s0+$0x40]  }
0x1c7: {  	[tilespmem:s14+$0x840] =	vst.add.f32.msk $0xffff, v4  }
0x1c8: {  	v4 =	vld [tilespmem:s5+$0x50]  }
0x1c9: {  	[tilespmem:s11+$0x1040] =	vst.add.f32.msk $0xffff, v5  }
0x1ca: {  	v5 =	vld [tilespmem:s4+$0x50]  }
0x1cb: {  	[tilespmem:s10+$0x1840] =	vst.add.f32.msk $0xffff, v3  }
0x1cc: {  	v3 =	vld [tilespmem:s0+$0x50]  }
0x1cd: {  	[tilespmem:s14+$0x850] =	vst.add.f32.msk $0xffff, v4  }
0x1ce: {  	v4 =	vld [tilespmem:s5+$0x60]  }
0x1cf: {  	[tilespmem:s11+$0x1050] =	vst.add.f32.msk $0xffff, v5  }
0x1d0: {  	v6 =	vld [tilespmem:s4+$0x60]  }
0x1d1: {  	[tilespmem:s10+$0x1850] =	vst.add.f32.msk $0xffff, v3  }
0x1d2: {  	s1 =	sshrl.u32 s26, $0x2;
	v3 =	vld [tilespmem:s0+$0x60]  }
0x1d3: {  	s1 =	smul.u32 $0x3000, s1;
	[tilespmem:s14+$0x860] =	vst.add.f32.msk $0xffff, v4  }
.Ltmp0:
0x1d4: {  	v5 =	vld [tilespmem:s5+$0x70];
	(pc) =	sbr.rel @p0 .LBB2_2-.Ltmp0, $4  }
0x1d5: {  	[tilespmem:s11+$0x1060] =	vst.add.f32.msk $0xffff, v6  }
0x1d6: {  	s25 =	sadd.s32 $0x100, s25;
	s1 =	sshra.s32 s1, $0x2;
	v4 =	vld [tilespmem:s4+$0x70]  }
0x1d7: {  	s2 =	sadd.s32 $0xC400, s1;
	s4 =	sand.u32 $0x300, s25;
	[tilespmem:s10+$0x1860] =	vst.add.f32.msk $0xffff, v3  }
0x1d8: {  	s26 =	sadd.s32 $0x1, s26;
	s28 =	sor.u32 s4, s2;
	v3 =	vld [tilespmem:s0+$0x70]  }
0x1d9: {  	s0 =	sshrl.u32 s13, $0x3  }
0x1da: {  	v6 =	vld [tilespmem:s28+$0x0];
	s0 =	smul.u32 $0x6000, s0  }
0x1db: {  	s5 =	sadd.s32 $0x80, s23  }
0x1dc: {  	s5 =	sand.u32 $0x380, s5;
	s0 =	sshra.s32 s0, $0x2  }
0x1dd: {  	s8 =	sor.u32 s5, s0  }
0x1de: {  	s0 =	sor.u32 $0x400, s8  }
0x1df: {  	[tilespmem:s0+$0x0] =	vst.add.f32.msk $0xffff, v6  }
0x1e0: {  	v6 =	vld [tilespmem:s28+$0x10];
	_ =	sdelay $0x3  }
0x1e1: {  	s16 =	sor.u32 $0x410, s8  }
0x1e2: {  	[tilespmem:s16+$0x0] =	vst.add.f32.msk $0xffff, v6  }
0x1e3: {  	v6 =	vld [tilespmem:s28+$0x20];
	_ =	sdelay $0x3  }
0x1e4: {  	s17 =	sor.u32 $0x420, s8  }
0x1e5: {  	[tilespmem:s17+$0x0] =	vst.add.f32.msk $0xffff, v6  }
0x1e6: {  	v6 =	vld [tilespmem:s28+$0x30];
	_ =	sdelay $0x3  }
0x1e7: {  	s23 =	sor.u32 $0x430, s8  }
0x1e8: {  	[tilespmem:s23+$0x0] =	vst.add.f32.msk $0xffff, v6  }
0x1e9: {  	v6 =	vld [tilespmem:s28+$0x40];
	_ =	sdelay $0x3  }
0x1ea: {  	s25 =	sor.u32 $0x440, s8  }
0x1eb: {  	[tilespmem:s25+$0x0] =	vst.add.f32.msk $0xffff, v6  }
0x1ec: {  	v6 =	vld [tilespmem:s28+$0x50];
	_ =	sdelay $0x3  }
0x1ed: {  	s26 =	sor.u32 $0x450, s8  }
0x1ee: {  	[tilespmem:s26+$0x0] =	vst.add.f32.msk $0xffff, v6  }
0x1ef: {  	v6 =	vld [tilespmem:s28+$0x60];
	_ =	sdelay $0x3  }
0x1f0: {  	s29 =	sor.u32 $0x460, s8  }
0x1f1: {  	[tilespmem:s29+$0x0] =	vst.add.f32.msk $0xffff, v6  }
0x1f2: {  	v6 =	vld [tilespmem:s28+$0x70];
	_ =	sdelay $0x3  }
0x1f3: {  	s31 =	sadd.s32 $0xC800, s1;
	s5 =	sor.u32 $0x470, s8  }
0x1f4: {  	s13 =	sor.u32 s4, s31;
	[tilespmem:s5+$0x0] =	vst.add.f32.msk $0xffff, v6  }
0x1f5: {  	v6 =	vld [tilespmem:s13+$0x0];
	_ =	sdelay $0x4  }
0x1f6: {  	[tilespmem:s8+$0x800] =	vst.add.f32.msk $0xffff, v6  }
0x1f7: {  	v6 =	vld [tilespmem:s13+$0x10];
	_ =	sdelay $0x4  }
0x1f8: {  	[tilespmem:s8+$0x810] =	vst.add.f32.msk $0xffff, v6  }
0x1f9: {  	v6 =	vld [tilespmem:s13+$0x20];
	_ =	sdelay $0x4  }
0x1fa: {  	[tilespmem:s8+$0x820] =	vst.add.f32.msk $0xffff, v6  }
0x1fb: {  	v6 =	vld [tilespmem:s13+$0x30];
	_ =	sdelay $0x4  }
0x1fc: {  	[tilespmem:s8+$0x830] =	vst.add.f32.msk $0xffff, v6  }
0x1fd: {  	v6 =	vld [tilespmem:s13+$0x40];
	_ =	sdelay $0x4  }
0x1fe: {  	[tilespmem:s8+$0x840] =	vst.add.f32.msk $0xffff, v6  }
0x1ff: {  	v6 =	vld [tilespmem:s13+$0x50];
	_ =	sdelay $0x4  }
0x200: {  	[tilespmem:s8+$0x850] =	vst.add.f32.msk $0xffff, v6  }
0x201: {  	v6 =	vld [tilespmem:s13+$0x60];
	_ =	sdelay $0x4  }
0x202: {  	[tilespmem:s8+$0x860] =	vst.add.f32.msk $0xffff, v6  }
0x203: {  	v6 =	vld [tilespmem:s13+$0x70];
	_ =	sdelay $0x1  }
0x204: {  	s16 =	sadd.s32 $0xCC00, s22  }
0x205: {  	[tilespmem:s14+$0x870] =	vst.add.f32.msk $0xffff, v5;
	s22 =	sor.u32 s21, s16  }
0x206: {  	v5 =	vld [tilespmem:s22+$0x0];
	s17 =	sadd.s32 $0xCC00, s1  }
0x207: {  	s1 =	sor.u32 s4, s17;
	[tilespmem:s8+$0x870] =	vst.add.f32.msk $0xffff, v6  }
0x208: {  	v6 =	vld [tilespmem:s1+$0x0];
	_ =	sdelay $0x2  }
0x209: {  	[tilespmem:s14+$0xC00] =	vst.add.f32.msk $0xffff, v5  }
0x20a: {  	v5 =	vld [tilespmem:s22+$0x10]  }
0x20b: {  	[tilespmem:s8+$0xC00] =	vst.add.f32.msk $0xffff, v6  }
0x20c: {  	v6 =	vld [tilespmem:s1+$0x10];
	_ =	sdelay $0x2  }
0x20d: {  	[tilespmem:s14+$0xC10] =	vst.add.f32.msk $0xffff, v5  }
0x20e: {  	v5 =	vld [tilespmem:s22+$0x20]  }
0x20f: {  	[tilespmem:s8+$0xC10] =	vst.add.f32.msk $0xffff, v6  }
0x210: {  	v6 =	vld [tilespmem:s1+$0x20];
	_ =	sdelay $0x2  }
0x211: {  	[tilespmem:s14+$0xC20] =	vst.add.f32.msk $0xffff, v5  }
0x212: {  	v5 =	vld [tilespmem:s22+$0x30]  }
0x213: {  	[tilespmem:s8+$0xC20] =	vst.add.f32.msk $0xffff, v6  }
0x214: {  	v6 =	vld [tilespmem:s1+$0x30];
	_ =	sdelay $0x2  }
0x215: {  	[tilespmem:s14+$0xC30] =	vst.add.f32.msk $0xffff, v5  }
0x216: {  	v5 =	vld [tilespmem:s22+$0x40]  }
0x217: {  	[tilespmem:s8+$0xC30] =	vst.add.f32.msk $0xffff, v6  }
0x218: {  	v6 =	vld [tilespmem:s1+$0x40];
	_ =	sdelay $0x2  }
0x219: {  	[tilespmem:s14+$0xC40] =	vst.add.f32.msk $0xffff, v5  }
0x21a: {  	v5 =	vld [tilespmem:s22+$0x50]  }
0x21b: {  	[tilespmem:s8+$0xC40] =	vst.add.f32.msk $0xffff, v6  }
0x21c: {  	v6 =	vld [tilespmem:s1+$0x50];
	_ =	sdelay $0x2  }
0x21d: {  	[tilespmem:s14+$0xC50] =	vst.add.f32.msk $0xffff, v5  }
0x21e: {  	v5 =	vld [tilespmem:s22+$0x60]  }
0x21f: {  	[tilespmem:s8+$0xC50] =	vst.add.f32.msk $0xffff, v6  }
0x220: {  	v6 =	vld [tilespmem:s1+$0x60];
	_ =	sdelay $0x2  }
0x221: {  	[tilespmem:s14+$0xC60] =	vst.add.f32.msk $0xffff, v5  }
0x222: {  	v5 =	vld [tilespmem:s22+$0x70]  }
0x223: {  	[tilespmem:s8+$0xC60] =	vst.add.f32.msk $0xffff, v6  }
0x224: {  	v6 =	vld [tilespmem:s1+$0x70];
	_ =	sdelay $0x1  }
0x225: {  	s22 =	sor.u32 $0x80, s21  }
0x226: {  	s20 =	sor.u32 s22, s20;
	[tilespmem:s14+$0xC70] =	vst.add.f32.msk $0xffff, v5  }
0x227: {  	s23 =	sor.u32 $0x80, s4;
	v5 =	vld [tilespmem:s20+$0x0]  }
0x228: {  	s2 =	sor.u32 s23, s2;
	[tilespmem:s8+$0xC70] =	vst.add.f32.msk $0xffff, v6  }
0x229: {  	v6 =	vld [tilespmem:s2+$0x0];
	_ =	sdelay $0x2  }
0x22a: {  	[tilespmem:s14+$0x1000] =	vst.add.f32.msk $0xffff, v5  }
0x22b: {  	v5 =	vld [tilespmem:s20+$0x10]  }
0x22c: {  	[tilespmem:s8+$0x1000] =	vst.add.f32.msk $0xffff, v6  }
0x22d: {  	v6 =	vld [tilespmem:s2+$0x10];
	_ =	sdelay $0x2  }
0x22e: {  	[tilespmem:s14+$0x1010] =	vst.add.f32.msk $0xffff, v5  }
0x22f: {  	v5 =	vld [tilespmem:s20+$0x20]  }
0x230: {  	[tilespmem:s8+$0x1010] =	vst.add.f32.msk $0xffff, v6  }
0x231: {  	v6 =	vld [tilespmem:s2+$0x20];
	_ =	sdelay $0x2  }
0x232: {  	[tilespmem:s14+$0x1020] =	vst.add.f32.msk $0xffff, v5  }
0x233: {  	v5 =	vld [tilespmem:s20+$0x30]  }
0x234: {  	[tilespmem:s8+$0x1020] =	vst.add.f32.msk $0xffff, v6  }
0x235: {  	v6 =	vld [tilespmem:s2+$0x30];
	_ =	sdelay $0x2  }
0x236: {  	[tilespmem:s14+$0x1030] =	vst.add.f32.msk $0xffff, v5  }
0x237: {  	v5 =	vld [tilespmem:s20+$0x40]  }
0x238: {  	[tilespmem:s8+$0x1030] =	vst.add.f32.msk $0xffff, v6  }
0x239: {  	v6 =	vld [tilespmem:s2+$0x40];
	_ =	sdelay $0x2  }
0x23a: {  	[tilespmem:s14+$0x1040] =	vst.add.f32.msk $0xffff, v5  }
0x23b: {  	v5 =	vld [tilespmem:s20+$0x50]  }
0x23c: {  	[tilespmem:s8+$0x1040] =	vst.add.f32.msk $0xffff, v6  }
0x23d: {  	v6 =	vld [tilespmem:s2+$0x50];
	_ =	sdelay $0x2  }
0x23e: {  	[tilespmem:s14+$0x1050] =	vst.add.f32.msk $0xffff, v5  }
0x23f: {  	v5 =	vld [tilespmem:s20+$0x60]  }
0x240: {  	[tilespmem:s8+$0x1050] =	vst.add.f32.msk $0xffff, v6  }
0x241: {  	v6 =	vld [tilespmem:s2+$0x60];
	_ =	sdelay $0x2  }
0x242: {  	[tilespmem:s14+$0x1060] =	vst.add.f32.msk $0xffff, v5  }
0x243: {  	v5 =	vld [tilespmem:s20+$0x70]  }
0x244: {  	[tilespmem:s8+$0x1060] =	vst.add.f32.msk $0xffff, v6  }
0x245: {  	v6 =	vld [tilespmem:s2+$0x70]  }
0x246: {  	[tilespmem:s11+$0x1070] =	vst.add.f32.msk $0xffff, v4;
	s25 =	sor.u32 s19, s18  }
0x247: {  	v4 =	vld [tilespmem:s25+$0x0]  }
0x248: {  	s26 =	sor.u32 s22, s24;
	[tilespmem:s14+$0x1070] =	vst.add.f32.msk $0xffff, v5  }
0x249: {  	v5 =	vld [tilespmem:s26+$0x0]  }
0x24a: {  	s0 =	sor.u32 s23, s31;
	[tilespmem:s8+$0x1070] =	vst.add.f32.msk $0xffff, v6  }
0x24b: {  	v6 =	vld [tilespmem:s0+$0x0]  }
0x24c: {  	[tilespmem:s11+$0x1400] =	vst.add.f32.msk $0xffff, v4  }
0x24d: {  	v4 =	vld [tilespmem:s25+$0x10]  }
0x24e: {  	[tilespmem:s14+$0x1400] =	vst.add.f32.msk $0xffff, v5  }
0x24f: {  	v5 =	vld [tilespmem:s26+$0x10]  }
0x250: {  	[tilespmem:s8+$0x1400] =	vst.add.f32.msk $0xffff, v6  }
0x251: {  	v6 =	vld [tilespmem:s0+$0x10]  }
0x252: {  	[tilespmem:s11+$0x1410] =	vst.add.f32.msk $0xffff, v4  }
0x253: {  	v4 =	vld [tilespmem:s25+$0x20]  }
0x254: {  	[tilespmem:s14+$0x1410] =	vst.add.f32.msk $0xffff, v5  }
0x255: {  	v5 =	vld [tilespmem:s26+$0x20]  }
0x256: {  	[tilespmem:s8+$0x1410] =	vst.add.f32.msk $0xffff, v6  }
0x257: {  	v6 =	vld [tilespmem:s0+$0x20]  }
0x258: {  	[tilespmem:s11+$0x1420] =	vst.add.f32.msk $0xffff, v4  }
0x259: {  	v4 =	vld [tilespmem:s25+$0x30]  }
0x25a: {  	[tilespmem:s14+$0x1420] =	vst.add.f32.msk $0xffff, v5  }
0x25b: {  	v5 =	vld [tilespmem:s26+$0x30]  }
0x25c: {  	[tilespmem:s8+$0x1420] =	vst.add.f32.msk $0xffff, v6  }
0x25d: {  	v6 =	vld [tilespmem:s0+$0x30]  }
0x25e: {  	[tilespmem:s11+$0x1430] =	vst.add.f32.msk $0xffff, v4  }
0x25f: {  	v4 =	vld [tilespmem:s25+$0x40]  }
0x260: {  	[tilespmem:s14+$0x1430] =	vst.add.f32.msk $0xffff, v5  }
0x261: {  	v5 =	vld [tilespmem:s26+$0x40]  }
0x262: {  	[tilespmem:s8+$0x1430] =	vst.add.f32.msk $0xffff, v6  }
0x263: {  	v6 =	vld [tilespmem:s0+$0x40]  }
0x264: {  	[tilespmem:s11+$0x1440] =	vst.add.f32.msk $0xffff, v4  }
0x265: {  	v4 =	vld [tilespmem:s25+$0x50]  }
0x266: {  	[tilespmem:s14+$0x1440] =	vst.add.f32.msk $0xffff, v5  }
0x267: {  	v5 =	vld [tilespmem:s26+$0x50]  }
0x268: {  	[tilespmem:s8+$0x1440] =	vst.add.f32.msk $0xffff, v6  }
0x269: {  	v6 =	vld [tilespmem:s0+$0x50]  }
0x26a: {  	[tilespmem:s11+$0x1450] =	vst.add.f32.msk $0xffff, v4  }
0x26b: {  	v4 =	vld [tilespmem:s25+$0x60]  }
0x26c: {  	[tilespmem:s14+$0x1450] =	vst.add.f32.msk $0xffff, v5  }
0x26d: {  	v5 =	vld [tilespmem:s26+$0x60]  }
0x26e: {  	[tilespmem:s8+$0x1450] =	vst.add.f32.msk $0xffff, v6  }
0x26f: {  	v6 =	vld [tilespmem:s0+$0x60]  }
0x270: {  	[tilespmem:s11+$0x1460] =	vst.add.f32.msk $0xffff, v4  }
0x271: {  	v4 =	vld [tilespmem:s25+$0x70]  }
0x272: {  	[tilespmem:s14+$0x1460] =	vst.add.f32.msk $0xffff, v5  }
0x273: {  	v5 =	vld [tilespmem:s26+$0x70]  }
0x274: {  	[tilespmem:s8+$0x1460] =	vst.add.f32.msk $0xffff, v6  }
0x275: {  	v6 =	vld [tilespmem:s0+$0x70]  }
0x276: {  	s28 =	sor.u32 s19, s15;
	[tilespmem:s11+$0x1470] =	vst.add.f32.msk $0xffff, v4  }
0x277: {  	v4 =	vld [tilespmem:s28+$0x0]  }
0x278: {  	s1 =	sor.u32 s22, s16;
	[tilespmem:s14+$0x1470] =	vst.add.f32.msk $0xffff, v5  }
0x279: {  	v5 =	vld [tilespmem:s1+$0x0]  }
0x27a: {  	s29 =	sor.u32 s23, s17;
	[tilespmem:s8+$0x1470] =	vst.add.f32.msk $0xffff, v6  }
0x27b: {  	v6 =	vld [tilespmem:s29+$0x0]  }
0x27c: {  	[tilespmem:s11+$0x1800] =	vst.add.f32.msk $0xffff, v4  }
0x27d: {  	v4 =	vld [tilespmem:s28+$0x10]  }
0x27e: {  	[tilespmem:s14+$0x1800] =	vst.add.f32.msk $0xffff, v5  }
0x27f: {  	v5 =	vld [tilespmem:s1+$0x10]  }
0x280: {  	[tilespmem:s8+$0x1800] =	vst.add.f32.msk $0xffff, v6  }
0x281: {  	v6 =	vld [tilespmem:s29+$0x10]  }
0x282: {  	[tilespmem:s11+$0x1810] =	vst.add.f32.msk $0xffff, v4  }
0x283: {  	v4 =	vld [tilespmem:s28+$0x20]  }
0x284: {  	[tilespmem:s14+$0x1810] =	vst.add.f32.msk $0xffff, v5  }
0x285: {  	v5 =	vld [tilespmem:s1+$0x20]  }
0x286: {  	[tilespmem:s8+$0x1810] =	vst.add.f32.msk $0xffff, v6  }
0x287: {  	v6 =	vld [tilespmem:s29+$0x20]  }
0x288: {  	[tilespmem:s11+$0x1820] =	vst.add.f32.msk $0xffff, v4  }
0x289: {  	v4 =	vld [tilespmem:s28+$0x30]  }
0x28a: {  	[tilespmem:s14+$0x1820] =	vst.add.f32.msk $0xffff, v5  }
0x28b: {  	v5 =	vld [tilespmem:s1+$0x30]  }
0x28c: {  	[tilespmem:s8+$0x1820] =	vst.add.f32.msk $0xffff, v6  }
0x28d: {  	v6 =	vld [tilespmem:s29+$0x30]  }
0x28e: {  	[tilespmem:s11+$0x1830] =	vst.add.f32.msk $0xffff, v4  }
0x28f: {  	v4 =	vld [tilespmem:s28+$0x40]  }
0x290: {  	[tilespmem:s14+$0x1830] =	vst.add.f32.msk $0xffff, v5  }
0x291: {  	v5 =	vld [tilespmem:s1+$0x40]  }
0x292: {  	[tilespmem:s8+$0x1830] =	vst.add.f32.msk $0xffff, v6  }
0x293: {  	v6 =	vld [tilespmem:s29+$0x40]  }
0x294: {  	[tilespmem:s11+$0x1840] =	vst.add.f32.msk $0xffff, v4  }
0x295: {  	v4 =	vld [tilespmem:s28+$0x50]  }
0x296: {  	[tilespmem:s14+$0x1840] =	vst.add.f32.msk $0xffff, v5  }
0x297: {  	v5 =	vld [tilespmem:s1+$0x50]  }
0x298: {  	[tilespmem:s8+$0x1840] =	vst.add.f32.msk $0xffff, v6  }
0x299: {  	v6 =	vld [tilespmem:s29+$0x50]  }
0x29a: {  	[tilespmem:s11+$0x1850] =	vst.add.f32.msk $0xffff, v4  }
0x29b: {  	v4 =	vld [tilespmem:s28+$0x60]  }
0x29c: {  	[tilespmem:s14+$0x1850] =	vst.add.f32.msk $0xffff, v5  }
0x29d: {  	v5 =	vld [tilespmem:s1+$0x60]  }
0x29e: {  	[tilespmem:s8+$0x1850] =	vst.add.f32.msk $0xffff, v6  }
0x29f: {  	v6 =	vld [tilespmem:s29+$0x60]  }
0x2a0: {  	[tilespmem:s11+$0x1860] =	vst.add.f32.msk $0xffff, v4  }
0x2a1: {  	v4 =	vld [tilespmem:s28+$0x70]  }
0x2a2: {  	[tilespmem:s14+$0x1860] =	vst.add.f32.msk $0xffff, v5  }
0x2a3: {  	v5 =	vld [tilespmem:s1+$0x70]  }
0x2a4: {  	[tilespmem:s8+$0x1860] =	vst.add.f32.msk $0xffff, v6  }
0x2a5: {  	v6 =	vld [tilespmem:s29+$0x70];
	_ =	sdelay $0x1  }
0x2a6: {  	[tilespmem:s10+$0x1870] =	vst.add.f32.msk $0xffff, v3  }
0x2a7: {  	[tilespmem:s11+$0x1870] =	vst.add.f32.msk $0xffff, v4  }
0x2a8: {  	[tilespmem:s14+$0x1870] =	vst.add.f32.msk $0xffff, v5  }
0x2a9: {  	[tilespmem:s8+$0x1870] =	vst.add.f32.msk $0xffff, v6  }
0x2aa: {  	s15 =	simm.s32 $0x0;
	s14 =	simm.s32 $0x0;
	s31 =	rddreg [dreg:$0x7]  }
0x2ab: {  	[hbm4b:s31+s14] =	stream.linear.scatter [tilespmem:s30], [sflag:$0x5], $0x6000, $0x38;
	[tilespmem:$0x18400] =	vst v63  }
.LBB2_4:
0x2ac: {  	s11 =	sshll.u32 s15, $0x1;
	s2 =	simm.s32 $0x5  }
0x2ad: {  	s0 =	sadd.s32 $0x2, s11;
	_ =	swait.ge [sflag:s2], $0x6000  }
0x2ae: {  	[sflag:s2] =	ssyncset.done $0x0;
	s1 =	sshll.u32 s0, $0x6  }
0x2af: {  	[sflag:s2] =	ssyncadd.s32 $0xFFFFA000;
	s1 =	sand.u32 $0x3FFFFF80, s1  }
0x2b0: {  	v3 =	vld [tilespmem:s1+$0x0];
	_ =	sdelay $0x4  }
0x2b1: {  	v4 =	vshrl.u32 v3, $0x3  }
0x2b2: {  	v4 =	vmul.u32 $0x18, v4  }
0x2b3: {  	v3 =	vand.u32 $0x7, v3  }
0x2b4: {  	v3 =	vor.u32 v3, v4  }
0x2b5: {  	v4 =	vperm.xlane v3, v0;
	_ =	sdelay $0x1  }
0x2b6: {  	v4 =	vadd.s32 v1, v4;
	_ =	sdelay $0x1  }
0x2b7: {  	v3 =	vperm.xlane v3, v2;
	_ =	sdelay $0x1  }
0x2b8: {  	s10 =	simm.s32 $0xC400;
	v3 =	vadd.s32 v1, v3  }
0x2b9: {  	[tilespmem:s10], [sflag:$0x1] =	stream.indirect_vreg.gather [hbm4b:s3+s14], $0x80, v4, vm0, $0xb8;
	[tilespmem:$0x18400] =	vst v63  }
0x2ba: {  	s13 =	simm.s32 $0xCC00  }
0x2bb: {  	[tilespmem:s13], [sflag:$0x1] =	stream.indirect_vreg.gather [hbm4b:s9+s14], $0x80, v4, vm1, $0xb8;
	[tilespmem:$0x18400] =	vst v63  }
0x2bc: {  	s16 =	simm.s32 $0xD000  }
0x2bd: {  	[tilespmem:s16], [sflag:$0x1] =	stream.indirect_vreg.gather [hbm4b:s3+s14], $0x80, v3, vm0, $0xb8;
	[tilespmem:$0x18400] =	vst v63  }
0x2be: {  	s17 =	simm.s32 $0xD800  }
0x2bf: {  	[tilespmem:s17], [sflag:$0x1] =	stream.indirect_vreg.gather [hbm4b:s9+s14], $0x80, v3, vm1, $0xb8;
	[tilespmem:$0x18400] =	vst v63  }
0x2c0: {  	v3 =	vld [tilespmem:s1+$0x10];
	_ =	sdelay $0x4  }
0x2c1: {  	v4 =	vshrl.u32 v3, $0x3  }
0x2c2: {  	v4 =	vmul.u32 $0x18, v4  }
0x2c3: {  	v3 =	vand.u32 $0x7, v3  }
0x2c4: {  	v3 =	vor.u32 v3, v4  }
0x2c5: {  	v4 =	vperm.xlane v3, v0;
	_ =	sdelay $0x1  }
0x2c6: {  	v4 =	vadd.s32 v1, v4;
	_ =	sdelay $0x1  }
0x2c7: {  	v3 =	vperm.xlane v3, v2;
	_ =	sdelay $0x1  }
0x2c8: {  	s18 =	simm.s32 $0xDC00;
	v3 =	vadd.s32 v1, v3  }
0x2c9: {  	[tilespmem:s18], [sflag:$0x1] =	stream.indirect_vreg.gather [hbm4b:s3+s14], $0x80, v4, vm0, $0xb8;
	[tilespmem:$0x18400] =	vst v63  }
0x2ca: {  	s19 =	simm.s32 $0xE400  }
0x2cb: {  	[tilespmem:s19], [sflag:$0x1] =	stream.indirect_vreg.gather [hbm4b:s9+s14], $0x80, v4, vm1, $0xb8;
	[tilespmem:$0x18400] =	vst v63  }
0x2cc: {  	s20 =	simm.s32 $0xE800  }
0x2cd: {  	[tilespmem:s20], [sflag:$0x1] =	stream.indirect_vreg.gather [hbm4b:s3+s14], $0x80, v3, vm0, $0xb8;
	[tilespmem:$0x18400] =	vst v63  }
0x2ce: {  	s21 =	simm.s32 $0xF000  }
0x2cf: {  	[tilespmem:s21], [sflag:$0x1] =	stream.indirect_vreg.gather [hbm4b:s9+s14], $0x80, v3, vm1, $0xb8;
	[tilespmem:$0x18400] =	vst v63  }
0x2d0: {  	v3 =	vld [tilespmem:s1+$0x20];
	_ =	sdelay $0x4  }
0x2d1: {  	v4 =	vshrl.u32 v3, $0x3  }
0x2d2: {  	v4 =	vmul.u32 $0x18, v4  }
0x2d3: {  	v3 =	vand.u32 $0x7, v3  }
0x2d4: {  	v3 =	vor.u32 v3, v4  }
0x2d5: {  	v4 =	vperm.xlane v3, v0;
	_ =	sdelay $0x1  }
0x2d6: {  	v4 =	vadd.s32 v1, v4;
	_ =	sdelay $0x1  }
0x2d7: {  	v3 =	vperm.xlane v3, v2;
	_ =	sdelay $0x1  }
0x2d8: {  	s22 =	simm.s32 $0xF400;
	v3 =	vadd.s32 v1, v3  }
0x2d9: {  	[tilespmem:s22], [sflag:$0x1] =	stream.indirect_vreg.gather [hbm4b:s3+s14], $0x80, v4, vm0, $0xb8;
	[tilespmem:$0x18400] =	vst v63  }
0x2da: {  	s23 =	simm.s32 $0xFC00  }
0x2db: {  	[tilespmem:s23], [sflag:$0x1] =	stream.indirect_vreg.gather [hbm4b:s9+s14], $0x80, v4, vm1, $0xb8;
	[tilespmem:$0x18400] =	vst v63  }
0x2dc: {  	s24 =	simm.s32 $0x10000  }
0x2dd: {  	[tilespmem:s24], [sflag:$0x1] =	stream.indirect_vreg.gather [hbm4b:s3+s14], $0x80, v3, vm0, $0xb8;
	[tilespmem:$0x18400] =	vst v63  }
0x2de: {  	s25 =	simm.s32 $0x10800  }
0x2df: {  	[tilespmem:s25], [sflag:$0x1] =	stream.indirect_vreg.gather [hbm4b:s9+s14], $0x80, v3, vm1, $0xb8;
	[tilespmem:$0x18400] =	vst v63  }
0x2e0: {  	v3 =	vld [tilespmem:s1+$0x30];
	_ =	sdelay $0x4  }
0x2e1: {  	v4 =	vshrl.u32 v3, $0x3  }
0x2e2: {  	v4 =	vmul.u32 $0x18, v4  }
0x2e3: {  	v3 =	vand.u32 $0x7, v3  }
0x2e4: {  	v3 =	vor.u32 v3, v4  }
0x2e5: {  	v4 =	vperm.xlane v3, v0;
	_ =	sdelay $0x1  }
0x2e6: {  	v4 =	vadd.s32 v1, v4;
	_ =	sdelay $0x1  }
0x2e7: {  	s0 =	sshll.u32 s0, $0x5;
	v3 =	vperm.xlane v3, v2  }
0x2e8: {  	s0 =	sadd.s32 s7, s0  }
0x2e9: {  	s26 =	simm.s32 $0x10C00;
	s0 =	sshrl.u32 s0, $0x3;
	v3 =	vadd.s32 v1, v3  }
0x2ea: {  	[tilespmem:s26], [sflag:$0x1] =	stream.indirect_vreg.gather [hbm4b:s3+s14], $0x80, v4, vm0, $0xb8;
	[tilespmem:$0x18400] =	vst v63  }
0x2eb: {  	s31 =	simm.s32 $0x11400;
	s0 =	smul.u32 $0x1800, s0  }
0x2ec: {  	[tilespmem:s31], [sflag:$0x1] =	stream.indirect_vreg.gather [hbm4b:s9+s14], $0x80, v4, vm1, $0xb8;
	[tilespmem:$0x18400] =	vst v63  }
0x2ed: {  	s2 =	simm.s32 $0x11800;
	s0 =	sadd.s32 s6, s0  }
0x2ee: {  	[tilespmem:s2], [sflag:$0x1] =	stream.indirect_vreg.gather [hbm4b:s3+s14], $0x80, v3, vm0, $0xb8;
	[tilespmem:$0x18400] =	vst v63  }
0x2ef: {  	s4 =	simm.s32 $0x12000;
	s5 =	rddreg [dreg:$0x0];
	s10 =	sshrl.u32 s0, $0x3  }
0x2f0: {  	[tilespmem:s4], [sflag:$0x1] =	stream.indirect_vreg.gather [hbm4b:s9+s14], $0x80, v3, vm1, $0xb8;
	[tilespmem:$0x18400] =	vst v63  }
0x2f1: {  	s8 =	simm.s32 $0x2;
	s0 =	sadd.s32 s5, s10  }
0x2f2: {  	[tilespmem:s30], [sflag:$0x3] =	stream.linear.gather [hbm4b:s0+s14], $0x6000, $0x38;
	[tilespmem:$0x18400] =	vst v63  }
0x2f3: {  	s13 =	simm.s32 $0x0;
	_ =	swait.ge [sflag:s8], $0x6000  }
0x2f4: {  	s0 =	smul.u32 $0x3000, s13;
	[sflag:s8] =	ssyncset.done $0x0  }
0x2f5: {  	s16 =	simm.s32 $0x4;
	[sflag:s8] =	ssyncadd.s32 $0xFFFFA000  }
0x2f6: {  	s4 =	sshra.s32 s0, $0x2;
	_ =	swait.ge [sflag:s16], $0x6000  }
0x2f7: {  	s17 =	sand.u32 $0x300, s14;
	s0 =	sadd.s32 $0x12400, s4;
	[sflag:s16] =	ssyncset.done $0x0  }
0x2f8: {  	s22 =	sor.u32 s17, s0;
	[sflag:s16] =	ssyncadd.s32 $0xFFFFA000  }
0x2f9: {  	s5 =	simm.s32 $0x0;
	v3 =	vld [tilespmem:s22+$0x0]  }
0x2fa: {  	s5 =	smul.u32 $0x6000, s5;
	_ =	sdelay $0x1  }
0x2fb: {  	s5 =	sshra.s32 s5, $0x2;
	s8 =	sand.u32 $0x380, s14  }
0x2fc: {  	s18 =	sor.u32 s8, s5  }
0x2fd: {  	[tilespmem:s18+$0x6400] =	vst.add.f32.msk $0xffff, v3  }
0x2fe: {  	v3 =	vld [tilespmem:s22+$0x10];
	_ =	sdelay $0x4  }
0x2ff: {  	[tilespmem:s18+$0x6410] =	vst.add.f32.msk $0xffff, v3  }
0x300: {  	v3 =	vld [tilespmem:s22+$0x20];
	_ =	sdelay $0x4  }
0x301: {  	[tilespmem:s18+$0x6420] =	vst.add.f32.msk $0xffff, v3  }
0x302: {  	v3 =	vld [tilespmem:s22+$0x30];
	_ =	sdelay $0x4  }
0x303: {  	[tilespmem:s18+$0x6430] =	vst.add.f32.msk $0xffff, v3  }
0x304: {  	v3 =	vld [tilespmem:s22+$0x40];
	_ =	sdelay $0x4  }
0x305: {  	[tilespmem:s18+$0x6440] =	vst.add.f32.msk $0xffff, v3  }
0x306: {  	v3 =	vld [tilespmem:s22+$0x50];
	_ =	sdelay $0x4  }
0x307: {  	[tilespmem:s18+$0x6450] =	vst.add.f32.msk $0xffff, v3  }
0x308: {  	v3 =	vld [tilespmem:s22+$0x60];
	_ =	sdelay $0x4  }
0x309: {  	[tilespmem:s18+$0x6460] =	vst.add.f32.msk $0xffff, v3  }
0x30a: {  	v3 =	vld [tilespmem:s22+$0x70];
	_ =	sdelay $0x3  }
0x30b: {  	s5 =	sadd.s32 $0x12800, s4  }
0x30c: {  	s23 =	sor.u32 s17, s5;
	[tilespmem:s18+$0x6470] =	vst.add.f32.msk $0xffff, v3  }
0x30d: {  	v3 =	vld [tilespmem:s23+$0x0];
	_ =	sdelay $0x4  }
0x30e: {  	[tilespmem:s18+$0x6800] =	vst.add.f32.msk $0xffff, v3  }
0x30f: {  	v3 =	vld [tilespmem:s23+$0x10];
	_ =	sdelay $0x4  }
0x310: {  	[tilespmem:s18+$0x6810] =	vst.add.f32.msk $0xffff, v3  }
0x311: {  	v3 =	vld [tilespmem:s23+$0x20];
	_ =	sdelay $0x4  }
0x312: {  	[tilespmem:s18+$0x6820] =	vst.add.f32.msk $0xffff, v3  }
0x313: {  	v3 =	vld [tilespmem:s23+$0x30];
	_ =	sdelay $0x4  }
0x314: {  	[tilespmem:s18+$0x6830] =	vst.add.f32.msk $0xffff, v3  }
0x315: {  	v3 =	vld [tilespmem:s23+$0x40];
	_ =	sdelay $0x1  }
0x316: {  	s24 =	simm.s32 $0x0  }
0x317: {  	s8 =	smul.u32 $0x3000, s24;
	_ =	sdelay $0x1  }
0x318: {  	s25 =	simm.s32 $0x100;
	s20 =	sshra.s32 s8, $0x2;
	[tilespmem:s18+$0x6840] =	vst.add.f32.msk $0xffff, v3  }
0x319: {  	s8 =	sand.u32 $0x300, s25;
	s2 =	sadd.s32 $0x12400, s20;
	v3 =	vld [tilespmem:s23+$0x50]  }
0x31a: {  	s13 =	sor.u32 s8, s2  }
0x31b: {  	s19 =	simm.s32 $0x0;
	v4 =	vld [tilespmem:s13+$0x0]  }
0x31c: {  	s19 =	smul.u32 $0x6000, s19  }
0x31d: {  	s22 =	simm.s32 $0x80  }
0x31e: {  	s19 =	sshra.s32 s19, $0x2;
	s22 =	sand.u32 $0x380, s22;
	[tilespmem:s18+$0x6850] =	vst.add.f32.msk $0xffff, v3  }
0x31f: {  	s19 =	sor.u32 s22, s19;
	v3 =	vld [tilespmem:s23+$0x60]  }
0x320: {  	[tilespmem:s19+$0x6400] =	vst.add.f32.msk $0xffff, v4  }
0x321: {  	v4 =	vld [tilespmem:s13+$0x10];
	_ =	sdelay $0x2  }
0x322: {  	[tilespmem:s18+$0x6860] =	vst.add.f32.msk $0xffff, v3  }
0x323: {  	v3 =	vld [tilespmem:s23+$0x70]  }
0x324: {  	[tilespmem:s19+$0x6410] =	vst.add.f32.msk $0xffff, v4  }
0x325: {  	v4 =	vld [tilespmem:s13+$0x20];
	_ =	sdelay $0x1  }
0x326: {  	s4 =	sadd.s32 $0x12C00, s4  }
0x327: {  	s21 =	sor.u32 s17, s4;
	[tilespmem:s18+$0x6870] =	vst.add.f32.msk $0xffff, v3  }
0x328: {  	v3 =	vld [tilespmem:s21+$0x0]  }
0x329: {  	[tilespmem:s19+$0x6420] =	vst.add.f32.msk $0xffff, v4  }
0x32a: {  	v4 =	vld [tilespmem:s13+$0x30];
	_ =	sdelay $0x2  }
0x32b: {  	[tilespmem:s18+$0x6C00] =	vst.add.f32.msk $0xffff, v3  }
0x32c: {  	v3 =	vld [tilespmem:s21+$0x10]  }
0x32d: {  	[tilespmem:s19+$0x6430] =	vst.add.f32.msk $0xffff, v4  }
0x32e: {  	v4 =	vld [tilespmem:s13+$0x40];
	_ =	sdelay $0x2  }
0x32f: {  	[tilespmem:s18+$0x6C10] =	vst.add.f32.msk $0xffff, v3  }
0x330: {  	v3 =	vld [tilespmem:s21+$0x20]  }
0x331: {  	[tilespmem:s19+$0x6440] =	vst.add.f32.msk $0xffff, v4  }
0x332: {  	v4 =	vld [tilespmem:s13+$0x50];
	_ =	sdelay $0x2  }
0x333: {  	[tilespmem:s18+$0x6C20] =	vst.add.f32.msk $0xffff, v3  }
0x334: {  	v3 =	vld [tilespmem:s21+$0x30]  }
0x335: {  	[tilespmem:s19+$0x6450] =	vst.add.f32.msk $0xffff, v4  }
0x336: {  	v4 =	vld [tilespmem:s13+$0x60];
	_ =	sdelay $0x2  }
0x337: {  	[tilespmem:s18+$0x6C30] =	vst.add.f32.msk $0xffff, v3  }
0x338: {  	v3 =	vld [tilespmem:s21+$0x40]  }
0x339: {  	[tilespmem:s19+$0x6460] =	vst.add.f32.msk $0xffff, v4  }
0x33a: {  	v4 =	vld [tilespmem:s13+$0x70];
	_ =	sdelay $0x2  }
0x33b: {  	[tilespmem:s18+$0x6C40] =	vst.add.f32.msk $0xffff, v3  }
0x33c: {  	s22 =	sadd.s32 $0x12800, s20;
	v3 =	vld [tilespmem:s21+$0x50]  }
0x33d: {  	s26 =	sor.u32 s8, s22;
	[tilespmem:s19+$0x6470] =	vst.add.f32.msk $0xffff, v4  }
0x33e: {  	v4 =	vld [tilespmem:s26+$0x0];
	_ =	sdelay $0x2  }
0x33f: {  	[tilespmem:s18+$0x6C50] =	vst.add.f32.msk $0xffff, v3  }
0x340: {  	v3 =	vld [tilespmem:s21+$0x60]  }
0x341: {  	[tilespmem:s19+$0x6800] =	vst.add.f32.msk $0xffff, v4  }
0x342: {  	v4 =	vld [tilespmem:s26+$0x10];
	_ =	sdelay $0x2  }
0x343: {  	[tilespmem:s18+$0x6C60] =	vst.add.f32.msk $0xffff, v3  }
0x344: {  	v3 =	vld [tilespmem:s21+$0x70]  }
0x345: {  	[tilespmem:s19+$0x6810] =	vst.add.f32.msk $0xffff, v4  }
0x346: {  	v4 =	vld [tilespmem:s26+$0x20];
	_ =	sdelay $0x1  }
0x347: {  	s13 =	sor.u32 $0x80, s17  }
0x348: {  	s0 =	sor.u32 s13, s0;
	[tilespmem:s18+$0x6C70] =	vst.add.f32.msk $0xffff, v3  }
0x349: {  	v3 =	vld [tilespmem:s0+$0x0]  }
0x34a: {  	[tilespmem:s19+$0x6820] =	vst.add.f32.msk $0xffff, v4  }
0x34b: {  	v4 =	vld [tilespmem:s26+$0x30];
	_ =	sdelay $0x2  }
0x34c: {  	[tilespmem:s18+$0x7000] =	vst.add.f32.msk $0xffff, v3  }
0x34d: {  	v3 =	vld [tilespmem:s0+$0x10]  }
0x34e: {  	[tilespmem:s19+$0x6830] =	vst.add.f32.msk $0xffff, v4  }
0x34f: {  	v4 =	vld [tilespmem:s26+$0x40];
	_ =	sdelay $0x2  }
0x350: {  	[tilespmem:s18+$0x7010] =	vst.add.f32.msk $0xffff, v3  }
0x351: {  	v3 =	vld [tilespmem:s0+$0x20]  }
0x352: {  	[tilespmem:s19+$0x6840] =	vst.add.f32.msk $0xffff, v4  }
0x353: {  	v4 =	vld [tilespmem:s26+$0x50];
	_ =	sdelay $0x2  }
0x354: {  	[tilespmem:s18+$0x7020] =	vst.add.f32.msk $0xffff, v3  }
0x355: {  	v3 =	vld [tilespmem:s0+$0x30]  }
0x356: {  	[tilespmem:s19+$0x6850] =	vst.add.f32.msk $0xffff, v4  }
0x357: {  	v4 =	vld [tilespmem:s26+$0x60];
	_ =	sdelay $0x2  }
0x358: {  	[tilespmem:s18+$0x7030] =	vst.add.f32.msk $0xffff, v3  }
0x359: {  	v3 =	vld [tilespmem:s0+$0x40]  }
0x35a: {  	[tilespmem:s19+$0x6860] =	vst.add.f32.msk $0xffff, v4  }
0x35b: {  	v4 =	vld [tilespmem:s26+$0x70];
	_ =	sdelay $0x2  }
0x35c: {  	[tilespmem:s18+$0x7040] =	vst.add.f32.msk $0xffff, v3  }
0x35d: {  	s21 =	sadd.s32 $0x12C00, s20;
	v3 =	vld [tilespmem:s0+$0x50]  }
0x35e: {  	[tilespmem:s19+$0x6870] =	vst.add.f32.msk $0xffff, v4;
	s23 =	sor.u32 s8, s21  }
0x35f: {  	v4 =	vld [tilespmem:s23+$0x0];
	_ =	sdelay $0x1  }
0x360: {  	s31 =	simm.s32 $0x0  }
0x361: {  	s1 =	smul.u32 $0x3000, s31;
	[tilespmem:s18+$0x7050] =	vst.add.f32.msk $0xffff, v3  }
0x362: {  	v3 =	vld [tilespmem:s0+$0x60]  }
0x363: {  	s16 =	simm.s32 $0x200;
	s26 =	sshra.s32 s1, $0x2;
	[tilespmem:s19+$0x6C00] =	vst.add.f32.msk $0xffff, v4  }
0x364: {  	s25 =	sand.u32 $0x300, s16;
	s24 =	sadd.s32 $0x12400, s26;
	v4 =	vld [tilespmem:s23+$0x10]  }
0x365: {  	s17 =	sor.u32 s25, s24  }
0x366: {  	v5 =	vld [tilespmem:s17+$0x0];
	s20 =	simm.s32 $0x0  }
0x367: {  	s1 =	smul.u32 $0x6000, s20;
	[tilespmem:s18+$0x7060] =	vst.add.f32.msk $0xffff, v3  }
0x368: {  	s28 =	simm.s32 $0x100;
	v3 =	vld [tilespmem:s0+$0x70]  }
0x369: {  	s31 =	sand.u32 $0x380, s28;
	s1 =	sshra.s32 s1, $0x2;
	[tilespmem:s19+$0x6C10] =	vst.add.f32.msk $0xffff, v4  }
0x36a: {  	s20 =	sor.u32 s31, s1;
	v4 =	vld [tilespmem:s23+$0x20]  }
0x36b: {  	[tilespmem:s20+$0x6400] =	vst.add.f32.msk $0xffff, v5  }
0x36c: {  	v5 =	vld [tilespmem:s17+$0x10]  }
0x36d: {  	s5 =	sor.u32 s13, s5;
	[tilespmem:s18+$0x7070] =	vst.add.f32.msk $0xffff, v3  }
0x36e: {  	v3 =	vld [tilespmem:s5+$0x0]  }
0x36f: {  	[tilespmem:s19+$0x6C20] =	vst.add.f32.msk $0xffff, v4  }
0x370: {  	v4 =	vld [tilespmem:s23+$0x30]  }
0x371: {  	[tilespmem:s20+$0x6410] =	vst.add.f32.msk $0xffff, v5  }
0x372: {  	v5 =	vld [tilespmem:s17+$0x20]  }
0x373: {  	[tilespmem:s18+$0x7400] =	vst.add.f32.msk $0xffff, v3  }
0x374: {  	v3 =	vld [tilespmem:s5+$0x10]  }
0x375: {  	[tilespmem:s19+$0x6C30] =	vst.add.f32.msk $0xffff, v4  }
0x376: {  	v4 =	vld [tilespmem:s23+$0x40]  }
0x377: {  	[tilespmem:s20+$0x6420] =	vst.add.f32.msk $0xffff, v5  }
0x378: {  	v5 =	vld [tilespmem:s17+$0x30]  }
0x379: {  	[tilespmem:s18+$0x7410] =	vst.add.f32.msk $0xffff, v3  }
0x37a: {  	v3 =	vld [tilespmem:s5+$0x20]  }
0x37b: {  	[tilespmem:s19+$0x6C40] =	vst.add.f32.msk $0xffff, v4  }
0x37c: {  	v4 =	vld [tilespmem:s23+$0x50]  }
0x37d: {  	[tilespmem:s20+$0x6430] =	vst.add.f32.msk $0xffff, v5  }
0x37e: {  	v5 =	vld [tilespmem:s17+$0x40]  }
0x37f: {  	[tilespmem:s18+$0x7420] =	vst.add.f32.msk $0xffff, v3  }
0x380: {  	v3 =	vld [tilespmem:s5+$0x30]  }
0x381: {  	[tilespmem:s19+$0x6C50] =	vst.add.f32.msk $0xffff, v4  }
0x382: {  	v4 =	vld [tilespmem:s23+$0x60]  }
0x383: {  	[tilespmem:s20+$0x6440] =	vst.add.f32.msk $0xffff, v5  }
0x384: {  	v5 =	vld [tilespmem:s17+$0x50]  }
0x385: {  	[tilespmem:s18+$0x7430] =	vst.add.f32.msk $0xffff, v3  }
0x386: {  	v3 =	vld [tilespmem:s5+$0x40]  }
0x387: {  	[tilespmem:s19+$0x6C60] =	vst.add.f32.msk $0xffff, v4  }
0x388: {  	v4 =	vld [tilespmem:s23+$0x70]  }
0x389: {  	[tilespmem:s20+$0x6450] =	vst.add.f32.msk $0xffff, v5  }
0x38a: {  	v5 =	vld [tilespmem:s17+$0x60]  }
0x38b: {  	[tilespmem:s18+$0x7440] =	vst.add.f32.msk $0xffff, v3  }
0x38c: {  	s23 =	sor.u32 $0x80, s8;
	v3 =	vld [tilespmem:s5+$0x50]  }
0x38d: {  	s16 =	sor.u32 s23, s2;
	[tilespmem:s19+$0x6C70] =	vst.add.f32.msk $0xffff, v4  }
0x38e: {  	v4 =	vld [tilespmem:s16+$0x0]  }
0x38f: {  	[tilespmem:s20+$0x6460] =	vst.add.f32.msk $0xffff, v5  }
0x390: {  	v5 =	vld [tilespmem:s17+$0x70]  }
0x391: {  	[tilespmem:s18+$0x7450] =	vst.add.f32.msk $0xffff, v3  }
0x392: {  	v3 =	vld [tilespmem:s5+$0x60]  }
0x393: {  	[tilespmem:s19+$0x7000] =	vst.add.f32.msk $0xffff, v4  }
0x394: {  	v4 =	vld [tilespmem:s16+$0x10];
	_ =	sdelay $0x1  }
0x395: {  	[tilespmem:s20+$0x6470] =	vst.add.f32.msk $0xffff, v5  }
0x396: {  	[tilespmem:s18+$0x7460] =	vst.add.f32.msk $0xffff, v3  }
0x397: {  	v3 =	vld [tilespmem:s5+$0x70]  }
0x398: {  	s29 =	sadd.s32 $0x12800, s26;
	[tilespmem:s19+$0x7010] =	vst.add.f32.msk $0xffff, v4  }
0x399: {  	v4 =	vld [tilespmem:s16+$0x20];
	s5 =	sor.u32 s25, s29  }
0x39a: {  	v5 =	vld [tilespmem:s5+$0x0];
	_ =	sdelay $0x1  }
0x39b: {  	s17 =	sor.u32 s13, s4;
	[tilespmem:s18+$0x7470] =	vst.add.f32.msk $0xffff, v3  }
0x39c: {  	v3 =	vld [tilespmem:s17+$0x0]  }
0x39d: {  	[tilespmem:s19+$0x7020] =	vst.add.f32.msk $0xffff, v4  }
0x39e: {  	[tilespmem:s20+$0x6800] =	vst.add.f32.msk $0xffff, v5  }
0x39f: {  	v5 =	vld [tilespmem:s5+$0x10]  }
0x3a0: {  	v4 =	vld [tilespmem:s16+$0x30]  }
0x3a1: {  	[tilespmem:s18+$0x7800] =	vst.add.f32.msk $0xffff, v3  }
0x3a2: {  	v3 =	vld [tilespmem:s17+$0x10];
	_ =	sdelay $0x1  }
0x3a3: {  	[tilespmem:s20+$0x6810] =	vst.add.f32.msk $0xffff, v5  }
0x3a4: {  	v5 =	vld [tilespmem:s5+$0x20]  }
0x3a5: {  	[tilespmem:s19+$0x7030] =	vst.add.f32.msk $0xffff, v4  }
0x3a6: {  	[tilespmem:s18+$0x7810] =	vst.add.f32.msk $0xffff, v3  }
0x3a7: {  	v3 =	vld [tilespmem:s17+$0x20]  }
0x3a8: {  	v4 =	vld [tilespmem:s16+$0x40]  }
0x3a9: {  	[tilespmem:s20+$0x6820] =	vst.add.f32.msk $0xffff, v5  }
0x3aa: {  	v5 =	vld [tilespmem:s5+$0x30];
	_ =	sdelay $0x1  }
0x3ab: {  	[tilespmem:s18+$0x7820] =	vst.add.f32.msk $0xffff, v3  }
0x3ac: {  	v3 =	vld [tilespmem:s17+$0x30]  }
0x3ad: {  	[tilespmem:s19+$0x7040] =	vst.add.f32.msk $0xffff, v4  }
0x3ae: {  	[tilespmem:s20+$0x6830] =	vst.add.f32.msk $0xffff, v5  }
0x3af: {  	v5 =	vld [tilespmem:s5+$0x40]  }
0x3b0: {  	v4 =	vld [tilespmem:s16+$0x50]  }
0x3b1: {  	[tilespmem:s18+$0x7830] =	vst.add.f32.msk $0xffff, v3  }
0x3b2: {  	v3 =	vld [tilespmem:s17+$0x40];
	_ =	sdelay $0x1  }
0x3b3: {  	[tilespmem:s20+$0x6840] =	vst.add.f32.msk $0xffff, v5  }
0x3b4: {  	v5 =	vld [tilespmem:s5+$0x50]  }
0x3b5: {  	[tilespmem:s19+$0x7050] =	vst.add.f32.msk $0xffff, v4  }
0x3b6: {  	[tilespmem:s18+$0x7840] =	vst.add.f32.msk $0xffff, v3  }
0x3b7: {  	v3 =	vld [tilespmem:s17+$0x50]  }
0x3b8: {  	v4 =	vld [tilespmem:s16+$0x60]  }
0x3b9: {  	[tilespmem:s20+$0x6850] =	vst.add.f32.msk $0xffff, v5  }
0x3ba: {  	v5 =	vld [tilespmem:s5+$0x60];
	_ =	sdelay $0x1  }
0x3bb: {  	[tilespmem:s18+$0x7850] =	vst.add.f32.msk $0xffff, v3  }
0x3bc: {  	v3 =	vld [tilespmem:s17+$0x60]  }
0x3bd: {  	s31 =	simm.s32 $0x0;
	[tilespmem:s19+$0x7060] =	vst.add.f32.msk $0xffff, v4  }
0x3be: {  	s1 =	smul.u32 $0x3000, s31;
	[tilespmem:s20+$0x6860] =	vst.add.f32.msk $0xffff, v5  }
0x3bf: {  	v5 =	vld [tilespmem:s5+$0x70]  }
0x3c0: {  	s1 =	sshra.s32 s1, $0x2;
	s2 =	simm.s32 $0x300;
	v4 =	vld [tilespmem:s16+$0x70]  }
0x3c1: {  	s13 =	sadd.s32 $0x12400, s1;
	s30 =	sand.u32 $0x300, s2;
	[tilespmem:s18+$0x7860] =	vst.add.f32.msk $0xffff, v3  }
0x3c2: {  	s4 =	simm.s32 $0x3;
	s8 =	simm.s32 $0x4;
	s5 =	sor.u32 s30, s13;
	v3 =	vld [tilespmem:s17+$0x70]  }
.LBB2_5:
0x3c3: {  	p0 =	sne.s32 s8, $0x1F;
	v6 =	vld [tilespmem:s5+$0x0];
	s31 =	sadd.s32 $0x12C00, s26;
	s26 =	smov.u32 s1  }
0x3c4: {  	s1 =	sshrl.u32 s4, $0x3;
	s4 =	smov.u32 s8;
	[tilespmem:s20+$0x6870] =	vst.add.f32.msk $0xffff, v5;
	s0 =	sor.u32 s25, s31  }
0x3c5: {  	s1 =	smul.u32 $0x6000, s1;
	v5 =	vld [tilespmem:s0+$0x0]  }
0x3c6: {  	s28 =	sadd.s32 $0x80, s28;
	[tilespmem:s19+$0x7070] =	vst.add.f32.msk $0xffff, v4  }
0x3c7: {  	s16 =	sand.u32 $0x380, s28;
	s17 =	sshra.s32 s1, $0x2;
	s1 =	sor.u32 s23, s22;
	[tilespmem:s18+$0x7870] =	vst.add.f32.msk $0xffff, v3  }
0x3c8: {  	s18 =	smov.u32 s19;
	s19 =	smov.u32 s20;
	s20 =	sor.u32 s16, s17;
	v3 =	vld [tilespmem:s1+$0x0]  }
0x3c9: {  	s22 =	smov.u32 s29;
	[tilespmem:s20+$0x6400] =	vst.add.f32.msk $0xffff, v6  }
0x3ca: {  	v4 =	vld [tilespmem:s5+$0x10]  }
0x3cb: {  	[tilespmem:s19+$0x6C00] =	vst.add.f32.msk $0xffff, v5  }
0x3cc: {  	v5 =	vld [tilespmem:s0+$0x10]  }
0x3cd: {  	[tilespmem:s18+$0x7400] =	vst.add.f32.msk $0xffff, v3  }
0x3ce: {  	v3 =	vld [tilespmem:s1+$0x10]  }
0x3cf: {  	[tilespmem:s20+$0x6410] =	vst.add.f32.msk $0xffff, v4  }
0x3d0: {  	v4 =	vld [tilespmem:s5+$0x20]  }
0x3d1: {  	[tilespmem:s19+$0x6C10] =	vst.add.f32.msk $0xffff, v5  }
0x3d2: {  	v5 =	vld [tilespmem:s0+$0x20]  }
0x3d3: {  	[tilespmem:s18+$0x7410] =	vst.add.f32.msk $0xffff, v3  }
0x3d4: {  	v3 =	vld [tilespmem:s1+$0x20]  }
0x3d5: {  	[tilespmem:s20+$0x6420] =	vst.add.f32.msk $0xffff, v4  }
0x3d6: {  	v4 =	vld [tilespmem:s5+$0x30]  }
0x3d7: {  	[tilespmem:s19+$0x6C20] =	vst.add.f32.msk $0xffff, v5  }
0x3d8: {  	v5 =	vld [tilespmem:s0+$0x30]  }
0x3d9: {  	[tilespmem:s18+$0x7420] =	vst.add.f32.msk $0xffff, v3  }
0x3da: {  	v3 =	vld [tilespmem:s1+$0x30]  }
0x3db: {  	[tilespmem:s20+$0x6430] =	vst.add.f32.msk $0xffff, v4  }
0x3dc: {  	v4 =	vld [tilespmem:s5+$0x40]  }
0x3dd: {  	[tilespmem:s19+$0x6C30] =	vst.add.f32.msk $0xffff, v5  }
0x3de: {  	v5 =	vld [tilespmem:s0+$0x40]  }
0x3df: {  	[tilespmem:s18+$0x7430] =	vst.add.f32.msk $0xffff, v3  }
0x3e0: {  	v3 =	vld [tilespmem:s1+$0x40]  }
0x3e1: {  	[tilespmem:s20+$0x6440] =	vst.add.f32.msk $0xffff, v4  }
0x3e2: {  	v4 =	vld [tilespmem:s5+$0x50]  }
0x3e3: {  	[tilespmem:s19+$0x6C40] =	vst.add.f32.msk $0xffff, v5  }
0x3e4: {  	v5 =	vld [tilespmem:s0+$0x50]  }
0x3e5: {  	[tilespmem:s18+$0x7440] =	vst.add.f32.msk $0xffff, v3  }
0x3e6: {  	v3 =	vld [tilespmem:s1+$0x50]  }
0x3e7: {  	[tilespmem:s20+$0x6450] =	vst.add.f32.msk $0xffff, v4  }
0x3e8: {  	v4 =	vld [tilespmem:s5+$0x60]  }
0x3e9: {  	[tilespmem:s19+$0x6C50] =	vst.add.f32.msk $0xffff, v5  }
0x3ea: {  	v5 =	vld [tilespmem:s0+$0x60]  }
0x3eb: {  	[tilespmem:s18+$0x7450] =	vst.add.f32.msk $0xffff, v3  }
0x3ec: {  	v3 =	vld [tilespmem:s1+$0x60]  }
0x3ed: {  	[tilespmem:s20+$0x6460] =	vst.add.f32.msk $0xffff, v4  }
0x3ee: {  	v4 =	vld [tilespmem:s5+$0x70]  }
0x3ef: {  	[tilespmem:s19+$0x6C60] =	vst.add.f32.msk $0xffff, v5  }
0x3f0: {  	v5 =	vld [tilespmem:s0+$0x70]  }
0x3f1: {  	[tilespmem:s18+$0x7460] =	vst.add.f32.msk $0xffff, v3  }
0x3f2: {  	s29 =	sadd.s32 $0x12800, s26;
	v3 =	vld [tilespmem:s1+$0x70]  }
0x3f3: {  	s5 =	sor.u32 s30, s29;
	[tilespmem:s20+$0x6470] =	vst.add.f32.msk $0xffff, v4  }
0x3f4: {  	s1 =	sor.u32 $0x80, s25;
	s25 =	smov.u32 s30;
	v4 =	vld [tilespmem:s5+$0x0]  }
0x3f5: {  	s30 =	sor.u32 s1, s24;
	s24 =	smov.u32 s13;
	[tilespmem:s19+$0x6C70] =	vst.add.f32.msk $0xffff, v5  }
0x3f6: {  	v5 =	vld [tilespmem:s30+$0x0]  }
0x3f7: {  	s0 =	sor.u32 s23, s21;
	s21 =	smov.u32 s31;
	s23 =	smov.u32 s1;
	[tilespmem:s18+$0x7470] =	vst.add.f32.msk $0xffff, v3  }
0x3f8: {  	v3 =	vld [tilespmem:s0+$0x0]  }
0x3f9: {  	[tilespmem:s20+$0x6800] =	vst.add.f32.msk $0xffff, v4  }
0x3fa: {  	v4 =	vld [tilespmem:s5+$0x10]  }
0x3fb: {  	[tilespmem:s19+$0x7000] =	vst.add.f32.msk $0xffff, v5  }
0x3fc: {  	v5 =	vld [tilespmem:s30+$0x10]  }
0x3fd: {  	[tilespmem:s18+$0x7800] =	vst.add.f32.msk $0xffff, v3  }
0x3fe: {  	v3 =	vld [tilespmem:s0+$0x10]  }
0x3ff: {  	[tilespmem:s20+$0x6810] =	vst.add.f32.msk $0xffff, v4  }
0x400: {  	v4 =	vld [tilespmem:s5+$0x20]  }
0x401: {  	[tilespmem:s19+$0x7010] =	vst.add.f32.msk $0xffff, v5  }
0x402: {  	v5 =	vld [tilespmem:s30+$0x20]  }
0x403: {  	[tilespmem:s18+$0x7810] =	vst.add.f32.msk $0xffff, v3  }
0x404: {  	v3 =	vld [tilespmem:s0+$0x20]  }
0x405: {  	[tilespmem:s20+$0x6820] =	vst.add.f32.msk $0xffff, v4  }
0x406: {  	v4 =	vld [tilespmem:s5+$0x30]  }
0x407: {  	[tilespmem:s19+$0x7020] =	vst.add.f32.msk $0xffff, v5  }
0x408: {  	v5 =	vld [tilespmem:s30+$0x30]  }
0x409: {  	[tilespmem:s18+$0x7820] =	vst.add.f32.msk $0xffff, v3  }
0x40a: {  	v3 =	vld [tilespmem:s0+$0x30]  }
0x40b: {  	[tilespmem:s20+$0x6830] =	vst.add.f32.msk $0xffff, v4  }
0x40c: {  	v4 =	vld [tilespmem:s5+$0x40]  }
0x40d: {  	[tilespmem:s19+$0x7030] =	vst.add.f32.msk $0xffff, v5  }
0x40e: {  	v5 =	vld [tilespmem:s30+$0x40]  }
0x40f: {  	[tilespmem:s18+$0x7830] =	vst.add.f32.msk $0xffff, v3  }
0x410: {  	v3 =	vld [tilespmem:s0+$0x40]  }
0x411: {  	[tilespmem:s20+$0x6840] =	vst.add.f32.msk $0xffff, v4  }
0x412: {  	v4 =	vld [tilespmem:s5+$0x50]  }
0x413: {  	[tilespmem:s19+$0x7040] =	vst.add.f32.msk $0xffff, v5  }
0x414: {  	v5 =	vld [tilespmem:s30+$0x50]  }
0x415: {  	[tilespmem:s18+$0x7840] =	vst.add.f32.msk $0xffff, v3  }
0x416: {  	v3 =	vld [tilespmem:s0+$0x50]  }
0x417: {  	[tilespmem:s20+$0x6850] =	vst.add.f32.msk $0xffff, v4  }
0x418: {  	v4 =	vld [tilespmem:s5+$0x60]  }
0x419: {  	[tilespmem:s19+$0x7050] =	vst.add.f32.msk $0xffff, v5  }
0x41a: {  	v6 =	vld [tilespmem:s30+$0x60]  }
0x41b: {  	[tilespmem:s18+$0x7850] =	vst.add.f32.msk $0xffff, v3  }
0x41c: {  	s1 =	sshrl.u32 s8, $0x2;
	v3 =	vld [tilespmem:s0+$0x60]  }
0x41d: {  	s1 =	smul.u32 $0x3000, s1;
	[tilespmem:s20+$0x6860] =	vst.add.f32.msk $0xffff, v4  }
.Ltmp1:
0x41e: {  	v5 =	vld [tilespmem:s5+$0x70];
	(pc) =	sbr.rel @p0 .LBB2_5-.Ltmp1, $4  }
0x41f: {  	[tilespmem:s19+$0x7060] =	vst.add.f32.msk $0xffff, v6  }
0x420: {  	s2 =	sadd.s32 $0x100, s2;
	s1 =	sshra.s32 s1, $0x2;
	v4 =	vld [tilespmem:s30+$0x70]  }
0x421: {  	s13 =	sadd.s32 $0x12400, s1;
	s30 =	sand.u32 $0x300, s2;
	[tilespmem:s18+$0x7860] =	vst.add.f32.msk $0xffff, v3  }
0x422: {  	s8 =	sadd.s32 $0x1, s8;
	s5 =	sor.u32 s30, s13;
	v3 =	vld [tilespmem:s0+$0x70]  }
0x423: {  	v6 =	vld [tilespmem:s5+$0x0];
	s0 =	sshrl.u32 s4, $0x3  }
0x424: {  	s0 =	smul.u32 $0x6000, s0  }
0x425: {  	s2 =	sadd.s32 $0x80, s28  }
0x426: {  	s2 =	sand.u32 $0x380, s2;
	s0 =	sshra.s32 s0, $0x2  }
0x427: {  	s2 =	sor.u32 s2, s0  }
0x428: {  	[tilespmem:s2+$0x6400] =	vst.add.f32.msk $0xffff, v6  }
0x429: {  	v6 =	vld [tilespmem:s5+$0x10];
	_ =	sdelay $0x4  }
0x42a: {  	[tilespmem:s2+$0x6410] =	vst.add.f32.msk $0xffff, v6  }
0x42b: {  	v6 =	vld [tilespmem:s5+$0x20];
	_ =	sdelay $0x4  }
0x42c: {  	[tilespmem:s2+$0x6420] =	vst.add.f32.msk $0xffff, v6  }
0x42d: {  	v6 =	vld [tilespmem:s5+$0x30];
	_ =	sdelay $0x4  }
0x42e: {  	[tilespmem:s2+$0x6430] =	vst.add.f32.msk $0xffff, v6  }
0x42f: {  	v6 =	vld [tilespmem:s5+$0x40];
	_ =	sdelay $0x4  }
0x430: {  	[tilespmem:s2+$0x6440] =	vst.add.f32.msk $0xffff, v6  }
0x431: {  	v6 =	vld [tilespmem:s5+$0x50];
	_ =	sdelay $0x4  }
0x432: {  	[tilespmem:s2+$0x6450] =	vst.add.f32.msk $0xffff, v6  }
0x433: {  	v6 =	vld [tilespmem:s5+$0x60];
	_ =	sdelay $0x4  }
0x434: {  	[tilespmem:s2+$0x6460] =	vst.add.f32.msk $0xffff, v6  }
0x435: {  	v6 =	vld [tilespmem:s5+$0x70];
	_ =	sdelay $0x3  }
0x436: {  	s31 =	sadd.s32 $0x12800, s1  }
0x437: {  	s16 =	sor.u32 s30, s31;
	[tilespmem:s2+$0x6470] =	vst.add.f32.msk $0xffff, v6  }
0x438: {  	v6 =	vld [tilespmem:s16+$0x0];
	_ =	sdelay $0x4  }
0x439: {  	[tilespmem:s2+$0x6800] =	vst.add.f32.msk $0xffff, v6  }
0x43a: {  	v6 =	vld [tilespmem:s16+$0x10];
	_ =	sdelay $0x4  }
0x43b: {  	[tilespmem:s2+$0x6810] =	vst.add.f32.msk $0xffff, v6  }
0x43c: {  	v6 =	vld [tilespmem:s16+$0x20];
	_ =	sdelay $0x4  }
0x43d: {  	[tilespmem:s2+$0x6820] =	vst.add.f32.msk $0xffff, v6  }
0x43e: {  	v6 =	vld [tilespmem:s16+$0x30];
	_ =	sdelay $0x4  }
0x43f: {  	[tilespmem:s2+$0x6830] =	vst.add.f32.msk $0xffff, v6  }
0x440: {  	v6 =	vld [tilespmem:s16+$0x40];
	_ =	sdelay $0x4  }
0x441: {  	[tilespmem:s2+$0x6840] =	vst.add.f32.msk $0xffff, v6  }
0x442: {  	v6 =	vld [tilespmem:s16+$0x50];
	_ =	sdelay $0x4  }
0x443: {  	[tilespmem:s2+$0x6850] =	vst.add.f32.msk $0xffff, v6  }
0x444: {  	v6 =	vld [tilespmem:s16+$0x60];
	_ =	sdelay $0x4  }
0x445: {  	[tilespmem:s2+$0x6860] =	vst.add.f32.msk $0xffff, v6  }
0x446: {  	v6 =	vld [tilespmem:s16+$0x70];
	_ =	sdelay $0x1  }
0x447: {  	s4 =	sadd.s32 $0x12C00, s26  }
0x448: {  	[tilespmem:s20+$0x6870] =	vst.add.f32.msk $0xffff, v5;
	s8 =	sor.u32 s25, s4  }
0x449: {  	v5 =	vld [tilespmem:s8+$0x0];
	s5 =	sadd.s32 $0x12C00, s1  }
0x44a: {  	s1 =	sor.u32 s30, s5;
	[tilespmem:s2+$0x6870] =	vst.add.f32.msk $0xffff, v6  }
0x44b: {  	v6 =	vld [tilespmem:s1+$0x0];
	_ =	sdelay $0x2  }
0x44c: {  	[tilespmem:s20+$0x6C00] =	vst.add.f32.msk $0xffff, v5  }
0x44d: {  	v5 =	vld [tilespmem:s8+$0x10]  }
0x44e: {  	[tilespmem:s2+$0x6C00] =	vst.add.f32.msk $0xffff, v6  }
0x44f: {  	v6 =	vld [tilespmem:s1+$0x10];
	_ =	sdelay $0x2  }
0x450: {  	[tilespmem:s20+$0x6C10] =	vst.add.f32.msk $0xffff, v5  }
0x451: {  	v5 =	vld [tilespmem:s8+$0x20]  }
0x452: {  	[tilespmem:s2+$0x6C10] =	vst.add.f32.msk $0xffff, v6  }
0x453: {  	v6 =	vld [tilespmem:s1+$0x20];
	_ =	sdelay $0x2  }
0x454: {  	[tilespmem:s20+$0x6C20] =	vst.add.f32.msk $0xffff, v5  }
0x455: {  	v5 =	vld [tilespmem:s8+$0x30]  }
0x456: {  	[tilespmem:s2+$0x6C20] =	vst.add.f32.msk $0xffff, v6  }
0x457: {  	v6 =	vld [tilespmem:s1+$0x30];
	_ =	sdelay $0x2  }
0x458: {  	[tilespmem:s20+$0x6C30] =	vst.add.f32.msk $0xffff, v5  }
0x459: {  	v5 =	vld [tilespmem:s8+$0x40]  }
0x45a: {  	[tilespmem:s2+$0x6C30] =	vst.add.f32.msk $0xffff, v6  }
0x45b: {  	v6 =	vld [tilespmem:s1+$0x40];
	_ =	sdelay $0x2  }
0x45c: {  	[tilespmem:s20+$0x6C40] =	vst.add.f32.msk $0xffff, v5  }
0x45d: {  	v5 =	vld [tilespmem:s8+$0x50]  }
0x45e: {  	[tilespmem:s2+$0x6C40] =	vst.add.f32.msk $0xffff, v6  }
0x45f: {  	v6 =	vld [tilespmem:s1+$0x50];
	_ =	sdelay $0x2  }
0x460: {  	[tilespmem:s20+$0x6C50] =	vst.add.f32.msk $0xffff, v5  }
0x461: {  	v5 =	vld [tilespmem:s8+$0x60]  }
0x462: {  	[tilespmem:s2+$0x6C50] =	vst.add.f32.msk $0xffff, v6  }
0x463: {  	v6 =	vld [tilespmem:s1+$0x60];
	_ =	sdelay $0x2  }
0x464: {  	[tilespmem:s20+$0x6C60] =	vst.add.f32.msk $0xffff, v5  }
0x465: {  	v5 =	vld [tilespmem:s8+$0x70]  }
0x466: {  	[tilespmem:s2+$0x6C60] =	vst.add.f32.msk $0xffff, v6  }
0x467: {  	v6 =	vld [tilespmem:s1+$0x70];
	_ =	sdelay $0x1  }
0x468: {  	s17 =	sor.u32 $0x80, s25  }
0x469: {  	[tilespmem:s20+$0x6C70] =	vst.add.f32.msk $0xffff, v5;
	s16 =	sor.u32 s17, s24  }
0x46a: {  	s24 =	sor.u32 $0x80, s30;
	v5 =	vld [tilespmem:s16+$0x0]  }
0x46b: {  	s13 =	sor.u32 s24, s13;
	[tilespmem:s2+$0x6C70] =	vst.add.f32.msk $0xffff, v6  }
0x46c: {  	v6 =	vld [tilespmem:s13+$0x0];
	_ =	sdelay $0x2  }
0x46d: {  	[tilespmem:s20+$0x7000] =	vst.add.f32.msk $0xffff, v5  }
0x46e: {  	v5 =	vld [tilespmem:s16+$0x10]  }
0x46f: {  	[tilespmem:s2+$0x7000] =	vst.add.f32.msk $0xffff, v6  }
0x470: {  	v6 =	vld [tilespmem:s13+$0x10];
	_ =	sdelay $0x2  }
0x471: {  	[tilespmem:s20+$0x7010] =	vst.add.f32.msk $0xffff, v5  }
0x472: {  	v5 =	vld [tilespmem:s16+$0x20]  }
0x473: {  	[tilespmem:s2+$0x7010] =	vst.add.f32.msk $0xffff, v6  }
0x474: {  	v6 =	vld [tilespmem:s13+$0x20];
	_ =	sdelay $0x2  }
0x475: {  	[tilespmem:s20+$0x7020] =	vst.add.f32.msk $0xffff, v5  }
0x476: {  	v5 =	vld [tilespmem:s16+$0x30]  }
0x477: {  	[tilespmem:s2+$0x7020] =	vst.add.f32.msk $0xffff, v6  }
0x478: {  	v6 =	vld [tilespmem:s13+$0x30];
	_ =	sdelay $0x2  }
0x479: {  	[tilespmem:s20+$0x7030] =	vst.add.f32.msk $0xffff, v5  }
0x47a: {  	v5 =	vld [tilespmem:s16+$0x40]  }
0x47b: {  	[tilespmem:s2+$0x7030] =	vst.add.f32.msk $0xffff, v6  }
0x47c: {  	v6 =	vld [tilespmem:s13+$0x40];
	_ =	sdelay $0x2  }
0x47d: {  	[tilespmem:s20+$0x7040] =	vst.add.f32.msk $0xffff, v5  }
0x47e: {  	v5 =	vld [tilespmem:s16+$0x50]  }
0x47f: {  	[tilespmem:s2+$0x7040] =	vst.add.f32.msk $0xffff, v6  }
0x480: {  	v6 =	vld [tilespmem:s13+$0x50];
	_ =	sdelay $0x2  }
0x481: {  	[tilespmem:s20+$0x7050] =	vst.add.f32.msk $0xffff, v5  }
0x482: {  	v5 =	vld [tilespmem:s16+$0x60]  }
0x483: {  	[tilespmem:s2+$0x7050] =	vst.add.f32.msk $0xffff, v6  }
0x484: {  	v6 =	vld [tilespmem:s13+$0x60];
	_ =	sdelay $0x2  }
0x485: {  	[tilespmem:s20+$0x7060] =	vst.add.f32.msk $0xffff, v5  }
0x486: {  	v5 =	vld [tilespmem:s16+$0x70]  }
0x487: {  	[tilespmem:s2+$0x7060] =	vst.add.f32.msk $0xffff, v6  }
0x488: {  	v6 =	vld [tilespmem:s13+$0x70]  }
0x489: {  	s25 =	sor.u32 s23, s22;
	[tilespmem:s19+$0x7070] =	vst.add.f32.msk $0xffff, v4  }
0x48a: {  	v4 =	vld [tilespmem:s25+$0x0]  }
0x48b: {  	s26 =	sor.u32 s17, s29;
	[tilespmem:s20+$0x7070] =	vst.add.f32.msk $0xffff, v5  }
0x48c: {  	v5 =	vld [tilespmem:s26+$0x0]  }
0x48d: {  	s0 =	sor.u32 s24, s31;
	[tilespmem:s2+$0x7070] =	vst.add.f32.msk $0xffff, v6  }
0x48e: {  	v6 =	vld [tilespmem:s0+$0x0]  }
0x48f: {  	[tilespmem:s19+$0x7400] =	vst.add.f32.msk $0xffff, v4  }
0x490: {  	v4 =	vld [tilespmem:s25+$0x10]  }
0x491: {  	[tilespmem:s20+$0x7400] =	vst.add.f32.msk $0xffff, v5  }
0x492: {  	v5 =	vld [tilespmem:s26+$0x10]  }
0x493: {  	[tilespmem:s2+$0x7400] =	vst.add.f32.msk $0xffff, v6  }
0x494: {  	v6 =	vld [tilespmem:s0+$0x10]  }
0x495: {  	[tilespmem:s19+$0x7410] =	vst.add.f32.msk $0xffff, v4  }
0x496: {  	v4 =	vld [tilespmem:s25+$0x20]  }
0x497: {  	[tilespmem:s20+$0x7410] =	vst.add.f32.msk $0xffff, v5  }
0x498: {  	v5 =	vld [tilespmem:s26+$0x20]  }
0x499: {  	[tilespmem:s2+$0x7410] =	vst.add.f32.msk $0xffff, v6  }
0x49a: {  	v6 =	vld [tilespmem:s0+$0x20]  }
0x49b: {  	[tilespmem:s19+$0x7420] =	vst.add.f32.msk $0xffff, v4  }
0x49c: {  	v4 =	vld [tilespmem:s25+$0x30]  }
0x49d: {  	[tilespmem:s20+$0x7420] =	vst.add.f32.msk $0xffff, v5  }
0x49e: {  	v5 =	vld [tilespmem:s26+$0x30]  }
0x49f: {  	[tilespmem:s2+$0x7420] =	vst.add.f32.msk $0xffff, v6  }
0x4a0: {  	v6 =	vld [tilespmem:s0+$0x30]  }
0x4a1: {  	[tilespmem:s19+$0x7430] =	vst.add.f32.msk $0xffff, v4  }
0x4a2: {  	v4 =	vld [tilespmem:s25+$0x40]  }
0x4a3: {  	[tilespmem:s20+$0x7430] =	vst.add.f32.msk $0xffff, v5  }
0x4a4: {  	v5 =	vld [tilespmem:s26+$0x40]  }
0x4a5: {  	[tilespmem:s2+$0x7430] =	vst.add.f32.msk $0xffff, v6  }
0x4a6: {  	v6 =	vld [tilespmem:s0+$0x40]  }
0x4a7: {  	[tilespmem:s19+$0x7440] =	vst.add.f32.msk $0xffff, v4  }
0x4a8: {  	v4 =	vld [tilespmem:s25+$0x50]  }
0x4a9: {  	[tilespmem:s20+$0x7440] =	vst.add.f32.msk $0xffff, v5  }
0x4aa: {  	v5 =	vld [tilespmem:s26+$0x50]  }
0x4ab: {  	[tilespmem:s2+$0x7440] =	vst.add.f32.msk $0xffff, v6  }
0x4ac: {  	v6 =	vld [tilespmem:s0+$0x50]  }
0x4ad: {  	[tilespmem:s19+$0x7450] =	vst.add.f32.msk $0xffff, v4  }
0x4ae: {  	v4 =	vld [tilespmem:s25+$0x60]  }
0x4af: {  	[tilespmem:s20+$0x7450] =	vst.add.f32.msk $0xffff, v5  }
0x4b0: {  	v5 =	vld [tilespmem:s26+$0x60]  }
0x4b1: {  	[tilespmem:s2+$0x7450] =	vst.add.f32.msk $0xffff, v6  }
0x4b2: {  	v6 =	vld [tilespmem:s0+$0x60]  }
0x4b3: {  	[tilespmem:s19+$0x7460] =	vst.add.f32.msk $0xffff, v4  }
0x4b4: {  	v4 =	vld [tilespmem:s25+$0x70]  }
0x4b5: {  	[tilespmem:s20+$0x7460] =	vst.add.f32.msk $0xffff, v5  }
0x4b6: {  	v5 =	vld [tilespmem:s26+$0x70]  }
0x4b7: {  	[tilespmem:s2+$0x7460] =	vst.add.f32.msk $0xffff, v6  }
0x4b8: {  	v6 =	vld [tilespmem:s0+$0x70]  }
0x4b9: {  	[tilespmem:s19+$0x7470] =	vst.add.f32.msk $0xffff, v4;
	s31 =	sor.u32 s23, s21  }
0x4ba: {  	v4 =	vld [tilespmem:s31+$0x0]  }
0x4bb: {  	s1 =	sor.u32 s17, s4;
	[tilespmem:s20+$0x7470] =	vst.add.f32.msk $0xffff, v5  }
0x4bc: {  	v5 =	vld [tilespmem:s1+$0x0]  }
0x4bd: {  	s5 =	sor.u32 s24, s5;
	[tilespmem:s2+$0x7470] =	vst.add.f32.msk $0xffff, v6  }
0x4be: {  	v6 =	vld [tilespmem:s5+$0x0]  }
0x4bf: {  	[tilespmem:s19+$0x7800] =	vst.add.f32.msk $0xffff, v4  }
0x4c0: {  	v4 =	vld [tilespmem:s31+$0x10]  }
0x4c1: {  	[tilespmem:s20+$0x7800] =	vst.add.f32.msk $0xffff, v5  }
0x4c2: {  	v5 =	vld [tilespmem:s1+$0x10]  }
0x4c3: {  	[tilespmem:s2+$0x7800] =	vst.add.f32.msk $0xffff, v6  }
0x4c4: {  	v6 =	vld [tilespmem:s5+$0x10]  }
0x4c5: {  	[tilespmem:s19+$0x7810] =	vst.add.f32.msk $0xffff, v4  }
0x4c6: {  	v4 =	vld [tilespmem:s31+$0x20]  }
0x4c7: {  	[tilespmem:s20+$0x7810] =	vst.add.f32.msk $0xffff, v5  }
0x4c8: {  	v5 =	vld [tilespmem:s1+$0x20]  }
0x4c9: {  	[tilespmem:s2+$0x7810] =	vst.add.f32.msk $0xffff, v6  }
0x4ca: {  	v6 =	vld [tilespmem:s5+$0x20]  }
0x4cb: {  	[tilespmem:s19+$0x7820] =	vst.add.f32.msk $0xffff, v4  }
0x4cc: {  	v4 =	vld [tilespmem:s31+$0x30]  }
0x4cd: {  	[tilespmem:s20+$0x7820] =	vst.add.f32.msk $0xffff, v5  }
0x4ce: {  	v5 =	vld [tilespmem:s1+$0x30]  }
0x4cf: {  	[tilespmem:s2+$0x7820] =	vst.add.f32.msk $0xffff, v6  }
0x4d0: {  	v6 =	vld [tilespmem:s5+$0x30]  }
0x4d1: {  	[tilespmem:s19+$0x7830] =	vst.add.f32.msk $0xffff, v4  }
0x4d2: {  	v4 =	vld [tilespmem:s31+$0x40]  }
0x4d3: {  	[tilespmem:s20+$0x7830] =	vst.add.f32.msk $0xffff, v5  }
0x4d4: {  	v5 =	vld [tilespmem:s1+$0x40]  }
0x4d5: {  	[tilespmem:s2+$0x7830] =	vst.add.f32.msk $0xffff, v6  }
0x4d6: {  	v6 =	vld [tilespmem:s5+$0x40]  }
0x4d7: {  	[tilespmem:s19+$0x7840] =	vst.add.f32.msk $0xffff, v4  }
0x4d8: {  	v4 =	vld [tilespmem:s31+$0x50]  }
0x4d9: {  	[tilespmem:s20+$0x7840] =	vst.add.f32.msk $0xffff, v5  }
0x4da: {  	v5 =	vld [tilespmem:s1+$0x50]  }
0x4db: {  	[tilespmem:s2+$0x7840] =	vst.add.f32.msk $0xffff, v6  }
0x4dc: {  	v6 =	vld [tilespmem:s5+$0x50]  }
0x4dd: {  	[tilespmem:s19+$0x7850] =	vst.add.f32.msk $0xffff, v4  }
0x4de: {  	v4 =	vld [tilespmem:s31+$0x60]  }
0x4df: {  	[tilespmem:s20+$0x7850] =	vst.add.f32.msk $0xffff, v5  }
0x4e0: {  	v5 =	vld [tilespmem:s1+$0x60]  }
0x4e1: {  	[tilespmem:s2+$0x7850] =	vst.add.f32.msk $0xffff, v6  }
0x4e2: {  	v6 =	vld [tilespmem:s5+$0x60];
	_ =	sdelay $0x2  }
0x4e3: {  	[tilespmem:s19+$0x7860] =	vst.add.f32.msk $0xffff, v4  }
0x4e4: {  	[tilespmem:s20+$0x7860] =	vst.add.f32.msk $0xffff, v5  }
0x4e5: {  	[tilespmem:s2+$0x7860] =	vst.add.f32.msk $0xffff, v6  }
0x4e6: {  	s8 =	sshll.u32 s15, $0x6;
	v4 =	vld [tilespmem:s31+$0x70];
	s13 =	rddreg [dreg:$0x9]  }
0x4e7: {  	v5 =	vld [tilespmem:s1+$0x70];
	s0 =	sadd.s32 s13, s8  }
0x4e8: {  	v6 =	vld [tilespmem:s5+$0x70];
	s0 =	sshrl.u32 s0, $0x3  }
0x4e9: {  	s0 =	smul.u32 $0x1800, s0  }
0x4ea: {  	[tilespmem:s18+$0x7870] =	vst.add.f32.msk $0xffff, v3  }
0x4eb: {  	[tilespmem:s19+$0x7870] =	vst.add.f32.msk $0xffff, v4;
	s0 =	sadd.s32 s6, s0  }
0x4ec: {  	s16 =	rddreg [dreg:$0x3];
	[tilespmem:s20+$0x7870] =	vst.add.f32.msk $0xffff, v5;
	s0 =	sshrl.u32 s0, $0x3  }
0x4ed: {  	s5 =	simm.s32 $0x6400;
	[tilespmem:s2+$0x7870] =	vst.add.f32.msk $0xffff, v6;
	s1 =	sadd.s32 s16, s0;
	s0 =	simm.s32 $0x0  }
0x4ee: {  	[hbm4b:s1+s0] =	stream.linear.scatter [tilespmem:s5], [sflag:$0x6], $0x6000, $0x38;
	[tilespmem:$0x18400] =	vst v63  }
0x4ef: {  	s1 =	sadd.s32 $0x3, s11;
	_ =	swait.ge [sflag:s12], $0x6000  }
0x4f0: {  	s17 =	sshll.u32 s1, $0x6;
	[sflag:s12] =	ssyncset.done $0x0  }
0x4f1: {  	s2 =	sand.u32 $0x3FFFFFC0, s17;
	[sflag:s12] =	ssyncadd.s32 $0xFFFFA000  }
0x4f2: {  	v3 =	vld [tilespmem:s2+$0x0];
	_ =	sdelay $0x4  }
0x4f3: {  	v4 =	vshrl.u32 v3, $0x3  }
0x4f4: {  	v4 =	vmul.u32 $0x18, v4  }
0x4f5: {  	v3 =	vand.u32 $0x7, v3  }
0x4f6: {  	v3 =	vor.u32 v3, v4  }
0x4f7: {  	v4 =	vperm.xlane v3, v0;
	_ =	sdelay $0x1  }
0x4f8: {  	v4 =	vadd.s32 v1, v4;
	_ =	sdelay $0x1  }
0x4f9: {  	v3 =	vperm.xlane v3, v2;
	_ =	sdelay $0x1  }
0x4fa: {  	s18 =	simm.s32 $0x12400;
	v3 =	vadd.s32 v1, v3  }
0x4fb: {  	[tilespmem:s18], [sflag:$0x2] =	stream.indirect_vreg.gather [hbm4b:s3+s0], $0x80, v4, vm0, $0xb8;
	[tilespmem:$0x18400] =	vst v63  }
0x4fc: {  	s19 =	simm.s32 $0x12C00  }
0x4fd: {  	[tilespmem:s19], [sflag:$0x2] =	stream.indirect_vreg.gather [hbm4b:s9+s0], $0x80, v4, vm1, $0xb8;
	[tilespmem:$0x18400] =	vst v63  }
0x4fe: {  	s20 =	simm.s32 $0x13000  }
0x4ff: {  	[tilespmem:s20], [sflag:$0x2] =	stream.indirect_vreg.gather [hbm4b:s3+s0], $0x80, v3, vm0, $0xb8;
	[tilespmem:$0x18400] =	vst v63  }
0x500: {  	s21 =	simm.s32 $0x13800  }
0x501: {  	[tilespmem:s21], [sflag:$0x2] =	stream.indirect_vreg.gather [hbm4b:s9+s0], $0x80, v3, vm1, $0xb8;
	[tilespmem:$0x18400] =	vst v63  }
0x502: {  	v3 =	vld [tilespmem:s2+$0x10];
	_ =	sdelay $0x4  }
0x503: {  	v4 =	vshrl.u32 v3, $0x3  }
0x504: {  	v4 =	vmul.u32 $0x18, v4  }
0x505: {  	v3 =	vand.u32 $0x7, v3  }
0x506: {  	v3 =	vor.u32 v3, v4  }
0x507: {  	v4 =	vperm.xlane v3, v0;
	_ =	sdelay $0x1  }
0x508: {  	v4 =	vadd.s32 v1, v4;
	_ =	sdelay $0x1  }
0x509: {  	v3 =	vperm.xlane v3, v2;
	_ =	sdelay $0x1  }
0x50a: {  	s22 =	simm.s32 $0x13C00;
	v3 =	vadd.s32 v1, v3  }
0x50b: {  	[tilespmem:s22], [sflag:$0x2] =	stream.indirect_vreg.gather [hbm4b:s3+s0], $0x80, v4, vm0, $0xb8;
	[tilespmem:$0x18400] =	vst v63  }
0x50c: {  	s23 =	simm.s32 $0x14400  }
0x50d: {  	[tilespmem:s23], [sflag:$0x2] =	stream.indirect_vreg.gather [hbm4b:s9+s0], $0x80, v4, vm1, $0xb8;
	[tilespmem:$0x18400] =	vst v63  }
0x50e: {  	s24 =	simm.s32 $0x14800  }
0x50f: {  	[tilespmem:s24], [sflag:$0x2] =	stream.indirect_vreg.gather [hbm4b:s3+s0], $0x80, v3, vm0, $0xb8;
	[tilespmem:$0x18400] =	vst v63  }
0x510: {  	s25 =	simm.s32 $0x15000  }
0x511: {  	[tilespmem:s25], [sflag:$0x2] =	stream.indirect_vreg.gather [hbm4b:s9+s0], $0x80, v3, vm1, $0xb8;
	[tilespmem:$0x18400] =	vst v63  }
0x512: {  	v3 =	vld [tilespmem:s2+$0x20];
	_ =	sdelay $0x4  }
0x513: {  	v4 =	vshrl.u32 v3, $0x3  }
0x514: {  	v4 =	vmul.u32 $0x18, v4  }
0x515: {  	v3 =	vand.u32 $0x7, v3  }
0x516: {  	v3 =	vor.u32 v3, v4  }
0x517: {  	v4 =	vperm.xlane v3, v0;
	_ =	sdelay $0x1  }
0x518: {  	v4 =	vadd.s32 v1, v4;
	_ =	sdelay $0x1  }
0x519: {  	v3 =	vperm.xlane v3, v2;
	_ =	sdelay $0x1  }
0x51a: {  	s26 =	simm.s32 $0x15400;
	v3 =	vadd.s32 v1, v3  }
0x51b: {  	[tilespmem:s26], [sflag:$0x2] =	stream.indirect_vreg.gather [hbm4b:s3+s0], $0x80, v4, vm0, $0xb8;
	[tilespmem:$0x18400] =	vst v63  }
0x51c: {  	s31 =	simm.s32 $0x15C00  }
0x51d: {  	[tilespmem:s31], [sflag:$0x2] =	stream.indirect_vreg.gather [hbm4b:s9+s0], $0x80, v4, vm1, $0xb8;
	[tilespmem:$0x18400] =	vst v63  }
0x51e: {  	s8 =	simm.s32 $0x16000  }
0x51f: {  	[tilespmem:s8], [sflag:$0x2] =	stream.indirect_vreg.gather [hbm4b:s3+s0], $0x80, v3, vm0, $0xb8;
	[tilespmem:$0x18400] =	vst v63  }
0x520: {  	s11 =	simm.s32 $0x16800  }
0x521: {  	[tilespmem:s11], [sflag:$0x2] =	stream.indirect_vreg.gather [hbm4b:s9+s0], $0x80, v3, vm1, $0xb8;
	[tilespmem:$0x18400] =	vst v63  }
0x522: {  	v3 =	vld [tilespmem:s2+$0x30];
	_ =	sdelay $0x4  }
0x523: {  	v4 =	vshrl.u32 v3, $0x3  }
0x524: {  	v4 =	vmul.u32 $0x18, v4  }
0x525: {  	v3 =	vand.u32 $0x7, v3  }
0x526: {  	v3 =	vor.u32 v3, v4  }
0x527: {  	v4 =	vperm.xlane v3, v0;
	_ =	sdelay $0x1  }
0x528: {  	v4 =	vadd.s32 v1, v4;
	_ =	sdelay $0x1  }
0x529: {  	s1 =	sshll.u32 s1, $0x5;
	v3 =	vperm.xlane v3, v2  }
0x52a: {  	s1 =	sadd.s32 s7, s1  }
0x52b: {  	s13 =	simm.s32 $0x16C00;
	s1 =	sshrl.u32 s1, $0x3;
	v3 =	vadd.s32 v1, v3  }
0x52c: {  	[tilespmem:s13], [sflag:$0x2] =	stream.indirect_vreg.gather [hbm4b:s3+s0], $0x80, v4, vm0, $0xb8;
	[tilespmem:$0x18400] =	vst v63  }
0x52d: {  	s16 =	simm.s32 $0x17400;
	s1 =	smul.u32 $0x1800, s1  }
0x52e: {  	[tilespmem:s16], [sflag:$0x2] =	stream.indirect_vreg.gather [hbm4b:s9+s0], $0x80, v4, vm1, $0xb8;
	[tilespmem:$0x18400] =	vst v63  }
0x52f: {  	s17 =	simm.s32 $0x17800;
	s1 =	sadd.s32 s6, s1  }
0x530: {  	[tilespmem:s17], [sflag:$0x2] =	stream.indirect_vreg.gather [hbm4b:s3+s0], $0x80, v3, vm0, $0xb8;
	[tilespmem:$0x18400] =	vst v63  }
0x531: {  	s1 =	sshrl.u32 s1, $0x3;
	s18 =	simm.s32 $0x18000;
	s19 =	rddreg [dreg:$0x0]  }
0x532: {  	[tilespmem:s18], [sflag:$0x2] =	stream.indirect_vreg.gather [hbm4b:s9+s0], $0x80, v3, vm1, $0xb8;
	[tilespmem:$0x18400] =	vst v63  }
0x533: {  	s1 =	sadd.s32 s19, s1;
	s20 =	simm.s32 $0x1  }
0x534: {  	[tilespmem:s5], [sflag:$0x4] =	stream.linear.gather [hbm4b:s1+s0], $0x6000, $0x38;
	[tilespmem:$0x18400] =	vst v63  }
0x535: {  	s21 =	simm.s32 $0x0;
	_ =	swait.ge [sflag:s20], $0x6000  }
0x536: {  	s1 =	smul.u32 $0x3000, s21;
	[sflag:s20] =	ssyncset.done $0x0  }
0x537: {  	s22 =	simm.s32 $0x3;
	[sflag:s20] =	ssyncadd.s32 $0xFFFFA000  }
0x538: {  	s1 =	sshra.s32 s1, $0x2;
	_ =	swait.ge [sflag:s22], $0x6000  }
0x539: {  	s13 =	sand.u32 $0x300, s0;
	s19 =	sadd.s32 $0xC400, s1;
	[sflag:s22] =	ssyncset.done $0x0  }
0x53a: {  	s24 =	simm.s32 $0x0;
	s23 =	sor.u32 s13, s19;
	[sflag:s22] =	ssyncadd.s32 $0xFFFFA000  }
0x53b: {  	s4 =	smul.u32 $0x6000, s24;
	v3 =	vld [tilespmem:s23+$0x0];
	_ =	sdelay $0x1  }
0x53c: {  	s4 =	sshra.s32 s4, $0x2;
	s0 =	sand.u32 $0x380, s0  }
0x53d: {  	s11 =	sor.u32 s0, s4  }
0x53e: {  	s0 =	sor.u32 $0x400, s11  }
0x53f: {  	[tilespmem:s0+$0x0] =	vst.add.f32.msk $0xffff, v3  }
0x540: {  	v3 =	vld [tilespmem:s23+$0x10];
	_ =	sdelay $0x3  }
0x541: {  	s25 =	sor.u32 $0x410, s11  }
0x542: {  	[tilespmem:s25+$0x0] =	vst.add.f32.msk $0xffff, v3  }
0x543: {  	v3 =	vld [tilespmem:s23+$0x20];
	_ =	sdelay $0x3  }
0x544: {  	s26 =	sor.u32 $0x420, s11  }
0x545: {  	[tilespmem:s26+$0x0] =	vst.add.f32.msk $0xffff, v3  }
0x546: {  	v3 =	vld [tilespmem:s23+$0x30];
	_ =	sdelay $0x3  }
0x547: {  	s31 =	sor.u32 $0x430, s11  }
0x548: {  	[tilespmem:s31+$0x0] =	vst.add.f32.msk $0xffff, v3  }
0x549: {  	v3 =	vld [tilespmem:s23+$0x40];
	_ =	sdelay $0x3  }
0x54a: {  	s4 =	sor.u32 $0x440, s11  }
0x54b: {  	[tilespmem:s4+$0x0] =	vst.add.f32.msk $0xffff, v3  }
0x54c: {  	v3 =	vld [tilespmem:s23+$0x50];
	_ =	sdelay $0x3  }
0x54d: {  	s5 =	sor.u32 $0x450, s11  }
0x54e: {  	[tilespmem:s5+$0x0] =	vst.add.f32.msk $0xffff, v3  }
0x54f: {  	v3 =	vld [tilespmem:s23+$0x60];
	_ =	sdelay $0x3  }
0x550: {  	s8 =	sor.u32 $0x460, s11  }
0x551: {  	[tilespmem:s8+$0x0] =	vst.add.f32.msk $0xffff, v3  }
0x552: {  	v3 =	vld [tilespmem:s23+$0x70];
	_ =	sdelay $0x3  }
0x553: {  	s16 =	sor.u32 $0x470, s11;
	s5 =	sadd.s32 $0xC800, s1  }
0x554: {  	s17 =	sor.u32 s13, s5;
	[tilespmem:s16+$0x0] =	vst.add.f32.msk $0xffff, v3  }
0x555: {  	v3 =	vld [tilespmem:s17+$0x0];
	_ =	sdelay $0x4  }
0x556: {  	[tilespmem:s11+$0x800] =	vst.add.f32.msk $0xffff, v3  }
0x557: {  	v3 =	vld [tilespmem:s17+$0x10];
	_ =	sdelay $0x4  }
0x558: {  	[tilespmem:s11+$0x810] =	vst.add.f32.msk $0xffff, v3  }
0x559: {  	v3 =	vld [tilespmem:s17+$0x20];
	_ =	sdelay $0x4  }
0x55a: {  	[tilespmem:s11+$0x820] =	vst.add.f32.msk $0xffff, v3  }
0x55b: {  	v3 =	vld [tilespmem:s17+$0x30];
	_ =	sdelay $0x4  }
0x55c: {  	[tilespmem:s11+$0x830] =	vst.add.f32.msk $0xffff, v3  }
0x55d: {  	v3 =	vld [tilespmem:s17+$0x40];
	_ =	sdelay $0x4  }
0x55e: {  	[tilespmem:s11+$0x840] =	vst.add.f32.msk $0xffff, v3  }
0x55f: {  	v3 =	vld [tilespmem:s17+$0x50];
	_ =	sdelay $0x4  }
0x560: {  	[tilespmem:s11+$0x850] =	vst.add.f32.msk $0xffff, v3  }
0x561: {  	v3 =	vld [tilespmem:s17+$0x60];
	_ =	sdelay $0x1  }
0x562: {  	s18 =	simm.s32 $0x0  }
0x563: {  	s2 =	smul.u32 $0x3000, s18;
	_ =	sdelay $0x1  }
0x564: {  	s20 =	simm.s32 $0x100;
	s0 =	sshra.s32 s2, $0x2;
	[tilespmem:s11+$0x860] =	vst.add.f32.msk $0xffff, v3  }
0x565: {  	s2 =	sadd.s32 $0xC400, s0;
	s4 =	sand.u32 $0x300, s20;
	v3 =	vld [tilespmem:s17+$0x70]  }
0x566: {  	s16 =	sor.u32 s4, s2;
	s17 =	simm.s32 $0x0  }
0x567: {  	v4 =	vld [tilespmem:s16+$0x0];
	s21 =	smul.u32 $0x6000, s17  }
0x568: {  	s23 =	simm.s32 $0x80  }
0x569: {  	s8 =	sadd.s32 $0xCC00, s1;
	s18 =	sand.u32 $0x380, s23;
	s1 =	sshra.s32 s21, $0x2  }
0x56a: {  	s22 =	sor.u32 s13, s8;
	s18 =	sor.u32 s18, s1;
	[tilespmem:s11+$0x870] =	vst.add.f32.msk $0xffff, v3  }
0x56b: {  	s1 =	sor.u32 $0x400, s18;
	v3 =	vld [tilespmem:s22+$0x0]  }
0x56c: {  	[tilespmem:s1+$0x0] =	vst.add.f32.msk $0xffff, v4  }
0x56d: {  	v4 =	vld [tilespmem:s16+$0x10];
	_ =	sdelay $0x2  }
0x56e: {  	[tilespmem:s11+$0xC00] =	vst.add.f32.msk $0xffff, v3  }
0x56f: {  	s24 =	sor.u32 $0x410, s18;
	v3 =	vld [tilespmem:s22+$0x10]  }
0x570: {  	[tilespmem:s24+$0x0] =	vst.add.f32.msk $0xffff, v4  }
0x571: {  	v4 =	vld [tilespmem:s16+$0x20];
	_ =	sdelay $0x2  }
0x572: {  	[tilespmem:s11+$0xC10] =	vst.add.f32.msk $0xffff, v3  }
0x573: {  	s25 =	sor.u32 $0x420, s18;
	v3 =	vld [tilespmem:s22+$0x20]  }
0x574: {  	[tilespmem:s25+$0x0] =	vst.add.f32.msk $0xffff, v4  }
0x575: {  	v4 =	vld [tilespmem:s16+$0x30];
	_ =	sdelay $0x2  }
0x576: {  	[tilespmem:s11+$0xC20] =	vst.add.f32.msk $0xffff, v3  }
0x577: {  	s26 =	sor.u32 $0x430, s18;
	v3 =	vld [tilespmem:s22+$0x30]  }
0x578: {  	[tilespmem:s26+$0x0] =	vst.add.f32.msk $0xffff, v4  }
0x579: {  	v4 =	vld [tilespmem:s16+$0x40];
	_ =	sdelay $0x2  }
0x57a: {  	[tilespmem:s11+$0xC30] =	vst.add.f32.msk $0xffff, v3  }
0x57b: {  	s31 =	sor.u32 $0x440, s18;
	v3 =	vld [tilespmem:s22+$0x40]  }
0x57c: {  	[tilespmem:s31+$0x0] =	vst.add.f32.msk $0xffff, v4  }
0x57d: {  	v4 =	vld [tilespmem:s16+$0x50];
	_ =	sdelay $0x2  }
0x57e: {  	[tilespmem:s11+$0xC40] =	vst.add.f32.msk $0xffff, v3  }
0x57f: {  	s20 =	sor.u32 $0x450, s18;
	v3 =	vld [tilespmem:s22+$0x50]  }
0x580: {  	[tilespmem:s20+$0x0] =	vst.add.f32.msk $0xffff, v4  }
0x581: {  	v4 =	vld [tilespmem:s16+$0x60];
	_ =	sdelay $0x2  }
0x582: {  	[tilespmem:s11+$0xC50] =	vst.add.f32.msk $0xffff, v3  }
0x583: {  	s21 =	sor.u32 $0x460, s18;
	v3 =	vld [tilespmem:s22+$0x60]  }
0x584: {  	[tilespmem:s21+$0x0] =	vst.add.f32.msk $0xffff, v4  }
0x585: {  	v4 =	vld [tilespmem:s16+$0x70];
	_ =	sdelay $0x2  }
0x586: {  	[tilespmem:s11+$0xC60] =	vst.add.f32.msk $0xffff, v3  }
0x587: {  	s21 =	sadd.s32 $0xC800, s0;
	v3 =	vld [tilespmem:s22+$0x70];
	s22 =	sor.u32 $0x470, s18  }
0x588: {  	s23 =	sor.u32 s4, s21;
	[tilespmem:s22+$0x0] =	vst.add.f32.msk $0xffff, v4  }
0x589: {  	v4 =	vld [tilespmem:s23+$0x0];
	_ =	sdelay $0x1  }
0x58a: {  	s13 =	sor.u32 $0x80, s13  }
0x58b: {  	s24 =	sor.u32 s13, s19;
	[tilespmem:s11+$0xC70] =	vst.add.f32.msk $0xffff, v3  }
0x58c: {  	v3 =	vld [tilespmem:s24+$0x0]  }
0x58d: {  	[tilespmem:s18+$0x800] =	vst.add.f32.msk $0xffff, v4  }
0x58e: {  	v4 =	vld [tilespmem:s23+$0x10];
	_ =	sdelay $0x2  }
0x58f: {  	[tilespmem:s11+$0x1000] =	vst.add.f32.msk $0xffff, v3  }
0x590: {  	v3 =	vld [tilespmem:s24+$0x10]  }
0x591: {  	[tilespmem:s18+$0x810] =	vst.add.f32.msk $0xffff, v4  }
0x592: {  	v4 =	vld [tilespmem:s23+$0x20];
	_ =	sdelay $0x2  }
0x593: {  	[tilespmem:s11+$0x1010] =	vst.add.f32.msk $0xffff, v3  }
0x594: {  	v3 =	vld [tilespmem:s24+$0x20]  }
0x595: {  	[tilespmem:s18+$0x820] =	vst.add.f32.msk $0xffff, v4  }
0x596: {  	v4 =	vld [tilespmem:s23+$0x30];
	_ =	sdelay $0x2  }
0x597: {  	[tilespmem:s11+$0x1020] =	vst.add.f32.msk $0xffff, v3  }
0x598: {  	v3 =	vld [tilespmem:s24+$0x30]  }
0x599: {  	[tilespmem:s18+$0x830] =	vst.add.f32.msk $0xffff, v4  }
0x59a: {  	v4 =	vld [tilespmem:s23+$0x40];
	_ =	sdelay $0x2  }
0x59b: {  	[tilespmem:s11+$0x1030] =	vst.add.f32.msk $0xffff, v3  }
0x59c: {  	v3 =	vld [tilespmem:s24+$0x40]  }
0x59d: {  	[tilespmem:s18+$0x840] =	vst.add.f32.msk $0xffff, v4  }
0x59e: {  	v4 =	vld [tilespmem:s23+$0x50];
	_ =	sdelay $0x2  }
0x59f: {  	[tilespmem:s11+$0x1040] =	vst.add.f32.msk $0xffff, v3  }
0x5a0: {  	v3 =	vld [tilespmem:s24+$0x50]  }
0x5a1: {  	[tilespmem:s18+$0x850] =	vst.add.f32.msk $0xffff, v4  }
0x5a2: {  	v4 =	vld [tilespmem:s23+$0x60];
	_ =	sdelay $0x2  }
0x5a3: {  	[tilespmem:s11+$0x1050] =	vst.add.f32.msk $0xffff, v3  }
0x5a4: {  	v3 =	vld [tilespmem:s24+$0x60]  }
0x5a5: {  	[tilespmem:s18+$0x860] =	vst.add.f32.msk $0xffff, v4  }
0x5a6: {  	s26 =	simm.s32 $0x0;
	v4 =	vld [tilespmem:s23+$0x70]  }
0x5a7: {  	s17 =	smul.u32 $0x3000, s26;
	_ =	sdelay $0x1  }
0x5a8: {  	s25 =	sshra.s32 s17, $0x2;
	s31 =	simm.s32 $0x200;
	[tilespmem:s11+$0x1060] =	vst.add.f32.msk $0xffff, v3  }
0x5a9: {  	s23 =	sadd.s32 $0xC400, s25;
	v3 =	vld [tilespmem:s24+$0x70];
	s24 =	sand.u32 $0x300, s31  }
0x5aa: {  	s17 =	simm.s32 $0x0;
	s20 =	sadd.s32 $0xCC00, s0;
	s1 =	sor.u32 s24, s23;
	[tilespmem:s18+$0x870] =	vst.add.f32.msk $0xffff, v4  }
0x5ab: {  	s19 =	smul.u32 $0x6000, s17;
	s16 =	sor.u32 s4, s20;
	v5 =	vld [tilespmem:s1+$0x0]  }
0x5ac: {  	s26 =	simm.s32 $0x100;
	v4 =	vld [tilespmem:s16+$0x0]  }
0x5ad: {  	s0 =	sshra.s32 s19, $0x2;
	s22 =	sand.u32 $0x380, s26  }
0x5ae: {  	s19 =	sor.u32 s22, s0;
	s0 =	sor.u32 s13, s5;
	[tilespmem:s11+$0x1070] =	vst.add.f32.msk $0xffff, v3  }
0x5af: {  	s31 =	sor.u32 $0x400, s19;
	v3 =	vld [tilespmem:s0+$0x0]  }
0x5b0: {  	[tilespmem:s31+$0x0] =	vst.add.f32.msk $0xffff, v5  }
0x5b1: {  	[tilespmem:s18+$0xC00] =	vst.add.f32.msk $0xffff, v4  }
0x5b2: {  	v5 =	vld [tilespmem:s1+$0x10]  }
0x5b3: {  	v4 =	vld [tilespmem:s16+$0x10];
	_ =	sdelay $0x1  }
0x5b4: {  	[tilespmem:s11+$0x1400] =	vst.add.f32.msk $0xffff, v3  }
0x5b5: {  	s17 =	sor.u32 $0x410, s19;
	v3 =	vld [tilespmem:s0+$0x10]  }
0x5b6: {  	[tilespmem:s17+$0x0] =	vst.add.f32.msk $0xffff, v5  }
0x5b7: {  	[tilespmem:s18+$0xC10] =	vst.add.f32.msk $0xffff, v4  }
0x5b8: {  	v5 =	vld [tilespmem:s1+$0x20]  }
0x5b9: {  	v4 =	vld [tilespmem:s16+$0x20];
	_ =	sdelay $0x1  }
0x5ba: {  	[tilespmem:s11+$0x1410] =	vst.add.f32.msk $0xffff, v3  }
0x5bb: {  	s22 =	sor.u32 $0x420, s19;
	v3 =	vld [tilespmem:s0+$0x20]  }
0x5bc: {  	[tilespmem:s22+$0x0] =	vst.add.f32.msk $0xffff, v5  }
0x5bd: {  	[tilespmem:s18+$0xC20] =	vst.add.f32.msk $0xffff, v4  }
0x5be: {  	v5 =	vld [tilespmem:s1+$0x30]  }
0x5bf: {  	v4 =	vld [tilespmem:s16+$0x30];
	_ =	sdelay $0x1  }
0x5c0: {  	[tilespmem:s11+$0x1420] =	vst.add.f32.msk $0xffff, v3  }
0x5c1: {  	s31 =	sor.u32 $0x430, s19;
	v3 =	vld [tilespmem:s0+$0x30]  }
0x5c2: {  	[tilespmem:s31+$0x0] =	vst.add.f32.msk $0xffff, v5  }
0x5c3: {  	[tilespmem:s18+$0xC30] =	vst.add.f32.msk $0xffff, v4  }
0x5c4: {  	v5 =	vld [tilespmem:s1+$0x40]  }
0x5c5: {  	v4 =	vld [tilespmem:s16+$0x40];
	_ =	sdelay $0x1  }
0x5c6: {  	[tilespmem:s11+$0x1430] =	vst.add.f32.msk $0xffff, v3  }
0x5c7: {  	s17 =	sor.u32 $0x440, s19;
	v3 =	vld [tilespmem:s0+$0x40]  }
0x5c8: {  	[tilespmem:s17+$0x0] =	vst.add.f32.msk $0xffff, v5  }
0x5c9: {  	[tilespmem:s18+$0xC40] =	vst.add.f32.msk $0xffff, v4  }
0x5ca: {  	v5 =	vld [tilespmem:s1+$0x50]  }
0x5cb: {  	v4 =	vld [tilespmem:s16+$0x50];
	_ =	sdelay $0x1  }
0x5cc: {  	[tilespmem:s11+$0x1440] =	vst.add.f32.msk $0xffff, v3  }
0x5cd: {  	s22 =	sor.u32 $0x450, s19;
	v3 =	vld [tilespmem:s0+$0x50]  }
0x5ce: {  	[tilespmem:s22+$0x0] =	vst.add.f32.msk $0xffff, v5  }
0x5cf: {  	[tilespmem:s18+$0xC50] =	vst.add.f32.msk $0xffff, v4  }
0x5d0: {  	v5 =	vld [tilespmem:s1+$0x60]  }
0x5d1: {  	v4 =	vld [tilespmem:s16+$0x60];
	_ =	sdelay $0x1  }
0x5d2: {  	[tilespmem:s11+$0x1450] =	vst.add.f32.msk $0xffff, v3  }
0x5d3: {  	s31 =	sor.u32 $0x460, s19;
	v3 =	vld [tilespmem:s0+$0x60]  }
0x5d4: {  	[tilespmem:s31+$0x0] =	vst.add.f32.msk $0xffff, v5  }
0x5d5: {  	[tilespmem:s18+$0xC60] =	vst.add.f32.msk $0xffff, v4  }
0x5d6: {  	v5 =	vld [tilespmem:s1+$0x70]  }
0x5d7: {  	v4 =	vld [tilespmem:s16+$0x70];
	_ =	sdelay $0x1  }
0x5d8: {  	[tilespmem:s11+$0x1460] =	vst.add.f32.msk $0xffff, v3  }
0x5d9: {  	s5 =	sor.u32 $0x470, s19;
	v3 =	vld [tilespmem:s0+$0x70]  }
0x5da: {  	s28 =	sadd.s32 $0xC800, s25;
	[tilespmem:s5+$0x0] =	vst.add.f32.msk $0xffff, v5  }
0x5db: {  	s22 =	sor.u32 $0x80, s4;
	s16 =	sor.u32 s24, s28;
	[tilespmem:s18+$0xC70] =	vst.add.f32.msk $0xffff, v4  }
0x5dc: {  	s2 =	sor.u32 s22, s2;
	v5 =	vld [tilespmem:s16+$0x0]  }
0x5dd: {  	v4 =	vld [tilespmem:s2+$0x0];
	_ =	sdelay $0x1  }
0x5de: {  	s17 =	sor.u32 s13, s8;
	[tilespmem:s11+$0x1470] =	vst.add.f32.msk $0xffff, v3  }
0x5df: {  	v3 =	vld [tilespmem:s17+$0x0]  }
0x5e0: {  	[tilespmem:s19+$0x800] =	vst.add.f32.msk $0xffff, v5  }
0x5e1: {  	[tilespmem:s18+$0x1000] =	vst.add.f32.msk $0xffff, v4  }
0x5e2: {  	v5 =	vld [tilespmem:s16+$0x10]  }
0x5e3: {  	v4 =	vld [tilespmem:s2+$0x10];
	_ =	sdelay $0x1  }
0x5e4: {  	[tilespmem:s11+$0x1800] =	vst.add.f32.msk $0xffff, v3  }
0x5e5: {  	v3 =	vld [tilespmem:s17+$0x10]  }
0x5e6: {  	[tilespmem:s19+$0x810] =	vst.add.f32.msk $0xffff, v5  }
0x5e7: {  	[tilespmem:s18+$0x1010] =	vst.add.f32.msk $0xffff, v4  }
0x5e8: {  	v5 =	vld [tilespmem:s16+$0x20]  }
0x5e9: {  	v4 =	vld [tilespmem:s2+$0x20];
	_ =	sdelay $0x1  }
0x5ea: {  	[tilespmem:s11+$0x1810] =	vst.add.f32.msk $0xffff, v3  }
0x5eb: {  	v3 =	vld [tilespmem:s17+$0x20]  }
0x5ec: {  	[tilespmem:s19+$0x820] =	vst.add.f32.msk $0xffff, v5  }
0x5ed: {  	[tilespmem:s18+$0x1020] =	vst.add.f32.msk $0xffff, v4  }
0x5ee: {  	v5 =	vld [tilespmem:s16+$0x30]  }
0x5ef: {  	v4 =	vld [tilespmem:s2+$0x30];
	_ =	sdelay $0x1  }
0x5f0: {  	[tilespmem:s11+$0x1820] =	vst.add.f32.msk $0xffff, v3  }
0x5f1: {  	v3 =	vld [tilespmem:s17+$0x30]  }
0x5f2: {  	[tilespmem:s19+$0x830] =	vst.add.f32.msk $0xffff, v5  }
0x5f3: {  	[tilespmem:s18+$0x1030] =	vst.add.f32.msk $0xffff, v4  }
0x5f4: {  	v5 =	vld [tilespmem:s16+$0x40]  }
0x5f5: {  	v4 =	vld [tilespmem:s2+$0x40];
	_ =	sdelay $0x1  }
0x5f6: {  	[tilespmem:s11+$0x1830] =	vst.add.f32.msk $0xffff, v3  }
0x5f7: {  	v3 =	vld [tilespmem:s17+$0x40]  }
0x5f8: {  	[tilespmem:s19+$0x840] =	vst.add.f32.msk $0xffff, v5  }
0x5f9: {  	[tilespmem:s18+$0x1040] =	vst.add.f32.msk $0xffff, v4  }
0x5fa: {  	v5 =	vld [tilespmem:s16+$0x50]  }
0x5fb: {  	v4 =	vld [tilespmem:s2+$0x50];
	_ =	sdelay $0x1  }
0x5fc: {  	[tilespmem:s11+$0x1840] =	vst.add.f32.msk $0xffff, v3  }
0x5fd: {  	v3 =	vld [tilespmem:s17+$0x50]  }
0x5fe: {  	[tilespmem:s19+$0x850] =	vst.add.f32.msk $0xffff, v5  }
0x5ff: {  	[tilespmem:s18+$0x1050] =	vst.add.f32.msk $0xffff, v4  }
0x600: {  	v5 =	vld [tilespmem:s16+$0x60]  }
0x601: {  	v4 =	vld [tilespmem:s2+$0x60];
	_ =	sdelay $0x1  }
0x602: {  	[tilespmem:s11+$0x1850] =	vst.add.f32.msk $0xffff, v3  }
0x603: {  	v3 =	vld [tilespmem:s17+$0x60]  }
0x604: {  	s31 =	simm.s32 $0x0;
	[tilespmem:s19+$0x860] =	vst.add.f32.msk $0xffff, v5  }
0x605: {  	s1 =	smul.u32 $0x3000, s31;
	[tilespmem:s18+$0x1060] =	vst.add.f32.msk $0xffff, v4  }
0x606: {  	v5 =	vld [tilespmem:s16+$0x70]  }
0x607: {  	s29 =	simm.s32 $0x300;
	s1 =	sshra.s32 s1, $0x2;
	v4 =	vld [tilespmem:s2+$0x70]  }
0x608: {  	s13 =	sand.u32 $0x300, s29;
	s4 =	sadd.s32 $0xC400, s1;
	[tilespmem:s11+$0x1860] =	vst.add.f32.msk $0xffff, v3  }
0x609: {  	s8 =	simm.s32 $0x3;
	s30 =	sor.u32 s13, s4;
	s2 =	simm.s32 $0x4;
	v3 =	vld [tilespmem:s17+$0x70]  }
.LBB2_7:
0x60a: {  	p0 =	sne.s32 s2, $0x1F;
	v6 =	vld [tilespmem:s30+$0x0];
	s0 =	sshrl.u32 s8, $0x3;
	s5 =	sadd.s32 $0xCC00, s25  }
0x60b: {  	s25 =	smov.u32 s1;
	s0 =	smul.u32 $0x6000, s0;
	[tilespmem:s19+$0x870] =	vst.add.f32.msk $0xffff, v5;
	s31 =	sor.u32 s24, s5  }
0x60c: {  	s26 =	sadd.s32 $0x80, s26;
	s8 =	smov.u32 s2;
	v5 =	vld [tilespmem:s31+$0x0]  }
0x60d: {  	s1 =	sand.u32 $0x380, s26;
	s0 =	sshra.s32 s0, $0x2;
	[tilespmem:s18+$0x1070] =	vst.add.f32.msk $0xffff, v4  }
0x60e: {  	s1 =	sor.u32 s1, s0;
	s0 =	sor.u32 s22, s21;
	[tilespmem:s11+$0x1870] =	vst.add.f32.msk $0xffff, v3;
	s11 =	smov.u32 s18  }
0x60f: {  	s18 =	smov.u32 s19;
	s16 =	sor.u32 $0x400, s1;
	v3 =	vld [tilespmem:s0+$0x0];
	s19 =	smov.u32 s1  }
0x610: {  	s21 =	smov.u32 s28;
	[tilespmem:s16+$0x0] =	vst.add.f32.msk $0xffff, v6  }
0x611: {  	v4 =	vld [tilespmem:s30+$0x10]  }
0x612: {  	[tilespmem:s18+$0xC00] =	vst.add.f32.msk $0xffff, v5  }
0x613: {  	v5 =	vld [tilespmem:s31+$0x10]  }
0x614: {  	[tilespmem:s11+$0x1400] =	vst.add.f32.msk $0xffff, v3  }
0x615: {  	s1 =	sor.u32 $0x410, s19;
	v3 =	vld [tilespmem:s0+$0x10]  }
0x616: {  	[tilespmem:s1+$0x0] =	vst.add.f32.msk $0xffff, v4  }
0x617: {  	v4 =	vld [tilespmem:s30+$0x20]  }
0x618: {  	[tilespmem:s18+$0xC10] =	vst.add.f32.msk $0xffff, v5  }
0x619: {  	v5 =	vld [tilespmem:s31+$0x20]  }
0x61a: {  	[tilespmem:s11+$0x1410] =	vst.add.f32.msk $0xffff, v3  }
0x61b: {  	s1 =	sor.u32 $0x420, s19;
	v3 =	vld [tilespmem:s0+$0x20]  }
0x61c: {  	[tilespmem:s1+$0x0] =	vst.add.f32.msk $0xffff, v4  }
0x61d: {  	v4 =	vld [tilespmem:s30+$0x30]  }
0x61e: {  	[tilespmem:s18+$0xC20] =	vst.add.f32.msk $0xffff, v5  }
0x61f: {  	v5 =	vld [tilespmem:s31+$0x30]  }
0x620: {  	[tilespmem:s11+$0x1420] =	vst.add.f32.msk $0xffff, v3  }
0x621: {  	s1 =	sor.u32 $0x430, s19;
	v3 =	vld [tilespmem:s0+$0x30]  }
0x622: {  	[tilespmem:s1+$0x0] =	vst.add.f32.msk $0xffff, v4  }
0x623: {  	v4 =	vld [tilespmem:s30+$0x40]  }
0x624: {  	[tilespmem:s18+$0xC30] =	vst.add.f32.msk $0xffff, v5  }
0x625: {  	v5 =	vld [tilespmem:s31+$0x40]  }
0x626: {  	[tilespmem:s11+$0x1430] =	vst.add.f32.msk $0xffff, v3  }
0x627: {  	s1 =	sor.u32 $0x440, s19;
	v3 =	vld [tilespmem:s0+$0x40]  }
0x628: {  	[tilespmem:s1+$0x0] =	vst.add.f32.msk $0xffff, v4  }
0x629: {  	v4 =	vld [tilespmem:s30+$0x50]  }
0x62a: {  	[tilespmem:s18+$0xC40] =	vst.add.f32.msk $0xffff, v5  }
0x62b: {  	v5 =	vld [tilespmem:s31+$0x50]  }
0x62c: {  	[tilespmem:s11+$0x1440] =	vst.add.f32.msk $0xffff, v3  }
0x62d: {  	s1 =	sor.u32 $0x450, s19;
	v3 =	vld [tilespmem:s0+$0x50]  }
0x62e: {  	[tilespmem:s1+$0x0] =	vst.add.f32.msk $0xffff, v4  }
0x62f: {  	v4 =	vld [tilespmem:s30+$0x60]  }
0x630: {  	[tilespmem:s18+$0xC50] =	vst.add.f32.msk $0xffff, v5  }
0x631: {  	v5 =	vld [tilespmem:s31+$0x60]  }
0x632: {  	[tilespmem:s11+$0x1450] =	vst.add.f32.msk $0xffff, v3  }
0x633: {  	s1 =	sor.u32 $0x460, s19;
	v3 =	vld [tilespmem:s0+$0x60]  }
0x634: {  	[tilespmem:s1+$0x0] =	vst.add.f32.msk $0xffff, v4  }
0x635: {  	v4 =	vld [tilespmem:s30+$0x70]  }
0x636: {  	[tilespmem:s18+$0xC60] =	vst.add.f32.msk $0xffff, v5  }
0x637: {  	v5 =	vld [tilespmem:s31+$0x70]  }
0x638: {  	[tilespmem:s11+$0x1460] =	vst.add.f32.msk $0xffff, v3  }
0x639: {  	s28 =	sadd.s32 $0xC800, s25;
	s1 =	sor.u32 $0x470, s19;
	v3 =	vld [tilespmem:s0+$0x70]  }
0x63a: {  	s30 =	sor.u32 s13, s28;
	[tilespmem:s1+$0x0] =	vst.add.f32.msk $0xffff, v4  }
0x63b: {  	s1 =	sor.u32 $0x80, s24;
	s24 =	smov.u32 s13;
	v4 =	vld [tilespmem:s30+$0x0]  }
0x63c: {  	s13 =	sor.u32 s1, s23;
	s23 =	smov.u32 s4;
	[tilespmem:s18+$0xC70] =	vst.add.f32.msk $0xffff, v5  }
0x63d: {  	v5 =	vld [tilespmem:s13+$0x0]  }
0x63e: {  	s0 =	sor.u32 s22, s20;
	s20 =	smov.u32 s5;
	s22 =	smov.u32 s1;
	[tilespmem:s11+$0x1470] =	vst.add.f32.msk $0xffff, v3  }
0x63f: {  	v3 =	vld [tilespmem:s0+$0x0]  }
0x640: {  	[tilespmem:s19+$0x800] =	vst.add.f32.msk $0xffff, v4  }
0x641: {  	v4 =	vld [tilespmem:s30+$0x10]  }
0x642: {  	[tilespmem:s18+$0x1000] =	vst.add.f32.msk $0xffff, v5  }
0x643: {  	v5 =	vld [tilespmem:s13+$0x10]  }
0x644: {  	[tilespmem:s11+$0x1800] =	vst.add.f32.msk $0xffff, v3  }
0x645: {  	v3 =	vld [tilespmem:s0+$0x10]  }
0x646: {  	[tilespmem:s19+$0x810] =	vst.add.f32.msk $0xffff, v4  }
0x647: {  	v4 =	vld [tilespmem:s30+$0x20]  }
0x648: {  	[tilespmem:s18+$0x1010] =	vst.add.f32.msk $0xffff, v5  }
0x649: {  	v5 =	vld [tilespmem:s13+$0x20]  }
0x64a: {  	[tilespmem:s11+$0x1810] =	vst.add.f32.msk $0xffff, v3  }
0x64b: {  	v3 =	vld [tilespmem:s0+$0x20]  }
0x64c: {  	[tilespmem:s19+$0x820] =	vst.add.f32.msk $0xffff, v4  }
0x64d: {  	v4 =	vld [tilespmem:s30+$0x30]  }
0x64e: {  	[tilespmem:s18+$0x1020] =	vst.add.f32.msk $0xffff, v5  }
0x64f: {  	v5 =	vld [tilespmem:s13+$0x30]  }
0x650: {  	[tilespmem:s11+$0x1820] =	vst.add.f32.msk $0xffff, v3  }
0x651: {  	v3 =	vld [tilespmem:s0+$0x30]  }
0x652: {  	[tilespmem:s19+$0x830] =	vst.add.f32.msk $0xffff, v4  }
0x653: {  	v4 =	vld [tilespmem:s30+$0x40]  }
0x654: {  	[tilespmem:s18+$0x1030] =	vst.add.f32.msk $0xffff, v5  }
0x655: {  	v5 =	vld [tilespmem:s13+$0x40]  }
0x656: {  	[tilespmem:s11+$0x1830] =	vst.add.f32.msk $0xffff, v3  }
0x657: {  	v3 =	vld [tilespmem:s0+$0x40]  }
0x658: {  	[tilespmem:s19+$0x840] =	vst.add.f32.msk $0xffff, v4  }
0x659: {  	v4 =	vld [tilespmem:s30+$0x50]  }
0x65a: {  	[tilespmem:s18+$0x1040] =	vst.add.f32.msk $0xffff, v5  }
0x65b: {  	v5 =	vld [tilespmem:s13+$0x50]  }
0x65c: {  	[tilespmem:s11+$0x1840] =	vst.add.f32.msk $0xffff, v3  }
0x65d: {  	v3 =	vld [tilespmem:s0+$0x50]  }
0x65e: {  	[tilespmem:s19+$0x850] =	vst.add.f32.msk $0xffff, v4  }
0x65f: {  	v4 =	vld [tilespmem:s30+$0x60]  }
0x660: {  	[tilespmem:s18+$0x1050] =	vst.add.f32.msk $0xffff, v5  }
0x661: {  	v6 =	vld [tilespmem:s13+$0x60]  }
0x662: {  	[tilespmem:s11+$0x1850] =	vst.add.f32.msk $0xffff, v3  }
0x663: {  	s1 =	sshrl.u32 s2, $0x2;
	v3 =	vld [tilespmem:s0+$0x60]  }
0x664: {  	s1 =	smul.u32 $0x3000, s1;
	[tilespmem:s19+$0x860] =	vst.add.f32.msk $0xffff, v4  }
.Ltmp2:
0x665: {  	v5 =	vld [tilespmem:s30+$0x70];
	(pc) =	sbr.rel @p0 .LBB2_7-.Ltmp2, $4  }
0x666: {  	[tilespmem:s18+$0x1060] =	vst.add.f32.msk $0xffff, v6  }
0x667: {  	s29 =	sadd.s32 $0x100, s29;
	s1 =	sshra.s32 s1, $0x2;
	v4 =	vld [tilespmem:s13+$0x70]  }
0x668: {  	s4 =	sadd.s32 $0xC400, s1;
	s13 =	sand.u32 $0x300, s29;
	[tilespmem:s11+$0x1860] =	vst.add.f32.msk $0xffff, v3  }
0x669: {  	s2 =	sadd.s32 $0x1, s2;
	s30 =	sor.u32 s13, s4;
	v3 =	vld [tilespmem:s0+$0x70]  }
0x66a: {  	s0 =	sshrl.u32 s8, $0x3  }
0x66b: {  	v6 =	vld [tilespmem:s30+$0x0];
	s0 =	smul.u32 $0x6000, s0  }
0x66c: {  	s2 =	sadd.s32 $0x80, s26  }
0x66d: {  	s2 =	sand.u32 $0x380, s2;
	s0 =	sshra.s32 s0, $0x2  }
0x66e: {  	s2 =	sor.u32 s2, s0  }
0x66f: {  	s0 =	sor.u32 $0x400, s2  }
0x670: {  	[tilespmem:s0+$0x0] =	vst.add.f32.msk $0xffff, v6  }
0x671: {  	v6 =	vld [tilespmem:s30+$0x10];
	_ =	sdelay $0x3  }
0x672: {  	s29 =	sor.u32 $0x410, s2  }
0x673: {  	[tilespmem:s29+$0x0] =	vst.add.f32.msk $0xffff, v6  }
0x674: {  	v6 =	vld [tilespmem:s30+$0x20];
	_ =	sdelay $0x3  }
0x675: {  	s31 =	sor.u32 $0x420, s2  }
0x676: {  	[tilespmem:s31+$0x0] =	vst.add.f32.msk $0xffff, v6  }
0x677: {  	v6 =	vld [tilespmem:s30+$0x30];
	_ =	sdelay $0x3  }
0x678: {  	s5 =	sor.u32 $0x430, s2  }
0x679: {  	[tilespmem:s5+$0x0] =	vst.add.f32.msk $0xffff, v6  }
0x67a: {  	v6 =	vld [tilespmem:s30+$0x40];
	_ =	sdelay $0x3  }
0x67b: {  	s8 =	sor.u32 $0x440, s2  }
0x67c: {  	[tilespmem:s8+$0x0] =	vst.add.f32.msk $0xffff, v6  }
0x67d: {  	v6 =	vld [tilespmem:s30+$0x50];
	_ =	sdelay $0x3  }
0x67e: {  	s16 =	sor.u32 $0x450, s2  }
0x67f: {  	[tilespmem:s16+$0x0] =	vst.add.f32.msk $0xffff, v6  }
0x680: {  	v6 =	vld [tilespmem:s30+$0x60];
	_ =	sdelay $0x3  }
0x681: {  	s17 =	sor.u32 $0x460, s2  }
0x682: {  	[tilespmem:s17+$0x0] =	vst.add.f32.msk $0xffff, v6  }
0x683: {  	v6 =	vld [tilespmem:s30+$0x70];
	_ =	sdelay $0x3  }
0x684: {  	s26 =	sadd.s32 $0xC800, s1;
	s5 =	sor.u32 $0x470, s2  }
0x685: {  	s31 =	sor.u32 s13, s26;
	[tilespmem:s5+$0x0] =	vst.add.f32.msk $0xffff, v6  }
0x686: {  	v6 =	vld [tilespmem:s31+$0x0];
	_ =	sdelay $0x4  }
0x687: {  	[tilespmem:s2+$0x800] =	vst.add.f32.msk $0xffff, v6  }
0x688: {  	v6 =	vld [tilespmem:s31+$0x10];
	_ =	sdelay $0x4  }
0x689: {  	[tilespmem:s2+$0x810] =	vst.add.f32.msk $0xffff, v6  }
0x68a: {  	v6 =	vld [tilespmem:s31+$0x20];
	_ =	sdelay $0x4  }
0x68b: {  	[tilespmem:s2+$0x820] =	vst.add.f32.msk $0xffff, v6  }
0x68c: {  	v6 =	vld [tilespmem:s31+$0x30];
	_ =	sdelay $0x4  }
0x68d: {  	[tilespmem:s2+$0x830] =	vst.add.f32.msk $0xffff, v6  }
0x68e: {  	v6 =	vld [tilespmem:s31+$0x40];
	_ =	sdelay $0x4  }
0x68f: {  	[tilespmem:s2+$0x840] =	vst.add.f32.msk $0xffff, v6  }
0x690: {  	v6 =	vld [tilespmem:s31+$0x50];
	_ =	sdelay $0x4  }
0x691: {  	[tilespmem:s2+$0x850] =	vst.add.f32.msk $0xffff, v6  }
0x692: {  	v6 =	vld [tilespmem:s31+$0x60];
	_ =	sdelay $0x4  }
0x693: {  	[tilespmem:s2+$0x860] =	vst.add.f32.msk $0xffff, v6  }
0x694: {  	v6 =	vld [tilespmem:s31+$0x70];
	_ =	sdelay $0x1  }
0x695: {  	s8 =	sadd.s32 $0xCC00, s25  }
0x696: {  	[tilespmem:s19+$0x870] =	vst.add.f32.msk $0xffff, v5;
	s16 =	sor.u32 s24, s8  }
0x697: {  	s29 =	sadd.s32 $0xCC00, s1;
	v5 =	vld [tilespmem:s16+$0x0]  }
0x698: {  	s1 =	sor.u32 s13, s29;
	[tilespmem:s2+$0x870] =	vst.add.f32.msk $0xffff, v6  }
0x699: {  	v6 =	vld [tilespmem:s1+$0x0];
	_ =	sdelay $0x2  }
0x69a: {  	[tilespmem:s19+$0xC00] =	vst.add.f32.msk $0xffff, v5  }
0x69b: {  	v5 =	vld [tilespmem:s16+$0x10]  }
0x69c: {  	[tilespmem:s2+$0xC00] =	vst.add.f32.msk $0xffff, v6  }
0x69d: {  	v6 =	vld [tilespmem:s1+$0x10];
	_ =	sdelay $0x2  }
0x69e: {  	[tilespmem:s19+$0xC10] =	vst.add.f32.msk $0xffff, v5  }
0x69f: {  	v5 =	vld [tilespmem:s16+$0x20]  }
0x6a0: {  	[tilespmem:s2+$0xC10] =	vst.add.f32.msk $0xffff, v6  }
0x6a1: {  	v6 =	vld [tilespmem:s1+$0x20];
	_ =	sdelay $0x2  }
0x6a2: {  	[tilespmem:s19+$0xC20] =	vst.add.f32.msk $0xffff, v5  }
0x6a3: {  	v5 =	vld [tilespmem:s16+$0x30]  }
0x6a4: {  	[tilespmem:s2+$0xC20] =	vst.add.f32.msk $0xffff, v6  }
0x6a5: {  	v6 =	vld [tilespmem:s1+$0x30];
	_ =	sdelay $0x2  }
0x6a6: {  	[tilespmem:s19+$0xC30] =	vst.add.f32.msk $0xffff, v5  }
0x6a7: {  	v5 =	vld [tilespmem:s16+$0x40]  }
0x6a8: {  	[tilespmem:s2+$0xC30] =	vst.add.f32.msk $0xffff, v6  }
0x6a9: {  	v6 =	vld [tilespmem:s1+$0x40];
	_ =	sdelay $0x2  }
0x6aa: {  	[tilespmem:s19+$0xC40] =	vst.add.f32.msk $0xffff, v5  }
0x6ab: {  	v5 =	vld [tilespmem:s16+$0x50]  }
0x6ac: {  	[tilespmem:s2+$0xC40] =	vst.add.f32.msk $0xffff, v6  }
0x6ad: {  	v6 =	vld [tilespmem:s1+$0x50];
	_ =	sdelay $0x2  }
0x6ae: {  	[tilespmem:s19+$0xC50] =	vst.add.f32.msk $0xffff, v5  }
0x6af: {  	v5 =	vld [tilespmem:s16+$0x60]  }
0x6b0: {  	[tilespmem:s2+$0xC50] =	vst.add.f32.msk $0xffff, v6  }
0x6b1: {  	v6 =	vld [tilespmem:s1+$0x60];
	_ =	sdelay $0x2  }
0x6b2: {  	[tilespmem:s19+$0xC60] =	vst.add.f32.msk $0xffff, v5  }
0x6b3: {  	v5 =	vld [tilespmem:s16+$0x70]  }
0x6b4: {  	[tilespmem:s2+$0xC60] =	vst.add.f32.msk $0xffff, v6  }
0x6b5: {  	v6 =	vld [tilespmem:s1+$0x70];
	_ =	sdelay $0x1  }
0x6b6: {  	s31 =	sor.u32 $0x80, s24  }
0x6b7: {  	[tilespmem:s19+$0xC70] =	vst.add.f32.msk $0xffff, v5;
	s17 =	sor.u32 s31, s23  }
0x6b8: {  	s23 =	sor.u32 $0x80, s13;
	v5 =	vld [tilespmem:s17+$0x0]  }
0x6b9: {  	s4 =	sor.u32 s23, s4;
	[tilespmem:s2+$0xC70] =	vst.add.f32.msk $0xffff, v6  }
0x6ba: {  	v6 =	vld [tilespmem:s4+$0x0];
	_ =	sdelay $0x2  }
0x6bb: {  	[tilespmem:s19+$0x1000] =	vst.add.f32.msk $0xffff, v5  }
0x6bc: {  	v5 =	vld [tilespmem:s17+$0x10]  }
0x6bd: {  	[tilespmem:s2+$0x1000] =	vst.add.f32.msk $0xffff, v6  }
0x6be: {  	v6 =	vld [tilespmem:s4+$0x10];
	_ =	sdelay $0x2  }
0x6bf: {  	[tilespmem:s19+$0x1010] =	vst.add.f32.msk $0xffff, v5  }
0x6c0: {  	v5 =	vld [tilespmem:s17+$0x20]  }
0x6c1: {  	[tilespmem:s2+$0x1010] =	vst.add.f32.msk $0xffff, v6  }
0x6c2: {  	v6 =	vld [tilespmem:s4+$0x20];
	_ =	sdelay $0x2  }
0x6c3: {  	[tilespmem:s19+$0x1020] =	vst.add.f32.msk $0xffff, v5  }
0x6c4: {  	v5 =	vld [tilespmem:s17+$0x30]  }
0x6c5: {  	[tilespmem:s2+$0x1020] =	vst.add.f32.msk $0xffff, v6  }
0x6c6: {  	v6 =	vld [tilespmem:s4+$0x30];
	_ =	sdelay $0x2  }
0x6c7: {  	[tilespmem:s19+$0x1030] =	vst.add.f32.msk $0xffff, v5  }
0x6c8: {  	v5 =	vld [tilespmem:s17+$0x40]  }
0x6c9: {  	[tilespmem:s2+$0x1030] =	vst.add.f32.msk $0xffff, v6  }
0x6ca: {  	v6 =	vld [tilespmem:s4+$0x40];
	_ =	sdelay $0x2  }
0x6cb: {  	[tilespmem:s19+$0x1040] =	vst.add.f32.msk $0xffff, v5  }
0x6cc: {  	v5 =	vld [tilespmem:s17+$0x50]  }
0x6cd: {  	[tilespmem:s2+$0x1040] =	vst.add.f32.msk $0xffff, v6  }
0x6ce: {  	v6 =	vld [tilespmem:s4+$0x50];
	_ =	sdelay $0x2  }
0x6cf: {  	[tilespmem:s19+$0x1050] =	vst.add.f32.msk $0xffff, v5  }
0x6d0: {  	v5 =	vld [tilespmem:s17+$0x60]  }
0x6d1: {  	[tilespmem:s2+$0x1050] =	vst.add.f32.msk $0xffff, v6  }
0x6d2: {  	v6 =	vld [tilespmem:s4+$0x60];
	_ =	sdelay $0x2  }
0x6d3: {  	[tilespmem:s19+$0x1060] =	vst.add.f32.msk $0xffff, v5  }
0x6d4: {  	v5 =	vld [tilespmem:s17+$0x70]  }
0x6d5: {  	[tilespmem:s2+$0x1060] =	vst.add.f32.msk $0xffff, v6  }
0x6d6: {  	v6 =	vld [tilespmem:s4+$0x70]  }
0x6d7: {  	[tilespmem:s18+$0x1070] =	vst.add.f32.msk $0xffff, v4;
	s24 =	sor.u32 s22, s21  }
0x6d8: {  	v4 =	vld [tilespmem:s24+$0x0]  }
0x6d9: {  	s25 =	sor.u32 s31, s28;
	[tilespmem:s19+$0x1070] =	vst.add.f32.msk $0xffff, v5  }
0x6da: {  	v5 =	vld [tilespmem:s25+$0x0]  }
0x6db: {  	s0 =	sor.u32 s23, s26;
	[tilespmem:s2+$0x1070] =	vst.add.f32.msk $0xffff, v6  }
0x6dc: {  	v6 =	vld [tilespmem:s0+$0x0]  }
0x6dd: {  	[tilespmem:s18+$0x1400] =	vst.add.f32.msk $0xffff, v4  }
0x6de: {  	v4 =	vld [tilespmem:s24+$0x10]  }
0x6df: {  	[tilespmem:s19+$0x1400] =	vst.add.f32.msk $0xffff, v5  }
0x6e0: {  	v5 =	vld [tilespmem:s25+$0x10]  }
0x6e1: {  	[tilespmem:s2+$0x1400] =	vst.add.f32.msk $0xffff, v6  }
0x6e2: {  	v6 =	vld [tilespmem:s0+$0x10]  }
0x6e3: {  	[tilespmem:s18+$0x1410] =	vst.add.f32.msk $0xffff, v4  }
0x6e4: {  	v4 =	vld [tilespmem:s24+$0x20]  }
0x6e5: {  	[tilespmem:s19+$0x1410] =	vst.add.f32.msk $0xffff, v5  }
0x6e6: {  	v5 =	vld [tilespmem:s25+$0x20]  }
0x6e7: {  	[tilespmem:s2+$0x1410] =	vst.add.f32.msk $0xffff, v6  }
0x6e8: {  	v6 =	vld [tilespmem:s0+$0x20]  }
0x6e9: {  	[tilespmem:s18+$0x1420] =	vst.add.f32.msk $0xffff, v4  }
0x6ea: {  	v4 =	vld [tilespmem:s24+$0x30]  }
0x6eb: {  	[tilespmem:s19+$0x1420] =	vst.add.f32.msk $0xffff, v5  }
0x6ec: {  	v5 =	vld [tilespmem:s25+$0x30]  }
0x6ed: {  	[tilespmem:s2+$0x1420] =	vst.add.f32.msk $0xffff, v6  }
0x6ee: {  	v6 =	vld [tilespmem:s0+$0x30]  }
0x6ef: {  	[tilespmem:s18+$0x1430] =	vst.add.f32.msk $0xffff, v4  }
0x6f0: {  	v4 =	vld [tilespmem:s24+$0x40]  }
0x6f1: {  	[tilespmem:s19+$0x1430] =	vst.add.f32.msk $0xffff, v5  }
0x6f2: {  	v5 =	vld [tilespmem:s25+$0x40]  }
0x6f3: {  	[tilespmem:s2+$0x1430] =	vst.add.f32.msk $0xffff, v6  }
0x6f4: {  	v6 =	vld [tilespmem:s0+$0x40]  }
0x6f5: {  	[tilespmem:s18+$0x1440] =	vst.add.f32.msk $0xffff, v4  }
0x6f6: {  	v4 =	vld [tilespmem:s24+$0x50]  }
0x6f7: {  	[tilespmem:s19+$0x1440] =	vst.add.f32.msk $0xffff, v5  }
0x6f8: {  	v5 =	vld [tilespmem:s25+$0x50]  }
0x6f9: {  	[tilespmem:s2+$0x1440] =	vst.add.f32.msk $0xffff, v6  }
0x6fa: {  	v6 =	vld [tilespmem:s0+$0x50]  }
0x6fb: {  	[tilespmem:s18+$0x1450] =	vst.add.f32.msk $0xffff, v4  }
0x6fc: {  	v4 =	vld [tilespmem:s24+$0x60]  }
0x6fd: {  	[tilespmem:s19+$0x1450] =	vst.add.f32.msk $0xffff, v5  }
0x6fe: {  	v5 =	vld [tilespmem:s25+$0x60]  }
0x6ff: {  	[tilespmem:s2+$0x1450] =	vst.add.f32.msk $0xffff, v6  }
0x700: {  	v6 =	vld [tilespmem:s0+$0x60]  }
0x701: {  	[tilespmem:s18+$0x1460] =	vst.add.f32.msk $0xffff, v4  }
0x702: {  	v4 =	vld [tilespmem:s24+$0x70]  }
0x703: {  	[tilespmem:s19+$0x1460] =	vst.add.f32.msk $0xffff, v5  }
0x704: {  	v5 =	vld [tilespmem:s25+$0x70]  }
0x705: {  	[tilespmem:s2+$0x1460] =	vst.add.f32.msk $0xffff, v6  }
0x706: {  	v6 =	vld [tilespmem:s0+$0x70]  }
0x707: {  	s26 =	sor.u32 s22, s20;
	[tilespmem:s18+$0x1470] =	vst.add.f32.msk $0xffff, v4  }
0x708: {  	v4 =	vld [tilespmem:s26+$0x0]  }
0x709: {  	s1 =	sor.u32 s31, s8;
	[tilespmem:s19+$0x1470] =	vst.add.f32.msk $0xffff, v5  }
0x70a: {  	v5 =	vld [tilespmem:s1+$0x0]  }
0x70b: {  	s29 =	sor.u32 s23, s29;
	[tilespmem:s2+$0x1470] =	vst.add.f32.msk $0xffff, v6  }
0x70c: {  	v6 =	vld [tilespmem:s29+$0x0]  }
0x70d: {  	[tilespmem:s18+$0x1800] =	vst.add.f32.msk $0xffff, v4  }
0x70e: {  	v4 =	vld [tilespmem:s26+$0x10]  }
0x70f: {  	[tilespmem:s19+$0x1800] =	vst.add.f32.msk $0xffff, v5  }
0x710: {  	v5 =	vld [tilespmem:s1+$0x10]  }
0x711: {  	[tilespmem:s2+$0x1800] =	vst.add.f32.msk $0xffff, v6  }
0x712: {  	v6 =	vld [tilespmem:s29+$0x10]  }
0x713: {  	[tilespmem:s18+$0x1810] =	vst.add.f32.msk $0xffff, v4  }
0x714: {  	v4 =	vld [tilespmem:s26+$0x20]  }
0x715: {  	[tilespmem:s19+$0x1810] =	vst.add.f32.msk $0xffff, v5  }
0x716: {  	v5 =	vld [tilespmem:s1+$0x20]  }
0x717: {  	[tilespmem:s2+$0x1810] =	vst.add.f32.msk $0xffff, v6  }
0x718: {  	v6 =	vld [tilespmem:s29+$0x20]  }
0x719: {  	[tilespmem:s18+$0x1820] =	vst.add.f32.msk $0xffff, v4  }
0x71a: {  	v4 =	vld [tilespmem:s26+$0x30]  }
0x71b: {  	[tilespmem:s19+$0x1820] =	vst.add.f32.msk $0xffff, v5  }
0x71c: {  	v5 =	vld [tilespmem:s1+$0x30]  }
0x71d: {  	[tilespmem:s2+$0x1820] =	vst.add.f32.msk $0xffff, v6  }
0x71e: {  	v6 =	vld [tilespmem:s29+$0x30]  }
0x71f: {  	[tilespmem:s18+$0x1830] =	vst.add.f32.msk $0xffff, v4  }
0x720: {  	v4 =	vld [tilespmem:s26+$0x40]  }
0x721: {  	[tilespmem:s19+$0x1830] =	vst.add.f32.msk $0xffff, v5  }
0x722: {  	v5 =	vld [tilespmem:s1+$0x40]  }
0x723: {  	[tilespmem:s2+$0x1830] =	vst.add.f32.msk $0xffff, v6  }
0x724: {  	v6 =	vld [tilespmem:s29+$0x40]  }
0x725: {  	[tilespmem:s18+$0x1840] =	vst.add.f32.msk $0xffff, v4  }
0x726: {  	v4 =	vld [tilespmem:s26+$0x50]  }
0x727: {  	[tilespmem:s19+$0x1840] =	vst.add.f32.msk $0xffff, v5  }
0x728: {  	v5 =	vld [tilespmem:s1+$0x50]  }
0x729: {  	[tilespmem:s2+$0x1840] =	vst.add.f32.msk $0xffff, v6  }
0x72a: {  	v6 =	vld [tilespmem:s29+$0x50]  }
0x72b: {  	[tilespmem:s18+$0x1850] =	vst.add.f32.msk $0xffff, v4  }
0x72c: {  	v4 =	vld [tilespmem:s26+$0x60]  }
0x72d: {  	[tilespmem:s19+$0x1850] =	vst.add.f32.msk $0xffff, v5  }
0x72e: {  	v5 =	vld [tilespmem:s1+$0x60]  }
0x72f: {  	[tilespmem:s2+$0x1850] =	vst.add.f32.msk $0xffff, v6  }
0x730: {  	v6 =	vld [tilespmem:s29+$0x60]  }
0x731: {  	[tilespmem:s18+$0x1860] =	vst.add.f32.msk $0xffff, v4  }
0x732: {  	v4 =	vld [tilespmem:s26+$0x70]  }
0x733: {  	[tilespmem:s19+$0x1860] =	vst.add.f32.msk $0xffff, v5  }
0x734: {  	v5 =	vld [tilespmem:s1+$0x70]  }
0x735: {  	[tilespmem:s2+$0x1860] =	vst.add.f32.msk $0xffff, v6  }
0x736: {  	s15 =	sadd.s32 $0x1, s15;
	v6 =	vld [tilespmem:s29+$0x70]  }
0x737: {  	p0 =	sne.s32 s15, $0x7  }
.Ltmp3:
0x738: {  	[tilespmem:s11+$0x1870] =	vst.add.f32.msk $0xffff, v3;
	(pc) =	sbr.rel @p0 .LBB2_4-.Ltmp3, $4  }
0x739: {  	[tilespmem:s18+$0x1870] =	vst.add.f32.msk $0xffff, v4  }
0x73a: {  	s31 =	rddreg [dreg:$0x3];
	[tilespmem:s19+$0x1870] =	vst.add.f32.msk $0xffff, v5  }
0x73b: {  	s30 =	simm.s32 $0x400;
	s28 =	simm.s32 $0x0;
	s0 =	sadd.s32 s31, s10;
	[tilespmem:s2+$0x1870] =	vst.add.f32.msk $0xffff, v6  }
0x73c: {  	[hbm4b:s0+s28] =	stream.linear.scatter [tilespmem:s30], [sflag:$0x5], $0x6000, $0x38;
	[tilespmem:$0x18400] =	vst v63  }
0x73d: {  	s1 =	simm.s32 $0x2  }
0x73e: {  	s0 =	simm.s32 $0x0;
	_ =	swait.ge [sflag:s1], $0x6000  }
0x73f: {  	s0 =	smul.u32 $0x3000, s0;
	[sflag:s1] =	ssyncset.done $0x0  }
0x740: {  	s5 =	simm.s32 $0x4;
	[sflag:s1] =	ssyncadd.s32 $0xFFFFA000  }
0x741: {  	s2 =	simm.s32 $0x0;
	s4 =	sshra.s32 s0, $0x2;
	_ =	swait.ge [sflag:s5], $0x6000  }
0x742: {  	s21 =	sand.u32 $0x300, s2;
	s0 =	sadd.s32 $0x12400, s4;
	[sflag:s5] =	ssyncset.done $0x0  }
0x743: {  	s22 =	sor.u32 s21, s0;
	[sflag:s5] =	ssyncadd.s32 $0xFFFFA000  }
0x744: {  	s8 =	simm.s32 $0x0;
	v3 =	vld [tilespmem:s22+$0x0]  }
0x745: {  	s8 =	smul.u32 $0x6000, s8;
	_ =	sdelay $0x1  }
0x746: {  	s2 =	sand.u32 $0x380, s2;
	s8 =	sshra.s32 s8, $0x2  }
0x747: {  	s10 =	sor.u32 s2, s8  }
0x748: {  	[tilespmem:s10+$0x6400] =	vst.add.f32.msk $0xffff, v3  }
0x749: {  	v3 =	vld [tilespmem:s22+$0x10];
	_ =	sdelay $0x4  }
0x74a: {  	[tilespmem:s10+$0x6410] =	vst.add.f32.msk $0xffff, v3  }
0x74b: {  	v3 =	vld [tilespmem:s22+$0x20];
	_ =	sdelay $0x4  }
0x74c: {  	[tilespmem:s10+$0x6420] =	vst.add.f32.msk $0xffff, v3  }
0x74d: {  	v3 =	vld [tilespmem:s22+$0x30];
	_ =	sdelay $0x4  }
0x74e: {  	[tilespmem:s10+$0x6430] =	vst.add.f32.msk $0xffff, v3  }
0x74f: {  	v3 =	vld [tilespmem:s22+$0x40];
	_ =	sdelay $0x4  }
0x750: {  	[tilespmem:s10+$0x6440] =	vst.add.f32.msk $0xffff, v3  }
0x751: {  	v3 =	vld [tilespmem:s22+$0x50];
	_ =	sdelay $0x4  }
0x752: {  	[tilespmem:s10+$0x6450] =	vst.add.f32.msk $0xffff, v3  }
0x753: {  	v3 =	vld [tilespmem:s22+$0x60];
	_ =	sdelay $0x4  }
0x754: {  	[tilespmem:s10+$0x6460] =	vst.add.f32.msk $0xffff, v3  }
0x755: {  	v3 =	vld [tilespmem:s22+$0x70];
	_ =	sdelay $0x3  }
0x756: {  	s5 =	sadd.s32 $0x12800, s4  }
0x757: {  	s23 =	sor.u32 s21, s5;
	[tilespmem:s10+$0x6470] =	vst.add.f32.msk $0xffff, v3  }
0x758: {  	v3 =	vld [tilespmem:s23+$0x0];
	_ =	sdelay $0x4  }
0x759: {  	[tilespmem:s10+$0x6800] =	vst.add.f32.msk $0xffff, v3  }
0x75a: {  	v3 =	vld [tilespmem:s23+$0x10];
	_ =	sdelay $0x4  }
0x75b: {  	[tilespmem:s10+$0x6810] =	vst.add.f32.msk $0xffff, v3  }
0x75c: {  	v3 =	vld [tilespmem:s23+$0x20];
	_ =	sdelay $0x4  }
0x75d: {  	[tilespmem:s10+$0x6820] =	vst.add.f32.msk $0xffff, v3  }
0x75e: {  	v3 =	vld [tilespmem:s23+$0x30];
	_ =	sdelay $0x4  }
0x75f: {  	[tilespmem:s10+$0x6830] =	vst.add.f32.msk $0xffff, v3  }
0x760: {  	v3 =	vld [tilespmem:s23+$0x40];
	_ =	sdelay $0x4  }
0x761: {  	[tilespmem:s10+$0x6840] =	vst.add.f32.msk $0xffff, v3  }
0x762: {  	v3 =	vld [tilespmem:s23+$0x50];
	_ =	sdelay $0x4  }
0x763: {  	[tilespmem:s10+$0x6850] =	vst.add.f32.msk $0xffff, v3  }
0x764: {  	v3 =	vld [tilespmem:s23+$0x60];
	_ =	sdelay $0x1  }
0x765: {  	s24 =	simm.s32 $0x0  }
0x766: {  	s8 =	smul.u32 $0x3000, s24;
	_ =	sdelay $0x1  }
0x767: {  	s25 =	simm.s32 $0x100;
	s14 =	sshra.s32 s8, $0x2;
	[tilespmem:s10+$0x6860] =	vst.add.f32.msk $0xffff, v3  }
0x768: {  	s8 =	sand.u32 $0x300, s25;
	s2 =	sadd.s32 $0x12400, s14;
	v3 =	vld [tilespmem:s23+$0x70]  }
0x769: {  	s13 =	sor.u32 s8, s2  }
0x76a: {  	s11 =	simm.s32 $0x0;
	v4 =	vld [tilespmem:s13+$0x0]  }
0x76b: {  	s11 =	smul.u32 $0x6000, s11  }
0x76c: {  	s16 =	simm.s32 $0x80;
	s4 =	sadd.s32 $0x12C00, s4  }
0x76d: {  	s16 =	sand.u32 $0x380, s16;
	s11 =	sshra.s32 s11, $0x2;
	s15 =	sor.u32 s21, s4;
	[tilespmem:s10+$0x6870] =	vst.add.f32.msk $0xffff, v3  }
0x76e: {  	s11 =	sor.u32 s16, s11;
	v3 =	vld [tilespmem:s15+$0x0]  }
0x76f: {  	[tilespmem:s11+$0x6400] =	vst.add.f32.msk $0xffff, v4  }
0x770: {  	v4 =	vld [tilespmem:s13+$0x10];
	_ =	sdelay $0x2  }
0x771: {  	[tilespmem:s10+$0x6C00] =	vst.add.f32.msk $0xffff, v3  }
0x772: {  	v3 =	vld [tilespmem:s15+$0x10]  }
0x773: {  	[tilespmem:s11+$0x6410] =	vst.add.f32.msk $0xffff, v4  }
0x774: {  	v4 =	vld [tilespmem:s13+$0x20];
	_ =	sdelay $0x2  }
0x775: {  	[tilespmem:s10+$0x6C10] =	vst.add.f32.msk $0xffff, v3  }
0x776: {  	v3 =	vld [tilespmem:s15+$0x20]  }
0x777: {  	[tilespmem:s11+$0x6420] =	vst.add.f32.msk $0xffff, v4  }
0x778: {  	v4 =	vld [tilespmem:s13+$0x30];
	_ =	sdelay $0x2  }
0x779: {  	[tilespmem:s10+$0x6C20] =	vst.add.f32.msk $0xffff, v3  }
0x77a: {  	v3 =	vld [tilespmem:s15+$0x30]  }
0x77b: {  	[tilespmem:s11+$0x6430] =	vst.add.f32.msk $0xffff, v4  }
0x77c: {  	v4 =	vld [tilespmem:s13+$0x40];
	_ =	sdelay $0x2  }
0x77d: {  	[tilespmem:s10+$0x6C30] =	vst.add.f32.msk $0xffff, v3  }
0x77e: {  	v3 =	vld [tilespmem:s15+$0x40]  }
0x77f: {  	[tilespmem:s11+$0x6440] =	vst.add.f32.msk $0xffff, v4  }
0x780: {  	v4 =	vld [tilespmem:s13+$0x50];
	_ =	sdelay $0x2  }
0x781: {  	[tilespmem:s10+$0x6C40] =	vst.add.f32.msk $0xffff, v3  }
0x782: {  	v3 =	vld [tilespmem:s15+$0x50]  }
0x783: {  	[tilespmem:s11+$0x6450] =	vst.add.f32.msk $0xffff, v4  }
0x784: {  	v4 =	vld [tilespmem:s13+$0x60];
	_ =	sdelay $0x2  }
0x785: {  	[tilespmem:s10+$0x6C50] =	vst.add.f32.msk $0xffff, v3  }
0x786: {  	v3 =	vld [tilespmem:s15+$0x60]  }
0x787: {  	[tilespmem:s11+$0x6460] =	vst.add.f32.msk $0xffff, v4  }
0x788: {  	v4 =	vld [tilespmem:s13+$0x70];
	_ =	sdelay $0x2  }
0x789: {  	[tilespmem:s10+$0x6C60] =	vst.add.f32.msk $0xffff, v3  }
0x78a: {  	s18 =	sadd.s32 $0x12800, s14;
	v3 =	vld [tilespmem:s15+$0x70]  }
0x78b: {  	s26 =	sor.u32 s8, s18;
	[tilespmem:s11+$0x6470] =	vst.add.f32.msk $0xffff, v4  }
0x78c: {  	v4 =	vld [tilespmem:s26+$0x0];
	_ =	sdelay $0x1  }
0x78d: {  	s29 =	sor.u32 $0x80, s21  }
0x78e: {  	s0 =	sor.u32 s29, s0;
	[tilespmem:s10+$0x6C70] =	vst.add.f32.msk $0xffff, v3  }
0x78f: {  	v3 =	vld [tilespmem:s0+$0x0]  }
0x790: {  	[tilespmem:s11+$0x6800] =	vst.add.f32.msk $0xffff, v4  }
0x791: {  	v4 =	vld [tilespmem:s26+$0x10];
	_ =	sdelay $0x2  }
0x792: {  	[tilespmem:s10+$0x7000] =	vst.add.f32.msk $0xffff, v3  }
0x793: {  	v3 =	vld [tilespmem:s0+$0x10]  }
0x794: {  	[tilespmem:s11+$0x6810] =	vst.add.f32.msk $0xffff, v4  }
0x795: {  	v4 =	vld [tilespmem:s26+$0x20];
	_ =	sdelay $0x2  }
0x796: {  	[tilespmem:s10+$0x7010] =	vst.add.f32.msk $0xffff, v3  }
0x797: {  	v3 =	vld [tilespmem:s0+$0x20]  }
0x798: {  	[tilespmem:s11+$0x6820] =	vst.add.f32.msk $0xffff, v4  }
0x799: {  	v4 =	vld [tilespmem:s26+$0x30];
	_ =	sdelay $0x2  }
0x79a: {  	[tilespmem:s10+$0x7020] =	vst.add.f32.msk $0xffff, v3  }
0x79b: {  	v3 =	vld [tilespmem:s0+$0x30]  }
0x79c: {  	[tilespmem:s11+$0x6830] =	vst.add.f32.msk $0xffff, v4  }
0x79d: {  	v4 =	vld [tilespmem:s26+$0x40];
	_ =	sdelay $0x2  }
0x79e: {  	[tilespmem:s10+$0x7030] =	vst.add.f32.msk $0xffff, v3  }
0x79f: {  	v3 =	vld [tilespmem:s0+$0x40]  }
0x7a0: {  	[tilespmem:s11+$0x6840] =	vst.add.f32.msk $0xffff, v4  }
0x7a1: {  	v4 =	vld [tilespmem:s26+$0x50];
	_ =	sdelay $0x2  }
0x7a2: {  	[tilespmem:s10+$0x7040] =	vst.add.f32.msk $0xffff, v3  }
0x7a3: {  	v3 =	vld [tilespmem:s0+$0x50]  }
0x7a4: {  	[tilespmem:s11+$0x6850] =	vst.add.f32.msk $0xffff, v4  }
0x7a5: {  	v4 =	vld [tilespmem:s26+$0x60];
	_ =	sdelay $0x1  }
0x7a6: {  	s31 =	simm.s32 $0x0  }
0x7a7: {  	s1 =	smul.u32 $0x3000, s31;
	[tilespmem:s10+$0x7050] =	vst.add.f32.msk $0xffff, v3  }
0x7a8: {  	v3 =	vld [tilespmem:s0+$0x60]  }
0x7a9: {  	s22 =	sshra.s32 s1, $0x2;
	[tilespmem:s11+$0x6860] =	vst.add.f32.msk $0xffff, v4;
	s15 =	simm.s32 $0x200  }
0x7aa: {  	s20 =	sadd.s32 $0x12400, s22;
	v4 =	vld [tilespmem:s26+$0x70];
	s21 =	sand.u32 $0x300, s15  }
0x7ab: {  	s16 =	sor.u32 s21, s20  }
0x7ac: {  	s17 =	simm.s32 $0x0;
	v5 =	vld [tilespmem:s16+$0x0]  }
0x7ad: {  	s1 =	smul.u32 $0x6000, s17;
	[tilespmem:s10+$0x7060] =	vst.add.f32.msk $0xffff, v3  }
0x7ae: {  	s23 =	simm.s32 $0x100;
	s15 =	sadd.s32 $0x12C00, s14;
	v3 =	vld [tilespmem:s0+$0x70]  }
0x7af: {  	s1 =	sshra.s32 s1, $0x2;
	s24 =	sand.u32 $0x380, s23;
	[tilespmem:s11+$0x6870] =	vst.add.f32.msk $0xffff, v4;
	s19 =	sor.u32 s8, s15  }
0x7b0: {  	s14 =	sor.u32 s24, s1;
	v4 =	vld [tilespmem:s19+$0x0]  }
0x7b1: {  	[tilespmem:s14+$0x6400] =	vst.add.f32.msk $0xffff, v5  }
0x7b2: {  	v5 =	vld [tilespmem:s16+$0x10]  }
0x7b3: {  	s5 =	sor.u32 s29, s5;
	[tilespmem:s10+$0x7070] =	vst.add.f32.msk $0xffff, v3  }
0x7b4: {  	v3 =	vld [tilespmem:s5+$0x0]  }
0x7b5: {  	[tilespmem:s11+$0x6C00] =	vst.add.f32.msk $0xffff, v4  }
0x7b6: {  	v4 =	vld [tilespmem:s19+$0x10]  }
0x7b7: {  	[tilespmem:s14+$0x6410] =	vst.add.f32.msk $0xffff, v5  }
0x7b8: {  	v5 =	vld [tilespmem:s16+$0x20]  }
0x7b9: {  	[tilespmem:s10+$0x7400] =	vst.add.f32.msk $0xffff, v3  }
0x7ba: {  	v3 =	vld [tilespmem:s5+$0x10]  }
0x7bb: {  	[tilespmem:s11+$0x6C10] =	vst.add.f32.msk $0xffff, v4  }
0x7bc: {  	v4 =	vld [tilespmem:s19+$0x20]  }
0x7bd: {  	[tilespmem:s14+$0x6420] =	vst.add.f32.msk $0xffff, v5  }
0x7be: {  	v5 =	vld [tilespmem:s16+$0x30]  }
0x7bf: {  	[tilespmem:s10+$0x7410] =	vst.add.f32.msk $0xffff, v3  }
0x7c0: {  	v3 =	vld [tilespmem:s5+$0x20]  }
0x7c1: {  	[tilespmem:s11+$0x6C20] =	vst.add.f32.msk $0xffff, v4  }
0x7c2: {  	v4 =	vld [tilespmem:s19+$0x30]  }
0x7c3: {  	[tilespmem:s14+$0x6430] =	vst.add.f32.msk $0xffff, v5  }
0x7c4: {  	v5 =	vld [tilespmem:s16+$0x40]  }
0x7c5: {  	[tilespmem:s10+$0x7420] =	vst.add.f32.msk $0xffff, v3  }
0x7c6: {  	v3 =	vld [tilespmem:s5+$0x30]  }
0x7c7: {  	[tilespmem:s11+$0x6C30] =	vst.add.f32.msk $0xffff, v4  }
0x7c8: {  	v4 =	vld [tilespmem:s19+$0x40]  }
0x7c9: {  	[tilespmem:s14+$0x6440] =	vst.add.f32.msk $0xffff, v5  }
0x7ca: {  	v5 =	vld [tilespmem:s16+$0x50]  }
0x7cb: {  	[tilespmem:s10+$0x7430] =	vst.add.f32.msk $0xffff, v3  }
0x7cc: {  	v3 =	vld [tilespmem:s5+$0x40]  }
0x7cd: {  	[tilespmem:s11+$0x6C40] =	vst.add.f32.msk $0xffff, v4  }
0x7ce: {  	v4 =	vld [tilespmem:s19+$0x50]  }
0x7cf: {  	[tilespmem:s14+$0x6450] =	vst.add.f32.msk $0xffff, v5  }
0x7d0: {  	v5 =	vld [tilespmem:s16+$0x60]  }
0x7d1: {  	[tilespmem:s10+$0x7440] =	vst.add.f32.msk $0xffff, v3  }
0x7d2: {  	v3 =	vld [tilespmem:s5+$0x50]  }
0x7d3: {  	[tilespmem:s11+$0x6C50] =	vst.add.f32.msk $0xffff, v4  }
0x7d4: {  	v4 =	vld [tilespmem:s19+$0x60]  }
0x7d5: {  	[tilespmem:s14+$0x6460] =	vst.add.f32.msk $0xffff, v5  }
0x7d6: {  	v5 =	vld [tilespmem:s16+$0x70]  }
0x7d7: {  	[tilespmem:s10+$0x7450] =	vst.add.f32.msk $0xffff, v3  }
0x7d8: {  	v3 =	vld [tilespmem:s5+$0x60]  }
0x7d9: {  	[tilespmem:s11+$0x6C60] =	vst.add.f32.msk $0xffff, v4  }
0x7da: {  	s24 =	sadd.s32 $0x12800, s22;
	v4 =	vld [tilespmem:s19+$0x70]  }
0x7db: {  	s25 =	sor.u32 s21, s24;
	[tilespmem:s14+$0x6470] =	vst.add.f32.msk $0xffff, v5  }
0x7dc: {  	v5 =	vld [tilespmem:s25+$0x0]  }
0x7dd: {  	[tilespmem:s10+$0x7460] =	vst.add.f32.msk $0xffff, v3  }
0x7de: {  	s19 =	sor.u32 $0x80, s8;
	v3 =	vld [tilespmem:s5+$0x70]  }
0x7df: {  	s26 =	sor.u32 s19, s2;
	[tilespmem:s11+$0x6C70] =	vst.add.f32.msk $0xffff, v4  }
0x7e0: {  	v4 =	vld [tilespmem:s26+$0x0]  }
0x7e1: {  	[tilespmem:s14+$0x6800] =	vst.add.f32.msk $0xffff, v5  }
0x7e2: {  	v5 =	vld [tilespmem:s25+$0x10]  }
0x7e3: {  	s29 =	sor.u32 s29, s4;
	[tilespmem:s10+$0x7470] =	vst.add.f32.msk $0xffff, v3  }
0x7e4: {  	v3 =	vld [tilespmem:s29+$0x0]  }
0x7e5: {  	[tilespmem:s11+$0x7000] =	vst.add.f32.msk $0xffff, v4  }
0x7e6: {  	v4 =	vld [tilespmem:s26+$0x10]  }
0x7e7: {  	[tilespmem:s14+$0x6810] =	vst.add.f32.msk $0xffff, v5  }
0x7e8: {  	v5 =	vld [tilespmem:s25+$0x20]  }
0x7e9: {  	[tilespmem:s10+$0x7800] =	vst.add.f32.msk $0xffff, v3  }
0x7ea: {  	v3 =	vld [tilespmem:s29+$0x10]  }
0x7eb: {  	[tilespmem:s11+$0x7010] =	vst.add.f32.msk $0xffff, v4  }
0x7ec: {  	v4 =	vld [tilespmem:s26+$0x20]  }
0x7ed: {  	[tilespmem:s14+$0x6820] =	vst.add.f32.msk $0xffff, v5  }
0x7ee: {  	v5 =	vld [tilespmem:s25+$0x30]  }
0x7ef: {  	[tilespmem:s10+$0x7810] =	vst.add.f32.msk $0xffff, v3  }
0x7f0: {  	v3 =	vld [tilespmem:s29+$0x20]  }
0x7f1: {  	[tilespmem:s11+$0x7020] =	vst.add.f32.msk $0xffff, v4  }
0x7f2: {  	v4 =	vld [tilespmem:s26+$0x30]  }
0x7f3: {  	[tilespmem:s14+$0x6830] =	vst.add.f32.msk $0xffff, v5  }
0x7f4: {  	v5 =	vld [tilespmem:s25+$0x40]  }
0x7f5: {  	[tilespmem:s10+$0x7820] =	vst.add.f32.msk $0xffff, v3  }
0x7f6: {  	v3 =	vld [tilespmem:s29+$0x30]  }
0x7f7: {  	[tilespmem:s11+$0x7030] =	vst.add.f32.msk $0xffff, v4  }
0x7f8: {  	v4 =	vld [tilespmem:s26+$0x40]  }
0x7f9: {  	[tilespmem:s14+$0x6840] =	vst.add.f32.msk $0xffff, v5  }
0x7fa: {  	v5 =	vld [tilespmem:s25+$0x50]  }
0x7fb: {  	[tilespmem:s10+$0x7830] =	vst.add.f32.msk $0xffff, v3  }
0x7fc: {  	v3 =	vld [tilespmem:s29+$0x40]  }
0x7fd: {  	[tilespmem:s11+$0x7040] =	vst.add.f32.msk $0xffff, v4  }
0x7fe: {  	v4 =	vld [tilespmem:s26+$0x50];
	_ =	sdelay $0x1  }
0x7ff: {  	[tilespmem:s14+$0x6850] =	vst.add.f32.msk $0xffff, v5  }
0x800: {  	[tilespmem:s10+$0x7840] =	vst.add.f32.msk $0xffff, v3  }
0x801: {  	v3 =	vld [tilespmem:s29+$0x50]  }
0x802: {  	[tilespmem:s11+$0x7050] =	vst.add.f32.msk $0xffff, v4  }
0x803: {  	v5 =	vld [tilespmem:s25+$0x60]  }
0x804: {  	v4 =	vld [tilespmem:s26+$0x60];
	_ =	sdelay $0x1  }
0x805: {  	[tilespmem:s10+$0x7850] =	vst.add.f32.msk $0xffff, v3  }
0x806: {  	v3 =	vld [tilespmem:s29+$0x60]  }
0x807: {  	s31 =	simm.s32 $0x0;
	[tilespmem:s14+$0x6860] =	vst.add.f32.msk $0xffff, v5  }
0x808: {  	s1 =	smul.u32 $0x3000, s31;
	[tilespmem:s11+$0x7060] =	vst.add.f32.msk $0xffff, v4  }
0x809: {  	v5 =	vld [tilespmem:s25+$0x70]  }
0x80a: {  	s1 =	sshra.s32 s1, $0x2;
	s2 =	simm.s32 $0x300;
	v4 =	vld [tilespmem:s26+$0x70]  }
0x80b: {  	s13 =	sadd.s32 $0x12400, s1;
	s25 =	sand.u32 $0x300, s2;
	[tilespmem:s10+$0x7860] =	vst.add.f32.msk $0xffff, v3  }
0x80c: {  	s4 =	simm.s32 $0x3;
	s8 =	simm.s32 $0x4;
	s5 =	sor.u32 s25, s13;
	v3 =	vld [tilespmem:s29+$0x70]  }
.LBB2_10:
0x80d: {  	p0 =	sne.s32 s8, $0x1F;
	v6 =	vld [tilespmem:s5+$0x0];
	s26 =	sadd.s32 $0x12C00, s22;
	s22 =	smov.u32 s1  }
0x80e: {  	s1 =	sshrl.u32 s4, $0x3;
	s4 =	smov.u32 s8;
	[tilespmem:s14+$0x6870] =	vst.add.f32.msk $0xffff, v5;
	s0 =	sor.u32 s21, s26  }
0x80f: {  	s1 =	smul.u32 $0x6000, s1;
	v5 =	vld [tilespmem:s0+$0x0]  }
0x810: {  	s23 =	sadd.s32 $0x80, s23;
	[tilespmem:s11+$0x7070] =	vst.add.f32.msk $0xffff, v4  }
0x811: {  	s16 =	sand.u32 $0x380, s23;
	s17 =	sshra.s32 s1, $0x2;
	s1 =	sor.u32 s19, s18;
	[tilespmem:s10+$0x7870] =	vst.add.f32.msk $0xffff, v3  }
0x812: {  	s10 =	smov.u32 s11;
	s11 =	smov.u32 s14;
	s14 =	sor.u32 s16, s17;
	v3 =	vld [tilespmem:s1+$0x0]  }
0x813: {  	s18 =	smov.u32 s24;
	[tilespmem:s14+$0x6400] =	vst.add.f32.msk $0xffff, v6  }
0x814: {  	v4 =	vld [tilespmem:s5+$0x10]  }
0x815: {  	[tilespmem:s11+$0x6C00] =	vst.add.f32.msk $0xffff, v5  }
0x816: {  	v5 =	vld [tilespmem:s0+$0x10]  }
0x817: {  	[tilespmem:s10+$0x7400] =	vst.add.f32.msk $0xffff, v3  }
0x818: {  	v3 =	vld [tilespmem:s1+$0x10]  }
0x819: {  	[tilespmem:s14+$0x6410] =	vst.add.f32.msk $0xffff, v4  }
0x81a: {  	v4 =	vld [tilespmem:s5+$0x20]  }
0x81b: {  	[tilespmem:s11+$0x6C10] =	vst.add.f32.msk $0xffff, v5  }
0x81c: {  	v5 =	vld [tilespmem:s0+$0x20]  }
0x81d: {  	[tilespmem:s10+$0x7410] =	vst.add.f32.msk $0xffff, v3  }
0x81e: {  	v3 =	vld [tilespmem:s1+$0x20]  }
0x81f: {  	[tilespmem:s14+$0x6420] =	vst.add.f32.msk $0xffff, v4  }
0x820: {  	v4 =	vld [tilespmem:s5+$0x30]  }
0x821: {  	[tilespmem:s11+$0x6C20] =	vst.add.f32.msk $0xffff, v5  }
0x822: {  	v5 =	vld [tilespmem:s0+$0x30]  }
0x823: {  	[tilespmem:s10+$0x7420] =	vst.add.f32.msk $0xffff, v3  }
0x824: {  	v3 =	vld [tilespmem:s1+$0x30]  }
0x825: {  	[tilespmem:s14+$0x6430] =	vst.add.f32.msk $0xffff, v4  }
0x826: {  	v4 =	vld [tilespmem:s5+$0x40]  }
0x827: {  	[tilespmem:s11+$0x6C30] =	vst.add.f32.msk $0xffff, v5  }
0x828: {  	v5 =	vld [tilespmem:s0+$0x40]  }
0x829: {  	[tilespmem:s10+$0x7430] =	vst.add.f32.msk $0xffff, v3  }
0x82a: {  	v3 =	vld [tilespmem:s1+$0x40]  }
0x82b: {  	[tilespmem:s14+$0x6440] =	vst.add.f32.msk $0xffff, v4  }
0x82c: {  	v4 =	vld [tilespmem:s5+$0x50]  }
0x82d: {  	[tilespmem:s11+$0x6C40] =	vst.add.f32.msk $0xffff, v5  }
0x82e: {  	v5 =	vld [tilespmem:s0+$0x50]  }
0x82f: {  	[tilespmem:s10+$0x7440] =	vst.add.f32.msk $0xffff, v3  }
0x830: {  	v3 =	vld [tilespmem:s1+$0x50]  }
0x831: {  	[tilespmem:s14+$0x6450] =	vst.add.f32.msk $0xffff, v4  }
0x832: {  	v4 =	vld [tilespmem:s5+$0x60]  }
0x833: {  	[tilespmem:s11+$0x6C50] =	vst.add.f32.msk $0xffff, v5  }
0x834: {  	v5 =	vld [tilespmem:s0+$0x60]  }
0x835: {  	[tilespmem:s10+$0x7450] =	vst.add.f32.msk $0xffff, v3  }
0x836: {  	v3 =	vld [tilespmem:s1+$0x60]  }
0x837: {  	[tilespmem:s14+$0x6460] =	vst.add.f32.msk $0xffff, v4  }
0x838: {  	v4 =	vld [tilespmem:s5+$0x70]  }
0x839: {  	[tilespmem:s11+$0x6C60] =	vst.add.f32.msk $0xffff, v5  }
0x83a: {  	v5 =	vld [tilespmem:s0+$0x70]  }
0x83b: {  	[tilespmem:s10+$0x7460] =	vst.add.f32.msk $0xffff, v3  }
0x83c: {  	s24 =	sadd.s32 $0x12800, s22;
	v3 =	vld [tilespmem:s1+$0x70]  }
0x83d: {  	s5 =	sor.u32 s25, s24;
	[tilespmem:s14+$0x6470] =	vst.add.f32.msk $0xffff, v4  }
0x83e: {  	s1 =	sor.u32 $0x80, s21;
	s21 =	smov.u32 s25;
	v4 =	vld [tilespmem:s5+$0x0]  }
0x83f: {  	s25 =	sor.u32 s1, s20;
	s20 =	smov.u32 s13;
	[tilespmem:s11+$0x6C70] =	vst.add.f32.msk $0xffff, v5  }
0x840: {  	v5 =	vld [tilespmem:s25+$0x0]  }
0x841: {  	s0 =	sor.u32 s19, s15;
	s15 =	smov.u32 s26;
	s19 =	smov.u32 s1;
	[tilespmem:s10+$0x7470] =	vst.add.f32.msk $0xffff, v3  }
0x842: {  	v3 =	vld [tilespmem:s0+$0x0]  }
0x843: {  	[tilespmem:s14+$0x6800] =	vst.add.f32.msk $0xffff, v4  }
0x844: {  	v4 =	vld [tilespmem:s5+$0x10]  }
0x845: {  	[tilespmem:s11+$0x7000] =	vst.add.f32.msk $0xffff, v5  }
0x846: {  	v5 =	vld [tilespmem:s25+$0x10]  }
0x847: {  	[tilespmem:s10+$0x7800] =	vst.add.f32.msk $0xffff, v3  }
0x848: {  	v3 =	vld [tilespmem:s0+$0x10]  }
0x849: {  	[tilespmem:s14+$0x6810] =	vst.add.f32.msk $0xffff, v4  }
0x84a: {  	v4 =	vld [tilespmem:s5+$0x20]  }
0x84b: {  	[tilespmem:s11+$0x7010] =	vst.add.f32.msk $0xffff, v5  }
0x84c: {  	v5 =	vld [tilespmem:s25+$0x20]  }
0x84d: {  	[tilespmem:s10+$0x7810] =	vst.add.f32.msk $0xffff, v3  }
0x84e: {  	v3 =	vld [tilespmem:s0+$0x20]  }
0x84f: {  	[tilespmem:s14+$0x6820] =	vst.add.f32.msk $0xffff, v4  }
0x850: {  	v4 =	vld [tilespmem:s5+$0x30]  }
0x851: {  	[tilespmem:s11+$0x7020] =	vst.add.f32.msk $0xffff, v5  }
0x852: {  	v5 =	vld [tilespmem:s25+$0x30]  }
0x853: {  	[tilespmem:s10+$0x7820] =	vst.add.f32.msk $0xffff, v3  }
0x854: {  	v3 =	vld [tilespmem:s0+$0x30]  }
0x855: {  	[tilespmem:s14+$0x6830] =	vst.add.f32.msk $0xffff, v4  }
0x856: {  	v4 =	vld [tilespmem:s5+$0x40]  }
0x857: {  	[tilespmem:s11+$0x7030] =	vst.add.f32.msk $0xffff, v5  }
0x858: {  	v5 =	vld [tilespmem:s25+$0x40]  }
0x859: {  	[tilespmem:s10+$0x7830] =	vst.add.f32.msk $0xffff, v3  }
0x85a: {  	v3 =	vld [tilespmem:s0+$0x40]  }
0x85b: {  	[tilespmem:s14+$0x6840] =	vst.add.f32.msk $0xffff, v4  }
0x85c: {  	v4 =	vld [tilespmem:s5+$0x50]  }
0x85d: {  	[tilespmem:s11+$0x7040] =	vst.add.f32.msk $0xffff, v5  }
0x85e: {  	v5 =	vld [tilespmem:s25+$0x50]  }
0x85f: {  	[tilespmem:s10+$0x7840] =	vst.add.f32.msk $0xffff, v3  }
0x860: {  	v3 =	vld [tilespmem:s0+$0x50]  }
0x861: {  	[tilespmem:s14+$0x6850] =	vst.add.f32.msk $0xffff, v4  }
0x862: {  	v4 =	vld [tilespmem:s5+$0x60]  }
0x863: {  	[tilespmem:s11+$0x7050] =	vst.add.f32.msk $0xffff, v5  }
0x864: {  	v6 =	vld [tilespmem:s25+$0x60]  }
0x865: {  	[tilespmem:s10+$0x7850] =	vst.add.f32.msk $0xffff, v3  }
0x866: {  	s1 =	sshrl.u32 s8, $0x2;
	v3 =	vld [tilespmem:s0+$0x60]  }
0x867: {  	s1 =	smul.u32 $0x3000, s1;
	[tilespmem:s14+$0x6860] =	vst.add.f32.msk $0xffff, v4  }
.Ltmp4:
0x868: {  	v5 =	vld [tilespmem:s5+$0x70];
	(pc) =	sbr.rel @p0 .LBB2_10-.Ltmp4, $4  }
0x869: {  	[tilespmem:s11+$0x7060] =	vst.add.f32.msk $0xffff, v6  }
0x86a: {  	s2 =	sadd.s32 $0x100, s2;
	s1 =	sshra.s32 s1, $0x2;
	v4 =	vld [tilespmem:s25+$0x70]  }
0x86b: {  	s13 =	sadd.s32 $0x12400, s1;
	s25 =	sand.u32 $0x300, s2;
	[tilespmem:s10+$0x7860] =	vst.add.f32.msk $0xffff, v3  }
0x86c: {  	s8 =	sadd.s32 $0x1, s8;
	s5 =	sor.u32 s25, s13;
	v3 =	vld [tilespmem:s0+$0x70]  }
0x86d: {  	v6 =	vld [tilespmem:s5+$0x0];
	s0 =	sshrl.u32 s4, $0x3  }
0x86e: {  	s0 =	smul.u32 $0x6000, s0  }
0x86f: {  	s2 =	sadd.s32 $0x80, s23  }
0x870: {  	s2 =	sand.u32 $0x380, s2;
	s0 =	sshra.s32 s0, $0x2  }
0x871: {  	s2 =	sor.u32 s2, s0  }
0x872: {  	[tilespmem:s2+$0x6400] =	vst.add.f32.msk $0xffff, v6  }
0x873: {  	v6 =	vld [tilespmem:s5+$0x10];
	_ =	sdelay $0x4  }
0x874: {  	[tilespmem:s2+$0x6410] =	vst.add.f32.msk $0xffff, v6  }
0x875: {  	v6 =	vld [tilespmem:s5+$0x20];
	_ =	sdelay $0x4  }
0x876: {  	[tilespmem:s2+$0x6420] =	vst.add.f32.msk $0xffff, v6  }
0x877: {  	v6 =	vld [tilespmem:s5+$0x30];
	_ =	sdelay $0x4  }
0x878: {  	[tilespmem:s2+$0x6430] =	vst.add.f32.msk $0xffff, v6  }
0x879: {  	v6 =	vld [tilespmem:s5+$0x40];
	_ =	sdelay $0x4  }
0x87a: {  	[tilespmem:s2+$0x6440] =	vst.add.f32.msk $0xffff, v6  }
0x87b: {  	v6 =	vld [tilespmem:s5+$0x50];
	_ =	sdelay $0x4  }
0x87c: {  	[tilespmem:s2+$0x6450] =	vst.add.f32.msk $0xffff, v6  }
0x87d: {  	v6 =	vld [tilespmem:s5+$0x60];
	_ =	sdelay $0x4  }
0x87e: {  	[tilespmem:s2+$0x6460] =	vst.add.f32.msk $0xffff, v6  }
0x87f: {  	v6 =	vld [tilespmem:s5+$0x70];
	_ =	sdelay $0x3  }
0x880: {  	s23 =	sadd.s32 $0x12800, s1  }
0x881: {  	s26 =	sor.u32 s25, s23;
	[tilespmem:s2+$0x6470] =	vst.add.f32.msk $0xffff, v6  }
0x882: {  	v6 =	vld [tilespmem:s26+$0x0];
	_ =	sdelay $0x4  }
0x883: {  	[tilespmem:s2+$0x6800] =	vst.add.f32.msk $0xffff, v6  }
0x884: {  	v6 =	vld [tilespmem:s26+$0x10];
	_ =	sdelay $0x4  }
0x885: {  	[tilespmem:s2+$0x6810] =	vst.add.f32.msk $0xffff, v6  }
0x886: {  	v6 =	vld [tilespmem:s26+$0x20];
	_ =	sdelay $0x4  }
0x887: {  	[tilespmem:s2+$0x6820] =	vst.add.f32.msk $0xffff, v6  }
0x888: {  	v6 =	vld [tilespmem:s26+$0x30];
	_ =	sdelay $0x4  }
0x889: {  	[tilespmem:s2+$0x6830] =	vst.add.f32.msk $0xffff, v6  }
0x88a: {  	v6 =	vld [tilespmem:s26+$0x40];
	_ =	sdelay $0x4  }
0x88b: {  	[tilespmem:s2+$0x6840] =	vst.add.f32.msk $0xffff, v6  }
0x88c: {  	v6 =	vld [tilespmem:s26+$0x50];
	_ =	sdelay $0x4  }
0x88d: {  	[tilespmem:s2+$0x6850] =	vst.add.f32.msk $0xffff, v6  }
0x88e: {  	v6 =	vld [tilespmem:s26+$0x60];
	_ =	sdelay $0x4  }
0x88f: {  	[tilespmem:s2+$0x6860] =	vst.add.f32.msk $0xffff, v6  }
0x890: {  	v6 =	vld [tilespmem:s26+$0x70];
	_ =	sdelay $0x1  }
0x891: {  	s29 =	sadd.s32 $0x12C00, s22  }
0x892: {  	[tilespmem:s14+$0x6870] =	vst.add.f32.msk $0xffff, v5;
	s8 =	sor.u32 s21, s29  }
0x893: {  	s31 =	sadd.s32 $0x12C00, s1;
	v5 =	vld [tilespmem:s8+$0x0]  }
0x894: {  	s1 =	sor.u32 s25, s31;
	[tilespmem:s2+$0x6870] =	vst.add.f32.msk $0xffff, v6  }
0x895: {  	v6 =	vld [tilespmem:s1+$0x0];
	_ =	sdelay $0x2  }
0x896: {  	[tilespmem:s14+$0x6C00] =	vst.add.f32.msk $0xffff, v5  }
0x897: {  	v5 =	vld [tilespmem:s8+$0x10]  }
0x898: {  	[tilespmem:s2+$0x6C00] =	vst.add.f32.msk $0xffff, v6  }
0x899: {  	v6 =	vld [tilespmem:s1+$0x10];
	_ =	sdelay $0x2  }
0x89a: {  	[tilespmem:s14+$0x6C10] =	vst.add.f32.msk $0xffff, v5  }
0x89b: {  	v5 =	vld [tilespmem:s8+$0x20]  }
0x89c: {  	[tilespmem:s2+$0x6C10] =	vst.add.f32.msk $0xffff, v6  }
0x89d: {  	v6 =	vld [tilespmem:s1+$0x20];
	_ =	sdelay $0x2  }
0x89e: {  	[tilespmem:s14+$0x6C20] =	vst.add.f32.msk $0xffff, v5  }
0x89f: {  	v5 =	vld [tilespmem:s8+$0x30]  }
0x8a0: {  	[tilespmem:s2+$0x6C20] =	vst.add.f32.msk $0xffff, v6  }
0x8a1: {  	v6 =	vld [tilespmem:s1+$0x30];
	_ =	sdelay $0x2  }
0x8a2: {  	[tilespmem:s14+$0x6C30] =	vst.add.f32.msk $0xffff, v5  }
0x8a3: {  	v5 =	vld [tilespmem:s8+$0x40]  }
0x8a4: {  	[tilespmem:s2+$0x6C30] =	vst.add.f32.msk $0xffff, v6  }
0x8a5: {  	v6 =	vld [tilespmem:s1+$0x40];
	_ =	sdelay $0x2  }
0x8a6: {  	[tilespmem:s14+$0x6C40] =	vst.add.f32.msk $0xffff, v5  }
0x8a7: {  	v5 =	vld [tilespmem:s8+$0x50]  }
0x8a8: {  	[tilespmem:s2+$0x6C40] =	vst.add.f32.msk $0xffff, v6  }
0x8a9: {  	v6 =	vld [tilespmem:s1+$0x50];
	_ =	sdelay $0x2  }
0x8aa: {  	[tilespmem:s14+$0x6C50] =	vst.add.f32.msk $0xffff, v5  }
0x8ab: {  	v5 =	vld [tilespmem:s8+$0x60]  }
0x8ac: {  	[tilespmem:s2+$0x6C50] =	vst.add.f32.msk $0xffff, v6  }
0x8ad: {  	v6 =	vld [tilespmem:s1+$0x60];
	_ =	sdelay $0x2  }
0x8ae: {  	[tilespmem:s14+$0x6C60] =	vst.add.f32.msk $0xffff, v5  }
0x8af: {  	v5 =	vld [tilespmem:s8+$0x70]  }
0x8b0: {  	[tilespmem:s2+$0x6C60] =	vst.add.f32.msk $0xffff, v6  }
0x8b1: {  	v6 =	vld [tilespmem:s1+$0x70];
	_ =	sdelay $0x1  }
0x8b2: {  	s17 =	sor.u32 $0x80, s21  }
0x8b3: {  	s16 =	sor.u32 s17, s20;
	[tilespmem:s14+$0x6C70] =	vst.add.f32.msk $0xffff, v5  }
0x8b4: {  	s20 =	sor.u32 $0x80, s25;
	v5 =	vld [tilespmem:s16+$0x0]  }
0x8b5: {  	s13 =	sor.u32 s20, s13;
	[tilespmem:s2+$0x6C70] =	vst.add.f32.msk $0xffff, v6  }
0x8b6: {  	v6 =	vld [tilespmem:s13+$0x0];
	_ =	sdelay $0x2  }
0x8b7: {  	[tilespmem:s14+$0x7000] =	vst.add.f32.msk $0xffff, v5  }
0x8b8: {  	v5 =	vld [tilespmem:s16+$0x10]  }
0x8b9: {  	[tilespmem:s2+$0x7000] =	vst.add.f32.msk $0xffff, v6  }
0x8ba: {  	v6 =	vld [tilespmem:s13+$0x10];
	_ =	sdelay $0x2  }
0x8bb: {  	[tilespmem:s14+$0x7010] =	vst.add.f32.msk $0xffff, v5  }
0x8bc: {  	v5 =	vld [tilespmem:s16+$0x20]  }
0x8bd: {  	[tilespmem:s2+$0x7010] =	vst.add.f32.msk $0xffff, v6  }
0x8be: {  	v6 =	vld [tilespmem:s13+$0x20];
	_ =	sdelay $0x2  }
0x8bf: {  	[tilespmem:s14+$0x7020] =	vst.add.f32.msk $0xffff, v5  }
0x8c0: {  	v5 =	vld [tilespmem:s16+$0x30]  }
0x8c1: {  	[tilespmem:s2+$0x7020] =	vst.add.f32.msk $0xffff, v6  }
0x8c2: {  	v6 =	vld [tilespmem:s13+$0x30];
	_ =	sdelay $0x2  }
0x8c3: {  	[tilespmem:s14+$0x7030] =	vst.add.f32.msk $0xffff, v5  }
0x8c4: {  	v5 =	vld [tilespmem:s16+$0x40]  }
0x8c5: {  	[tilespmem:s2+$0x7030] =	vst.add.f32.msk $0xffff, v6  }
0x8c6: {  	v6 =	vld [tilespmem:s13+$0x40];
	_ =	sdelay $0x2  }
0x8c7: {  	[tilespmem:s14+$0x7040] =	vst.add.f32.msk $0xffff, v5  }
0x8c8: {  	v5 =	vld [tilespmem:s16+$0x50]  }
0x8c9: {  	[tilespmem:s2+$0x7040] =	vst.add.f32.msk $0xffff, v6  }
0x8ca: {  	v6 =	vld [tilespmem:s13+$0x50];
	_ =	sdelay $0x2  }
0x8cb: {  	[tilespmem:s14+$0x7050] =	vst.add.f32.msk $0xffff, v5  }
0x8cc: {  	v5 =	vld [tilespmem:s16+$0x60]  }
0x8cd: {  	[tilespmem:s2+$0x7050] =	vst.add.f32.msk $0xffff, v6  }
0x8ce: {  	v6 =	vld [tilespmem:s13+$0x60];
	_ =	sdelay $0x2  }
0x8cf: {  	[tilespmem:s14+$0x7060] =	vst.add.f32.msk $0xffff, v5  }
0x8d0: {  	v5 =	vld [tilespmem:s16+$0x70]  }
0x8d1: {  	[tilespmem:s2+$0x7060] =	vst.add.f32.msk $0xffff, v6  }
0x8d2: {  	v6 =	vld [tilespmem:s13+$0x70]  }
0x8d3: {  	s21 =	sor.u32 s19, s18;
	[tilespmem:s11+$0x7070] =	vst.add.f32.msk $0xffff, v4  }
0x8d4: {  	v4 =	vld [tilespmem:s21+$0x0]  }
0x8d5: {  	s22 =	sor.u32 s17, s24;
	[tilespmem:s14+$0x7070] =	vst.add.f32.msk $0xffff, v5  }
0x8d6: {  	v5 =	vld [tilespmem:s22+$0x0]  }
0x8d7: {  	s0 =	sor.u32 s20, s23;
	[tilespmem:s2+$0x7070] =	vst.add.f32.msk $0xffff, v6  }
0x8d8: {  	v6 =	vld [tilespmem:s0+$0x0]  }
0x8d9: {  	[tilespmem:s11+$0x7400] =	vst.add.f32.msk $0xffff, v4  }
0x8da: {  	v4 =	vld [tilespmem:s21+$0x10]  }
0x8db: {  	[tilespmem:s14+$0x7400] =	vst.add.f32.msk $0xffff, v5  }
0x8dc: {  	v5 =	vld [tilespmem:s22+$0x10]  }
0x8dd: {  	[tilespmem:s2+$0x7400] =	vst.add.f32.msk $0xffff, v6  }
0x8de: {  	v6 =	vld [tilespmem:s0+$0x10]  }
0x8df: {  	[tilespmem:s11+$0x7410] =	vst.add.f32.msk $0xffff, v4  }
0x8e0: {  	v4 =	vld [tilespmem:s21+$0x20]  }
0x8e1: {  	[tilespmem:s14+$0x7410] =	vst.add.f32.msk $0xffff, v5  }
0x8e2: {  	v5 =	vld [tilespmem:s22+$0x20]  }
0x8e3: {  	[tilespmem:s2+$0x7410] =	vst.add.f32.msk $0xffff, v6  }
0x8e4: {  	v6 =	vld [tilespmem:s0+$0x20]  }
0x8e5: {  	[tilespmem:s11+$0x7420] =	vst.add.f32.msk $0xffff, v4  }
0x8e6: {  	v4 =	vld [tilespmem:s21+$0x30]  }
0x8e7: {  	[tilespmem:s14+$0x7420] =	vst.add.f32.msk $0xffff, v5  }
0x8e8: {  	v5 =	vld [tilespmem:s22+$0x30]  }
0x8e9: {  	[tilespmem:s2+$0x7420] =	vst.add.f32.msk $0xffff, v6  }
0x8ea: {  	v6 =	vld [tilespmem:s0+$0x30]  }
0x8eb: {  	[tilespmem:s11+$0x7430] =	vst.add.f32.msk $0xffff, v4  }
0x8ec: {  	v4 =	vld [tilespmem:s21+$0x40]  }
0x8ed: {  	[tilespmem:s14+$0x7430] =	vst.add.f32.msk $0xffff, v5  }
0x8ee: {  	v5 =	vld [tilespmem:s22+$0x40]  }
0x8ef: {  	[tilespmem:s2+$0x7430] =	vst.add.f32.msk $0xffff, v6  }
0x8f0: {  	v6 =	vld [tilespmem:s0+$0x40]  }
0x8f1: {  	[tilespmem:s11+$0x7440] =	vst.add.f32.msk $0xffff, v4  }
0x8f2: {  	v4 =	vld [tilespmem:s21+$0x50]  }
0x8f3: {  	[tilespmem:s14+$0x7440] =	vst.add.f32.msk $0xffff, v5  }
0x8f4: {  	v5 =	vld [tilespmem:s22+$0x50]  }
0x8f5: {  	[tilespmem:s2+$0x7440] =	vst.add.f32.msk $0xffff, v6  }
0x8f6: {  	v6 =	vld [tilespmem:s0+$0x50]  }
0x8f7: {  	[tilespmem:s11+$0x7450] =	vst.add.f32.msk $0xffff, v4  }
0x8f8: {  	v4 =	vld [tilespmem:s21+$0x60]  }
0x8f9: {  	[tilespmem:s14+$0x7450] =	vst.add.f32.msk $0xffff, v5  }
0x8fa: {  	v5 =	vld [tilespmem:s22+$0x60]  }
0x8fb: {  	[tilespmem:s2+$0x7450] =	vst.add.f32.msk $0xffff, v6  }
0x8fc: {  	v6 =	vld [tilespmem:s0+$0x60]  }
0x8fd: {  	[tilespmem:s11+$0x7460] =	vst.add.f32.msk $0xffff, v4  }
0x8fe: {  	v4 =	vld [tilespmem:s21+$0x70]  }
0x8ff: {  	[tilespmem:s14+$0x7460] =	vst.add.f32.msk $0xffff, v5  }
0x900: {  	v5 =	vld [tilespmem:s22+$0x70]  }
0x901: {  	[tilespmem:s2+$0x7460] =	vst.add.f32.msk $0xffff, v6  }
0x902: {  	v6 =	vld [tilespmem:s0+$0x70]  }
0x903: {  	s23 =	sor.u32 s19, s15;
	[tilespmem:s11+$0x7470] =	vst.add.f32.msk $0xffff, v4  }
0x904: {  	v4 =	vld [tilespmem:s23+$0x0]  }
0x905: {  	s1 =	sor.u32 s17, s29;
	[tilespmem:s14+$0x7470] =	vst.add.f32.msk $0xffff, v5  }
0x906: {  	v5 =	vld [tilespmem:s1+$0x0]  }
0x907: {  	s24 =	sor.u32 s20, s31;
	[tilespmem:s2+$0x7470] =	vst.add.f32.msk $0xffff, v6  }
0x908: {  	v6 =	vld [tilespmem:s24+$0x0]  }
0x909: {  	[tilespmem:s11+$0x7800] =	vst.add.f32.msk $0xffff, v4  }
0x90a: {  	v4 =	vld [tilespmem:s23+$0x10]  }
0x90b: {  	[tilespmem:s14+$0x7800] =	vst.add.f32.msk $0xffff, v5  }
0x90c: {  	v5 =	vld [tilespmem:s1+$0x10]  }
0x90d: {  	[tilespmem:s2+$0x7800] =	vst.add.f32.msk $0xffff, v6  }
0x90e: {  	v6 =	vld [tilespmem:s24+$0x10]  }
0x90f: {  	[tilespmem:s11+$0x7810] =	vst.add.f32.msk $0xffff, v4  }
0x910: {  	v4 =	vld [tilespmem:s23+$0x20]  }
0x911: {  	[tilespmem:s14+$0x7810] =	vst.add.f32.msk $0xffff, v5  }
0x912: {  	v5 =	vld [tilespmem:s1+$0x20]  }
0x913: {  	[tilespmem:s2+$0x7810] =	vst.add.f32.msk $0xffff, v6  }
0x914: {  	v6 =	vld [tilespmem:s24+$0x20]  }
0x915: {  	[tilespmem:s11+$0x7820] =	vst.add.f32.msk $0xffff, v4  }
0x916: {  	v4 =	vld [tilespmem:s23+$0x30]  }
0x917: {  	[tilespmem:s14+$0x7820] =	vst.add.f32.msk $0xffff, v5  }
0x918: {  	v5 =	vld [tilespmem:s1+$0x30]  }
0x919: {  	[tilespmem:s2+$0x7820] =	vst.add.f32.msk $0xffff, v6  }
0x91a: {  	v6 =	vld [tilespmem:s24+$0x30]  }
0x91b: {  	[tilespmem:s11+$0x7830] =	vst.add.f32.msk $0xffff, v4  }
0x91c: {  	v4 =	vld [tilespmem:s23+$0x40]  }
0x91d: {  	[tilespmem:s14+$0x7830] =	vst.add.f32.msk $0xffff, v5  }
0x91e: {  	v5 =	vld [tilespmem:s1+$0x40]  }
0x91f: {  	[tilespmem:s2+$0x7830] =	vst.add.f32.msk $0xffff, v6  }
0x920: {  	v6 =	vld [tilespmem:s24+$0x40]  }
0x921: {  	[tilespmem:s11+$0x7840] =	vst.add.f32.msk $0xffff, v4  }
0x922: {  	v4 =	vld [tilespmem:s23+$0x50]  }
0x923: {  	[tilespmem:s14+$0x7840] =	vst.add.f32.msk $0xffff, v5  }
0x924: {  	v5 =	vld [tilespmem:s1+$0x50]  }
0x925: {  	[tilespmem:s2+$0x7840] =	vst.add.f32.msk $0xffff, v6  }
0x926: {  	v6 =	vld [tilespmem:s24+$0x50]  }
0x927: {  	[tilespmem:s11+$0x7850] =	vst.add.f32.msk $0xffff, v4  }
0x928: {  	v4 =	vld [tilespmem:s23+$0x60]  }
0x929: {  	[tilespmem:s14+$0x7850] =	vst.add.f32.msk $0xffff, v5  }
0x92a: {  	v5 =	vld [tilespmem:s1+$0x60]  }
0x92b: {  	[tilespmem:s2+$0x7850] =	vst.add.f32.msk $0xffff, v6  }
0x92c: {  	v6 =	vld [tilespmem:s24+$0x60]  }
0x92d: {  	[tilespmem:s11+$0x7860] =	vst.add.f32.msk $0xffff, v4  }
0x92e: {  	v4 =	vld [tilespmem:s23+$0x70]  }
0x92f: {  	[tilespmem:s14+$0x7860] =	vst.add.f32.msk $0xffff, v5  }
0x930: {  	v5 =	vld [tilespmem:s1+$0x70]  }
0x931: {  	[tilespmem:s2+$0x7860] =	vst.add.f32.msk $0xffff, v6  }
0x932: {  	v6 =	vld [tilespmem:s24+$0x70];
	_ =	sdelay $0x1  }
0x933: {  	[tilespmem:s10+$0x7870] =	vst.add.f32.msk $0xffff, v3  }
0x934: {  	[tilespmem:s11+$0x7870] =	vst.add.f32.msk $0xffff, v4  }
0x935: {  	[tilespmem:s14+$0x7870] =	vst.add.f32.msk $0xffff, v5  }
0x936: {  	[tilespmem:s2+$0x7870] =	vst.add.f32.msk $0xffff, v6  }
0x937: {  	s4 =	simm.s32 $0x6400;
	s26 =	simm.s32 $0x5;
	s25 =	rddreg [dreg:$0xa]  }
0x938: {  	[hbm4b:s25+s28] =	stream.linear.scatter [tilespmem:s4], [sflag:$0x6], $0x6000, $0x38;
	[tilespmem:$0x18400] =	vst v63  }
0x939: {  	_ =	swait.ge [sflag:s26], $0x6000  }
0x93a: {  	[sflag:s26] =	ssyncset.done $0x0  }
0x93b: {  	[sflag:s26] =	ssyncadd.s32 $0xFFFFA000  }
0x93c: {  	_ =	swait.ge [sflag:s12], $0x6000  }
0x93d: {  	s29 =	rddreg [dreg:$0xc]  }
0x93e: {  	s31 =	rddreg [dreg:$0xb];
	s1 =	sadd.s32 $0x1, s29  }
0x93f: {  	p0 =	sne.s32 s1, s31  }
.Ltmp5:
0x940: {  	_ = 	snop;
	(pc) =	sbr.rel @p0 .LBB2_1-.Ltmp5, $3  }
0x941: {  	_ =	sdelay $0x1  }
0x942: {  	[sflag:s12] =	ssyncset.done $0x0  }
0x943: {  	[sflag:s12] =	ssyncadd.s32 $0xFFFFA000  }
0x944: {  	_ =	sfence.sel $0x180000  }
0x945: {  	[bflag:$0x0] =	sbarrier.arrive $0xFFFF  }
0x946: {  	_ =	strace $0x90000047  }
0x947: {  	s0 =	stileid.u32;
	[bflag:$0x2] =	sbarrier.arrive $0xFFFF  }
0x948: {  	p0 =	sne.s32 s0, $0x0;
	s0 =	rddreg [dreg:$0x4]  }
0x949: {  	s0 =	sadd.s32 @!p0 $0x100000, s0  }
0x94a: {  	[sflag:s0] =	ssyncadd.tile.s32 @!p0 $0x1;
	_ =	shalt  }
.Lfunc_end2:
_tile_overlayer_lowered:
.L_overlay_start_2:
0x94b: {  	(tag) =	ssettag $0x2  }
0x94c: {  	s0 =	rddreg [dreg:$0x0];
	s2 =	stileid.u32  }
0x94d: {  	s1 =	rddreg [dreg:$0x1];
	p0 =	sne.s32 s2, $0x0  }
0x94e: {  	s3 =	rddreg [dreg:$0x2];
	[bflag:$0x3] =	sbarrier.arrive $0xFFFF;
	s2 =	simm.s32 @!p0 $0x1C07  }
0x94f: {  	[timem:s3], [sflag:s2] =	dma.local @!p0 [hbm:s0], s1  }
0x950: {  	s0 =	simm.s32 @!p0 $0x7  }
0x951: {  	_ =	swait.ge @!p0 [sflag:s0], s1  }
0x952: {  	s1 =	ssub.s32 @!p0 $0x0, s1;
	[sflag:s0] =	ssyncset.done @!p0 $0x0  }
0x953: {  	[sflag:s0] =	ssyncadd.s32 @!p0 s1  }
0x954: {  	[bflag:$0x3] =	sbarrier.arrive $0xFFFF  }
0x955: {  	_ =	shalt  }

</sc_bundles>
